<compile_context>
chip_gen: v7x
topology: tpu7x:2x2x1
jax: 0.10.2.dev20260603
libtpu: 0.0.44.dev20260713+nightly
codegen_flags: <defaults>
</compile_context>

<pallas_src>
import functools

import jax
import jax.numpy as jnp
from jax import lax
from jax.experimental import pallas as pl
from jax.experimental.pallas import tpu as pltpu
from jax.experimental.pallas import tpu_sc as plsc

N = 10000
D_FEAT = 128
D_EDGE = 16
D_OUT = 128
CH = 128
NP = N + 240
RPT = NP // 16
NSC = 2
NSUB = 16
NW = NSC * NSUB

_MESH = plsc.VectorSubcoreMesh(core_axis_name="c", subcore_axis_name="s")
_SC_PARAMS = pltpu.CompilerParams(use_tc_tiling_on_sc=False)
_SC_PARAMS_NL = pltpu.CompilerParams(
    use_tc_tiling_on_sc=False, needs_layout_passes=False)


def _drain_shared_slice(shared, stage, out_ref, cid, row0, rpt):
    nfull, rem = rpt // CH, rpt % CH
    for j in range(nfull):
        pltpu.sync_copy(shared.at[pl.ds(row0 + j * CH, CH), :], stage)
        pltpu.sync_copy(stage, out_ref.at[cid, pl.ds(row0 + j * CH, CH), :])
    if rem:
        pltpu.sync_copy(
            shared.at[pl.ds(row0 + nfull * CH, rem), :],
            stage.at[pl.ds(0, rem), :],
        )
        pltpu.sync_copy(
            stage.at[pl.ds(0, rem), :],
            out_ref.at[cid, pl.ds(row0 + nfull * CH, rem), :],
        )


IDXR = 12
RPT_E = 156


def _deg_body(edge_ref, out_ref, stage_sh, cnt_v, ibuf_v, red_v, st2_v,
              seml0, seml1):
    cid = lax.axis_index("c")
    sid = lax.axis_index("s")
    nrow = edge_ref.shape[0]
    base = sid * RPT_E
    seml = (seml0, seml1)

    def zero(i, carry):
        cnt_v[pl.ds(i * 16, 16)] = jnp.zeros((16,), jnp.float32)
        return carry

    lax.fori_loop(0, NP // 16, zero, 0)

    nchunk = RPT_E // IDXR

    def issue(k, s):
        pltpu.async_copy(edge_ref.at[pl.ds(base + k * IDXR, IDXR), :, :],
                         ibuf_v.at[s], seml[s])

    def wait(s):
        pltpu.make_async_copy(edge_ref.at[pl.ds(0, IDXR), :, :],
                              ibuf_v.at[s], seml[s]).wait()

    def hist16(idx):
        cnts, last = plsc.scan_count(idx)
        plsc.addupdate_scatter(
            cnt_v, [idx], cnts.astype(jnp.float32), mask=last)

    issue(0, 0)
    for k in range(nchunk):
        s = k % 2
        wait(s)
        if k + 1 < nchunk:
            issue(k + 1, 1 - s)

        def group(g, carry):
            for u in range(4):
                gg = g * 4 + u
                row = gg // 8
                grp = gg % 8
                hist16(ibuf_v[s, row, cid, pl.ds(grp * 16, 16)])
            return carry

        lax.fori_loop(0, IDXR * 8 // 4, group, 0)

    @pl.when(sid < nrow - NSUB * RPT_E)
    def _():
        pltpu.sync_copy(edge_ref.at[pl.ds(NSUB * RPT_E + sid, 1), :, :],
                        ibuf_v.at[0, pl.ds(0, 1), :, :])
        for grp in range(8):
            hist16(ibuf_v[0, 0, cid, pl.ds(grp * 16, 16)])

    pltpu.sync_copy(cnt_v, stage_sh.at[sid])
    plsc.subcore_barrier()

    for t in range(NSUB):
        pltpu.sync_copy(stage_sh.at[t, pl.ds(sid * RPT, RPT)], red_v.at[t])

    lanes = lax.iota(jnp.int32, 16)
    zeros16 = jnp.zeros((16,), jnp.int32)

    def red(g, carry):
        acc = red_v[0, pl.ds(g * 16, 16)]
        for t in range(1, NSUB):
            acc = acc + red_v[t, pl.ds(g * 16, 16)]
        plsc.store_scatter(st2_v, [g * 16 + lanes, zeros16], acc)
        return carry

    lax.fori_loop(0, RPT // 16, red, 0)
    pltpu.sync_copy(st2_v, out_ref.at[cid, pl.ds(sid * RPT, RPT), :])


@jax.jit
def _deg_sc(edge3):
    return pl.kernel(
        _deg_body,
        out_type=jax.ShapeDtypeStruct((NSC, NP, 16), jnp.float32),
        mesh=_MESH,
        scratch_types=[
            pltpu.VMEM_SHARED((NSUB, NP), jnp.float32),
            pltpu.VMEM((NP,), jnp.float32),
            pltpu.VMEM((2, IDXR, 2, CH), jnp.int32),
            pltpu.VMEM((NSUB, RPT), jnp.float32),
            pltpu.VMEM((RPT, 16), jnp.float32),
            pltpu.SemaphoreType.DMA,
            pltpu.SemaphoreType.DMA,
        ],
        compiler_params=_SC_PARAMS_NL,
    )(edge3)


def _h_body(deg_ref, feat_ref, wf_ref, h_ref):
    d = deg_ref[0, :, 0:1]
    nd = lax.rsqrt(jnp.maximum(d, 1.0))
    h_ref[...] = jnp.dot(
        feat_ref[...] * nd, wf_ref[...], preferred_element_type=jnp.float32
    )


@jax.jit
def _h_tc(deg, feat, wf):
    blk = 1000
    return pl.pallas_call(
        _h_body,
        grid=(N // blk,),
        in_specs=[
            pl.BlockSpec((1, blk, 16), lambda i: (0, i, 0)),
            pl.BlockSpec((blk, D_FEAT), lambda i: (i, 0)),
            pl.BlockSpec((D_FEAT, D_OUT), lambda i: (0, 0)),
        ],
        out_specs=pl.BlockSpec((blk, D_OUT), lambda i: (i, 0)),
        out_shape=jax.ShapeDtypeStruct((N, D_OUT), jnp.float32),
    )(deg, feat, wf)


SLOT_E = CH
SLOTS_PW = 78
LEFT_ROWS = 4


RPTS = N // NSUB


def _agg_body(h_ref, edge_ref, ef_ref, zh_ref, ze_ref, aggh_out, agge_out,
              aggh_sh, agge_sh, idxs_v, idxd_v, rows_v, erows_v, etmp_v,
              seml0, seml1, semg0, semg1, sems0, sems1):
    cid = lax.axis_index("c")
    sid = lax.axis_index("s")
    wid = cid * NSUB + sid

    seml = (seml0, seml1)
    semg = (semg0, semg1)
    sems = (sems0, sems1)

    row0 = sid * RPTS
    pltpu.sync_copy(zh_ref, aggh_sh.at[pl.ds(row0, RPTS), :])
    pltpu.sync_copy(ze_ref, agge_sh.at[pl.ds(row0, RPTS), :])
    plsc.subcore_barrier()

    lanes = lax.iota(jnp.int32, 16)
    c8v = lanes // 8
    clv = lanes % 8

    def issue_load(j, s):
        row = wid * SLOTS_PW + j
        pltpu.async_copy(edge_ref.at[row, 0, :], idxs_v.at[s], seml[s])
        pltpu.async_copy(edge_ref.at[row, 1, :], idxd_v.at[s, 0], seml[s])
        pltpu.async_copy(ef_ref.at[0, row, :, :], etmp_v.at[s, 0], seml[s])
        pltpu.async_copy(ef_ref.at[1, row, :, :], etmp_v.at[s, 1], seml[s])

    def wait_load(s):
        pltpu.make_async_copy(edge_ref.at[0, 0, :], idxs_v.at[s], seml[s]).wait()
        pltpu.make_async_copy(edge_ref.at[0, 0, :], idxd_v.at[s, 0], seml[s]).wait()
        pltpu.make_async_copy(ef_ref.at[0, 0, :, :], etmp_v.at[s, 0], seml[s]).wait()
        pltpu.make_async_copy(ef_ref.at[0, 0, :, :], etmp_v.at[s, 1], seml[s]).wait()

    def issue_gather(s):
        pltpu.async_copy(h_ref.at[idxs_v.at[s]], rows_v.at[s], semg[s])

    def wait_gather(s):
        pltpu.make_async_copy(h_ref.at[idxs_v.at[s]], rows_v.at[s], semg[s]).wait()

    def transpose_ef(s):
        def body(e, carry):
            for u in range(4):
                ev = jnp.zeros((16,), jnp.int32) + (e * 4 + u)
                vals = plsc.load_gather(etmp_v.at[s], [c8v, clv, ev])
                erows_v[e * 4 + u, :] = vals
            return carry

        lax.fori_loop(0, CH // 4, body, 0)

    def issue_scatter(s):
        pltpu.async_copy(rows_v.at[s], aggh_sh.at[idxd_v.at[s, 0]], sems[s], add=True)
        pltpu.async_copy(erows_v, agge_sh.at[idxd_v.at[s, 0]], sems[s], add=True)

    def wait_scatter(s):
        pltpu.make_async_copy(rows_v.at[s], aggh_sh.at[idxd_v.at[s, 0]], sems[s]).wait()
        pltpu.make_async_copy(erows_v, agge_sh.at[idxd_v.at[s, 0]], sems[s]).wait()

    issue_load(0, 0)
    issue_load(1, 1)
    wait_load(0)
    issue_gather(0)
    last_it = SLOTS_PW // 2 - 1

    def half(s, it, j):
        transpose_ef(s)
        wait_gather(s)
        issue_scatter(s)
        if s == 0:
            wait_load(1)
            issue_gather(1)
        else:
            @pl.when(it < last_it)
            def _():
                wait_load(0)
                issue_gather(0)
        wait_scatter(s)

        @pl.when(it < last_it)
        def _():
            issue_load(j + 2, s)

    def body(it, carry):
        half(0, it, 2 * it)
        half(1, it, 2 * it + 1)
        return carry

    lax.fori_loop(0, SLOTS_PW // 2, body, 0)

    @pl.when(wid < LEFT_ROWS)
    def _():
        row = SLOTS_PW * NW + wid
        pltpu.sync_copy(edge_ref.at[row, 0, :], idxs_v.at[0])
        pltpu.sync_copy(edge_ref.at[row, 1, :], idxd_v.at[0, 0])
        pltpu.sync_copy(ef_ref.at[0, row, :, :], etmp_v.at[0, 0])
        pltpu.sync_copy(ef_ref.at[1, row, :, :], etmp_v.at[0, 1])
        transpose_ef(0)
        pltpu.async_copy(h_ref.at[idxs_v.at[0]], rows_v.at[0], semg0).wait()
        pltpu.sync_copy(rows_v.at[0], aggh_sh.at[idxd_v.at[0, 0]], add=True)
        pltpu.sync_copy(erows_v, agge_sh.at[idxd_v.at[0, 0]], add=True)

    plsc.subcore_barrier()

    _drain_shared_slice(aggh_sh, rows_v.at[0], aggh_out, cid, row0, RPTS)
    _drain_shared_slice(agge_sh, erows_v, agge_out, cid, row0, RPTS)


@jax.jit
def _agg_sc(h, edge3, ef4, zh, ze):
    return pl.kernel(
        _agg_body,
        out_type=[
            jax.ShapeDtypeStruct((NSC, N, D_FEAT), jnp.float32),
            jax.ShapeDtypeStruct((NSC, N, D_EDGE), jnp.float32),
        ],
        mesh=_MESH,
        scratch_types=[
            pltpu.VMEM_SHARED((N, D_FEAT), jnp.float32),
            pltpu.VMEM_SHARED((N, D_EDGE), jnp.float32),
            pltpu.VMEM((2, SLOT_E), jnp.int32),
            pltpu.VMEM((2, 1, CH), jnp.int32),
            pltpu.VMEM((2, SLOT_E, D_FEAT), jnp.float32),
            pltpu.VMEM((SLOT_E, D_EDGE), jnp.float32),
            pltpu.VMEM((2, 2, 8, CH), jnp.float32),
            pltpu.SemaphoreType.DMA,
            pltpu.SemaphoreType.DMA,
            pltpu.SemaphoreType.DMA,
            pltpu.SemaphoreType.DMA,
            pltpu.SemaphoreType.DMA,
            pltpu.SemaphoreType.DMA,
        ],
        compiler_params=_SC_PARAMS_NL,
    )(h, edge3, ef4, zh, ze)


def _final_body(aggh_ref, agge_ref, deg_ref, we_ref, bias_ref, out_ref):
    s = aggh_ref[0] + aggh_ref[1]
    e = agge_ref[0] + agge_ref[1]
    nd = lax.rsqrt(jnp.maximum(deg_ref[0, :, 0:1], 1.0))
    r = s + jnp.dot(e, we_ref[...], preferred_element_type=jnp.float32)
    out_ref[...] = r * nd + bias_ref[...]


@jax.jit
def _final_tc(aggh, agge, deg, we, bias):
    blk = 1000
    return pl.pallas_call(
        _final_body,
        grid=(N // blk,),
        in_specs=[
            pl.BlockSpec((NSC, blk, D_FEAT), lambda i: (0, i, 0)),
            pl.BlockSpec((NSC, blk, D_EDGE), lambda i: (0, i, 0)),
            pl.BlockSpec((1, blk, 16), lambda i: (1, i, 0)),
            pl.BlockSpec((D_EDGE, D_OUT), lambda i: (0, 0)),
            pl.BlockSpec((1, D_OUT), lambda i: (0, 0)),
        ],
        out_specs=pl.BlockSpec((blk, D_OUT), lambda i: (i, 0)),
        out_shape=jax.ShapeDtypeStruct((N, D_OUT), jnp.float32),
    )(aggh, agge, deg, we, bias[None, :])


def kernel(feat, edge_index, edge_feat, weight, bias):
    e = edge_index.shape[1]
    edge3 = edge_index.reshape(2, e // CH, CH).transpose(1, 0, 2)
    ef4 = edge_feat.T.reshape(2, 8, e // CH, CH).transpose(0, 2, 1, 3)
    wf = weight[:D_FEAT]
    we = weight[D_FEAT:]
    zh = jnp.zeros((N // NSUB, D_FEAT), jnp.float32)
    ze = jnp.zeros((N // NSUB, D_EDGE), jnp.float32)
    deg = _deg_sc(edge3)
    h = _h_tc(deg, feat, wf)
    aggh, agge = _agg_sc(h, edge3, ef4, zh, ze)
    return _final_tc(aggh, agge, deg, we, bias)

# --- scband reference (transcript-rebuilt; emitter-appended) ---
"""Pipeline reference for scband-gconv-25726854103372 (READ-ONLY COPY).

The authoritative reference and input builder live on the scoring server;
editing this copy changes nothing except your own understanding.
"""

import jax, jax.numpy as jnp
import numpy as np

N = 10000
E = 320000
D_FEAT = 128
D_EDGE = 16
D_OUT = 128


def setup_inputs(seed: int = 0) -> dict:
    key = jax.random.key(seed)
    k1, k2, k3, k4, k5 = jax.random.split(key, 5)
    feat = jax.random.normal(k1, (N, D_FEAT), dtype=jnp.float32)
    edge_index = jax.random.randint(k2, (2, E), 0, N, dtype=jnp.int32)
    edge_feat = jax.random.normal(k3, (E, D_EDGE), dtype=jnp.float32)
    # glorot uniform for weight (in_feats+edge_feats, out_feats)
    fan_in = D_FEAT + D_EDGE
    limit = np.sqrt(6.0 / (fan_in + D_OUT))
    weight = jax.random.uniform(k4, (fan_in, D_OUT), minval=-limit, maxval=limit, dtype=jnp.float32)
    bias = jnp.zeros((D_OUT,), dtype=jnp.float32)
    return {"feat": feat, "edge_index": edge_index, "edge_feat": edge_feat, "weight": weight, "bias": bias}


def reference(feat, edge_index, edge_feat, weight, bias):
    src = edge_index[0]
    dst = edge_index[1]
    ones = jnp.ones((E,), dtype=jnp.float32)
    # out-degree normalization on source features
    out_deg = jax.ops.segment_sum(ones, src, num_segments=N)
    norm_src = jnp.power(jnp.clip(out_deg, 1.0, None), -0.5)
    feat_n = feat * norm_src[:, None]
    # message: concat(src feature, edge feature), then sum-aggregate to dst
    m = jnp.concatenate([feat_n[src], edge_feat], axis=1)
    agg = jax.ops.segment_sum(m, dst, num_segments=N)
    rst = agg @ weight
    # in-degree normalization on destination
    in_deg = jax.ops.segment_sum(ones, dst, num_segments=N)
    norm_dst = jnp.power(jnp.clip(in_deg, 1.0, None), -0.5)
    rst = rst * norm_dst[:, None] + bias
    return rst

if __name__ == "__main__":
    import jax
    _d = setup_inputs()
    print(jax.jit(kernel)(*tuple(_d.values())))

</pallas_src>

<mosaic_0001>
#map = affine_map<(d0, d1) -> (0, 0, 0)>
module attributes {stable_mosaic.version = 14 : i64} {
  func.func @_deg_body(%arg0: i32, %arg1: i32, %arg2: memref<2500x2x128xi32, #tpu.memory_space<hbm>>, %arg3: memref<2x10240x16xf32, #tpu.memory_space<hbm>>, %arg4: memref<16x10240xf32, #tpu.memory_space<vmem_shared>>, %arg5: memref<10240xf32, #tpu.memory_space<vmem>>, %arg6: memref<2x12x2x128xi32, #tpu.memory_space<vmem>>, %arg7: memref<16x640xf32, #tpu.memory_space<vmem>>, %arg8: memref<640x16xf32, #tpu.memory_space<vmem>>, %arg9: memref<!tpu.dma_semaphore, #tpu.memory_space<semaphore_mem>>, %arg10: memref<!tpu.dma_semaphore, #tpu.memory_space<semaphore_mem>>) attributes {dimension_semantics = [#tpu.dimension_semantics<core_parallel>, #tpu.dimension_semantics<subcore_parallel>], iteration_bounds = array<i64: 2, 16>, scalar_prefetch = 0 : i64, scratch_operands = 7 : i64, tpu.core_type = #tpu.core_type<sc_vector_subcore>, window_params = [{transform_indices = #map}, {transform_indices = #map}]} {
    %mul3A = arith.constant 156 : i32
    %mul3A_0 = arith.muli %arg1, %mul3A : i32
    %scan3A = arith.constant 0 : i32
    %scan3A_1 = arith.constant 0 : i32
    %scan3A_2 = arith.constant 640 : i32
    %scan3A_3 = arith.addi %scan3A_1, %scan3A_2 : i32
    %scan3A_4 = arith.constant 1 : i32
    scf.for %scan3A_649 = %scan3A_1 to %scan3A_3 step %scan3A_4  : i32 {
      %broadcast_in_dim3A_650 = arith.constant 0.000000e+00 : f32
      %broadcast_in_dim3A_651 = vector.broadcast %broadcast_in_dim3A_650 : f32 to vector<16xf32>
      %mul3A_652 = arith.constant 16 : i32
      %mul3A_653 = arith.muli %scan3A_649, %mul3A_652 : i32
      %swap3A = arith.index_cast %mul3A_653 : i32 to index
      %swap3A_654 = tpu.vector_load %arg5[%swap3A] {strides = array<i32>} : memref<10240xf32, #tpu.memory_space<vmem>>, vector<16xf32>,
      tpu.vector_store %arg5[%swap3A], %broadcast_in_dim3A_651 {strides = array<i32>} : memref<10240xf32, #tpu.memory_space<vmem>>, vector<16xf32>,
    }
    %scan3A_5 = arith.constant 640 : i32
    %add3A = arith.constant 0 : i32
    %add3A_6 = arith.addi %mul3A_0, %add3A : i32
    %dma_start3A = arith.constant 0 : i32
    %dma_start3A_7 = arith.constant 0 : i32
    %dma_start3A_8 = arith.constant 0 : i32
    %dma_start3A_9 = arith.constant 0 : i32
    %dma_start3A_10 = tpu.memref_slice %arg6[%dma_start3A, %dma_start3A_7, %dma_start3A_8, %dma_start3A_9] : memref<2x12x2x128xi32, #tpu.memory_space<vmem>> -> memref<1x12x2x128xi32, #tpu.memory_space<vmem>>
    %dma_start3A_11 = tpu.memref_squeeze %dma_start3A_10 : memref<1x12x2x128xi32, #tpu.memory_space<vmem>> -> memref<12x2x128xi32, #tpu.memory_space<vmem>>
    %dma_start3A_12 = arith.constant 0 : i32
    %dma_start3A_13 = arith.constant 0 : i32
    %dma_start3A_14 = tpu.memref_slice %arg2[%add3A_6, %dma_start3A_12, %dma_start3A_13] : memref<2500x2x128xi32, #tpu.memory_space<hbm>> -> memref<12x2x128xi32, #tpu.memory_space<hbm>>
    %dma_start3A_15 = arith.constant 0 : i32
    %dma_start3A_16 = arith.constant 0 : i32
    %dma_start3A_17 = arith.constant 0 : i32
    %dma_start3A_18 = tpu.memref_slice %arg6[%dma_start3A, %dma_start3A_15, %dma_start3A_16, %dma_start3A_17] : memref<2x12x2x128xi32, #tpu.memory_space<vmem>> -> memref<1x12x2x128xi32, #tpu.memory_space<vmem>>
    %dma_start3A_19 = tpu.memref_squeeze %dma_start3A_18 : memref<1x12x2x128xi32, #tpu.memory_space<vmem>> -> memref<12x2x128xi32, #tpu.memory_space<vmem>>
    %dma_start3A_20 = arith.constant 0 : i32
    %dma_start3A_21 = arith.constant 0 : i32
    %dma_start3A_22 = tpu.memref_slice %arg2[%add3A_6, %dma_start3A_20, %dma_start3A_21] : memref<2500x2x128xi32, #tpu.memory_space<hbm>> -> memref<12x2x128xi32, #tpu.memory_space<hbm>>
    tpu.enqueue_dma source(%dma_start3A_22 : memref<12x2x128xi32, #tpu.memory_space<hbm>>) target(%dma_start3A_19 : memref<12x2x128xi32, #tpu.memory_space<vmem>>) target_semaphore(%arg9 : memref<!tpu.dma_semaphore, #tpu.memory_space<semaphore_mem>>)
    %dma_wait3A = arith.constant 0 : i32
    %dma_wait3A_23 = arith.constant 0 : i32
    %dma_wait3A_24 = arith.constant 0 : i32
    %dma_wait3A_25 = arith.constant 0 : i32
    %dma_wait3A_26 = tpu.memref_slice %arg6[%dma_wait3A, %dma_wait3A_23, %dma_wait3A_24, %dma_wait3A_25] : memref<2x12x2x128xi32, #tpu.memory_space<vmem>> -> memref<1x12x2x128xi32, #tpu.memory_space<vmem>>
    %dma_wait3A_27 = tpu.memref_squeeze %dma_wait3A_26 : memref<1x12x2x128xi32, #tpu.memory_space<vmem>> -> memref<12x2x128xi32, #tpu.memory_space<vmem>>
    %dma_wait3A_28 = arith.constant 0 : i32
    %dma_wait3A_29 = arith.constant 0 : i32
    %dma_wait3A_30 = arith.constant 0 : i32
    %dma_wait3A_31 = tpu.memref_slice %arg2[%dma_wait3A_28, %dma_wait3A_29, %dma_wait3A_30] : memref<2500x2x128xi32, #tpu.memory_space<hbm>> -> memref<12x2x128xi32, #tpu.memory_space<hbm>>
    %dma_wait3A_32 = arith.constant 0 : i32
    %dma_wait3A_33 = arith.constant 0 : i32
    %dma_wait3A_34 = arith.constant 0 : i32
    %dma_wait3A_35 = tpu.memref_slice %arg6[%dma_wait3A, %dma_wait3A_32, %dma_wait3A_33, %dma_wait3A_34] : memref<2x12x2x128xi32, #tpu.memory_space<vmem>> -> memref<1x12x2x128xi32, #tpu.memory_space<vmem>>
    %dma_wait3A_36 = tpu.memref_squeeze %dma_wait3A_35 : memref<1x12x2x128xi32, #tpu.memory_space<vmem>> -> memref<12x2x128xi32, #tpu.memory_space<vmem>>
    %dma_wait3A_37 = arith.constant 0 : i32
    %dma_wait3A_38 = arith.constant 0 : i32
    %dma_wait3A_39 = arith.constant 0 : i32
    %dma_wait3A_40 = tpu.memref_slice %arg2[%dma_wait3A_37, %dma_wait3A_38, %dma_wait3A_39] : memref<2500x2x128xi32, #tpu.memory_space<hbm>> -> memref<12x2x128xi32, #tpu.memory_space<hbm>>
    tpu.wait_dma2 semaphore(%arg9 : memref<!tpu.dma_semaphore, #tpu.memory_space<semaphore_mem>>) src(%dma_wait3A_40 : memref<12x2x128xi32, #tpu.memory_space<hbm>>) dst(%dma_wait3A_36 : memref<12x2x128xi32, #tpu.memory_space<vmem>>)
    %add3A_41 = arith.constant 12 : i32
    %add3A_42 = arith.addi %mul3A_0, %add3A_41 : i32
    %dma_start3A_43 = arith.constant 1 : i32
    %dma_start3A_44 = arith.constant 0 : i32
    %dma_start3A_45 = arith.constant 0 : i32
    %dma_start3A_46 = arith.constant 0 : i32
    %dma_start3A_47 = tpu.memref_slice %arg6[%dma_start3A_43, %dma_start3A_44, %dma_start3A_45, %dma_start3A_46] : memref<2x12x2x128xi32, #tpu.memory_space<vmem>> -> memref<1x12x2x128xi32, #tpu.memory_space<vmem>>
    %dma_start3A_48 = tpu.memref_squeeze %dma_start3A_47 : memref<1x12x2x128xi32, #tpu.memory_space<vmem>> -> memref<12x2x128xi32, #tpu.memory_space<vmem>>
    %dma_start3A_49 = arith.constant 0 : i32
    %dma_start3A_50 = arith.constant 0 : i32
    %dma_start3A_51 = tpu.memref_slice %arg2[%add3A_42, %dma_start3A_49, %dma_start3A_50] : memref<2500x2x128xi32, #tpu.memory_space<hbm>> -> memref<12x2x128xi32, #tpu.memory_space<hbm>>
    %dma_start3A_52 = arith.constant 0 : i32
    %dma_start3A_53 = arith.constant 0 : i32
    %dma_start3A_54 = arith.constant 0 : i32
    %dma_start3A_55 = tpu.memref_slice %arg6[%dma_start3A_43, %dma_start3A_52, %dma_start3A_53, %dma_start3A_54] : memref<2x12x2x128xi32, #tpu.memory_space<vmem>> -> memref<1x12x2x128xi32, #tpu.memory_space<vmem>>
    %dma_start3A_56 = tpu.memref_squeeze %dma_start3A_55 : memref<1x12x2x128xi32, #tpu.memory_space<vmem>> -> memref<12x2x128xi32, #tpu.memory_space<vmem>>
    %dma_start3A_57 = arith.constant 0 : i32
    %dma_start3A_58 = arith.constant 0 : i32
    %dma_start3A_59 = tpu.memref_slice %arg2[%add3A_42, %dma_start3A_57, %dma_start3A_58] : memref<2500x2x128xi32, #tpu.memory_space<hbm>> -> memref<12x2x128xi32, #tpu.memory_space<hbm>>
    tpu.enqueue_dma source(%dma_start3A_59 : memref<12x2x128xi32, #tpu.memory_space<hbm>>) target(%dma_start3A_56 : memref<12x2x128xi32, #tpu.memory_space<vmem>>) target_semaphore(%arg10 : memref<!tpu.dma_semaphore, #tpu.memory_space<semaphore_mem>>)
    %scan3A_60 = arith.constant 0 : i32
    %scan3A_61 = arith.constant 0 : i32
    %scan3A_62 = arith.constant 24 : i32
    %scan3A_63 = arith.addi %scan3A_61, %scan3A_62 : i32
    %scan3A_64 = arith.constant 1 : i32
    scf.for %scan3A_649 = %scan3A_61 to %scan3A_63 step %scan3A_64  : i32 {
      %mul3A_650 = arith.constant 4 : i32
      %mul3A_651 = arith.muli %scan3A_649, %mul3A_650 : i32
      %add3A_652 = arith.constant 0 : i32
      %add3A_653 = arith.addi %mul3A_651, %add3A_652 : i32
      %jit3A = arith.constant 8 : i32
      %div3A = arith.divsi %add3A_653, %jit3A : i32
      %sign3A = arith.constant 0 : i32
      %sign3A_654 = arith.cmpi sgt, %add3A_653, %sign3A : i32
      %sign3A_655 = arith.extui %sign3A_654 : i1 to i32
      %sign3A_656 = arith.constant 0 : i32
      %sign3A_657 = arith.cmpi slt, %add3A_653, %sign3A_656 : i32
      %sign3A_658 = arith.extui %sign3A_657 : i1 to i32
      %sign3A_659 = arith.subi %sign3A_655, %sign3A_658 : i32
      %sign3A_660 = arith.constant 0 : i32
      %sign3A_661 = arith.cmpi sgt, %jit3A, %sign3A_660 : i32
      %sign3A_662 = arith.extui %sign3A_661 : i1 to i32
      %sign3A_663 = arith.constant 0 : i32
      %sign3A_664 = arith.cmpi slt, %jit3A, %sign3A_663 : i32
      %sign3A_665 = arith.extui %sign3A_664 : i1 to i32
      %sign3A_666 = arith.subi %sign3A_662, %sign3A_665 : i32
      %ne3A = arith.cmpi ne, %sign3A_659, %sign3A_666 : i32
      %rem3A = arith.remsi %add3A_653, %jit3A : i32
      %ne3A_667 = arith.constant 0 : i32
      %ne3A_668 = arith.cmpi ne, %rem3A, %ne3A_667 : i32
      %and3A = arith.andi %ne3A, %ne3A_668 : i1
      %sub3A = arith.constant 1 : i32
      %sub3A_669 = arith.subi %div3A, %sub3A : i32
      %select_n3A = arith.select %and3A, %sub3A_669, %div3A : i32
      %jit3A_670 = arith.constant 8 : i32
      %eq3A = arith.constant 0 : i32
      %eq3A_671 = arith.cmpi eq, %jit3A_670, %eq3A : i32
      %jit3A_672 = arith.constant 1 : i32
      %select_n3A_673 = arith.select %eq3A_671, %jit3A_672, %jit3A_670 : i32
      %rem3A_674 = arith.remsi %add3A_653, %select_n3A_673 : i32
      %ne3A_675 = arith.constant 0 : i32
      %ne3A_676 = arith.cmpi ne, %rem3A_674, %ne3A_675 : i32
      %lt3A_677 = arith.constant 0 : i32
      %lt3A_678 = arith.cmpi slt, %rem3A_674, %lt3A_677 : i32
      %lt3A_679 = arith.constant 0 : i32
      %lt3A_680 = arith.cmpi slt, %select_n3A_673, %lt3A_679 : i32
      %ne3A_681 = arith.xori %lt3A_678, %lt3A_680 : i1
      %and3A_682 = arith.andi %ne3A_681, %ne3A_676 : i1
      %add3A_683 = arith.addi %rem3A_674, %select_n3A_673 : i32
      %select_n3A_684 = arith.select %and3A_682, %add3A_683, %rem3A_674 : i32
      %mul3A_685 = arith.constant 16 : i32
      %mul3A_686 = arith.muli %select_n3A_684, %mul3A_685 : i32
      %get3A = arith.constant 0 : i32
      %get3A_687 = arith.index_cast %get3A : i32 to index
      %get3A_688 = arith.index_cast %select_n3A : i32 to index
      %get3A_689 = arith.index_cast %arg0 : i32 to index
      %get3A_690 = arith.index_cast %mul3A_686 : i32 to index
      %get3A_691 = tpu.vector_load %arg6[%get3A_687, %get3A_688, %get3A_689, %get3A_690] {strides = array<i32>} : memref<2x12x2x128xi32, #tpu.memory_space<vmem>>, vector<16xi32>,
      %broadcast_in_dim3A_692 = arith.constant true
      %broadcast_in_dim3A_693 = vector.broadcast %broadcast_in_dim3A_692 : i1 to vector<16xi1>
      %unique3A, %unique3A_694 = tpu.scan_count mask(%broadcast_in_dim3A_693 : vector<16xi1>) value(%get3A_691 : vector<16xi32>) : vector<16xi1>, vector<16xi32>
      %convert_element_type3A_695 = arith.sitofp %unique3A_694 : vector<16xi32> to vector<16xf32>
      tpu.vector_store_idx %arg5[%get3A_691], %convert_element_type3A_695 masked %unique3A {add = true} : memref<10240xf32, #tpu.memory_space<vmem>>[vector<16xi32>], vector<16xf32>, vector<16xi1>
      %mul3A_696 = arith.constant 4 : i32
      %mul3A_697 = arith.muli %scan3A_649, %mul3A_696 : i32
      %add3A_698 = arith.constant 1 : i32
      %add3A_699 = arith.addi %mul3A_697, %add3A_698 : i32
      %jit3A_700 = arith.constant 8 : i32
      %div3A_701 = arith.divsi %add3A_699, %jit3A_700 : i32
      %sign3A_702 = arith.constant 0 : i32
      %sign3A_703 = arith.cmpi sgt, %add3A_699, %sign3A_702 : i32
      %sign3A_704 = arith.extui %sign3A_703 : i1 to i32
      %sign3A_705 = arith.constant 0 : i32
      %sign3A_706 = arith.cmpi slt, %add3A_699, %sign3A_705 : i32
      %sign3A_707 = arith.extui %sign3A_706 : i1 to i32
      %sign3A_708 = arith.subi %sign3A_704, %sign3A_707 : i32
      %sign3A_709 = arith.constant 0 : i32
      %sign3A_710 = arith.cmpi sgt, %jit3A_700, %sign3A_709 : i32
      %sign3A_711 = arith.extui %sign3A_710 : i1 to i32
      %sign3A_712 = arith.constant 0 : i32
      %sign3A_713 = arith.cmpi slt, %jit3A_700, %sign3A_712 : i32
      %sign3A_714 = arith.extui %sign3A_713 : i1 to i32
      %sign3A_715 = arith.subi %sign3A_711, %sign3A_714 : i32
      %ne3A_716 = arith.cmpi ne, %sign3A_708, %sign3A_715 : i32
      %rem3A_717 = arith.remsi %add3A_699, %jit3A_700 : i32
      %ne3A_718 = arith.constant 0 : i32
      %ne3A_719 = arith.cmpi ne, %rem3A_717, %ne3A_718 : i32
      %and3A_720 = arith.andi %ne3A_716, %ne3A_719 : i1
      %sub3A_721 = arith.constant 1 : i32
      %sub3A_722 = arith.subi %div3A_701, %sub3A_721 : i32
      %select_n3A_723 = arith.select %and3A_720, %sub3A_722, %div3A_701 : i32
      %jit3A_724 = arith.constant 8 : i32
      %eq3A_725 = arith.constant 0 : i32
      %eq3A_726 = arith.cmpi eq, %jit3A_724, %eq3A_725 : i32
      %jit3A_727 = arith.constant 1 : i32
      %select_n3A_728 = arith.select %eq3A_726, %jit3A_727, %jit3A_724 : i32
      %rem3A_729 = arith.remsi %add3A_699, %select_n3A_728 : i32
      %ne3A_730 = arith.constant 0 : i32
      %ne3A_731 = arith.cmpi ne, %rem3A_729, %ne3A_730 : i32
      %lt3A_732 = arith.constant 0 : i32
      %lt3A_733 = arith.cmpi slt, %rem3A_729, %lt3A_732 : i32
      %lt3A_734 = arith.constant 0 : i32
      %lt3A_735 = arith.cmpi slt, %select_n3A_728, %lt3A_734 : i32
      %ne3A_736 = arith.xori %lt3A_733, %lt3A_735 : i1
      %and3A_737 = arith.andi %ne3A_736, %ne3A_731 : i1
      %add3A_738 = arith.addi %rem3A_729, %select_n3A_728 : i32
      %select_n3A_739 = arith.select %and3A_737, %add3A_738, %rem3A_729 : i32
      %mul3A_740 = arith.constant 16 : i32
      %mul3A_741 = arith.muli %select_n3A_739, %mul3A_740 : i32
      %get3A_742 = arith.constant 0 : i32
      %get3A_743 = arith.index_cast %get3A_742 : i32 to index
      %get3A_744 = arith.index_cast %select_n3A_723 : i32 to index
      %get3A_745 = arith.index_cast %arg0 : i32 to index
      %get3A_746 = arith.index_cast %mul3A_741 : i32 to index
      %get3A_747 = tpu.vector_load %arg6[%get3A_743, %get3A_744, %get3A_745, %get3A_746] {strides = array<i32>} : memref<2x12x2x128xi32, #tpu.memory_space<vmem>>, vector<16xi32>,
      %broadcast_in_dim3A_748 = arith.constant true
      %broadcast_in_dim3A_749 = vector.broadcast %broadcast_in_dim3A_748 : i1 to vector<16xi1>
      %unique3A_750, %unique3A_751 = tpu.scan_count mask(%broadcast_in_dim3A_749 : vector<16xi1>) value(%get3A_747 : vector<16xi32>) : vector<16xi1>, vector<16xi32>
      %convert_element_type3A_752 = arith.sitofp %unique3A_751 : vector<16xi32> to vector<16xf32>
      tpu.vector_store_idx %arg5[%get3A_747], %convert_element_type3A_752 masked %unique3A_750 {add = true} : memref<10240xf32, #tpu.memory_space<vmem>>[vector<16xi32>], vector<16xf32>, vector<16xi1>
      %mul3A_753 = arith.constant 4 : i32
      %mul3A_754 = arith.muli %scan3A_649, %mul3A_753 : i32
      %add3A_755 = arith.constant 2 : i32
      %add3A_756 = arith.addi %mul3A_754, %add3A_755 : i32
      %jit3A_757 = arith.constant 8 : i32
      %div3A_758 = arith.divsi %add3A_756, %jit3A_757 : i32
      %sign3A_759 = arith.constant 0 : i32
      %sign3A_760 = arith.cmpi sgt, %add3A_756, %sign3A_759 : i32
      %sign3A_761 = arith.extui %sign3A_760 : i1 to i32
      %sign3A_762 = arith.constant 0 : i32
      %sign3A_763 = arith.cmpi slt, %add3A_756, %sign3A_762 : i32
      %sign3A_764 = arith.extui %sign3A_763 : i1 to i32
      %sign3A_765 = arith.subi %sign3A_761, %sign3A_764 : i32
      %sign3A_766 = arith.constant 0 : i32
      %sign3A_767 = arith.cmpi sgt, %jit3A_757, %sign3A_766 : i32
      %sign3A_768 = arith.extui %sign3A_767 : i1 to i32
      %sign3A_769 = arith.constant 0 : i32
      %sign3A_770 = arith.cmpi slt, %jit3A_757, %sign3A_769 : i32
      %sign3A_771 = arith.extui %sign3A_770 : i1 to i32
      %sign3A_772 = arith.subi %sign3A_768, %sign3A_771 : i32
      %ne3A_773 = arith.cmpi ne, %sign3A_765, %sign3A_772 : i32
      %rem3A_774 = arith.remsi %add3A_756, %jit3A_757 : i32
      %ne3A_775 = arith.constant 0 : i32
      %ne3A_776 = arith.cmpi ne, %rem3A_774, %ne3A_775 : i32
      %and3A_777 = arith.andi %ne3A_773, %ne3A_776 : i1
      %sub3A_778 = arith.constant 1 : i32
      %sub3A_779 = arith.subi %div3A_758, %sub3A_778 : i32
      %select_n3A_780 = arith.select %and3A_777, %sub3A_779, %div3A_758 : i32
      %jit3A_781 = arith.constant 8 : i32
      %eq3A_782 = arith.constant 0 : i32
      %eq3A_783 = arith.cmpi eq, %jit3A_781, %eq3A_782 : i32
      %jit3A_784 = arith.constant 1 : i32
      %select_n3A_785 = arith.select %eq3A_783, %jit3A_784, %jit3A_781 : i32
      %rem3A_786 = arith.remsi %add3A_756, %select_n3A_785 : i32
      %ne3A_787 = arith.constant 0 : i32
      %ne3A_788 = arith.cmpi ne, %rem3A_786, %ne3A_787 : i32
      %lt3A_789 = arith.constant 0 : i32
      %lt3A_790 = arith.cmpi slt, %rem3A_786, %lt3A_789 : i32
      %lt3A_791 = arith.constant 0 : i32
      %lt3A_792 = arith.cmpi slt, %select_n3A_785, %lt3A_791 : i32
      %ne3A_793 = arith.xori %lt3A_790, %lt3A_792 : i1
      %and3A_794 = arith.andi %ne3A_793, %ne3A_788 : i1
      %add3A_795 = arith.addi %rem3A_786, %select_n3A_785 : i32
      %select_n3A_796 = arith.select %and3A_794, %add3A_795, %rem3A_786 : i32
      %mul3A_797 = arith.constant 16 : i32
      %mul3A_798 = arith.muli %select_n3A_796, %mul3A_797 : i32
      %get3A_799 = arith.constant 0 : i32
      %get3A_800 = arith.index_cast %get3A_799 : i32 to index
      %get3A_801 = arith.index_cast %select_n3A_780 : i32 to index
      %get3A_802 = arith.index_cast %arg0 : i32 to index
      %get3A_803 = arith.index_cast %mul3A_798 : i32 to index
      %get3A_804 = tpu.vector_load %arg6[%get3A_800, %get3A_801, %get3A_802, %get3A_803] {strides = array<i32>} : memref<2x12x2x128xi32, #tpu.memory_space<vmem>>, vector<16xi32>,
      %broadcast_in_dim3A_805 = arith.constant true
      %broadcast_in_dim3A_806 = vector.broadcast %broadcast_in_dim3A_805 : i1 to vector<16xi1>
      %unique3A_807, %unique3A_808 = tpu.scan_count mask(%broadcast_in_dim3A_806 : vector<16xi1>) value(%get3A_804 : vector<16xi32>) : vector<16xi1>, vector<16xi32>
      %convert_element_type3A_809 = arith.sitofp %unique3A_808 : vector<16xi32> to vector<16xf32>
      tpu.vector_store_idx %arg5[%get3A_804], %convert_element_type3A_809 masked %unique3A_807 {add = true} : memref<10240xf32, #tpu.memory_space<vmem>>[vector<16xi32>], vector<16xf32>, vector<16xi1>
      %mul3A_810 = arith.constant 4 : i32
      %mul3A_811 = arith.muli %scan3A_649, %mul3A_810 : i32
      %add3A_812 = arith.constant 3 : i32
      %add3A_813 = arith.addi %mul3A_811, %add3A_812 : i32
      %jit3A_814 = arith.constant 8 : i32
      %div3A_815 = arith.divsi %add3A_813, %jit3A_814 : i32
      %sign3A_816 = arith.constant 0 : i32
      %sign3A_817 = arith.cmpi sgt, %add3A_813, %sign3A_816 : i32
      %sign3A_818 = arith.extui %sign3A_817 : i1 to i32
      %sign3A_819 = arith.constant 0 : i32
      %sign3A_820 = arith.cmpi slt, %add3A_813, %sign3A_819 : i32
      %sign3A_821 = arith.extui %sign3A_820 : i1 to i32
      %sign3A_822 = arith.subi %sign3A_818, %sign3A_821 : i32
      %sign3A_823 = arith.constant 0 : i32
      %sign3A_824 = arith.cmpi sgt, %jit3A_814, %sign3A_823 : i32
      %sign3A_825 = arith.extui %sign3A_824 : i1 to i32
      %sign3A_826 = arith.constant 0 : i32
      %sign3A_827 = arith.cmpi slt, %jit3A_814, %sign3A_826 : i32
      %sign3A_828 = arith.extui %sign3A_827 : i1 to i32
      %sign3A_829 = arith.subi %sign3A_825, %sign3A_828 : i32
      %ne3A_830 = arith.cmpi ne, %sign3A_822, %sign3A_829 : i32
      %rem3A_831 = arith.remsi %add3A_813, %jit3A_814 : i32
      %ne3A_832 = arith.constant 0 : i32
      %ne3A_833 = arith.cmpi ne, %rem3A_831, %ne3A_832 : i32
      %and3A_834 = arith.andi %ne3A_830, %ne3A_833 : i1
      %sub3A_835 = arith.constant 1 : i32
      %sub3A_836 = arith.subi %div3A_815, %sub3A_835 : i32
      %select_n3A_837 = arith.select %and3A_834, %sub3A_836, %div3A_815 : i32
      %jit3A_838 = arith.constant 8 : i32
      %eq3A_839 = arith.constant 0 : i32
      %eq3A_840 = arith.cmpi eq, %jit3A_838, %eq3A_839 : i32
      %jit3A_841 = arith.constant 1 : i32
      %select_n3A_842 = arith.select %eq3A_840, %jit3A_841, %jit3A_838 : i32
      %rem3A_843 = arith.remsi %add3A_813, %select_n3A_842 : i32
      %ne3A_844 = arith.constant 0 : i32
      %ne3A_845 = arith.cmpi ne, %rem3A_843, %ne3A_844 : i32
      %lt3A_846 = arith.constant 0 : i32
      %lt3A_847 = arith.cmpi slt, %rem3A_843, %lt3A_846 : i32
      %lt3A_848 = arith.constant 0 : i32
      %lt3A_849 = arith.cmpi slt, %select_n3A_842, %lt3A_848 : i32
      %ne3A_850 = arith.xori %lt3A_847, %lt3A_849 : i1
      %and3A_851 = arith.andi %ne3A_850, %ne3A_845 : i1
      %add3A_852 = arith.addi %rem3A_843, %select_n3A_842 : i32
      %select_n3A_853 = arith.select %and3A_851, %add3A_852, %rem3A_843 : i32
      %mul3A_854 = arith.constant 16 : i32
      %mul3A_855 = arith.muli %select_n3A_853, %mul3A_854 : i32
      %get3A_856 = arith.constant 0 : i32
      %get3A_857 = arith.index_cast %get3A_856 : i32 to index
      %get3A_858 = arith.index_cast %select_n3A_837 : i32 to index
      %get3A_859 = arith.index_cast %arg0 : i32 to index
      %get3A_860 = arith.index_cast %mul3A_855 : i32 to index
      %get3A_861 = tpu.vector_load %arg6[%get3A_857, %get3A_858, %get3A_859, %get3A_860] {strides = array<i32>} : memref<2x12x2x128xi32, #tpu.memory_space<vmem>>, vector<16xi32>,
      %broadcast_in_dim3A_862 = arith.constant true
      %broadcast_in_dim3A_863 = vector.broadcast %broadcast_in_dim3A_862 : i1 to vector<16xi1>
      %unique3A_864, %unique3A_865 = tpu.scan_count mask(%broadcast_in_dim3A_863 : vector<16xi1>) value(%get3A_861 : vector<16xi32>) : vector<16xi1>, vector<16xi32>
      %convert_element_type3A_866 = arith.sitofp %unique3A_865 : vector<16xi32> to vector<16xf32>
      tpu.vector_store_idx %arg5[%get3A_861], %convert_element_type3A_866 masked %unique3A_864 {add = true} : memref<10240xf32, #tpu.memory_space<vmem>>[vector<16xi32>], vector<16xf32>, vector<16xi1>
    }
    %scan3A_65 = arith.constant 24 : i32
    %dma_wait3A_66 = arith.constant 1 : i32
    %dma_wait3A_67 = arith.constant 0 : i32
    %dma_wait3A_68 = arith.constant 0 : i32
    %dma_wait3A_69 = arith.constant 0 : i32
    %dma_wait3A_70 = tpu.memref_slice %arg6[%dma_wait3A_66, %dma_wait3A_67, %dma_wait3A_68, %dma_wait3A_69] : memref<2x12x2x128xi32, #tpu.memory_space<vmem>> -> memref<1x12x2x128xi32, #tpu.memory_space<vmem>>
    %dma_wait3A_71 = tpu.memref_squeeze %dma_wait3A_70 : memref<1x12x2x128xi32, #tpu.memory_space<vmem>> -> memref<12x2x128xi32, #tpu.memory_space<vmem>>
    %dma_wait3A_72 = arith.constant 0 : i32
    %dma_wait3A_73 = arith.constant 0 : i32
    %dma_wait3A_74 = arith.constant 0 : i32
    %dma_wait3A_75 = tpu.memref_slice %arg2[%dma_wait3A_72, %dma_wait3A_73, %dma_wait3A_74] : memref<2500x2x128xi32, #tpu.memory_space<hbm>> -> memref<12x2x128xi32, #tpu.memory_space<hbm>>
    %dma_wait3A_76 = arith.constant 0 : i32
    %dma_wait3A_77 = arith.constant 0 : i32
    %dma_wait3A_78 = arith.constant 0 : i32
    %dma_wait3A_79 = tpu.memref_slice %arg6[%dma_wait3A_66, %dma_wait3A_76, %dma_wait3A_77, %dma_wait3A_78] : memref<2x12x2x128xi32, #tpu.memory_space<vmem>> -> memref<1x12x2x128xi32, #tpu.memory_space<vmem>>
    %dma_wait3A_80 = tpu.memref_squeeze %dma_wait3A_79 : memref<1x12x2x128xi32, #tpu.memory_space<vmem>> -> memref<12x2x128xi32, #tpu.memory_space<vmem>>
    %dma_wait3A_81 = arith.constant 0 : i32
    %dma_wait3A_82 = arith.constant 0 : i32
    %dma_wait3A_83 = arith.constant 0 : i32
    %dma_wait3A_84 = tpu.memref_slice %arg2[%dma_wait3A_81, %dma_wait3A_82, %dma_wait3A_83] : memref<2500x2x128xi32, #tpu.memory_space<hbm>> -> memref<12x2x128xi32, #tpu.memory_space<hbm>>
    tpu.wait_dma2 semaphore(%arg10 : memref<!tpu.dma_semaphore, #tpu.memory_space<semaphore_mem>>) src(%dma_wait3A_84 : memref<12x2x128xi32, #tpu.memory_space<hbm>>) dst(%dma_wait3A_80 : memref<12x2x128xi32, #tpu.memory_space<vmem>>)
    %add3A_85 = arith.constant 24 : i32
    %add3A_86 = arith.addi %mul3A_0, %add3A_85 : i32
    %dma_start3A_87 = arith.constant 0 : i32
    %dma_start3A_88 = arith.constant 0 : i32
    %dma_start3A_89 = arith.constant 0 : i32
    %dma_start3A_90 = arith.constant 0 : i32
    %dma_start3A_91 = tpu.memref_slice %arg6[%dma_start3A_87, %dma_start3A_88, %dma_start3A_89, %dma_start3A_90] : memref<2x12x2x128xi32, #tpu.memory_space<vmem>> -> memref<1x12x2x128xi32, #tpu.memory_space<vmem>>
    %dma_start3A_92 = tpu.memref_squeeze %dma_start3A_91 : memref<1x12x2x128xi32, #tpu.memory_space<vmem>> -> memref<12x2x128xi32, #tpu.memory_space<vmem>>
    %dma_start3A_93 = arith.constant 0 : i32
    %dma_start3A_94 = arith.constant 0 : i32
    %dma_start3A_95 = tpu.memref_slice %arg2[%add3A_86, %dma_start3A_93, %dma_start3A_94] : memref<2500x2x128xi32, #tpu.memory_space<hbm>> -> memref<12x2x128xi32, #tpu.memory_space<hbm>>
    %dma_start3A_96 = arith.constant 0 : i32
    %dma_start3A_97 = arith.constant 0 : i32
    %dma_start3A_98 = arith.constant 0 : i32
    %dma_start3A_99 = tpu.memref_slice %arg6[%dma_start3A_87, %dma_start3A_96, %dma_start3A_97, %dma_start3A_98] : memref<2x12x2x128xi32, #tpu.memory_space<vmem>> -> memref<1x12x2x128xi32, #tpu.memory_space<vmem>>
    %dma_start3A_100 = tpu.memref_squeeze %dma_start3A_99 : memref<1x12x2x128xi32, #tpu.memory_space<vmem>> -> memref<12x2x128xi32, #tpu.memory_space<vmem>>
    %dma_start3A_101 = arith.constant 0 : i32
    %dma_start3A_102 = arith.constant 0 : i32
    %dma_start3A_103 = tpu.memref_slice %arg2[%add3A_86, %dma_start3A_101, %dma_start3A_102] : memref<2500x2x128xi32, #tpu.memory_space<hbm>> -> memref<12x2x128xi32, #tpu.memory_space<hbm>>
    tpu.enqueue_dma source(%dma_start3A_103 : memref<12x2x128xi32, #tpu.memory_space<hbm>>) target(%dma_start3A_100 : memref<12x2x128xi32, #tpu.memory_space<vmem>>) target_semaphore(%arg9 : memref<!tpu.dma_semaphore, #tpu.memory_space<semaphore_mem>>)
    %scan3A_104 = arith.constant 0 : i32
    %scan3A_105 = arith.constant 0 : i32
    %scan3A_106 = arith.constant 24 : i32
    %scan3A_107 = arith.addi %scan3A_105, %scan3A_106 : i32
    %scan3A_108 = arith.constant 1 : i32
    scf.for %scan3A_649 = %scan3A_105 to %scan3A_107 step %scan3A_108  : i32 {
      %mul3A_650 = arith.constant 4 : i32
      %mul3A_651 = arith.muli %scan3A_649, %mul3A_650 : i32
      %add3A_652 = arith.constant 0 : i32
      %add3A_653 = arith.addi %mul3A_651, %add3A_652 : i32
      %jit3A = arith.constant 8 : i32
      %div3A = arith.divsi %add3A_653, %jit3A : i32
      %sign3A = arith.constant 0 : i32
      %sign3A_654 = arith.cmpi sgt, %add3A_653, %sign3A : i32
      %sign3A_655 = arith.extui %sign3A_654 : i1 to i32
      %sign3A_656 = arith.constant 0 : i32
      %sign3A_657 = arith.cmpi slt, %add3A_653, %sign3A_656 : i32
      %sign3A_658 = arith.extui %sign3A_657 : i1 to i32
      %sign3A_659 = arith.subi %sign3A_655, %sign3A_658 : i32
      %sign3A_660 = arith.constant 0 : i32
      %sign3A_661 = arith.cmpi sgt, %jit3A, %sign3A_660 : i32
      %sign3A_662 = arith.extui %sign3A_661 : i1 to i32
      %sign3A_663 = arith.constant 0 : i32
      %sign3A_664 = arith.cmpi slt, %jit3A, %sign3A_663 : i32
      %sign3A_665 = arith.extui %sign3A_664 : i1 to i32
      %sign3A_666 = arith.subi %sign3A_662, %sign3A_665 : i32
      %ne3A = arith.cmpi ne, %sign3A_659, %sign3A_666 : i32
      %rem3A = arith.remsi %add3A_653, %jit3A : i32
      %ne3A_667 = arith.constant 0 : i32
      %ne3A_668 = arith.cmpi ne, %rem3A, %ne3A_667 : i32
      %and3A = arith.andi %ne3A, %ne3A_668 : i1
      %sub3A = arith.constant 1 : i32
      %sub3A_669 = arith.subi %div3A, %sub3A : i32
      %select_n3A = arith.select %and3A, %sub3A_669, %div3A : i32
      %jit3A_670 = arith.constant 8 : i32
      %eq3A = arith.constant 0 : i32
      %eq3A_671 = arith.cmpi eq, %jit3A_670, %eq3A : i32
      %jit3A_672 = arith.constant 1 : i32
      %select_n3A_673 = arith.select %eq3A_671, %jit3A_672, %jit3A_670 : i32
      %rem3A_674 = arith.remsi %add3A_653, %select_n3A_673 : i32
      %ne3A_675 = arith.constant 0 : i32
      %ne3A_676 = arith.cmpi ne, %rem3A_674, %ne3A_675 : i32
      %lt3A_677 = arith.constant 0 : i32
      %lt3A_678 = arith.cmpi slt, %rem3A_674, %lt3A_677 : i32
      %lt3A_679 = arith.constant 0 : i32
      %lt3A_680 = arith.cmpi slt, %select_n3A_673, %lt3A_679 : i32
      %ne3A_681 = arith.xori %lt3A_678, %lt3A_680 : i1
      %and3A_682 = arith.andi %ne3A_681, %ne3A_676 : i1
      %add3A_683 = arith.addi %rem3A_674, %select_n3A_673 : i32
      %select_n3A_684 = arith.select %and3A_682, %add3A_683, %rem3A_674 : i32
      %mul3A_685 = arith.constant 16 : i32
      %mul3A_686 = arith.muli %select_n3A_684, %mul3A_685 : i32
      %get3A = arith.constant 1 : i32
      %get3A_687 = arith.index_cast %get3A : i32 to index
      %get3A_688 = arith.index_cast %select_n3A : i32 to index
      %get3A_689 = arith.index_cast %arg0 : i32 to index
      %get3A_690 = arith.index_cast %mul3A_686 : i32 to index
      %get3A_691 = tpu.vector_load %arg6[%get3A_687, %get3A_688, %get3A_689, %get3A_690] {strides = array<i32>} : memref<2x12x2x128xi32, #tpu.memory_space<vmem>>, vector<16xi32>,
      %broadcast_in_dim3A_692 = arith.constant true
      %broadcast_in_dim3A_693 = vector.broadcast %broadcast_in_dim3A_692 : i1 to vector<16xi1>
      %unique3A, %unique3A_694 = tpu.scan_count mask(%broadcast_in_dim3A_693 : vector<16xi1>) value(%get3A_691 : vector<16xi32>) : vector<16xi1>, vector<16xi32>
      %convert_element_type3A_695 = arith.sitofp %unique3A_694 : vector<16xi32> to vector<16xf32>
      tpu.vector_store_idx %arg5[%get3A_691], %convert_element_type3A_695 masked %unique3A {add = true} : memref<10240xf32, #tpu.memory_space<vmem>>[vector<16xi32>], vector<16xf32>, vector<16xi1>
      %mul3A_696 = arith.constant 4 : i32
      %mul3A_697 = arith.muli %scan3A_649, %mul3A_696 : i32
      %add3A_698 = arith.constant 1 : i32
      %add3A_699 = arith.addi %mul3A_697, %add3A_698 : i32
      %jit3A_700 = arith.constant 8 : i32
      %div3A_701 = arith.divsi %add3A_699, %jit3A_700 : i32
      %sign3A_702 = arith.constant 0 : i32
      %sign3A_703 = arith.cmpi sgt, %add3A_699, %sign3A_702 : i32
      %sign3A_704 = arith.extui %sign3A_703 : i1 to i32
      %sign3A_705 = arith.constant 0 : i32
      %sign3A_706 = arith.cmpi slt, %add3A_699, %sign3A_705 : i32
      %sign3A_707 = arith.extui %sign3A_706 : i1 to i32
      %sign3A_708 = arith.subi %sign3A_704, %sign3A_707 : i32
      %sign3A_709 = arith.constant 0 : i32
      %sign3A_710 = arith.cmpi sgt, %jit3A_700, %sign3A_709 : i32
      %sign3A_711 = arith.extui %sign3A_710 : i1 to i32
      %sign3A_712 = arith.constant 0 : i32
      %sign3A_713 = arith.cmpi slt, %jit3A_700, %sign3A_712 : i32
      %sign3A_714 = arith.extui %sign3A_713 : i1 to i32
      %sign3A_715 = arith.subi %sign3A_711, %sign3A_714 : i32
      %ne3A_716 = arith.cmpi ne, %sign3A_708, %sign3A_715 : i32
      %rem3A_717 = arith.remsi %add3A_699, %jit3A_700 : i32
      %ne3A_718 = arith.constant 0 : i32
      %ne3A_719 = arith.cmpi ne, %rem3A_717, %ne3A_718 : i32
      %and3A_720 = arith.andi %ne3A_716, %ne3A_719 : i1
      %sub3A_721 = arith.constant 1 : i32
      %sub3A_722 = arith.subi %div3A_701, %sub3A_721 : i32
      %select_n3A_723 = arith.select %and3A_720, %sub3A_722, %div3A_701 : i32
      %jit3A_724 = arith.constant 8 : i32
      %eq3A_725 = arith.constant 0 : i32
      %eq3A_726 = arith.cmpi eq, %jit3A_724, %eq3A_725 : i32
      %jit3A_727 = arith.constant 1 : i32
      %select_n3A_728 = arith.select %eq3A_726, %jit3A_727, %jit3A_724 : i32
      %rem3A_729 = arith.remsi %add3A_699, %select_n3A_728 : i32
      %ne3A_730 = arith.constant 0 : i32
      %ne3A_731 = arith.cmpi ne, %rem3A_729, %ne3A_730 : i32
      %lt3A_732 = arith.constant 0 : i32
      %lt3A_733 = arith.cmpi slt, %rem3A_729, %lt3A_732 : i32
      %lt3A_734 = arith.constant 0 : i32
      %lt3A_735 = arith.cmpi slt, %select_n3A_728, %lt3A_734 : i32
      %ne3A_736 = arith.xori %lt3A_733, %lt3A_735 : i1
      %and3A_737 = arith.andi %ne3A_736, %ne3A_731 : i1
      %add3A_738 = arith.addi %rem3A_729, %select_n3A_728 : i32
      %select_n3A_739 = arith.select %and3A_737, %add3A_738, %rem3A_729 : i32
      %mul3A_740 = arith.constant 16 : i32
      %mul3A_741 = arith.muli %select_n3A_739, %mul3A_740 : i32
      %get3A_742 = arith.constant 1 : i32
      %get3A_743 = arith.index_cast %get3A_742 : i32 to index
      %get3A_744 = arith.index_cast %select_n3A_723 : i32 to index
      %get3A_745 = arith.index_cast %arg0 : i32 to index
      %get3A_746 = arith.index_cast %mul3A_741 : i32 to index
      %get3A_747 = tpu.vector_load %arg6[%get3A_743, %get3A_744, %get3A_745, %get3A_746] {strides = array<i32>} : memref<2x12x2x128xi32, #tpu.memory_space<vmem>>, vector<16xi32>,
      %broadcast_in_dim3A_748 = arith.constant true
      %broadcast_in_dim3A_749 = vector.broadcast %broadcast_in_dim3A_748 : i1 to vector<16xi1>
      %unique3A_750, %unique3A_751 = tpu.scan_count mask(%broadcast_in_dim3A_749 : vector<16xi1>) value(%get3A_747 : vector<16xi32>) : vector<16xi1>, vector<16xi32>
      %convert_element_type3A_752 = arith.sitofp %unique3A_751 : vector<16xi32> to vector<16xf32>
      tpu.vector_store_idx %arg5[%get3A_747], %convert_element_type3A_752 masked %unique3A_750 {add = true} : memref<10240xf32, #tpu.memory_space<vmem>>[vector<16xi32>], vector<16xf32>, vector<16xi1>
      %mul3A_753 = arith.constant 4 : i32
      %mul3A_754 = arith.muli %scan3A_649, %mul3A_753 : i32
      %add3A_755 = arith.constant 2 : i32
      %add3A_756 = arith.addi %mul3A_754, %add3A_755 : i32
      %jit3A_757 = arith.constant 8 : i32
      %div3A_758 = arith.divsi %add3A_756, %jit3A_757 : i32
      %sign3A_759 = arith.constant 0 : i32
      %sign3A_760 = arith.cmpi sgt, %add3A_756, %sign3A_759 : i32
      %sign3A_761 = arith.extui %sign3A_760 : i1 to i32
      %sign3A_762 = arith.constant 0 : i32
      %sign3A_763 = arith.cmpi slt, %add3A_756, %sign3A_762 : i32
      %sign3A_764 = arith.extui %sign3A_763 : i1 to i32
      %sign3A_765 = arith.subi %sign3A_761, %sign3A_764 : i32
      %sign3A_766 = arith.constant 0 : i32
      %sign3A_767 = arith.cmpi sgt, %jit3A_757, %sign3A_766 : i32
      %sign3A_768 = arith.extui %sign3A_767 : i1 to i32
      %sign3A_769 = arith.constant 0 : i32
      %sign3A_770 = arith.cmpi slt, %jit3A_757, %sign3A_769 : i32
      %sign3A_771 = arith.extui %sign3A_770 : i1 to i32
      %sign3A_772 = arith.subi %sign3A_768, %sign3A_771 : i32
      %ne3A_773 = arith.cmpi ne, %sign3A_765, %sign3A_772 : i32
      %rem3A_774 = arith.remsi %add3A_756, %jit3A_757 : i32
      %ne3A_775 = arith.constant 0 : i32
      %ne3A_776 = arith.cmpi ne, %rem3A_774, %ne3A_775 : i32
      %and3A_777 = arith.andi %ne3A_773, %ne3A_776 : i1
      %sub3A_778 = arith.constant 1 : i32
      %sub3A_779 = arith.subi %div3A_758, %sub3A_778 : i32
      %select_n3A_780 = arith.select %and3A_777, %sub3A_779, %div3A_758 : i32
      %jit3A_781 = arith.constant 8 : i32
      %eq3A_782 = arith.constant 0 : i32
      %eq3A_783 = arith.cmpi eq, %jit3A_781, %eq3A_782 : i32
      %jit3A_784 = arith.constant 1 : i32
      %select_n3A_785 = arith.select %eq3A_783, %jit3A_784, %jit3A_781 : i32
      %rem3A_786 = arith.remsi %add3A_756, %select_n3A_785 : i32
      %ne3A_787 = arith.constant 0 : i32
      %ne3A_788 = arith.cmpi ne, %rem3A_786, %ne3A_787 : i32
      %lt3A_789 = arith.constant 0 : i32
      %lt3A_790 = arith.cmpi slt, %rem3A_786, %lt3A_789 : i32
      %lt3A_791 = arith.constant 0 : i32
      %lt3A_792 = arith.cmpi slt, %select_n3A_785, %lt3A_791 : i32
      %ne3A_793 = arith.xori %lt3A_790, %lt3A_792 : i1
      %and3A_794 = arith.andi %ne3A_793, %ne3A_788 : i1
      %add3A_795 = arith.addi %rem3A_786, %select_n3A_785 : i32
      %select_n3A_796 = arith.select %and3A_794, %add3A_795, %rem3A_786 : i32
      %mul3A_797 = arith.constant 16 : i32
      %mul3A_798 = arith.muli %select_n3A_796, %mul3A_797 : i32
      %get3A_799 = arith.constant 1 : i32
      %get3A_800 = arith.index_cast %get3A_799 : i32 to index
      %get3A_801 = arith.index_cast %select_n3A_780 : i32 to index
      %get3A_802 = arith.index_cast %arg0 : i32 to index
      %get3A_803 = arith.index_cast %mul3A_798 : i32 to index
      %get3A_804 = tpu.vector_load %arg6[%get3A_800, %get3A_801, %get3A_802, %get3A_803] {strides = array<i32>} : memref<2x12x2x128xi32, #tpu.memory_space<vmem>>, vector<16xi32>,
      %broadcast_in_dim3A_805 = arith.constant true
      %broadcast_in_dim3A_806 = vector.broadcast %broadcast_in_dim3A_805 : i1 to vector<16xi1>
      %unique3A_807, %unique3A_808 = tpu.scan_count mask(%broadcast_in_dim3A_806 : vector<16xi1>) value(%get3A_804 : vector<16xi32>) : vector<16xi1>, vector<16xi32>
      %convert_element_type3A_809 = arith.sitofp %unique3A_808 : vector<16xi32> to vector<16xf32>
      tpu.vector_store_idx %arg5[%get3A_804], %convert_element_type3A_809 masked %unique3A_807 {add = true} : memref<10240xf32, #tpu.memory_space<vmem>>[vector<16xi32>], vector<16xf32>, vector<16xi1>
      %mul3A_810 = arith.constant 4 : i32
      %mul3A_811 = arith.muli %scan3A_649, %mul3A_810 : i32
      %add3A_812 = arith.constant 3 : i32
      %add3A_813 = arith.addi %mul3A_811, %add3A_812 : i32
      %jit3A_814 = arith.constant 8 : i32
      %div3A_815 = arith.divsi %add3A_813, %jit3A_814 : i32
      %sign3A_816 = arith.constant 0 : i32
      %sign3A_817 = arith.cmpi sgt, %add3A_813, %sign3A_816 : i32
      %sign3A_818 = arith.extui %sign3A_817 : i1 to i32
      %sign3A_819 = arith.constant 0 : i32
      %sign3A_820 = arith.cmpi slt, %add3A_813, %sign3A_819 : i32
      %sign3A_821 = arith.extui %sign3A_820 : i1 to i32
      %sign3A_822 = arith.subi %sign3A_818, %sign3A_821 : i32
      %sign3A_823 = arith.constant 0 : i32
      %sign3A_824 = arith.cmpi sgt, %jit3A_814, %sign3A_823 : i32
      %sign3A_825 = arith.extui %sign3A_824 : i1 to i32
      %sign3A_826 = arith.constant 0 : i32
      %sign3A_827 = arith.cmpi slt, %jit3A_814, %sign3A_826 : i32
      %sign3A_828 = arith.extui %sign3A_827 : i1 to i32
      %sign3A_829 = arith.subi %sign3A_825, %sign3A_828 : i32
      %ne3A_830 = arith.cmpi ne, %sign3A_822, %sign3A_829 : i32
      %rem3A_831 = arith.remsi %add3A_813, %jit3A_814 : i32
      %ne3A_832 = arith.constant 0 : i32
      %ne3A_833 = arith.cmpi ne, %rem3A_831, %ne3A_832 : i32
      %and3A_834 = arith.andi %ne3A_830, %ne3A_833 : i1
      %sub3A_835 = arith.constant 1 : i32
      %sub3A_836 = arith.subi %div3A_815, %sub3A_835 : i32
      %select_n3A_837 = arith.select %and3A_834, %sub3A_836, %div3A_815 : i32
      %jit3A_838 = arith.constant 8 : i32
      %eq3A_839 = arith.constant 0 : i32
      %eq3A_840 = arith.cmpi eq, %jit3A_838, %eq3A_839 : i32
      %jit3A_841 = arith.constant 1 : i32
      %select_n3A_842 = arith.select %eq3A_840, %jit3A_841, %jit3A_838 : i32
      %rem3A_843 = arith.remsi %add3A_813, %select_n3A_842 : i32
      %ne3A_844 = arith.constant 0 : i32
      %ne3A_845 = arith.cmpi ne, %rem3A_843, %ne3A_844 : i32
      %lt3A_846 = arith.constant 0 : i32
      %lt3A_847 = arith.cmpi slt, %rem3A_843, %lt3A_846 : i32
      %lt3A_848 = arith.constant 0 : i32
      %lt3A_849 = arith.cmpi slt, %select_n3A_842, %lt3A_848 : i32
      %ne3A_850 = arith.xori %lt3A_847, %lt3A_849 : i1
      %and3A_851 = arith.andi %ne3A_850, %ne3A_845 : i1
      %add3A_852 = arith.addi %rem3A_843, %select_n3A_842 : i32
      %select_n3A_853 = arith.select %and3A_851, %add3A_852, %rem3A_843 : i32
      %mul3A_854 = arith.constant 16 : i32
      %mul3A_855 = arith.muli %select_n3A_853, %mul3A_854 : i32
      %get3A_856 = arith.constant 1 : i32
      %get3A_857 = arith.index_cast %get3A_856 : i32 to index
      %get3A_858 = arith.index_cast %select_n3A_837 : i32 to index
      %get3A_859 = arith.index_cast %arg0 : i32 to index
      %get3A_860 = arith.index_cast %mul3A_855 : i32 to index
      %get3A_861 = tpu.vector_load %arg6[%get3A_857, %get3A_858, %get3A_859, %get3A_860] {strides = array<i32>} : memref<2x12x2x128xi32, #tpu.memory_space<vmem>>, vector<16xi32>,
      %broadcast_in_dim3A_862 = arith.constant true
      %broadcast_in_dim3A_863 = vector.broadcast %broadcast_in_dim3A_862 : i1 to vector<16xi1>
      %unique3A_864, %unique3A_865 = tpu.scan_count mask(%broadcast_in_dim3A_863 : vector<16xi1>) value(%get3A_861 : vector<16xi32>) : vector<16xi1>, vector<16xi32>
      %convert_element_type3A_866 = arith.sitofp %unique3A_865 : vector<16xi32> to vector<16xf32>
      tpu.vector_store_idx %arg5[%get3A_861], %convert_element_type3A_866 masked %unique3A_864 {add = true} : memref<10240xf32, #tpu.memory_space<vmem>>[vector<16xi32>], vector<16xf32>, vector<16xi1>
    }
    %scan3A_109 = arith.constant 24 : i32
    %dma_wait3A_110 = arith.constant 0 : i32
    %dma_wait3A_111 = arith.constant 0 : i32
    %dma_wait3A_112 = arith.constant 0 : i32
    %dma_wait3A_113 = arith.constant 0 : i32
    %dma_wait3A_114 = tpu.memref_slice %arg6[%dma_wait3A_110, %dma_wait3A_111, %dma_wait3A_112, %dma_wait3A_113] : memref<2x12x2x128xi32, #tpu.memory_space<vmem>> -> memref<1x12x2x128xi32, #tpu.memory_space<vmem>>
    %dma_wait3A_115 = tpu.memref_squeeze %dma_wait3A_114 : memref<1x12x2x128xi32, #tpu.memory_space<vmem>> -> memref<12x2x128xi32, #tpu.memory_space<vmem>>
    %dma_wait3A_116 = arith.constant 0 : i32
    %dma_wait3A_117 = arith.constant 0 : i32
    %dma_wait3A_118 = arith.constant 0 : i32
    %dma_wait3A_119 = tpu.memref_slice %arg2[%dma_wait3A_116, %dma_wait3A_117, %dma_wait3A_118] : memref<2500x2x128xi32, #tpu.memory_space<hbm>> -> memref<12x2x128xi32, #tpu.memory_space<hbm>>
    %dma_wait3A_120 = arith.constant 0 : i32
    %dma_wait3A_121 = arith.constant 0 : i32
    %dma_wait3A_122 = arith.constant 0 : i32
    %dma_wait3A_123 = tpu.memref_slice %arg6[%dma_wait3A_110, %dma_wait3A_120, %dma_wait3A_121, %dma_wait3A_122] : memref<2x12x2x128xi32, #tpu.memory_space<vmem>> -> memref<1x12x2x128xi32, #tpu.memory_space<vmem>>
    %dma_wait3A_124 = tpu.memref_squeeze %dma_wait3A_123 : memref<1x12x2x128xi32, #tpu.memory_space<vmem>> -> memref<12x2x128xi32, #tpu.memory_space<vmem>>
    %dma_wait3A_125 = arith.constant 0 : i32
    %dma_wait3A_126 = arith.constant 0 : i32
    %dma_wait3A_127 = arith.constant 0 : i32
    %dma_wait3A_128 = tpu.memref_slice %arg2[%dma_wait3A_125, %dma_wait3A_126, %dma_wait3A_127] : memref<2500x2x128xi32, #tpu.memory_space<hbm>> -> memref<12x2x128xi32, #tpu.memory_space<hbm>>
    tpu.wait_dma2 semaphore(%arg9 : memref<!tpu.dma_semaphore, #tpu.memory_space<semaphore_mem>>) src(%dma_wait3A_128 : memref<12x2x128xi32, #tpu.memory_space<hbm>>) dst(%dma_wait3A_124 : memref<12x2x128xi32, #tpu.memory_space<vmem>>)
    %add3A_129 = arith.constant 36 : i32
    %add3A_130 = arith.addi %mul3A_0, %add3A_129 : i32
    %dma_start3A_131 = arith.constant 1 : i32
    %dma_start3A_132 = arith.constant 0 : i32
    %dma_start3A_133 = arith.constant 0 : i32
    %dma_start3A_134 = arith.constant 0 : i32
    %dma_start3A_135 = tpu.memref_slice %arg6[%dma_start3A_131, %dma_start3A_132, %dma_start3A_133, %dma_start3A_134] : memref<2x12x2x128xi32, #tpu.memory_space<vmem>> -> memref<1x12x2x128xi32, #tpu.memory_space<vmem>>
    %dma_start3A_136 = tpu.memref_squeeze %dma_start3A_135 : memref<1x12x2x128xi32, #tpu.memory_space<vmem>> -> memref<12x2x128xi32, #tpu.memory_space<vmem>>
    %dma_start3A_137 = arith.constant 0 : i32
    %dma_start3A_138 = arith.constant 0 : i32
    %dma_start3A_139 = tpu.memref_slice %arg2[%add3A_130, %dma_start3A_137, %dma_start3A_138] : memref<2500x2x128xi32, #tpu.memory_space<hbm>> -> memref<12x2x128xi32, #tpu.memory_space<hbm>>
    %dma_start3A_140 = arith.constant 0 : i32
    %dma_start3A_141 = arith.constant 0 : i32
    %dma_start3A_142 = arith.constant 0 : i32
    %dma_start3A_143 = tpu.memref_slice %arg6[%dma_start3A_131, %dma_start3A_140, %dma_start3A_141, %dma_start3A_142] : memref<2x12x2x128xi32, #tpu.memory_space<vmem>> -> memref<1x12x2x128xi32, #tpu.memory_space<vmem>>
    %dma_start3A_144 = tpu.memref_squeeze %dma_start3A_143 : memref<1x12x2x128xi32, #tpu.memory_space<vmem>> -> memref<12x2x128xi32, #tpu.memory_space<vmem>>
    %dma_start3A_145 = arith.constant 0 : i32
    %dma_start3A_146 = arith.constant 0 : i32
    %dma_start3A_147 = tpu.memref_slice %arg2[%add3A_130, %dma_start3A_145, %dma_start3A_146] : memref<2500x2x128xi32, #tpu.memory_space<hbm>> -> memref<12x2x128xi32, #tpu.memory_space<hbm>>
    tpu.enqueue_dma source(%dma_start3A_147 : memref<12x2x128xi32, #tpu.memory_space<hbm>>) target(%dma_start3A_144 : memref<12x2x128xi32, #tpu.memory_space<vmem>>) target_semaphore(%arg10 : memref<!tpu.dma_semaphore, #tpu.memory_space<semaphore_mem>>)
    %scan3A_148 = arith.constant 0 : i32
    %scan3A_149 = arith.constant 0 : i32
    %scan3A_150 = arith.constant 24 : i32
    %scan3A_151 = arith.addi %scan3A_149, %scan3A_150 : i32
    %scan3A_152 = arith.constant 1 : i32
    scf.for %scan3A_649 = %scan3A_149 to %scan3A_151 step %scan3A_152  : i32 {
      %mul3A_650 = arith.constant 4 : i32
      %mul3A_651 = arith.muli %scan3A_649, %mul3A_650 : i32
      %add3A_652 = arith.constant 0 : i32
      %add3A_653 = arith.addi %mul3A_651, %add3A_652 : i32
      %jit3A = arith.constant 8 : i32
      %div3A = arith.divsi %add3A_653, %jit3A : i32
      %sign3A = arith.constant 0 : i32
      %sign3A_654 = arith.cmpi sgt, %add3A_653, %sign3A : i32
      %sign3A_655 = arith.extui %sign3A_654 : i1 to i32
      %sign3A_656 = arith.constant 0 : i32
      %sign3A_657 = arith.cmpi slt, %add3A_653, %sign3A_656 : i32
      %sign3A_658 = arith.extui %sign3A_657 : i1 to i32
      %sign3A_659 = arith.subi %sign3A_655, %sign3A_658 : i32
      %sign3A_660 = arith.constant 0 : i32
      %sign3A_661 = arith.cmpi sgt, %jit3A, %sign3A_660 : i32
      %sign3A_662 = arith.extui %sign3A_661 : i1 to i32
      %sign3A_663 = arith.constant 0 : i32
      %sign3A_664 = arith.cmpi slt, %jit3A, %sign3A_663 : i32
      %sign3A_665 = arith.extui %sign3A_664 : i1 to i32
      %sign3A_666 = arith.subi %sign3A_662, %sign3A_665 : i32
      %ne3A = arith.cmpi ne, %sign3A_659, %sign3A_666 : i32
      %rem3A = arith.remsi %add3A_653, %jit3A : i32
      %ne3A_667 = arith.constant 0 : i32
      %ne3A_668 = arith.cmpi ne, %rem3A, %ne3A_667 : i32
      %and3A = arith.andi %ne3A, %ne3A_668 : i1
      %sub3A = arith.constant 1 : i32
      %sub3A_669 = arith.subi %div3A, %sub3A : i32
      %select_n3A = arith.select %and3A, %sub3A_669, %div3A : i32
      %jit3A_670 = arith.constant 8 : i32
      %eq3A = arith.constant 0 : i32
      %eq3A_671 = arith.cmpi eq, %jit3A_670, %eq3A : i32
      %jit3A_672 = arith.constant 1 : i32
      %select_n3A_673 = arith.select %eq3A_671, %jit3A_672, %jit3A_670 : i32
      %rem3A_674 = arith.remsi %add3A_653, %select_n3A_673 : i32
      %ne3A_675 = arith.constant 0 : i32
      %ne3A_676 = arith.cmpi ne, %rem3A_674, %ne3A_675 : i32
      %lt3A_677 = arith.constant 0 : i32
      %lt3A_678 = arith.cmpi slt, %rem3A_674, %lt3A_677 : i32
      %lt3A_679 = arith.constant 0 : i32
      %lt3A_680 = arith.cmpi slt, %select_n3A_673, %lt3A_679 : i32
      %ne3A_681 = arith.xori %lt3A_678, %lt3A_680 : i1
      %and3A_682 = arith.andi %ne3A_681, %ne3A_676 : i1
      %add3A_683 = arith.addi %rem3A_674, %select_n3A_673 : i32
      %select_n3A_684 = arith.select %and3A_682, %add3A_683, %rem3A_674 : i32
      %mul3A_685 = arith.constant 16 : i32
      %mul3A_686 = arith.muli %select_n3A_684, %mul3A_685 : i32
      %get3A = arith.constant 0 : i32
      %get3A_687 = arith.index_cast %get3A : i32 to index
      %get3A_688 = arith.index_cast %select_n3A : i32 to index
      %get3A_689 = arith.index_cast %arg0 : i32 to index
      %get3A_690 = arith.index_cast %mul3A_686 : i32 to index
      %get3A_691 = tpu.vector_load %arg6[%get3A_687, %get3A_688, %get3A_689, %get3A_690] {strides = array<i32>} : memref<2x12x2x128xi32, #tpu.memory_space<vmem>>, vector<16xi32>,
      %broadcast_in_dim3A_692 = arith.constant true
      %broadcast_in_dim3A_693 = vector.broadcast %broadcast_in_dim3A_692 : i1 to vector<16xi1>
      %unique3A, %unique3A_694 = tpu.scan_count mask(%broadcast_in_dim3A_693 : vector<16xi1>) value(%get3A_691 : vector<16xi32>) : vector<16xi1>, vector<16xi32>
      %convert_element_type3A_695 = arith.sitofp %unique3A_694 : vector<16xi32> to vector<16xf32>
      tpu.vector_store_idx %arg5[%get3A_691], %convert_element_type3A_695 masked %unique3A {add = true} : memref<10240xf32, #tpu.memory_space<vmem>>[vector<16xi32>], vector<16xf32>, vector<16xi1>
      %mul3A_696 = arith.constant 4 : i32
      %mul3A_697 = arith.muli %scan3A_649, %mul3A_696 : i32
      %add3A_698 = arith.constant 1 : i32
      %add3A_699 = arith.addi %mul3A_697, %add3A_698 : i32
      %jit3A_700 = arith.constant 8 : i32
      %div3A_701 = arith.divsi %add3A_699, %jit3A_700 : i32
      %sign3A_702 = arith.constant 0 : i32
      %sign3A_703 = arith.cmpi sgt, %add3A_699, %sign3A_702 : i32
      %sign3A_704 = arith.extui %sign3A_703 : i1 to i32
      %sign3A_705 = arith.constant 0 : i32
      %sign3A_706 = arith.cmpi slt, %add3A_699, %sign3A_705 : i32
      %sign3A_707 = arith.extui %sign3A_706 : i1 to i32
      %sign3A_708 = arith.subi %sign3A_704, %sign3A_707 : i32
      %sign3A_709 = arith.constant 0 : i32
      %sign3A_710 = arith.cmpi sgt, %jit3A_700, %sign3A_709 : i32
      %sign3A_711 = arith.extui %sign3A_710 : i1 to i32
      %sign3A_712 = arith.constant 0 : i32
      %sign3A_713 = arith.cmpi slt, %jit3A_700, %sign3A_712 : i32
      %sign3A_714 = arith.extui %sign3A_713 : i1 to i32
      %sign3A_715 = arith.subi %sign3A_711, %sign3A_714 : i32
      %ne3A_716 = arith.cmpi ne, %sign3A_708, %sign3A_715 : i32
      %rem3A_717 = arith.remsi %add3A_699, %jit3A_700 : i32
      %ne3A_718 = arith.constant 0 : i32
      %ne3A_719 = arith.cmpi ne, %rem3A_717, %ne3A_718 : i32
      %and3A_720 = arith.andi %ne3A_716, %ne3A_719 : i1
      %sub3A_721 = arith.constant 1 : i32
      %sub3A_722 = arith.subi %div3A_701, %sub3A_721 : i32
      %select_n3A_723 = arith.select %and3A_720, %sub3A_722, %div3A_701 : i32
      %jit3A_724 = arith.constant 8 : i32
      %eq3A_725 = arith.constant 0 : i32
      %eq3A_726 = arith.cmpi eq, %jit3A_724, %eq3A_725 : i32
      %jit3A_727 = arith.constant 1 : i32
      %select_n3A_728 = arith.select %eq3A_726, %jit3A_727, %jit3A_724 : i32
      %rem3A_729 = arith.remsi %add3A_699, %select_n3A_728 : i32
      %ne3A_730 = arith.constant 0 : i32
      %ne3A_731 = arith.cmpi ne, %rem3A_729, %ne3A_730 : i32
      %lt3A_732 = arith.constant 0 : i32
      %lt3A_733 = arith.cmpi slt, %rem3A_729, %lt3A_732 : i32
      %lt3A_734 = arith.constant 0 : i32
      %lt3A_735 = arith.cmpi slt, %select_n3A_728, %lt3A_734 : i32
      %ne3A_736 = arith.xori %lt3A_733, %lt3A_735 : i1
      %and3A_737 = arith.andi %ne3A_736, %ne3A_731 : i1
      %add3A_738 = arith.addi %rem3A_729, %select_n3A_728 : i32
      %select_n3A_739 = arith.select %and3A_737, %add3A_738, %rem3A_729 : i32
      %mul3A_740 = arith.constant 16 : i32
      %mul3A_741 = arith.muli %select_n3A_739, %mul3A_740 : i32
      %get3A_742 = arith.constant 0 : i32
      %get3A_743 = arith.index_cast %get3A_742 : i32 to index
      %get3A_744 = arith.index_cast %select_n3A_723 : i32 to index
      %get3A_745 = arith.index_cast %arg0 : i32 to index
      %get3A_746 = arith.index_cast %mul3A_741 : i32 to index
      %get3A_747 = tpu.vector_load %arg6[%get3A_743, %get3A_744, %get3A_745, %get3A_746] {strides = array<i32>} : memref<2x12x2x128xi32, #tpu.memory_space<vmem>>, vector<16xi32>,
      %broadcast_in_dim3A_748 = arith.constant true
      %broadcast_in_dim3A_749 = vector.broadcast %broadcast_in_dim3A_748 : i1 to vector<16xi1>
      %unique3A_750, %unique3A_751 = tpu.scan_count mask(%broadcast_in_dim3A_749 : vector<16xi1>) value(%get3A_747 : vector<16xi32>) : vector<16xi1>, vector<16xi32>
      %convert_element_type3A_752 = arith.sitofp %unique3A_751 : vector<16xi32> to vector<16xf32>
      tpu.vector_store_idx %arg5[%get3A_747], %convert_element_type3A_752 masked %unique3A_750 {add = true} : memref<10240xf32, #tpu.memory_space<vmem>>[vector<16xi32>], vector<16xf32>, vector<16xi1>
      %mul3A_753 = arith.constant 4 : i32
      %mul3A_754 = arith.muli %scan3A_649, %mul3A_753 : i32
      %add3A_755 = arith.constant 2 : i32
      %add3A_756 = arith.addi %mul3A_754, %add3A_755 : i32
      %jit3A_757 = arith.constant 8 : i32
      %div3A_758 = arith.divsi %add3A_756, %jit3A_757 : i32
      %sign3A_759 = arith.constant 0 : i32
      %sign3A_760 = arith.cmpi sgt, %add3A_756, %sign3A_759 : i32
      %sign3A_761 = arith.extui %sign3A_760 : i1 to i32
      %sign3A_762 = arith.constant 0 : i32
      %sign3A_763 = arith.cmpi slt, %add3A_756, %sign3A_762 : i32
      %sign3A_764 = arith.extui %sign3A_763 : i1 to i32
      %sign3A_765 = arith.subi %sign3A_761, %sign3A_764 : i32
      %sign3A_766 = arith.constant 0 : i32
      %sign3A_767 = arith.cmpi sgt, %jit3A_757, %sign3A_766 : i32
      %sign3A_768 = arith.extui %sign3A_767 : i1 to i32
      %sign3A_769 = arith.constant 0 : i32
      %sign3A_770 = arith.cmpi slt, %jit3A_757, %sign3A_769 : i32
      %sign3A_771 = arith.extui %sign3A_770 : i1 to i32
      %sign3A_772 = arith.subi %sign3A_768, %sign3A_771 : i32
      %ne3A_773 = arith.cmpi ne, %sign3A_765, %sign3A_772 : i32
      %rem3A_774 = arith.remsi %add3A_756, %jit3A_757 : i32
      %ne3A_775 = arith.constant 0 : i32
      %ne3A_776 = arith.cmpi ne, %rem3A_774, %ne3A_775 : i32
      %and3A_777 = arith.andi %ne3A_773, %ne3A_776 : i1
      %sub3A_778 = arith.constant 1 : i32
      %sub3A_779 = arith.subi %div3A_758, %sub3A_778 : i32
      %select_n3A_780 = arith.select %and3A_777, %sub3A_779, %div3A_758 : i32
      %jit3A_781 = arith.constant 8 : i32
      %eq3A_782 = arith.constant 0 : i32
      %eq3A_783 = arith.cmpi eq, %jit3A_781, %eq3A_782 : i32
      %jit3A_784 = arith.constant 1 : i32
      %select_n3A_785 = arith.select %eq3A_783, %jit3A_784, %jit3A_781 : i32
      %rem3A_786 = arith.remsi %add3A_756, %select_n3A_785 : i32
      %ne3A_787 = arith.constant 0 : i32
      %ne3A_788 = arith.cmpi ne, %rem3A_786, %ne3A_787 : i32
      %lt3A_789 = arith.constant 0 : i32
      %lt3A_790 = arith.cmpi slt, %rem3A_786, %lt3A_789 : i32
      %lt3A_791 = arith.constant 0 : i32
      %lt3A_792 = arith.cmpi slt, %select_n3A_785, %lt3A_791 : i32
      %ne3A_793 = arith.xori %lt3A_790, %lt3A_792 : i1
      %and3A_794 = arith.andi %ne3A_793, %ne3A_788 : i1
      %add3A_795 = arith.addi %rem3A_786, %select_n3A_785 : i32
      %select_n3A_796 = arith.select %and3A_794, %add3A_795, %rem3A_786 : i32
      %mul3A_797 = arith.constant 16 : i32
      %mul3A_798 = arith.muli %select_n3A_796, %mul3A_797 : i32
      %get3A_799 = arith.constant 0 : i32
      %get3A_800 = arith.index_cast %get3A_799 : i32 to index
      %get3A_801 = arith.index_cast %select_n3A_780 : i32 to index
      %get3A_802 = arith.index_cast %arg0 : i32 to index
      %get3A_803 = arith.index_cast %mul3A_798 : i32 to index
      %get3A_804 = tpu.vector_load %arg6[%get3A_800, %get3A_801, %get3A_802, %get3A_803] {strides = array<i32>} : memref<2x12x2x128xi32, #tpu.memory_space<vmem>>, vector<16xi32>,
      %broadcast_in_dim3A_805 = arith.constant true
      %broadcast_in_dim3A_806 = vector.broadcast %broadcast_in_dim3A_805 : i1 to vector<16xi1>
      %unique3A_807, %unique3A_808 = tpu.scan_count mask(%broadcast_in_dim3A_806 : vector<16xi1>) value(%get3A_804 : vector<16xi32>) : vector<16xi1>, vector<16xi32>
      %convert_element_type3A_809 = arith.sitofp %unique3A_808 : vector<16xi32> to vector<16xf32>
      tpu.vector_store_idx %arg5[%get3A_804], %convert_element_type3A_809 masked %unique3A_807 {add = true} : memref<10240xf32, #tpu.memory_space<vmem>>[vector<16xi32>], vector<16xf32>, vector<16xi1>
      %mul3A_810 = arith.constant 4 : i32
      %mul3A_811 = arith.muli %scan3A_649, %mul3A_810 : i32
      %add3A_812 = arith.constant 3 : i32
      %add3A_813 = arith.addi %mul3A_811, %add3A_812 : i32
      %jit3A_814 = arith.constant 8 : i32
      %div3A_815 = arith.divsi %add3A_813, %jit3A_814 : i32
      %sign3A_816 = arith.constant 0 : i32
      %sign3A_817 = arith.cmpi sgt, %add3A_813, %sign3A_816 : i32
      %sign3A_818 = arith.extui %sign3A_817 : i1 to i32
      %sign3A_819 = arith.constant 0 : i32
      %sign3A_820 = arith.cmpi slt, %add3A_813, %sign3A_819 : i32
      %sign3A_821 = arith.extui %sign3A_820 : i1 to i32
      %sign3A_822 = arith.subi %sign3A_818, %sign3A_821 : i32
      %sign3A_823 = arith.constant 0 : i32
      %sign3A_824 = arith.cmpi sgt, %jit3A_814, %sign3A_823 : i32
      %sign3A_825 = arith.extui %sign3A_824 : i1 to i32
      %sign3A_826 = arith.constant 0 : i32
      %sign3A_827 = arith.cmpi slt, %jit3A_814, %sign3A_826 : i32
      %sign3A_828 = arith.extui %sign3A_827 : i1 to i32
      %sign3A_829 = arith.subi %sign3A_825, %sign3A_828 : i32
      %ne3A_830 = arith.cmpi ne, %sign3A_822, %sign3A_829 : i32
      %rem3A_831 = arith.remsi %add3A_813, %jit3A_814 : i32
      %ne3A_832 = arith.constant 0 : i32
      %ne3A_833 = arith.cmpi ne, %rem3A_831, %ne3A_832 : i32
      %and3A_834 = arith.andi %ne3A_830, %ne3A_833 : i1
      %sub3A_835 = arith.constant 1 : i32
      %sub3A_836 = arith.subi %div3A_815, %sub3A_835 : i32
      %select_n3A_837 = arith.select %and3A_834, %sub3A_836, %div3A_815 : i32
      %jit3A_838 = arith.constant 8 : i32
      %eq3A_839 = arith.constant 0 : i32
      %eq3A_840 = arith.cmpi eq, %jit3A_838, %eq3A_839 : i32
      %jit3A_841 = arith.constant 1 : i32
      %select_n3A_842 = arith.select %eq3A_840, %jit3A_841, %jit3A_838 : i32
      %rem3A_843 = arith.remsi %add3A_813, %select_n3A_842 : i32
      %ne3A_844 = arith.constant 0 : i32
      %ne3A_845 = arith.cmpi ne, %rem3A_843, %ne3A_844 : i32
      %lt3A_846 = arith.constant 0 : i32
      %lt3A_847 = arith.cmpi slt, %rem3A_843, %lt3A_846 : i32
      %lt3A_848 = arith.constant 0 : i32
      %lt3A_849 = arith.cmpi slt, %select_n3A_842, %lt3A_848 : i32
      %ne3A_850 = arith.xori %lt3A_847, %lt3A_849 : i1
      %and3A_851 = arith.andi %ne3A_850, %ne3A_845 : i1
      %add3A_852 = arith.addi %rem3A_843, %select_n3A_842 : i32
      %select_n3A_853 = arith.select %and3A_851, %add3A_852, %rem3A_843 : i32
      %mul3A_854 = arith.constant 16 : i32
      %mul3A_855 = arith.muli %select_n3A_853, %mul3A_854 : i32
      %get3A_856 = arith.constant 0 : i32
      %get3A_857 = arith.index_cast %get3A_856 : i32 to index
      %get3A_858 = arith.index_cast %select_n3A_837 : i32 to index
      %get3A_859 = arith.index_cast %arg0 : i32 to index
      %get3A_860 = arith.index_cast %mul3A_855 : i32 to index
      %get3A_861 = tpu.vector_load %arg6[%get3A_857, %get3A_858, %get3A_859, %get3A_860] {strides = array<i32>} : memref<2x12x2x128xi32, #tpu.memory_space<vmem>>, vector<16xi32>,
      %broadcast_in_dim3A_862 = arith.constant true
      %broadcast_in_dim3A_863 = vector.broadcast %broadcast_in_dim3A_862 : i1 to vector<16xi1>
      %unique3A_864, %unique3A_865 = tpu.scan_count mask(%broadcast_in_dim3A_863 : vector<16xi1>) value(%get3A_861 : vector<16xi32>) : vector<16xi1>, vector<16xi32>
      %convert_element_type3A_866 = arith.sitofp %unique3A_865 : vector<16xi32> to vector<16xf32>
      tpu.vector_store_idx %arg5[%get3A_861], %convert_element_type3A_866 masked %unique3A_864 {add = true} : memref<10240xf32, #tpu.memory_space<vmem>>[vector<16xi32>], vector<16xf32>, vector<16xi1>
    }
    %scan3A_153 = arith.constant 24 : i32
    %dma_wait3A_154 = arith.constant 1 : i32
    %dma_wait3A_155 = arith.constant 0 : i32
    %dma_wait3A_156 = arith.constant 0 : i32
    %dma_wait3A_157 = arith.constant 0 : i32
    %dma_wait3A_158 = tpu.memref_slice %arg6[%dma_wait3A_154, %dma_wait3A_155, %dma_wait3A_156, %dma_wait3A_157] : memref<2x12x2x128xi32, #tpu.memory_space<vmem>> -> memref<1x12x2x128xi32, #tpu.memory_space<vmem>>
    %dma_wait3A_159 = tpu.memref_squeeze %dma_wait3A_158 : memref<1x12x2x128xi32, #tpu.memory_space<vmem>> -> memref<12x2x128xi32, #tpu.memory_space<vmem>>
    %dma_wait3A_160 = arith.constant 0 : i32
    %dma_wait3A_161 = arith.constant 0 : i32
    %dma_wait3A_162 = arith.constant 0 : i32
    %dma_wait3A_163 = tpu.memref_slice %arg2[%dma_wait3A_160, %dma_wait3A_161, %dma_wait3A_162] : memref<2500x2x128xi32, #tpu.memory_space<hbm>> -> memref<12x2x128xi32, #tpu.memory_space<hbm>>
    %dma_wait3A_164 = arith.constant 0 : i32
    %dma_wait3A_165 = arith.constant 0 : i32
    %dma_wait3A_166 = arith.constant 0 : i32
    %dma_wait3A_167 = tpu.memref_slice %arg6[%dma_wait3A_154, %dma_wait3A_164, %dma_wait3A_165, %dma_wait3A_166] : memref<2x12x2x128xi32, #tpu.memory_space<vmem>> -> memref<1x12x2x128xi32, #tpu.memory_space<vmem>>
    %dma_wait3A_168 = tpu.memref_squeeze %dma_wait3A_167 : memref<1x12x2x128xi32, #tpu.memory_space<vmem>> -> memref<12x2x128xi32, #tpu.memory_space<vmem>>
    %dma_wait3A_169 = arith.constant 0 : i32
    %dma_wait3A_170 = arith.constant 0 : i32
    %dma_wait3A_171 = arith.constant 0 : i32
    %dma_wait3A_172 = tpu.memref_slice %arg2[%dma_wait3A_169, %dma_wait3A_170, %dma_wait3A_171] : memref<2500x2x128xi32, #tpu.memory_space<hbm>> -> memref<12x2x128xi32, #tpu.memory_space<hbm>>
    tpu.wait_dma2 semaphore(%arg10 : memref<!tpu.dma_semaphore, #tpu.memory_space<semaphore_mem>>) src(%dma_wait3A_172 : memref<12x2x128xi32, #tpu.memory_space<hbm>>) dst(%dma_wait3A_168 : memref<12x2x128xi32, #tpu.memory_space<vmem>>)
    %add3A_173 = arith.constant 48 : i32
    %add3A_174 = arith.addi %mul3A_0, %add3A_173 : i32
    %dma_start3A_175 = arith.constant 0 : i32
    %dma_start3A_176 = arith.constant 0 : i32
    %dma_start3A_177 = arith.constant 0 : i32
    %dma_start3A_178 = arith.constant 0 : i32
    %dma_start3A_179 = tpu.memref_slice %arg6[%dma_start3A_175, %dma_start3A_176, %dma_start3A_177, %dma_start3A_178] : memref<2x12x2x128xi32, #tpu.memory_space<vmem>> -> memref<1x12x2x128xi32, #tpu.memory_space<vmem>>
    %dma_start3A_180 = tpu.memref_squeeze %dma_start3A_179 : memref<1x12x2x128xi32, #tpu.memory_space<vmem>> -> memref<12x2x128xi32, #tpu.memory_space<vmem>>
    %dma_start3A_181 = arith.constant 0 : i32
    %dma_start3A_182 = arith.constant 0 : i32
    %dma_start3A_183 = tpu.memref_slice %arg2[%add3A_174, %dma_start3A_181, %dma_start3A_182] : memref<2500x2x128xi32, #tpu.memory_space<hbm>> -> memref<12x2x128xi32, #tpu.memory_space<hbm>>
    %dma_start3A_184 = arith.constant 0 : i32
    %dma_start3A_185 = arith.constant 0 : i32
    %dma_start3A_186 = arith.constant 0 : i32
    %dma_start3A_187 = tpu.memref_slice %arg6[%dma_start3A_175, %dma_start3A_184, %dma_start3A_185, %dma_start3A_186] : memref<2x12x2x128xi32, #tpu.memory_space<vmem>> -> memref<1x12x2x128xi32, #tpu.memory_space<vmem>>
    %dma_start3A_188 = tpu.memref_squeeze %dma_start3A_187 : memref<1x12x2x128xi32, #tpu.memory_space<vmem>> -> memref<12x2x128xi32, #tpu.memory_space<vmem>>
    %dma_start3A_189 = arith.constant 0 : i32
    %dma_start3A_190 = arith.constant 0 : i32
    %dma_start3A_191 = tpu.memref_slice %arg2[%add3A_174, %dma_start3A_189, %dma_start3A_190] : memref<2500x2x128xi32, #tpu.memory_space<hbm>> -> memref<12x2x128xi32, #tpu.memory_space<hbm>>
    tpu.enqueue_dma source(%dma_start3A_191 : memref<12x2x128xi32, #tpu.memory_space<hbm>>) target(%dma_start3A_188 : memref<12x2x128xi32, #tpu.memory_space<vmem>>) target_semaphore(%arg9 : memref<!tpu.dma_semaphore, #tpu.memory_space<semaphore_mem>>)
    %scan3A_192 = arith.constant 0 : i32
    %scan3A_193 = arith.constant 0 : i32
    %scan3A_194 = arith.constant 24 : i32
    %scan3A_195 = arith.addi %scan3A_193, %scan3A_194 : i32
    %scan3A_196 = arith.constant 1 : i32
    scf.for %scan3A_649 = %scan3A_193 to %scan3A_195 step %scan3A_196  : i32 {
      %mul3A_650 = arith.constant 4 : i32
      %mul3A_651 = arith.muli %scan3A_649, %mul3A_650 : i32
      %add3A_652 = arith.constant 0 : i32
      %add3A_653 = arith.addi %mul3A_651, %add3A_652 : i32
      %jit3A = arith.constant 8 : i32
      %div3A = arith.divsi %add3A_653, %jit3A : i32
      %sign3A = arith.constant 0 : i32
      %sign3A_654 = arith.cmpi sgt, %add3A_653, %sign3A : i32
      %sign3A_655 = arith.extui %sign3A_654 : i1 to i32
      %sign3A_656 = arith.constant 0 : i32
      %sign3A_657 = arith.cmpi slt, %add3A_653, %sign3A_656 : i32
      %sign3A_658 = arith.extui %sign3A_657 : i1 to i32
      %sign3A_659 = arith.subi %sign3A_655, %sign3A_658 : i32
      %sign3A_660 = arith.constant 0 : i32
      %sign3A_661 = arith.cmpi sgt, %jit3A, %sign3A_660 : i32
      %sign3A_662 = arith.extui %sign3A_661 : i1 to i32
      %sign3A_663 = arith.constant 0 : i32
      %sign3A_664 = arith.cmpi slt, %jit3A, %sign3A_663 : i32
      %sign3A_665 = arith.extui %sign3A_664 : i1 to i32
      %sign3A_666 = arith.subi %sign3A_662, %sign3A_665 : i32
      %ne3A = arith.cmpi ne, %sign3A_659, %sign3A_666 : i32
      %rem3A = arith.remsi %add3A_653, %jit3A : i32
      %ne3A_667 = arith.constant 0 : i32
      %ne3A_668 = arith.cmpi ne, %rem3A, %ne3A_667 : i32
      %and3A = arith.andi %ne3A, %ne3A_668 : i1
      %sub3A = arith.constant 1 : i32
      %sub3A_669 = arith.subi %div3A, %sub3A : i32
      %select_n3A = arith.select %and3A, %sub3A_669, %div3A : i32
      %jit3A_670 = arith.constant 8 : i32
      %eq3A = arith.constant 0 : i32
      %eq3A_671 = arith.cmpi eq, %jit3A_670, %eq3A : i32
      %jit3A_672 = arith.constant 1 : i32
      %select_n3A_673 = arith.select %eq3A_671, %jit3A_672, %jit3A_670 : i32
      %rem3A_674 = arith.remsi %add3A_653, %select_n3A_673 : i32
      %ne3A_675 = arith.constant 0 : i32
      %ne3A_676 = arith.cmpi ne, %rem3A_674, %ne3A_675 : i32
      %lt3A_677 = arith.constant 0 : i32
      %lt3A_678 = arith.cmpi slt, %rem3A_674, %lt3A_677 : i32
      %lt3A_679 = arith.constant 0 : i32
      %lt3A_680 = arith.cmpi slt, %select_n3A_673, %lt3A_679 : i32
      %ne3A_681 = arith.xori %lt3A_678, %lt3A_680 : i1
      %and3A_682 = arith.andi %ne3A_681, %ne3A_676 : i1
      %add3A_683 = arith.addi %rem3A_674, %select_n3A_673 : i32
      %select_n3A_684 = arith.select %and3A_682, %add3A_683, %rem3A_674 : i32
      %mul3A_685 = arith.constant 16 : i32
      %mul3A_686 = arith.muli %select_n3A_684, %mul3A_685 : i32
      %get3A = arith.constant 1 : i32
      %get3A_687 = arith.index_cast %get3A : i32 to index
      %get3A_688 = arith.index_cast %select_n3A : i32 to index
      %get3A_689 = arith.index_cast %arg0 : i32 to index
      %get3A_690 = arith.index_cast %mul3A_686 : i32 to index
      %get3A_691 = tpu.vector_load %arg6[%get3A_687, %get3A_688, %get3A_689, %get3A_690] {strides = array<i32>} : memref<2x12x2x128xi32, #tpu.memory_space<vmem>>, vector<16xi32>,
      %broadcast_in_dim3A_692 = arith.constant true
      %broadcast_in_dim3A_693 = vector.broadcast %broadcast_in_dim3A_692 : i1 to vector<16xi1>
      %unique3A, %unique3A_694 = tpu.scan_count mask(%broadcast_in_dim3A_693 : vector<16xi1>) value(%get3A_691 : vector<16xi32>) : vector<16xi1>, vector<16xi32>
      %convert_element_type3A_695 = arith.sitofp %unique3A_694 : vector<16xi32> to vector<16xf32>
      tpu.vector_store_idx %arg5[%get3A_691], %convert_element_type3A_695 masked %unique3A {add = true} : memref<10240xf32, #tpu.memory_space<vmem>>[vector<16xi32>], vector<16xf32>, vector<16xi1>
      %mul3A_696 = arith.constant 4 : i32
      %mul3A_697 = arith.muli %scan3A_649, %mul3A_696 : i32
      %add3A_698 = arith.constant 1 : i32
      %add3A_699 = arith.addi %mul3A_697, %add3A_698 : i32
      %jit3A_700 = arith.constant 8 : i32
      %div3A_701 = arith.divsi %add3A_699, %jit3A_700 : i32
      %sign3A_702 = arith.constant 0 : i32
      %sign3A_703 = arith.cmpi sgt, %add3A_699, %sign3A_702 : i32
      %sign3A_704 = arith.extui %sign3A_703 : i1 to i32
      %sign3A_705 = arith.constant 0 : i32
      %sign3A_706 = arith.cmpi slt, %add3A_699, %sign3A_705 : i32
      %sign3A_707 = arith.extui %sign3A_706 : i1 to i32
      %sign3A_708 = arith.subi %sign3A_704, %sign3A_707 : i32
      %sign3A_709 = arith.constant 0 : i32
      %sign3A_710 = arith.cmpi sgt, %jit3A_700, %sign3A_709 : i32
      %sign3A_711 = arith.extui %sign3A_710 : i1 to i32
      %sign3A_712 = arith.constant 0 : i32
      %sign3A_713 = arith.cmpi slt, %jit3A_700, %sign3A_712 : i32
      %sign3A_714 = arith.extui %sign3A_713 : i1 to i32
      %sign3A_715 = arith.subi %sign3A_711, %sign3A_714 : i32
      %ne3A_716 = arith.cmpi ne, %sign3A_708, %sign3A_715 : i32
      %rem3A_717 = arith.remsi %add3A_699, %jit3A_700 : i32
      %ne3A_718 = arith.constant 0 : i32
      %ne3A_719 = arith.cmpi ne, %rem3A_717, %ne3A_718 : i32
      %and3A_720 = arith.andi %ne3A_716, %ne3A_719 : i1
      %sub3A_721 = arith.constant 1 : i32
      %sub3A_722 = arith.subi %div3A_701, %sub3A_721 : i32
      %select_n3A_723 = arith.select %and3A_720, %sub3A_722, %div3A_701 : i32
      %jit3A_724 = arith.constant 8 : i32
      %eq3A_725 = arith.constant 0 : i32
      %eq3A_726 = arith.cmpi eq, %jit3A_724, %eq3A_725 : i32
      %jit3A_727 = arith.constant 1 : i32
      %select_n3A_728 = arith.select %eq3A_726, %jit3A_727, %jit3A_724 : i32
      %rem3A_729 = arith.remsi %add3A_699, %select_n3A_728 : i32
      %ne3A_730 = arith.constant 0 : i32
      %ne3A_731 = arith.cmpi ne, %rem3A_729, %ne3A_730 : i32
      %lt3A_732 = arith.constant 0 : i32
      %lt3A_733 = arith.cmpi slt, %rem3A_729, %lt3A_732 : i32
      %lt3A_734 = arith.constant 0 : i32
      %lt3A_735 = arith.cmpi slt, %select_n3A_728, %lt3A_734 : i32
      %ne3A_736 = arith.xori %lt3A_733, %lt3A_735 : i1
      %and3A_737 = arith.andi %ne3A_736, %ne3A_731 : i1
      %add3A_738 = arith.addi %rem3A_729, %select_n3A_728 : i32
      %select_n3A_739 = arith.select %and3A_737, %add3A_738, %rem3A_729 : i32
      %mul3A_740 = arith.constant 16 : i32
      %mul3A_741 = arith.muli %select_n3A_739, %mul3A_740 : i32
      %get3A_742 = arith.constant 1 : i32
      %get3A_743 = arith.index_cast %get3A_742 : i32 to index
      %get3A_744 = arith.index_cast %select_n3A_723 : i32 to index
      %get3A_745 = arith.index_cast %arg0 : i32 to index
      %get3A_746 = arith.index_cast %mul3A_741 : i32 to index
      %get3A_747 = tpu.vector_load %arg6[%get3A_743, %get3A_744, %get3A_745, %get3A_746] {strides = array<i32>} : memref<2x12x2x128xi32, #tpu.memory_space<vmem>>, vector<16xi32>,
      %broadcast_in_dim3A_748 = arith.constant true
      %broadcast_in_dim3A_749 = vector.broadcast %broadcast_in_dim3A_748 : i1 to vector<16xi1>
      %unique3A_750, %unique3A_751 = tpu.scan_count mask(%broadcast_in_dim3A_749 : vector<16xi1>) value(%get3A_747 : vector<16xi32>) : vector<16xi1>, vector<16xi32>
      %convert_element_type3A_752 = arith.sitofp %unique3A_751 : vector<16xi32> to vector<16xf32>
      tpu.vector_store_idx %arg5[%get3A_747], %convert_element_type3A_752 masked %unique3A_750 {add = true} : memref<10240xf32, #tpu.memory_space<vmem>>[vector<16xi32>], vector<16xf32>, vector<16xi1>
      %mul3A_753 = arith.constant 4 : i32
      %mul3A_754 = arith.muli %scan3A_649, %mul3A_753 : i32
      %add3A_755 = arith.constant 2 : i32
      %add3A_756 = arith.addi %mul3A_754, %add3A_755 : i32
      %jit3A_757 = arith.constant 8 : i32
      %div3A_758 = arith.divsi %add3A_756, %jit3A_757 : i32
      %sign3A_759 = arith.constant 0 : i32
      %sign3A_760 = arith.cmpi sgt, %add3A_756, %sign3A_759 : i32
      %sign3A_761 = arith.extui %sign3A_760 : i1 to i32
      %sign3A_762 = arith.constant 0 : i32
      %sign3A_763 = arith.cmpi slt, %add3A_756, %sign3A_762 : i32
      %sign3A_764 = arith.extui %sign3A_763 : i1 to i32
      %sign3A_765 = arith.subi %sign3A_761, %sign3A_764 : i32
      %sign3A_766 = arith.constant 0 : i32
      %sign3A_767 = arith.cmpi sgt, %jit3A_757, %sign3A_766 : i32
      %sign3A_768 = arith.extui %sign3A_767 : i1 to i32
      %sign3A_769 = arith.constant 0 : i32
      %sign3A_770 = arith.cmpi slt, %jit3A_757, %sign3A_769 : i32
      %sign3A_771 = arith.extui %sign3A_770 : i1 to i32
      %sign3A_772 = arith.subi %sign3A_768, %sign3A_771 : i32
      %ne3A_773 = arith.cmpi ne, %sign3A_765, %sign3A_772 : i32
      %rem3A_774 = arith.remsi %add3A_756, %jit3A_757 : i32
      %ne3A_775 = arith.constant 0 : i32
      %ne3A_776 = arith.cmpi ne, %rem3A_774, %ne3A_775 : i32
      %and3A_777 = arith.andi %ne3A_773, %ne3A_776 : i1
      %sub3A_778 = arith.constant 1 : i32
      %sub3A_779 = arith.subi %div3A_758, %sub3A_778 : i32
      %select_n3A_780 = arith.select %and3A_777, %sub3A_779, %div3A_758 : i32
      %jit3A_781 = arith.constant 8 : i32
      %eq3A_782 = arith.constant 0 : i32
      %eq3A_783 = arith.cmpi eq, %jit3A_781, %eq3A_782 : i32
      %jit3A_784 = arith.constant 1 : i32
      %select_n3A_785 = arith.select %eq3A_783, %jit3A_784, %jit3A_781 : i32
      %rem3A_786 = arith.remsi %add3A_756, %select_n3A_785 : i32
      %ne3A_787 = arith.constant 0 : i32
      %ne3A_788 = arith.cmpi ne, %rem3A_786, %ne3A_787 : i32
      %lt3A_789 = arith.constant 0 : i32
      %lt3A_790 = arith.cmpi slt, %rem3A_786, %lt3A_789 : i32
      %lt3A_791 = arith.constant 0 : i32
      %lt3A_792 = arith.cmpi slt, %select_n3A_785, %lt3A_791 : i32
      %ne3A_793 = arith.xori %lt3A_790, %lt3A_792 : i1
      %and3A_794 = arith.andi %ne3A_793, %ne3A_788 : i1
      %add3A_795 = arith.addi %rem3A_786, %select_n3A_785 : i32
      %select_n3A_796 = arith.select %and3A_794, %add3A_795, %rem3A_786 : i32
      %mul3A_797 = arith.constant 16 : i32
      %mul3A_798 = arith.muli %select_n3A_796, %mul3A_797 : i32
      %get3A_799 = arith.constant 1 : i32
      %get3A_800 = arith.index_cast %get3A_799 : i32 to index
      %get3A_801 = arith.index_cast %select_n3A_780 : i32 to index
      %get3A_802 = arith.index_cast %arg0 : i32 to index
      %get3A_803 = arith.index_cast %mul3A_798 : i32 to index
      %get3A_804 = tpu.vector_load %arg6[%get3A_800, %get3A_801, %get3A_802, %get3A_803] {strides = array<i32>} : memref<2x12x2x128xi32, #tpu.memory_space<vmem>>, vector<16xi32>,
      %broadcast_in_dim3A_805 = arith.constant true
      %broadcast_in_dim3A_806 = vector.broadcast %broadcast_in_dim3A_805 : i1 to vector<16xi1>
      %unique3A_807, %unique3A_808 = tpu.scan_count mask(%broadcast_in_dim3A_806 : vector<16xi1>) value(%get3A_804 : vector<16xi32>) : vector<16xi1>, vector<16xi32>
      %convert_element_type3A_809 = arith.sitofp %unique3A_808 : vector<16xi32> to vector<16xf32>
      tpu.vector_store_idx %arg5[%get3A_804], %convert_element_type3A_809 masked %unique3A_807 {add = true} : memref<10240xf32, #tpu.memory_space<vmem>>[vector<16xi32>], vector<16xf32>, vector<16xi1>
      %mul3A_810 = arith.constant 4 : i32
      %mul3A_811 = arith.muli %scan3A_649, %mul3A_810 : i32
      %add3A_812 = arith.constant 3 : i32
      %add3A_813 = arith.addi %mul3A_811, %add3A_812 : i32
      %jit3A_814 = arith.constant 8 : i32
      %div3A_815 = arith.divsi %add3A_813, %jit3A_814 : i32
      %sign3A_816 = arith.constant 0 : i32
      %sign3A_817 = arith.cmpi sgt, %add3A_813, %sign3A_816 : i32
      %sign3A_818 = arith.extui %sign3A_817 : i1 to i32
      %sign3A_819 = arith.constant 0 : i32
      %sign3A_820 = arith.cmpi slt, %add3A_813, %sign3A_819 : i32
      %sign3A_821 = arith.extui %sign3A_820 : i1 to i32
      %sign3A_822 = arith.subi %sign3A_818, %sign3A_821 : i32
      %sign3A_823 = arith.constant 0 : i32
      %sign3A_824 = arith.cmpi sgt, %jit3A_814, %sign3A_823 : i32
      %sign3A_825 = arith.extui %sign3A_824 : i1 to i32
      %sign3A_826 = arith.constant 0 : i32
      %sign3A_827 = arith.cmpi slt, %jit3A_814, %sign3A_826 : i32
      %sign3A_828 = arith.extui %sign3A_827 : i1 to i32
      %sign3A_829 = arith.subi %sign3A_825, %sign3A_828 : i32
      %ne3A_830 = arith.cmpi ne, %sign3A_822, %sign3A_829 : i32
      %rem3A_831 = arith.remsi %add3A_813, %jit3A_814 : i32
      %ne3A_832 = arith.constant 0 : i32
      %ne3A_833 = arith.cmpi ne, %rem3A_831, %ne3A_832 : i32
      %and3A_834 = arith.andi %ne3A_830, %ne3A_833 : i1
      %sub3A_835 = arith.constant 1 : i32
      %sub3A_836 = arith.subi %div3A_815, %sub3A_835 : i32
      %select_n3A_837 = arith.select %and3A_834, %sub3A_836, %div3A_815 : i32
      %jit3A_838 = arith.constant 8 : i32
      %eq3A_839 = arith.constant 0 : i32
      %eq3A_840 = arith.cmpi eq, %jit3A_838, %eq3A_839 : i32
      %jit3A_841 = arith.constant 1 : i32
      %select_n3A_842 = arith.select %eq3A_840, %jit3A_841, %jit3A_838 : i32
      %rem3A_843 = arith.remsi %add3A_813, %select_n3A_842 : i32
      %ne3A_844 = arith.constant 0 : i32
      %ne3A_845 = arith.cmpi ne, %rem3A_843, %ne3A_844 : i32
      %lt3A_846 = arith.constant 0 : i32
      %lt3A_847 = arith.cmpi slt, %rem3A_843, %lt3A_846 : i32
      %lt3A_848 = arith.constant 0 : i32
      %lt3A_849 = arith.cmpi slt, %select_n3A_842, %lt3A_848 : i32
      %ne3A_850 = arith.xori %lt3A_847, %lt3A_849 : i1
      %and3A_851 = arith.andi %ne3A_850, %ne3A_845 : i1
      %add3A_852 = arith.addi %rem3A_843, %select_n3A_842 : i32
      %select_n3A_853 = arith.select %and3A_851, %add3A_852, %rem3A_843 : i32
      %mul3A_854 = arith.constant 16 : i32
      %mul3A_855 = arith.muli %select_n3A_853, %mul3A_854 : i32
      %get3A_856 = arith.constant 1 : i32
      %get3A_857 = arith.index_cast %get3A_856 : i32 to index
      %get3A_858 = arith.index_cast %select_n3A_837 : i32 to index
      %get3A_859 = arith.index_cast %arg0 : i32 to index
      %get3A_860 = arith.index_cast %mul3A_855 : i32 to index
      %get3A_861 = tpu.vector_load %arg6[%get3A_857, %get3A_858, %get3A_859, %get3A_860] {strides = array<i32>} : memref<2x12x2x128xi32, #tpu.memory_space<vmem>>, vector<16xi32>,
      %broadcast_in_dim3A_862 = arith.constant true
      %broadcast_in_dim3A_863 = vector.broadcast %broadcast_in_dim3A_862 : i1 to vector<16xi1>
      %unique3A_864, %unique3A_865 = tpu.scan_count mask(%broadcast_in_dim3A_863 : vector<16xi1>) value(%get3A_861 : vector<16xi32>) : vector<16xi1>, vector<16xi32>
      %convert_element_type3A_866 = arith.sitofp %unique3A_865 : vector<16xi32> to vector<16xf32>
      tpu.vector_store_idx %arg5[%get3A_861], %convert_element_type3A_866 masked %unique3A_864 {add = true} : memref<10240xf32, #tpu.memory_space<vmem>>[vector<16xi32>], vector<16xf32>, vector<16xi1>
    }
    %scan3A_197 = arith.constant 24 : i32
    %dma_wait3A_198 = arith.constant 0 : i32
    %dma_wait3A_199 = arith.constant 0 : i32
    %dma_wait3A_200 = arith.constant 0 : i32
    %dma_wait3A_201 = arith.constant 0 : i32
    %dma_wait3A_202 = tpu.memref_slice %arg6[%dma_wait3A_198, %dma_wait3A_199, %dma_wait3A_200, %dma_wait3A_201] : memref<2x12x2x128xi32, #tpu.memory_space<vmem>> -> memref<1x12x2x128xi32, #tpu.memory_space<vmem>>
    %dma_wait3A_203 = tpu.memref_squeeze %dma_wait3A_202 : memref<1x12x2x128xi32, #tpu.memory_space<vmem>> -> memref<12x2x128xi32, #tpu.memory_space<vmem>>
    %dma_wait3A_204 = arith.constant 0 : i32
    %dma_wait3A_205 = arith.constant 0 : i32
    %dma_wait3A_206 = arith.constant 0 : i32
    %dma_wait3A_207 = tpu.memref_slice %arg2[%dma_wait3A_204, %dma_wait3A_205, %dma_wait3A_206] : memref<2500x2x128xi32, #tpu.memory_space<hbm>> -> memref<12x2x128xi32, #tpu.memory_space<hbm>>
    %dma_wait3A_208 = arith.constant 0 : i32
    %dma_wait3A_209 = arith.constant 0 : i32
    %dma_wait3A_210 = arith.constant 0 : i32
    %dma_wait3A_211 = tpu.memref_slice %arg6[%dma_wait3A_198, %dma_wait3A_208, %dma_wait3A_209, %dma_wait3A_210] : memref<2x12x2x128xi32, #tpu.memory_space<vmem>> -> memref<1x12x2x128xi32, #tpu.memory_space<vmem>>
    %dma_wait3A_212 = tpu.memref_squeeze %dma_wait3A_211 : memref<1x12x2x128xi32, #tpu.memory_space<vmem>> -> memref<12x2x128xi32, #tpu.memory_space<vmem>>
    %dma_wait3A_213 = arith.constant 0 : i32
    %dma_wait3A_214 = arith.constant 0 : i32
    %dma_wait3A_215 = arith.constant 0 : i32
    %dma_wait3A_216 = tpu.memref_slice %arg2[%dma_wait3A_213, %dma_wait3A_214, %dma_wait3A_215] : memref<2500x2x128xi32, #tpu.memory_space<hbm>> -> memref<12x2x128xi32, #tpu.memory_space<hbm>>
    tpu.wait_dma2 semaphore(%arg9 : memref<!tpu.dma_semaphore, #tpu.memory_space<semaphore_mem>>) src(%dma_wait3A_216 : memref<12x2x128xi32, #tpu.memory_space<hbm>>) dst(%dma_wait3A_212 : memref<12x2x128xi32, #tpu.memory_space<vmem>>)
    %add3A_217 = arith.constant 60 : i32
    %add3A_218 = arith.addi %mul3A_0, %add3A_217 : i32
    %dma_start3A_219 = arith.constant 1 : i32
    %dma_start3A_220 = arith.constant 0 : i32
    %dma_start3A_221 = arith.constant 0 : i32
    %dma_start3A_222 = arith.constant 0 : i32
    %dma_start3A_223 = tpu.memref_slice %arg6[%dma_start3A_219, %dma_start3A_220, %dma_start3A_221, %dma_start3A_222] : memref<2x12x2x128xi32, #tpu.memory_space<vmem>> -> memref<1x12x2x128xi32, #tpu.memory_space<vmem>>
    %dma_start3A_224 = tpu.memref_squeeze %dma_start3A_223 : memref<1x12x2x128xi32, #tpu.memory_space<vmem>> -> memref<12x2x128xi32, #tpu.memory_space<vmem>>
    %dma_start3A_225 = arith.constant 0 : i32
    %dma_start3A_226 = arith.constant 0 : i32
    %dma_start3A_227 = tpu.memref_slice %arg2[%add3A_218, %dma_start3A_225, %dma_start3A_226] : memref<2500x2x128xi32, #tpu.memory_space<hbm>> -> memref<12x2x128xi32, #tpu.memory_space<hbm>>
    %dma_start3A_228 = arith.constant 0 : i32
    %dma_start3A_229 = arith.constant 0 : i32
    %dma_start3A_230 = arith.constant 0 : i32
    %dma_start3A_231 = tpu.memref_slice %arg6[%dma_start3A_219, %dma_start3A_228, %dma_start3A_229, %dma_start3A_230] : memref<2x12x2x128xi32, #tpu.memory_space<vmem>> -> memref<1x12x2x128xi32, #tpu.memory_space<vmem>>
    %dma_start3A_232 = tpu.memref_squeeze %dma_start3A_231 : memref<1x12x2x128xi32, #tpu.memory_space<vmem>> -> memref<12x2x128xi32, #tpu.memory_space<vmem>>
    %dma_start3A_233 = arith.constant 0 : i32
    %dma_start3A_234 = arith.constant 0 : i32
    %dma_start3A_235 = tpu.memref_slice %arg2[%add3A_218, %dma_start3A_233, %dma_start3A_234] : memref<2500x2x128xi32, #tpu.memory_space<hbm>> -> memref<12x2x128xi32, #tpu.memory_space<hbm>>
    tpu.enqueue_dma source(%dma_start3A_235 : memref<12x2x128xi32, #tpu.memory_space<hbm>>) target(%dma_start3A_232 : memref<12x2x128xi32, #tpu.memory_space<vmem>>) target_semaphore(%arg10 : memref<!tpu.dma_semaphore, #tpu.memory_space<semaphore_mem>>)
    %scan3A_236 = arith.constant 0 : i32
    %scan3A_237 = arith.constant 0 : i32
    %scan3A_238 = arith.constant 24 : i32
    %scan3A_239 = arith.addi %scan3A_237, %scan3A_238 : i32
    %scan3A_240 = arith.constant 1 : i32
    scf.for %scan3A_649 = %scan3A_237 to %scan3A_239 step %scan3A_240  : i32 {
      %mul3A_650 = arith.constant 4 : i32
      %mul3A_651 = arith.muli %scan3A_649, %mul3A_650 : i32
      %add3A_652 = arith.constant 0 : i32
      %add3A_653 = arith.addi %mul3A_651, %add3A_652 : i32
      %jit3A = arith.constant 8 : i32
      %div3A = arith.divsi %add3A_653, %jit3A : i32
      %sign3A = arith.constant 0 : i32
      %sign3A_654 = arith.cmpi sgt, %add3A_653, %sign3A : i32
      %sign3A_655 = arith.extui %sign3A_654 : i1 to i32
      %sign3A_656 = arith.constant 0 : i32
      %sign3A_657 = arith.cmpi slt, %add3A_653, %sign3A_656 : i32
      %sign3A_658 = arith.extui %sign3A_657 : i1 to i32
      %sign3A_659 = arith.subi %sign3A_655, %sign3A_658 : i32
      %sign3A_660 = arith.constant 0 : i32
      %sign3A_661 = arith.cmpi sgt, %jit3A, %sign3A_660 : i32
      %sign3A_662 = arith.extui %sign3A_661 : i1 to i32
      %sign3A_663 = arith.constant 0 : i32
      %sign3A_664 = arith.cmpi slt, %jit3A, %sign3A_663 : i32
      %sign3A_665 = arith.extui %sign3A_664 : i1 to i32
      %sign3A_666 = arith.subi %sign3A_662, %sign3A_665 : i32
      %ne3A = arith.cmpi ne, %sign3A_659, %sign3A_666 : i32
      %rem3A = arith.remsi %add3A_653, %jit3A : i32
      %ne3A_667 = arith.constant 0 : i32
      %ne3A_668 = arith.cmpi ne, %rem3A, %ne3A_667 : i32
      %and3A = arith.andi %ne3A, %ne3A_668 : i1
      %sub3A = arith.constant 1 : i32
      %sub3A_669 = arith.subi %div3A, %sub3A : i32
      %select_n3A = arith.select %and3A, %sub3A_669, %div3A : i32
      %jit3A_670 = arith.constant 8 : i32
      %eq3A = arith.constant 0 : i32
      %eq3A_671 = arith.cmpi eq, %jit3A_670, %eq3A : i32
      %jit3A_672 = arith.constant 1 : i32
      %select_n3A_673 = arith.select %eq3A_671, %jit3A_672, %jit3A_670 : i32
      %rem3A_674 = arith.remsi %add3A_653, %select_n3A_673 : i32
      %ne3A_675 = arith.constant 0 : i32
      %ne3A_676 = arith.cmpi ne, %rem3A_674, %ne3A_675 : i32
      %lt3A_677 = arith.constant 0 : i32
      %lt3A_678 = arith.cmpi slt, %rem3A_674, %lt3A_677 : i32
      %lt3A_679 = arith.constant 0 : i32
      %lt3A_680 = arith.cmpi slt, %select_n3A_673, %lt3A_679 : i32
      %ne3A_681 = arith.xori %lt3A_678, %lt3A_680 : i1
      %and3A_682 = arith.andi %ne3A_681, %ne3A_676 : i1
      %add3A_683 = arith.addi %rem3A_674, %select_n3A_673 : i32
      %select_n3A_684 = arith.select %and3A_682, %add3A_683, %rem3A_674 : i32
      %mul3A_685 = arith.constant 16 : i32
      %mul3A_686 = arith.muli %select_n3A_684, %mul3A_685 : i32
      %get3A = arith.constant 0 : i32
      %get3A_687 = arith.index_cast %get3A : i32 to index
      %get3A_688 = arith.index_cast %select_n3A : i32 to index
      %get3A_689 = arith.index_cast %arg0 : i32 to index
      %get3A_690 = arith.index_cast %mul3A_686 : i32 to index
      %get3A_691 = tpu.vector_load %arg6[%get3A_687, %get3A_688, %get3A_689, %get3A_690] {strides = array<i32>} : memref<2x12x2x128xi32, #tpu.memory_space<vmem>>, vector<16xi32>,
      %broadcast_in_dim3A_692 = arith.constant true
      %broadcast_in_dim3A_693 = vector.broadcast %broadcast_in_dim3A_692 : i1 to vector<16xi1>
      %unique3A, %unique3A_694 = tpu.scan_count mask(%broadcast_in_dim3A_693 : vector<16xi1>) value(%get3A_691 : vector<16xi32>) : vector<16xi1>, vector<16xi32>
      %convert_element_type3A_695 = arith.sitofp %unique3A_694 : vector<16xi32> to vector<16xf32>
      tpu.vector_store_idx %arg5[%get3A_691], %convert_element_type3A_695 masked %unique3A {add = true} : memref<10240xf32, #tpu.memory_space<vmem>>[vector<16xi32>], vector<16xf32>, vector<16xi1>
      %mul3A_696 = arith.constant 4 : i32
      %mul3A_697 = arith.muli %scan3A_649, %mul3A_696 : i32
      %add3A_698 = arith.constant 1 : i32
      %add3A_699 = arith.addi %mul3A_697, %add3A_698 : i32
      %jit3A_700 = arith.constant 8 : i32
      %div3A_701 = arith.divsi %add3A_699, %jit3A_700 : i32
      %sign3A_702 = arith.constant 0 : i32
      %sign3A_703 = arith.cmpi sgt, %add3A_699, %sign3A_702 : i32
      %sign3A_704 = arith.extui %sign3A_703 : i1 to i32
      %sign3A_705 = arith.constant 0 : i32
      %sign3A_706 = arith.cmpi slt, %add3A_699, %sign3A_705 : i32
      %sign3A_707 = arith.extui %sign3A_706 : i1 to i32
      %sign3A_708 = arith.subi %sign3A_704, %sign3A_707 : i32
      %sign3A_709 = arith.constant 0 : i32
      %sign3A_710 = arith.cmpi sgt, %jit3A_700, %sign3A_709 : i32
      %sign3A_711 = arith.extui %sign3A_710 : i1 to i32
      %sign3A_712 = arith.constant 0 : i32
      %sign3A_713 = arith.cmpi slt, %jit3A_700, %sign3A_712 : i32
      %sign3A_714 = arith.extui %sign3A_713 : i1 to i32
      %sign3A_715 = arith.subi %sign3A_711, %sign3A_714 : i32
      %ne3A_716 = arith.cmpi ne, %sign3A_708, %sign3A_715 : i32
      %rem3A_717 = arith.remsi %add3A_699, %jit3A_700 : i32
      %ne3A_718 = arith.constant 0 : i32
      %ne3A_719 = arith.cmpi ne, %rem3A_717, %ne3A_718 : i32
      %and3A_720 = arith.andi %ne3A_716, %ne3A_719 : i1
      %sub3A_721 = arith.constant 1 : i32
      %sub3A_722 = arith.subi %div3A_701, %sub3A_721 : i32
      %select_n3A_723 = arith.select %and3A_720, %sub3A_722, %div3A_701 : i32
      %jit3A_724 = arith.constant 8 : i32
      %eq3A_725 = arith.constant 0 : i32
      %eq3A_726 = arith.cmpi eq, %jit3A_724, %eq3A_725 : i32
      %jit3A_727 = arith.constant 1 : i32
      %select_n3A_728 = arith.select %eq3A_726, %jit3A_727, %jit3A_724 : i32
      %rem3A_729 = arith.remsi %add3A_699, %select_n3A_728 : i32
      %ne3A_730 = arith.constant 0 : i32
      %ne3A_731 = arith.cmpi ne, %rem3A_729, %ne3A_730 : i32
      %lt3A_732 = arith.constant 0 : i32
      %lt3A_733 = arith.cmpi slt, %rem3A_729, %lt3A_732 : i32
      %lt3A_734 = arith.constant 0 : i32
      %lt3A_735 = arith.cmpi slt, %select_n3A_728, %lt3A_734 : i32
      %ne3A_736 = arith.xori %lt3A_733, %lt3A_735 : i1
      %and3A_737 = arith.andi %ne3A_736, %ne3A_731 : i1
      %add3A_738 = arith.addi %rem3A_729, %select_n3A_728 : i32
      %select_n3A_739 = arith.select %and3A_737, %add3A_738, %rem3A_729 : i32
      %mul3A_740 = arith.constant 16 : i32
      %mul3A_741 = arith.muli %select_n3A_739, %mul3A_740 : i32
      %get3A_742 = arith.constant 0 : i32
      %get3A_743 = arith.index_cast %get3A_742 : i32 to index
      %get3A_744 = arith.index_cast %select_n3A_723 : i32 to index
      %get3A_745 = arith.index_cast %arg0 : i32 to index
      %get3A_746 = arith.index_cast %mul3A_741 : i32 to index
      %get3A_747 = tpu.vector_load %arg6[%get3A_743, %get3A_744, %get3A_745, %get3A_746] {strides = array<i32>} : memref<2x12x2x128xi32, #tpu.memory_space<vmem>>, vector<16xi32>,
      %broadcast_in_dim3A_748 = arith.constant true
      %broadcast_in_dim3A_749 = vector.broadcast %broadcast_in_dim3A_748 : i1 to vector<16xi1>
      %unique3A_750, %unique3A_751 = tpu.scan_count mask(%broadcast_in_dim3A_749 : vector<16xi1>) value(%get3A_747 : vector<16xi32>) : vector<16xi1>, vector<16xi32>
      %convert_element_type3A_752 = arith.sitofp %unique3A_751 : vector<16xi32> to vector<16xf32>
      tpu.vector_store_idx %arg5[%get3A_747], %convert_element_type3A_752 masked %unique3A_750 {add = true} : memref<10240xf32, #tpu.memory_space<vmem>>[vector<16xi32>], vector<16xf32>, vector<16xi1>
      %mul3A_753 = arith.constant 4 : i32
      %mul3A_754 = arith.muli %scan3A_649, %mul3A_753 : i32
      %add3A_755 = arith.constant 2 : i32
      %add3A_756 = arith.addi %mul3A_754, %add3A_755 : i32
      %jit3A_757 = arith.constant 8 : i32
      %div3A_758 = arith.divsi %add3A_756, %jit3A_757 : i32
      %sign3A_759 = arith.constant 0 : i32
      %sign3A_760 = arith.cmpi sgt, %add3A_756, %sign3A_759 : i32
      %sign3A_761 = arith.extui %sign3A_760 : i1 to i32
      %sign3A_762 = arith.constant 0 : i32
      %sign3A_763 = arith.cmpi slt, %add3A_756, %sign3A_762 : i32
      %sign3A_764 = arith.extui %sign3A_763 : i1 to i32
      %sign3A_765 = arith.subi %sign3A_761, %sign3A_764 : i32
      %sign3A_766 = arith.constant 0 : i32
      %sign3A_767 = arith.cmpi sgt, %jit3A_757, %sign3A_766 : i32
      %sign3A_768 = arith.extui %sign3A_767 : i1 to i32
      %sign3A_769 = arith.constant 0 : i32
      %sign3A_770 = arith.cmpi slt, %jit3A_757, %sign3A_769 : i32
      %sign3A_771 = arith.extui %sign3A_770 : i1 to i32
      %sign3A_772 = arith.subi %sign3A_768, %sign3A_771 : i32
      %ne3A_773 = arith.cmpi ne, %sign3A_765, %sign3A_772 : i32
      %rem3A_774 = arith.remsi %add3A_756, %jit3A_757 : i32
      %ne3A_775 = arith.constant 0 : i32
      %ne3A_776 = arith.cmpi ne, %rem3A_774, %ne3A_775 : i32
      %and3A_777 = arith.andi %ne3A_773, %ne3A_776 : i1
      %sub3A_778 = arith.constant 1 : i32
      %sub3A_779 = arith.subi %div3A_758, %sub3A_778 : i32
      %select_n3A_780 = arith.select %and3A_777, %sub3A_779, %div3A_758 : i32
      %jit3A_781 = arith.constant 8 : i32
      %eq3A_782 = arith.constant 0 : i32
      %eq3A_783 = arith.cmpi eq, %jit3A_781, %eq3A_782 : i32
      %jit3A_784 = arith.constant 1 : i32
      %select_n3A_785 = arith.select %eq3A_783, %jit3A_784, %jit3A_781 : i32
      %rem3A_786 = arith.remsi %add3A_756, %select_n3A_785 : i32
      %ne3A_787 = arith.constant 0 : i32
      %ne3A_788 = arith.cmpi ne, %rem3A_786, %ne3A_787 : i32
      %lt3A_789 = arith.constant 0 : i32
      %lt3A_790 = arith.cmpi slt, %rem3A_786, %lt3A_789 : i32
      %lt3A_791 = arith.constant 0 : i32
      %lt3A_792 = arith.cmpi slt, %select_n3A_785, %lt3A_791 : i32
      %ne3A_793 = arith.xori %lt3A_790, %lt3A_792 : i1
      %and3A_794 = arith.andi %ne3A_793, %ne3A_788 : i1
      %add3A_795 = arith.addi %rem3A_786, %select_n3A_785 : i32
      %select_n3A_796 = arith.select %and3A_794, %add3A_795, %rem3A_786 : i32
      %mul3A_797 = arith.constant 16 : i32
      %mul3A_798 = arith.muli %select_n3A_796, %mul3A_797 : i32
      %get3A_799 = arith.constant 0 : i32
      %get3A_800 = arith.index_cast %get3A_799 : i32 to index
      %get3A_801 = arith.index_cast %select_n3A_780 : i32 to index
      %get3A_802 = arith.index_cast %arg0 : i32 to index
      %get3A_803 = arith.index_cast %mul3A_798 : i32 to index
      %get3A_804 = tpu.vector_load %arg6[%get3A_800, %get3A_801, %get3A_802, %get3A_803] {strides = array<i32>} : memref<2x12x2x128xi32, #tpu.memory_space<vmem>>, vector<16xi32>,
      %broadcast_in_dim3A_805 = arith.constant true
      %broadcast_in_dim3A_806 = vector.broadcast %broadcast_in_dim3A_805 : i1 to vector<16xi1>
      %unique3A_807, %unique3A_808 = tpu.scan_count mask(%broadcast_in_dim3A_806 : vector<16xi1>) value(%get3A_804 : vector<16xi32>) : vector<16xi1>, vector<16xi32>
      %convert_element_type3A_809 = arith.sitofp %unique3A_808 : vector<16xi32> to vector<16xf32>
      tpu.vector_store_idx %arg5[%get3A_804], %convert_element_type3A_809 masked %unique3A_807 {add = true} : memref<10240xf32, #tpu.memory_space<vmem>>[vector<16xi32>], vector<16xf32>, vector<16xi1>
      %mul3A_810 = arith.constant 4 : i32
      %mul3A_811 = arith.muli %scan3A_649, %mul3A_810 : i32
      %add3A_812 = arith.constant 3 : i32
      %add3A_813 = arith.addi %mul3A_811, %add3A_812 : i32
      %jit3A_814 = arith.constant 8 : i32
      %div3A_815 = arith.divsi %add3A_813, %jit3A_814 : i32
      %sign3A_816 = arith.constant 0 : i32
      %sign3A_817 = arith.cmpi sgt, %add3A_813, %sign3A_816 : i32
      %sign3A_818 = arith.extui %sign3A_817 : i1 to i32
      %sign3A_819 = arith.constant 0 : i32
      %sign3A_820 = arith.cmpi slt, %add3A_813, %sign3A_819 : i32
      %sign3A_821 = arith.extui %sign3A_820 : i1 to i32
      %sign3A_822 = arith.subi %sign3A_818, %sign3A_821 : i32
      %sign3A_823 = arith.constant 0 : i32
      %sign3A_824 = arith.cmpi sgt, %jit3A_814, %sign3A_823 : i32
      %sign3A_825 = arith.extui %sign3A_824 : i1 to i32
      %sign3A_826 = arith.constant 0 : i32
      %sign3A_827 = arith.cmpi slt, %jit3A_814, %sign3A_826 : i32
      %sign3A_828 = arith.extui %sign3A_827 : i1 to i32
      %sign3A_829 = arith.subi %sign3A_825, %sign3A_828 : i32
      %ne3A_830 = arith.cmpi ne, %sign3A_822, %sign3A_829 : i32
      %rem3A_831 = arith.remsi %add3A_813, %jit3A_814 : i32
      %ne3A_832 = arith.constant 0 : i32
      %ne3A_833 = arith.cmpi ne, %rem3A_831, %ne3A_832 : i32
      %and3A_834 = arith.andi %ne3A_830, %ne3A_833 : i1
      %sub3A_835 = arith.constant 1 : i32
      %sub3A_836 = arith.subi %div3A_815, %sub3A_835 : i32
      %select_n3A_837 = arith.select %and3A_834, %sub3A_836, %div3A_815 : i32
      %jit3A_838 = arith.constant 8 : i32
      %eq3A_839 = arith.constant 0 : i32
      %eq3A_840 = arith.cmpi eq, %jit3A_838, %eq3A_839 : i32
      %jit3A_841 = arith.constant 1 : i32
      %select_n3A_842 = arith.select %eq3A_840, %jit3A_841, %jit3A_838 : i32
      %rem3A_843 = arith.remsi %add3A_813, %select_n3A_842 : i32
      %ne3A_844 = arith.constant 0 : i32
      %ne3A_845 = arith.cmpi ne, %rem3A_843, %ne3A_844 : i32
      %lt3A_846 = arith.constant 0 : i32
      %lt3A_847 = arith.cmpi slt, %rem3A_843, %lt3A_846 : i32
      %lt3A_848 = arith.constant 0 : i32
      %lt3A_849 = arith.cmpi slt, %select_n3A_842, %lt3A_848 : i32
      %ne3A_850 = arith.xori %lt3A_847, %lt3A_849 : i1
      %and3A_851 = arith.andi %ne3A_850, %ne3A_845 : i1
      %add3A_852 = arith.addi %rem3A_843, %select_n3A_842 : i32
      %select_n3A_853 = arith.select %and3A_851, %add3A_852, %rem3A_843 : i32
      %mul3A_854 = arith.constant 16 : i32
      %mul3A_855 = arith.muli %select_n3A_853, %mul3A_854 : i32
      %get3A_856 = arith.constant 0 : i32
      %get3A_857 = arith.index_cast %get3A_856 : i32 to index
      %get3A_858 = arith.index_cast %select_n3A_837 : i32 to index
      %get3A_859 = arith.index_cast %arg0 : i32 to index
      %get3A_860 = arith.index_cast %mul3A_855 : i32 to index
      %get3A_861 = tpu.vector_load %arg6[%get3A_857, %get3A_858, %get3A_859, %get3A_860] {strides = array<i32>} : memref<2x12x2x128xi32, #tpu.memory_space<vmem>>, vector<16xi32>,
      %broadcast_in_dim3A_862 = arith.constant true
      %broadcast_in_dim3A_863 = vector.broadcast %broadcast_in_dim3A_862 : i1 to vector<16xi1>
      %unique3A_864, %unique3A_865 = tpu.scan_count mask(%broadcast_in_dim3A_863 : vector<16xi1>) value(%get3A_861 : vector<16xi32>) : vector<16xi1>, vector<16xi32>
      %convert_element_type3A_866 = arith.sitofp %unique3A_865 : vector<16xi32> to vector<16xf32>
      tpu.vector_store_idx %arg5[%get3A_861], %convert_element_type3A_866 masked %unique3A_864 {add = true} : memref<10240xf32, #tpu.memory_space<vmem>>[vector<16xi32>], vector<16xf32>, vector<16xi1>
    }
    %scan3A_241 = arith.constant 24 : i32
    %dma_wait3A_242 = arith.constant 1 : i32
    %dma_wait3A_243 = arith.constant 0 : i32
    %dma_wait3A_244 = arith.constant 0 : i32
    %dma_wait3A_245 = arith.constant 0 : i32
    %dma_wait3A_246 = tpu.memref_slice %arg6[%dma_wait3A_242, %dma_wait3A_243, %dma_wait3A_244, %dma_wait3A_245] : memref<2x12x2x128xi32, #tpu.memory_space<vmem>> -> memref<1x12x2x128xi32, #tpu.memory_space<vmem>>
    %dma_wait3A_247 = tpu.memref_squeeze %dma_wait3A_246 : memref<1x12x2x128xi32, #tpu.memory_space<vmem>> -> memref<12x2x128xi32, #tpu.memory_space<vmem>>
    %dma_wait3A_248 = arith.constant 0 : i32
    %dma_wait3A_249 = arith.constant 0 : i32
    %dma_wait3A_250 = arith.constant 0 : i32
    %dma_wait3A_251 = tpu.memref_slice %arg2[%dma_wait3A_248, %dma_wait3A_249, %dma_wait3A_250] : memref<2500x2x128xi32, #tpu.memory_space<hbm>> -> memref<12x2x128xi32, #tpu.memory_space<hbm>>
    %dma_wait3A_252 = arith.constant 0 : i32
    %dma_wait3A_253 = arith.constant 0 : i32
    %dma_wait3A_254 = arith.constant 0 : i32
    %dma_wait3A_255 = tpu.memref_slice %arg6[%dma_wait3A_242, %dma_wait3A_252, %dma_wait3A_253, %dma_wait3A_254] : memref<2x12x2x128xi32, #tpu.memory_space<vmem>> -> memref<1x12x2x128xi32, #tpu.memory_space<vmem>>
    %dma_wait3A_256 = tpu.memref_squeeze %dma_wait3A_255 : memref<1x12x2x128xi32, #tpu.memory_space<vmem>> -> memref<12x2x128xi32, #tpu.memory_space<vmem>>
    %dma_wait3A_257 = arith.constant 0 : i32
    %dma_wait3A_258 = arith.constant 0 : i32
    %dma_wait3A_259 = arith.constant 0 : i32
    %dma_wait3A_260 = tpu.memref_slice %arg2[%dma_wait3A_257, %dma_wait3A_258, %dma_wait3A_259] : memref<2500x2x128xi32, #tpu.memory_space<hbm>> -> memref<12x2x128xi32, #tpu.memory_space<hbm>>
    tpu.wait_dma2 semaphore(%arg10 : memref<!tpu.dma_semaphore, #tpu.memory_space<semaphore_mem>>) src(%dma_wait3A_260 : memref<12x2x128xi32, #tpu.memory_space<hbm>>) dst(%dma_wait3A_256 : memref<12x2x128xi32, #tpu.memory_space<vmem>>)
    %add3A_261 = arith.constant 72 : i32
    %add3A_262 = arith.addi %mul3A_0, %add3A_261 : i32
    %dma_start3A_263 = arith.constant 0 : i32
    %dma_start3A_264 = arith.constant 0 : i32
    %dma_start3A_265 = arith.constant 0 : i32
    %dma_start3A_266 = arith.constant 0 : i32
    %dma_start3A_267 = tpu.memref_slice %arg6[%dma_start3A_263, %dma_start3A_264, %dma_start3A_265, %dma_start3A_266] : memref<2x12x2x128xi32, #tpu.memory_space<vmem>> -> memref<1x12x2x128xi32, #tpu.memory_space<vmem>>
    %dma_start3A_268 = tpu.memref_squeeze %dma_start3A_267 : memref<1x12x2x128xi32, #tpu.memory_space<vmem>> -> memref<12x2x128xi32, #tpu.memory_space<vmem>>
    %dma_start3A_269 = arith.constant 0 : i32
    %dma_start3A_270 = arith.constant 0 : i32
    %dma_start3A_271 = tpu.memref_slice %arg2[%add3A_262, %dma_start3A_269, %dma_start3A_270] : memref<2500x2x128xi32, #tpu.memory_space<hbm>> -> memref<12x2x128xi32, #tpu.memory_space<hbm>>
    %dma_start3A_272 = arith.constant 0 : i32
    %dma_start3A_273 = arith.constant 0 : i32
    %dma_start3A_274 = arith.constant 0 : i32
    %dma_start3A_275 = tpu.memref_slice %arg6[%dma_start3A_263, %dma_start3A_272, %dma_start3A_273, %dma_start3A_274] : memref<2x12x2x128xi32, #tpu.memory_space<vmem>> -> memref<1x12x2x128xi32, #tpu.memory_space<vmem>>
    %dma_start3A_276 = tpu.memref_squeeze %dma_start3A_275 : memref<1x12x2x128xi32, #tpu.memory_space<vmem>> -> memref<12x2x128xi32, #tpu.memory_space<vmem>>
    %dma_start3A_277 = arith.constant 0 : i32
    %dma_start3A_278 = arith.constant 0 : i32
    %dma_start3A_279 = tpu.memref_slice %arg2[%add3A_262, %dma_start3A_277, %dma_start3A_278] : memref<2500x2x128xi32, #tpu.memory_space<hbm>> -> memref<12x2x128xi32, #tpu.memory_space<hbm>>
    tpu.enqueue_dma source(%dma_start3A_279 : memref<12x2x128xi32, #tpu.memory_space<hbm>>) target(%dma_start3A_276 : memref<12x2x128xi32, #tpu.memory_space<vmem>>) target_semaphore(%arg9 : memref<!tpu.dma_semaphore, #tpu.memory_space<semaphore_mem>>)
    %scan3A_280 = arith.constant 0 : i32
    %scan3A_281 = arith.constant 0 : i32
    %scan3A_282 = arith.constant 24 : i32
    %scan3A_283 = arith.addi %scan3A_281, %scan3A_282 : i32
    %scan3A_284 = arith.constant 1 : i32
    scf.for %scan3A_649 = %scan3A_281 to %scan3A_283 step %scan3A_284  : i32 {
      %mul3A_650 = arith.constant 4 : i32
      %mul3A_651 = arith.muli %scan3A_649, %mul3A_650 : i32
      %add3A_652 = arith.constant 0 : i32
      %add3A_653 = arith.addi %mul3A_651, %add3A_652 : i32
      %jit3A = arith.constant 8 : i32
      %div3A = arith.divsi %add3A_653, %jit3A : i32
      %sign3A = arith.constant 0 : i32
      %sign3A_654 = arith.cmpi sgt, %add3A_653, %sign3A : i32
      %sign3A_655 = arith.extui %sign3A_654 : i1 to i32
      %sign3A_656 = arith.constant 0 : i32
      %sign3A_657 = arith.cmpi slt, %add3A_653, %sign3A_656 : i32
      %sign3A_658 = arith.extui %sign3A_657 : i1 to i32
      %sign3A_659 = arith.subi %sign3A_655, %sign3A_658 : i32
      %sign3A_660 = arith.constant 0 : i32
      %sign3A_661 = arith.cmpi sgt, %jit3A, %sign3A_660 : i32
      %sign3A_662 = arith.extui %sign3A_661 : i1 to i32
      %sign3A_663 = arith.constant 0 : i32
      %sign3A_664 = arith.cmpi slt, %jit3A, %sign3A_663 : i32
      %sign3A_665 = arith.extui %sign3A_664 : i1 to i32
      %sign3A_666 = arith.subi %sign3A_662, %sign3A_665 : i32
      %ne3A = arith.cmpi ne, %sign3A_659, %sign3A_666 : i32
      %rem3A = arith.remsi %add3A_653, %jit3A : i32
      %ne3A_667 = arith.constant 0 : i32
      %ne3A_668 = arith.cmpi ne, %rem3A, %ne3A_667 : i32
      %and3A = arith.andi %ne3A, %ne3A_668 : i1
      %sub3A = arith.constant 1 : i32
      %sub3A_669 = arith.subi %div3A, %sub3A : i32
      %select_n3A = arith.select %and3A, %sub3A_669, %div3A : i32
      %jit3A_670 = arith.constant 8 : i32
      %eq3A = arith.constant 0 : i32
      %eq3A_671 = arith.cmpi eq, %jit3A_670, %eq3A : i32
      %jit3A_672 = arith.constant 1 : i32
      %select_n3A_673 = arith.select %eq3A_671, %jit3A_672, %jit3A_670 : i32
      %rem3A_674 = arith.remsi %add3A_653, %select_n3A_673 : i32
      %ne3A_675 = arith.constant 0 : i32
      %ne3A_676 = arith.cmpi ne, %rem3A_674, %ne3A_675 : i32
      %lt3A_677 = arith.constant 0 : i32
      %lt3A_678 = arith.cmpi slt, %rem3A_674, %lt3A_677 : i32
      %lt3A_679 = arith.constant 0 : i32
      %lt3A_680 = arith.cmpi slt, %select_n3A_673, %lt3A_679 : i32
      %ne3A_681 = arith.xori %lt3A_678, %lt3A_680 : i1
      %and3A_682 = arith.andi %ne3A_681, %ne3A_676 : i1
      %add3A_683 = arith.addi %rem3A_674, %select_n3A_673 : i32
      %select_n3A_684 = arith.select %and3A_682, %add3A_683, %rem3A_674 : i32
      %mul3A_685 = arith.constant 16 : i32
      %mul3A_686 = arith.muli %select_n3A_684, %mul3A_685 : i32
      %get3A = arith.constant 1 : i32
      %get3A_687 = arith.index_cast %get3A : i32 to index
      %get3A_688 = arith.index_cast %select_n3A : i32 to index
      %get3A_689 = arith.index_cast %arg0 : i32 to index
      %get3A_690 = arith.index_cast %mul3A_686 : i32 to index
      %get3A_691 = tpu.vector_load %arg6[%get3A_687, %get3A_688, %get3A_689, %get3A_690] {strides = array<i32>} : memref<2x12x2x128xi32, #tpu.memory_space<vmem>>, vector<16xi32>,
      %broadcast_in_dim3A_692 = arith.constant true
      %broadcast_in_dim3A_693 = vector.broadcast %broadcast_in_dim3A_692 : i1 to vector<16xi1>
      %unique3A, %unique3A_694 = tpu.scan_count mask(%broadcast_in_dim3A_693 : vector<16xi1>) value(%get3A_691 : vector<16xi32>) : vector<16xi1>, vector<16xi32>
      %convert_element_type3A_695 = arith.sitofp %unique3A_694 : vector<16xi32> to vector<16xf32>
      tpu.vector_store_idx %arg5[%get3A_691], %convert_element_type3A_695 masked %unique3A {add = true} : memref<10240xf32, #tpu.memory_space<vmem>>[vector<16xi32>], vector<16xf32>, vector<16xi1>
      %mul3A_696 = arith.constant 4 : i32
      %mul3A_697 = arith.muli %scan3A_649, %mul3A_696 : i32
      %add3A_698 = arith.constant 1 : i32
      %add3A_699 = arith.addi %mul3A_697, %add3A_698 : i32
      %jit3A_700 = arith.constant 8 : i32
      %div3A_701 = arith.divsi %add3A_699, %jit3A_700 : i32
      %sign3A_702 = arith.constant 0 : i32
      %sign3A_703 = arith.cmpi sgt, %add3A_699, %sign3A_702 : i32
      %sign3A_704 = arith.extui %sign3A_703 : i1 to i32
      %sign3A_705 = arith.constant 0 : i32
      %sign3A_706 = arith.cmpi slt, %add3A_699, %sign3A_705 : i32
      %sign3A_707 = arith.extui %sign3A_706 : i1 to i32
      %sign3A_708 = arith.subi %sign3A_704, %sign3A_707 : i32
      %sign3A_709 = arith.constant 0 : i32
      %sign3A_710 = arith.cmpi sgt, %jit3A_700, %sign3A_709 : i32
      %sign3A_711 = arith.extui %sign3A_710 : i1 to i32
      %sign3A_712 = arith.constant 0 : i32
      %sign3A_713 = arith.cmpi slt, %jit3A_700, %sign3A_712 : i32
      %sign3A_714 = arith.extui %sign3A_713 : i1 to i32
      %sign3A_715 = arith.subi %sign3A_711, %sign3A_714 : i32
      %ne3A_716 = arith.cmpi ne, %sign3A_708, %sign3A_715 : i32
      %rem3A_717 = arith.remsi %add3A_699, %jit3A_700 : i32
      %ne3A_718 = arith.constant 0 : i32
      %ne3A_719 = arith.cmpi ne, %rem3A_717, %ne3A_718 : i32
      %and3A_720 = arith.andi %ne3A_716, %ne3A_719 : i1
      %sub3A_721 = arith.constant 1 : i32
      %sub3A_722 = arith.subi %div3A_701, %sub3A_721 : i32
      %select_n3A_723 = arith.select %and3A_720, %sub3A_722, %div3A_701 : i32
      %jit3A_724 = arith.constant 8 : i32
      %eq3A_725 = arith.constant 0 : i32
      %eq3A_726 = arith.cmpi eq, %jit3A_724, %eq3A_725 : i32
      %jit3A_727 = arith.constant 1 : i32
      %select_n3A_728 = arith.select %eq3A_726, %jit3A_727, %jit3A_724 : i32
      %rem3A_729 = arith.remsi %add3A_699, %select_n3A_728 : i32
      %ne3A_730 = arith.constant 0 : i32
      %ne3A_731 = arith.cmpi ne, %rem3A_729, %ne3A_730 : i32
      %lt3A_732 = arith.constant 0 : i32
      %lt3A_733 = arith.cmpi slt, %rem3A_729, %lt3A_732 : i32
      %lt3A_734 = arith.constant 0 : i32
      %lt3A_735 = arith.cmpi slt, %select_n3A_728, %lt3A_734 : i32
      %ne3A_736 = arith.xori %lt3A_733, %lt3A_735 : i1
      %and3A_737 = arith.andi %ne3A_736, %ne3A_731 : i1
      %add3A_738 = arith.addi %rem3A_729, %select_n3A_728 : i32
      %select_n3A_739 = arith.select %and3A_737, %add3A_738, %rem3A_729 : i32
      %mul3A_740 = arith.constant 16 : i32
      %mul3A_741 = arith.muli %select_n3A_739, %mul3A_740 : i32
      %get3A_742 = arith.constant 1 : i32
      %get3A_743 = arith.index_cast %get3A_742 : i32 to index
      %get3A_744 = arith.index_cast %select_n3A_723 : i32 to index
      %get3A_745 = arith.index_cast %arg0 : i32 to index
      %get3A_746 = arith.index_cast %mul3A_741 : i32 to index
      %get3A_747 = tpu.vector_load %arg6[%get3A_743, %get3A_744, %get3A_745, %get3A_746] {strides = array<i32>} : memref<2x12x2x128xi32, #tpu.memory_space<vmem>>, vector<16xi32>,
      %broadcast_in_dim3A_748 = arith.constant true
      %broadcast_in_dim3A_749 = vector.broadcast %broadcast_in_dim3A_748 : i1 to vector<16xi1>
      %unique3A_750, %unique3A_751 = tpu.scan_count mask(%broadcast_in_dim3A_749 : vector<16xi1>) value(%get3A_747 : vector<16xi32>) : vector<16xi1>, vector<16xi32>
      %convert_element_type3A_752 = arith.sitofp %unique3A_751 : vector<16xi32> to vector<16xf32>
      tpu.vector_store_idx %arg5[%get3A_747], %convert_element_type3A_752 masked %unique3A_750 {add = true} : memref<10240xf32, #tpu.memory_space<vmem>>[vector<16xi32>], vector<16xf32>, vector<16xi1>
      %mul3A_753 = arith.constant 4 : i32
      %mul3A_754 = arith.muli %scan3A_649, %mul3A_753 : i32
      %add3A_755 = arith.constant 2 : i32
      %add3A_756 = arith.addi %mul3A_754, %add3A_755 : i32
      %jit3A_757 = arith.constant 8 : i32
      %div3A_758 = arith.divsi %add3A_756, %jit3A_757 : i32
      %sign3A_759 = arith.constant 0 : i32
      %sign3A_760 = arith.cmpi sgt, %add3A_756, %sign3A_759 : i32
      %sign3A_761 = arith.extui %sign3A_760 : i1 to i32
      %sign3A_762 = arith.constant 0 : i32
      %sign3A_763 = arith.cmpi slt, %add3A_756, %sign3A_762 : i32
      %sign3A_764 = arith.extui %sign3A_763 : i1 to i32
      %sign3A_765 = arith.subi %sign3A_761, %sign3A_764 : i32
      %sign3A_766 = arith.constant 0 : i32
      %sign3A_767 = arith.cmpi sgt, %jit3A_757, %sign3A_766 : i32
      %sign3A_768 = arith.extui %sign3A_767 : i1 to i32
      %sign3A_769 = arith.constant 0 : i32
      %sign3A_770 = arith.cmpi slt, %jit3A_757, %sign3A_769 : i32
      %sign3A_771 = arith.extui %sign3A_770 : i1 to i32
      %sign3A_772 = arith.subi %sign3A_768, %sign3A_771 : i32
      %ne3A_773 = arith.cmpi ne, %sign3A_765, %sign3A_772 : i32
      %rem3A_774 = arith.remsi %add3A_756, %jit3A_757 : i32
      %ne3A_775 = arith.constant 0 : i32
      %ne3A_776 = arith.cmpi ne, %rem3A_774, %ne3A_775 : i32
      %and3A_777 = arith.andi %ne3A_773, %ne3A_776 : i1
      %sub3A_778 = arith.constant 1 : i32
      %sub3A_779 = arith.subi %div3A_758, %sub3A_778 : i32
      %select_n3A_780 = arith.select %and3A_777, %sub3A_779, %div3A_758 : i32
      %jit3A_781 = arith.constant 8 : i32
      %eq3A_782 = arith.constant 0 : i32
      %eq3A_783 = arith.cmpi eq, %jit3A_781, %eq3A_782 : i32
      %jit3A_784 = arith.constant 1 : i32
      %select_n3A_785 = arith.select %eq3A_783, %jit3A_784, %jit3A_781 : i32
      %rem3A_786 = arith.remsi %add3A_756, %select_n3A_785 : i32
      %ne3A_787 = arith.constant 0 : i32
      %ne3A_788 = arith.cmpi ne, %rem3A_786, %ne3A_787 : i32
      %lt3A_789 = arith.constant 0 : i32
      %lt3A_790 = arith.cmpi slt, %rem3A_786, %lt3A_789 : i32
      %lt3A_791 = arith.constant 0 : i32
      %lt3A_792 = arith.cmpi slt, %select_n3A_785, %lt3A_791 : i32
      %ne3A_793 = arith.xori %lt3A_790, %lt3A_792 : i1
      %and3A_794 = arith.andi %ne3A_793, %ne3A_788 : i1
      %add3A_795 = arith.addi %rem3A_786, %select_n3A_785 : i32
      %select_n3A_796 = arith.select %and3A_794, %add3A_795, %rem3A_786 : i32
      %mul3A_797 = arith.constant 16 : i32
      %mul3A_798 = arith.muli %select_n3A_796, %mul3A_797 : i32
      %get3A_799 = arith.constant 1 : i32
      %get3A_800 = arith.index_cast %get3A_799 : i32 to index
      %get3A_801 = arith.index_cast %select_n3A_780 : i32 to index
      %get3A_802 = arith.index_cast %arg0 : i32 to index
      %get3A_803 = arith.index_cast %mul3A_798 : i32 to index
      %get3A_804 = tpu.vector_load %arg6[%get3A_800, %get3A_801, %get3A_802, %get3A_803] {strides = array<i32>} : memref<2x12x2x128xi32, #tpu.memory_space<vmem>>, vector<16xi32>,
      %broadcast_in_dim3A_805 = arith.constant true
      %broadcast_in_dim3A_806 = vector.broadcast %broadcast_in_dim3A_805 : i1 to vector<16xi1>
      %unique3A_807, %unique3A_808 = tpu.scan_count mask(%broadcast_in_dim3A_806 : vector<16xi1>) value(%get3A_804 : vector<16xi32>) : vector<16xi1>, vector<16xi32>
      %convert_element_type3A_809 = arith.sitofp %unique3A_808 : vector<16xi32> to vector<16xf32>
      tpu.vector_store_idx %arg5[%get3A_804], %convert_element_type3A_809 masked %unique3A_807 {add = true} : memref<10240xf32, #tpu.memory_space<vmem>>[vector<16xi32>], vector<16xf32>, vector<16xi1>
      %mul3A_810 = arith.constant 4 : i32
      %mul3A_811 = arith.muli %scan3A_649, %mul3A_810 : i32
      %add3A_812 = arith.constant 3 : i32
      %add3A_813 = arith.addi %mul3A_811, %add3A_812 : i32
      %jit3A_814 = arith.constant 8 : i32
      %div3A_815 = arith.divsi %add3A_813, %jit3A_814 : i32
      %sign3A_816 = arith.constant 0 : i32
      %sign3A_817 = arith.cmpi sgt, %add3A_813, %sign3A_816 : i32
      %sign3A_818 = arith.extui %sign3A_817 : i1 to i32
      %sign3A_819 = arith.constant 0 : i32
      %sign3A_820 = arith.cmpi slt, %add3A_813, %sign3A_819 : i32
      %sign3A_821 = arith.extui %sign3A_820 : i1 to i32
      %sign3A_822 = arith.subi %sign3A_818, %sign3A_821 : i32
      %sign3A_823 = arith.constant 0 : i32
      %sign3A_824 = arith.cmpi sgt, %jit3A_814, %sign3A_823 : i32
      %sign3A_825 = arith.extui %sign3A_824 : i1 to i32
      %sign3A_826 = arith.constant 0 : i32
      %sign3A_827 = arith.cmpi slt, %jit3A_814, %sign3A_826 : i32
      %sign3A_828 = arith.extui %sign3A_827 : i1 to i32
      %sign3A_829 = arith.subi %sign3A_825, %sign3A_828 : i32
      %ne3A_830 = arith.cmpi ne, %sign3A_822, %sign3A_829 : i32
      %rem3A_831 = arith.remsi %add3A_813, %jit3A_814 : i32
      %ne3A_832 = arith.constant 0 : i32
      %ne3A_833 = arith.cmpi ne, %rem3A_831, %ne3A_832 : i32
      %and3A_834 = arith.andi %ne3A_830, %ne3A_833 : i1
      %sub3A_835 = arith.constant 1 : i32
      %sub3A_836 = arith.subi %div3A_815, %sub3A_835 : i32
      %select_n3A_837 = arith.select %and3A_834, %sub3A_836, %div3A_815 : i32
      %jit3A_838 = arith.constant 8 : i32
      %eq3A_839 = arith.constant 0 : i32
      %eq3A_840 = arith.cmpi eq, %jit3A_838, %eq3A_839 : i32
      %jit3A_841 = arith.constant 1 : i32
      %select_n3A_842 = arith.select %eq3A_840, %jit3A_841, %jit3A_838 : i32
      %rem3A_843 = arith.remsi %add3A_813, %select_n3A_842 : i32
      %ne3A_844 = arith.constant 0 : i32
      %ne3A_845 = arith.cmpi ne, %rem3A_843, %ne3A_844 : i32
      %lt3A_846 = arith.constant 0 : i32
      %lt3A_847 = arith.cmpi slt, %rem3A_843, %lt3A_846 : i32
      %lt3A_848 = arith.constant 0 : i32
      %lt3A_849 = arith.cmpi slt, %select_n3A_842, %lt3A_848 : i32
      %ne3A_850 = arith.xori %lt3A_847, %lt3A_849 : i1
      %and3A_851 = arith.andi %ne3A_850, %ne3A_845 : i1
      %add3A_852 = arith.addi %rem3A_843, %select_n3A_842 : i32
      %select_n3A_853 = arith.select %and3A_851, %add3A_852, %rem3A_843 : i32
      %mul3A_854 = arith.constant 16 : i32
      %mul3A_855 = arith.muli %select_n3A_853, %mul3A_854 : i32
      %get3A_856 = arith.constant 1 : i32
      %get3A_857 = arith.index_cast %get3A_856 : i32 to index
      %get3A_858 = arith.index_cast %select_n3A_837 : i32 to index
      %get3A_859 = arith.index_cast %arg0 : i32 to index
      %get3A_860 = arith.index_cast %mul3A_855 : i32 to index
      %get3A_861 = tpu.vector_load %arg6[%get3A_857, %get3A_858, %get3A_859, %get3A_860] {strides = array<i32>} : memref<2x12x2x128xi32, #tpu.memory_space<vmem>>, vector<16xi32>,
      %broadcast_in_dim3A_862 = arith.constant true
      %broadcast_in_dim3A_863 = vector.broadcast %broadcast_in_dim3A_862 : i1 to vector<16xi1>
      %unique3A_864, %unique3A_865 = tpu.scan_count mask(%broadcast_in_dim3A_863 : vector<16xi1>) value(%get3A_861 : vector<16xi32>) : vector<16xi1>, vector<16xi32>
      %convert_element_type3A_866 = arith.sitofp %unique3A_865 : vector<16xi32> to vector<16xf32>
      tpu.vector_store_idx %arg5[%get3A_861], %convert_element_type3A_866 masked %unique3A_864 {add = true} : memref<10240xf32, #tpu.memory_space<vmem>>[vector<16xi32>], vector<16xf32>, vector<16xi1>
    }
    %scan3A_285 = arith.constant 24 : i32
    %dma_wait3A_286 = arith.constant 0 : i32
    %dma_wait3A_287 = arith.constant 0 : i32
    %dma_wait3A_288 = arith.constant 0 : i32
    %dma_wait3A_289 = arith.constant 0 : i32
    %dma_wait3A_290 = tpu.memref_slice %arg6[%dma_wait3A_286, %dma_wait3A_287, %dma_wait3A_288, %dma_wait3A_289] : memref<2x12x2x128xi32, #tpu.memory_space<vmem>> -> memref<1x12x2x128xi32, #tpu.memory_space<vmem>>
    %dma_wait3A_291 = tpu.memref_squeeze %dma_wait3A_290 : memref<1x12x2x128xi32, #tpu.memory_space<vmem>> -> memref<12x2x128xi32, #tpu.memory_space<vmem>>
    %dma_wait3A_292 = arith.constant 0 : i32
    %dma_wait3A_293 = arith.constant 0 : i32
    %dma_wait3A_294 = arith.constant 0 : i32
    %dma_wait3A_295 = tpu.memref_slice %arg2[%dma_wait3A_292, %dma_wait3A_293, %dma_wait3A_294] : memref<2500x2x128xi32, #tpu.memory_space<hbm>> -> memref<12x2x128xi32, #tpu.memory_space<hbm>>
    %dma_wait3A_296 = arith.constant 0 : i32
    %dma_wait3A_297 = arith.constant 0 : i32
    %dma_wait3A_298 = arith.constant 0 : i32
    %dma_wait3A_299 = tpu.memref_slice %arg6[%dma_wait3A_286, %dma_wait3A_296, %dma_wait3A_297, %dma_wait3A_298] : memref<2x12x2x128xi32, #tpu.memory_space<vmem>> -> memref<1x12x2x128xi32, #tpu.memory_space<vmem>>
    %dma_wait3A_300 = tpu.memref_squeeze %dma_wait3A_299 : memref<1x12x2x128xi32, #tpu.memory_space<vmem>> -> memref<12x2x128xi32, #tpu.memory_space<vmem>>
    %dma_wait3A_301 = arith.constant 0 : i32
    %dma_wait3A_302 = arith.constant 0 : i32
    %dma_wait3A_303 = arith.constant 0 : i32
    %dma_wait3A_304 = tpu.memref_slice %arg2[%dma_wait3A_301, %dma_wait3A_302, %dma_wait3A_303] : memref<2500x2x128xi32, #tpu.memory_space<hbm>> -> memref<12x2x128xi32, #tpu.memory_space<hbm>>
    tpu.wait_dma2 semaphore(%arg9 : memref<!tpu.dma_semaphore, #tpu.memory_space<semaphore_mem>>) src(%dma_wait3A_304 : memref<12x2x128xi32, #tpu.memory_space<hbm>>) dst(%dma_wait3A_300 : memref<12x2x128xi32, #tpu.memory_space<vmem>>)
    %add3A_305 = arith.constant 84 : i32
    %add3A_306 = arith.addi %mul3A_0, %add3A_305 : i32
    %dma_start3A_307 = arith.constant 1 : i32
    %dma_start3A_308 = arith.constant 0 : i32
    %dma_start3A_309 = arith.constant 0 : i32
    %dma_start3A_310 = arith.constant 0 : i32
    %dma_start3A_311 = tpu.memref_slice %arg6[%dma_start3A_307, %dma_start3A_308, %dma_start3A_309, %dma_start3A_310] : memref<2x12x2x128xi32, #tpu.memory_space<vmem>> -> memref<1x12x2x128xi32, #tpu.memory_space<vmem>>
    %dma_start3A_312 = tpu.memref_squeeze %dma_start3A_311 : memref<1x12x2x128xi32, #tpu.memory_space<vmem>> -> memref<12x2x128xi32, #tpu.memory_space<vmem>>
    %dma_start3A_313 = arith.constant 0 : i32
    %dma_start3A_314 = arith.constant 0 : i32
    %dma_start3A_315 = tpu.memref_slice %arg2[%add3A_306, %dma_start3A_313, %dma_start3A_314] : memref<2500x2x128xi32, #tpu.memory_space<hbm>> -> memref<12x2x128xi32, #tpu.memory_space<hbm>>
    %dma_start3A_316 = arith.constant 0 : i32
    %dma_start3A_317 = arith.constant 0 : i32
    %dma_start3A_318 = arith.constant 0 : i32
    %dma_start3A_319 = tpu.memref_slice %arg6[%dma_start3A_307, %dma_start3A_316, %dma_start3A_317, %dma_start3A_318] : memref<2x12x2x128xi32, #tpu.memory_space<vmem>> -> memref<1x12x2x128xi32, #tpu.memory_space<vmem>>
    %dma_start3A_320 = tpu.memref_squeeze %dma_start3A_319 : memref<1x12x2x128xi32, #tpu.memory_space<vmem>> -> memref<12x2x128xi32, #tpu.memory_space<vmem>>
    %dma_start3A_321 = arith.constant 0 : i32
    %dma_start3A_322 = arith.constant 0 : i32
    %dma_start3A_323 = tpu.memref_slice %arg2[%add3A_306, %dma_start3A_321, %dma_start3A_322] : memref<2500x2x128xi32, #tpu.memory_space<hbm>> -> memref<12x2x128xi32, #tpu.memory_space<hbm>>
    tpu.enqueue_dma source(%dma_start3A_323 : memref<12x2x128xi32, #tpu.memory_space<hbm>>) target(%dma_start3A_320 : memref<12x2x128xi32, #tpu.memory_space<vmem>>) target_semaphore(%arg10 : memref<!tpu.dma_semaphore, #tpu.memory_space<semaphore_mem>>)
    %scan3A_324 = arith.constant 0 : i32
    %scan3A_325 = arith.constant 0 : i32
    %scan3A_326 = arith.constant 24 : i32
    %scan3A_327 = arith.addi %scan3A_325, %scan3A_326 : i32
    %scan3A_328 = arith.constant 1 : i32
    scf.for %scan3A_649 = %scan3A_325 to %scan3A_327 step %scan3A_328  : i32 {
      %mul3A_650 = arith.constant 4 : i32
      %mul3A_651 = arith.muli %scan3A_649, %mul3A_650 : i32
      %add3A_652 = arith.constant 0 : i32
      %add3A_653 = arith.addi %mul3A_651, %add3A_652 : i32
      %jit3A = arith.constant 8 : i32
      %div3A = arith.divsi %add3A_653, %jit3A : i32
      %sign3A = arith.constant 0 : i32
      %sign3A_654 = arith.cmpi sgt, %add3A_653, %sign3A : i32
      %sign3A_655 = arith.extui %sign3A_654 : i1 to i32
      %sign3A_656 = arith.constant 0 : i32
      %sign3A_657 = arith.cmpi slt, %add3A_653, %sign3A_656 : i32
      %sign3A_658 = arith.extui %sign3A_657 : i1 to i32
      %sign3A_659 = arith.subi %sign3A_655, %sign3A_658 : i32
      %sign3A_660 = arith.constant 0 : i32
      %sign3A_661 = arith.cmpi sgt, %jit3A, %sign3A_660 : i32
      %sign3A_662 = arith.extui %sign3A_661 : i1 to i32
      %sign3A_663 = arith.constant 0 : i32
      %sign3A_664 = arith.cmpi slt, %jit3A, %sign3A_663 : i32
      %sign3A_665 = arith.extui %sign3A_664 : i1 to i32
      %sign3A_666 = arith.subi %sign3A_662, %sign3A_665 : i32
      %ne3A = arith.cmpi ne, %sign3A_659, %sign3A_666 : i32
      %rem3A = arith.remsi %add3A_653, %jit3A : i32
      %ne3A_667 = arith.constant 0 : i32
      %ne3A_668 = arith.cmpi ne, %rem3A, %ne3A_667 : i32
      %and3A = arith.andi %ne3A, %ne3A_668 : i1
      %sub3A = arith.constant 1 : i32
      %sub3A_669 = arith.subi %div3A, %sub3A : i32
      %select_n3A = arith.select %and3A, %sub3A_669, %div3A : i32
      %jit3A_670 = arith.constant 8 : i32
      %eq3A = arith.constant 0 : i32
      %eq3A_671 = arith.cmpi eq, %jit3A_670, %eq3A : i32
      %jit3A_672 = arith.constant 1 : i32
      %select_n3A_673 = arith.select %eq3A_671, %jit3A_672, %jit3A_670 : i32
      %rem3A_674 = arith.remsi %add3A_653, %select_n3A_673 : i32
      %ne3A_675 = arith.constant 0 : i32
      %ne3A_676 = arith.cmpi ne, %rem3A_674, %ne3A_675 : i32
      %lt3A_677 = arith.constant 0 : i32
      %lt3A_678 = arith.cmpi slt, %rem3A_674, %lt3A_677 : i32
      %lt3A_679 = arith.constant 0 : i32
      %lt3A_680 = arith.cmpi slt, %select_n3A_673, %lt3A_679 : i32
      %ne3A_681 = arith.xori %lt3A_678, %lt3A_680 : i1
      %and3A_682 = arith.andi %ne3A_681, %ne3A_676 : i1
      %add3A_683 = arith.addi %rem3A_674, %select_n3A_673 : i32
      %select_n3A_684 = arith.select %and3A_682, %add3A_683, %rem3A_674 : i32
      %mul3A_685 = arith.constant 16 : i32
      %mul3A_686 = arith.muli %select_n3A_684, %mul3A_685 : i32
      %get3A = arith.constant 0 : i32
      %get3A_687 = arith.index_cast %get3A : i32 to index
      %get3A_688 = arith.index_cast %select_n3A : i32 to index
      %get3A_689 = arith.index_cast %arg0 : i32 to index
      %get3A_690 = arith.index_cast %mul3A_686 : i32 to index
      %get3A_691 = tpu.vector_load %arg6[%get3A_687, %get3A_688, %get3A_689, %get3A_690] {strides = array<i32>} : memref<2x12x2x128xi32, #tpu.memory_space<vmem>>, vector<16xi32>,
      %broadcast_in_dim3A_692 = arith.constant true
      %broadcast_in_dim3A_693 = vector.broadcast %broadcast_in_dim3A_692 : i1 to vector<16xi1>
      %unique3A, %unique3A_694 = tpu.scan_count mask(%broadcast_in_dim3A_693 : vector<16xi1>) value(%get3A_691 : vector<16xi32>) : vector<16xi1>, vector<16xi32>
      %convert_element_type3A_695 = arith.sitofp %unique3A_694 : vector<16xi32> to vector<16xf32>
      tpu.vector_store_idx %arg5[%get3A_691], %convert_element_type3A_695 masked %unique3A {add = true} : memref<10240xf32, #tpu.memory_space<vmem>>[vector<16xi32>], vector<16xf32>, vector<16xi1>
      %mul3A_696 = arith.constant 4 : i32
      %mul3A_697 = arith.muli %scan3A_649, %mul3A_696 : i32
      %add3A_698 = arith.constant 1 : i32
      %add3A_699 = arith.addi %mul3A_697, %add3A_698 : i32
      %jit3A_700 = arith.constant 8 : i32
      %div3A_701 = arith.divsi %add3A_699, %jit3A_700 : i32
      %sign3A_702 = arith.constant 0 : i32
      %sign3A_703 = arith.cmpi sgt, %add3A_699, %sign3A_702 : i32
      %sign3A_704 = arith.extui %sign3A_703 : i1 to i32
      %sign3A_705 = arith.constant 0 : i32
      %sign3A_706 = arith.cmpi slt, %add3A_699, %sign3A_705 : i32
      %sign3A_707 = arith.extui %sign3A_706 : i1 to i32
      %sign3A_708 = arith.subi %sign3A_704, %sign3A_707 : i32
      %sign3A_709 = arith.constant 0 : i32
      %sign3A_710 = arith.cmpi sgt, %jit3A_700, %sign3A_709 : i32
      %sign3A_711 = arith.extui %sign3A_710 : i1 to i32
      %sign3A_712 = arith.constant 0 : i32
      %sign3A_713 = arith.cmpi slt, %jit3A_700, %sign3A_712 : i32
      %sign3A_714 = arith.extui %sign3A_713 : i1 to i32
      %sign3A_715 = arith.subi %sign3A_711, %sign3A_714 : i32
      %ne3A_716 = arith.cmpi ne, %sign3A_708, %sign3A_715 : i32
      %rem3A_717 = arith.remsi %add3A_699, %jit3A_700 : i32
      %ne3A_718 = arith.constant 0 : i32
      %ne3A_719 = arith.cmpi ne, %rem3A_717, %ne3A_718 : i32
      %and3A_720 = arith.andi %ne3A_716, %ne3A_719 : i1
      %sub3A_721 = arith.constant 1 : i32
      %sub3A_722 = arith.subi %div3A_701, %sub3A_721 : i32
      %select_n3A_723 = arith.select %and3A_720, %sub3A_722, %div3A_701 : i32
      %jit3A_724 = arith.constant 8 : i32
      %eq3A_725 = arith.constant 0 : i32
      %eq3A_726 = arith.cmpi eq, %jit3A_724, %eq3A_725 : i32
      %jit3A_727 = arith.constant 1 : i32
      %select_n3A_728 = arith.select %eq3A_726, %jit3A_727, %jit3A_724 : i32
      %rem3A_729 = arith.remsi %add3A_699, %select_n3A_728 : i32
      %ne3A_730 = arith.constant 0 : i32
      %ne3A_731 = arith.cmpi ne, %rem3A_729, %ne3A_730 : i32
      %lt3A_732 = arith.constant 0 : i32
      %lt3A_733 = arith.cmpi slt, %rem3A_729, %lt3A_732 : i32
      %lt3A_734 = arith.constant 0 : i32
      %lt3A_735 = arith.cmpi slt, %select_n3A_728, %lt3A_734 : i32
      %ne3A_736 = arith.xori %lt3A_733, %lt3A_735 : i1
      %and3A_737 = arith.andi %ne3A_736, %ne3A_731 : i1
      %add3A_738 = arith.addi %rem3A_729, %select_n3A_728 : i32
      %select_n3A_739 = arith.select %and3A_737, %add3A_738, %rem3A_729 : i32
      %mul3A_740 = arith.constant 16 : i32
      %mul3A_741 = arith.muli %select_n3A_739, %mul3A_740 : i32
      %get3A_742 = arith.constant 0 : i32
      %get3A_743 = arith.index_cast %get3A_742 : i32 to index
      %get3A_744 = arith.index_cast %select_n3A_723 : i32 to index
      %get3A_745 = arith.index_cast %arg0 : i32 to index
      %get3A_746 = arith.index_cast %mul3A_741 : i32 to index
      %get3A_747 = tpu.vector_load %arg6[%get3A_743, %get3A_744, %get3A_745, %get3A_746] {strides = array<i32>} : memref<2x12x2x128xi32, #tpu.memory_space<vmem>>, vector<16xi32>,
      %broadcast_in_dim3A_748 = arith.constant true
      %broadcast_in_dim3A_749 = vector.broadcast %broadcast_in_dim3A_748 : i1 to vector<16xi1>
      %unique3A_750, %unique3A_751 = tpu.scan_count mask(%broadcast_in_dim3A_749 : vector<16xi1>) value(%get3A_747 : vector<16xi32>) : vector<16xi1>, vector<16xi32>
      %convert_element_type3A_752 = arith.sitofp %unique3A_751 : vector<16xi32> to vector<16xf32>
      tpu.vector_store_idx %arg5[%get3A_747], %convert_element_type3A_752 masked %unique3A_750 {add = true} : memref<10240xf32, #tpu.memory_space<vmem>>[vector<16xi32>], vector<16xf32>, vector<16xi1>
      %mul3A_753 = arith.constant 4 : i32
      %mul3A_754 = arith.muli %scan3A_649, %mul3A_753 : i32
      %add3A_755 = arith.constant 2 : i32
      %add3A_756 = arith.addi %mul3A_754, %add3A_755 : i32
      %jit3A_757 = arith.constant 8 : i32
      %div3A_758 = arith.divsi %add3A_756, %jit3A_757 : i32
      %sign3A_759 = arith.constant 0 : i32
      %sign3A_760 = arith.cmpi sgt, %add3A_756, %sign3A_759 : i32
      %sign3A_761 = arith.extui %sign3A_760 : i1 to i32
      %sign3A_762 = arith.constant 0 : i32
      %sign3A_763 = arith.cmpi slt, %add3A_756, %sign3A_762 : i32
      %sign3A_764 = arith.extui %sign3A_763 : i1 to i32
      %sign3A_765 = arith.subi %sign3A_761, %sign3A_764 : i32
      %sign3A_766 = arith.constant 0 : i32
      %sign3A_767 = arith.cmpi sgt, %jit3A_757, %sign3A_766 : i32
      %sign3A_768 = arith.extui %sign3A_767 : i1 to i32
      %sign3A_769 = arith.constant 0 : i32
      %sign3A_770 = arith.cmpi slt, %jit3A_757, %sign3A_769 : i32
      %sign3A_771 = arith.extui %sign3A_770 : i1 to i32
      %sign3A_772 = arith.subi %sign3A_768, %sign3A_771 : i32
      %ne3A_773 = arith.cmpi ne, %sign3A_765, %sign3A_772 : i32
      %rem3A_774 = arith.remsi %add3A_756, %jit3A_757 : i32
      %ne3A_775 = arith.constant 0 : i32
      %ne3A_776 = arith.cmpi ne, %rem3A_774, %ne3A_775 : i32
      %and3A_777 = arith.andi %ne3A_773, %ne3A_776 : i1
      %sub3A_778 = arith.constant 1 : i32
      %sub3A_779 = arith.subi %div3A_758, %sub3A_778 : i32
      %select_n3A_780 = arith.select %and3A_777, %sub3A_779, %div3A_758 : i32
      %jit3A_781 = arith.constant 8 : i32
      %eq3A_782 = arith.constant 0 : i32
      %eq3A_783 = arith.cmpi eq, %jit3A_781, %eq3A_782 : i32
      %jit3A_784 = arith.constant 1 : i32
      %select_n3A_785 = arith.select %eq3A_783, %jit3A_784, %jit3A_781 : i32
      %rem3A_786 = arith.remsi %add3A_756, %select_n3A_785 : i32
      %ne3A_787 = arith.constant 0 : i32
      %ne3A_788 = arith.cmpi ne, %rem3A_786, %ne3A_787 : i32
      %lt3A_789 = arith.constant 0 : i32
      %lt3A_790 = arith.cmpi slt, %rem3A_786, %lt3A_789 : i32
      %lt3A_791 = arith.constant 0 : i32
      %lt3A_792 = arith.cmpi slt, %select_n3A_785, %lt3A_791 : i32
      %ne3A_793 = arith.xori %lt3A_790, %lt3A_792 : i1
      %and3A_794 = arith.andi %ne3A_793, %ne3A_788 : i1
      %add3A_795 = arith.addi %rem3A_786, %select_n3A_785 : i32
      %select_n3A_796 = arith.select %and3A_794, %add3A_795, %rem3A_786 : i32
      %mul3A_797 = arith.constant 16 : i32
      %mul3A_798 = arith.muli %select_n3A_796, %mul3A_797 : i32
      %get3A_799 = arith.constant 0 : i32
      %get3A_800 = arith.index_cast %get3A_799 : i32 to index
      %get3A_801 = arith.index_cast %select_n3A_780 : i32 to index
      %get3A_802 = arith.index_cast %arg0 : i32 to index
      %get3A_803 = arith.index_cast %mul3A_798 : i32 to index
      %get3A_804 = tpu.vector_load %arg6[%get3A_800, %get3A_801, %get3A_802, %get3A_803] {strides = array<i32>} : memref<2x12x2x128xi32, #tpu.memory_space<vmem>>, vector<16xi32>,
      %broadcast_in_dim3A_805 = arith.constant true
      %broadcast_in_dim3A_806 = vector.broadcast %broadcast_in_dim3A_805 : i1 to vector<16xi1>
      %unique3A_807, %unique3A_808 = tpu.scan_count mask(%broadcast_in_dim3A_806 : vector<16xi1>) value(%get3A_804 : vector<16xi32>) : vector<16xi1>, vector<16xi32>
      %convert_element_type3A_809 = arith.sitofp %unique3A_808 : vector<16xi32> to vector<16xf32>
      tpu.vector_store_idx %arg5[%get3A_804], %convert_element_type3A_809 masked %unique3A_807 {add = true} : memref<10240xf32, #tpu.memory_space<vmem>>[vector<16xi32>], vector<16xf32>, vector<16xi1>
      %mul3A_810 = arith.constant 4 : i32
      %mul3A_811 = arith.muli %scan3A_649, %mul3A_810 : i32
      %add3A_812 = arith.constant 3 : i32
      %add3A_813 = arith.addi %mul3A_811, %add3A_812 : i32
      %jit3A_814 = arith.constant 8 : i32
      %div3A_815 = arith.divsi %add3A_813, %jit3A_814 : i32
      %sign3A_816 = arith.constant 0 : i32
      %sign3A_817 = arith.cmpi sgt, %add3A_813, %sign3A_816 : i32
      %sign3A_818 = arith.extui %sign3A_817 : i1 to i32
      %sign3A_819 = arith.constant 0 : i32
      %sign3A_820 = arith.cmpi slt, %add3A_813, %sign3A_819 : i32
      %sign3A_821 = arith.extui %sign3A_820 : i1 to i32
      %sign3A_822 = arith.subi %sign3A_818, %sign3A_821 : i32
      %sign3A_823 = arith.constant 0 : i32
      %sign3A_824 = arith.cmpi sgt, %jit3A_814, %sign3A_823 : i32
      %sign3A_825 = arith.extui %sign3A_824 : i1 to i32
      %sign3A_826 = arith.constant 0 : i32
      %sign3A_827 = arith.cmpi slt, %jit3A_814, %sign3A_826 : i32
      %sign3A_828 = arith.extui %sign3A_827 : i1 to i32
      %sign3A_829 = arith.subi %sign3A_825, %sign3A_828 : i32
      %ne3A_830 = arith.cmpi ne, %sign3A_822, %sign3A_829 : i32
      %rem3A_831 = arith.remsi %add3A_813, %jit3A_814 : i32
      %ne3A_832 = arith.constant 0 : i32
      %ne3A_833 = arith.cmpi ne, %rem3A_831, %ne3A_832 : i32
      %and3A_834 = arith.andi %ne3A_830, %ne3A_833 : i1
      %sub3A_835 = arith.constant 1 : i32
      %sub3A_836 = arith.subi %div3A_815, %sub3A_835 : i32
      %select_n3A_837 = arith.select %and3A_834, %sub3A_836, %div3A_815 : i32
      %jit3A_838 = arith.constant 8 : i32
      %eq3A_839 = arith.constant 0 : i32
      %eq3A_840 = arith.cmpi eq, %jit3A_838, %eq3A_839 : i32
      %jit3A_841 = arith.constant 1 : i32
      %select_n3A_842 = arith.select %eq3A_840, %jit3A_841, %jit3A_838 : i32
      %rem3A_843 = arith.remsi %add3A_813, %select_n3A_842 : i32
      %ne3A_844 = arith.constant 0 : i32
      %ne3A_845 = arith.cmpi ne, %rem3A_843, %ne3A_844 : i32
      %lt3A_846 = arith.constant 0 : i32
      %lt3A_847 = arith.cmpi slt, %rem3A_843, %lt3A_846 : i32
      %lt3A_848 = arith.constant 0 : i32
      %lt3A_849 = arith.cmpi slt, %select_n3A_842, %lt3A_848 : i32
      %ne3A_850 = arith.xori %lt3A_847, %lt3A_849 : i1
      %and3A_851 = arith.andi %ne3A_850, %ne3A_845 : i1
      %add3A_852 = arith.addi %rem3A_843, %select_n3A_842 : i32
      %select_n3A_853 = arith.select %and3A_851, %add3A_852, %rem3A_843 : i32
      %mul3A_854 = arith.constant 16 : i32
      %mul3A_855 = arith.muli %select_n3A_853, %mul3A_854 : i32
      %get3A_856 = arith.constant 0 : i32
      %get3A_857 = arith.index_cast %get3A_856 : i32 to index
      %get3A_858 = arith.index_cast %select_n3A_837 : i32 to index
      %get3A_859 = arith.index_cast %arg0 : i32 to index
      %get3A_860 = arith.index_cast %mul3A_855 : i32 to index
      %get3A_861 = tpu.vector_load %arg6[%get3A_857, %get3A_858, %get3A_859, %get3A_860] {strides = array<i32>} : memref<2x12x2x128xi32, #tpu.memory_space<vmem>>, vector<16xi32>,
      %broadcast_in_dim3A_862 = arith.constant true
      %broadcast_in_dim3A_863 = vector.broadcast %broadcast_in_dim3A_862 : i1 to vector<16xi1>
      %unique3A_864, %unique3A_865 = tpu.scan_count mask(%broadcast_in_dim3A_863 : vector<16xi1>) value(%get3A_861 : vector<16xi32>) : vector<16xi1>, vector<16xi32>
      %convert_element_type3A_866 = arith.sitofp %unique3A_865 : vector<16xi32> to vector<16xf32>
      tpu.vector_store_idx %arg5[%get3A_861], %convert_element_type3A_866 masked %unique3A_864 {add = true} : memref<10240xf32, #tpu.memory_space<vmem>>[vector<16xi32>], vector<16xf32>, vector<16xi1>
    }
    %scan3A_329 = arith.constant 24 : i32
    %dma_wait3A_330 = arith.constant 1 : i32
    %dma_wait3A_331 = arith.constant 0 : i32
    %dma_wait3A_332 = arith.constant 0 : i32
    %dma_wait3A_333 = arith.constant 0 : i32
    %dma_wait3A_334 = tpu.memref_slice %arg6[%dma_wait3A_330, %dma_wait3A_331, %dma_wait3A_332, %dma_wait3A_333] : memref<2x12x2x128xi32, #tpu.memory_space<vmem>> -> memref<1x12x2x128xi32, #tpu.memory_space<vmem>>
    %dma_wait3A_335 = tpu.memref_squeeze %dma_wait3A_334 : memref<1x12x2x128xi32, #tpu.memory_space<vmem>> -> memref<12x2x128xi32, #tpu.memory_space<vmem>>
    %dma_wait3A_336 = arith.constant 0 : i32
    %dma_wait3A_337 = arith.constant 0 : i32
    %dma_wait3A_338 = arith.constant 0 : i32
    %dma_wait3A_339 = tpu.memref_slice %arg2[%dma_wait3A_336, %dma_wait3A_337, %dma_wait3A_338] : memref<2500x2x128xi32, #tpu.memory_space<hbm>> -> memref<12x2x128xi32, #tpu.memory_space<hbm>>
    %dma_wait3A_340 = arith.constant 0 : i32
    %dma_wait3A_341 = arith.constant 0 : i32
    %dma_wait3A_342 = arith.constant 0 : i32
    %dma_wait3A_343 = tpu.memref_slice %arg6[%dma_wait3A_330, %dma_wait3A_340, %dma_wait3A_341, %dma_wait3A_342] : memref<2x12x2x128xi32, #tpu.memory_space<vmem>> -> memref<1x12x2x128xi32, #tpu.memory_space<vmem>>
    %dma_wait3A_344 = tpu.memref_squeeze %dma_wait3A_343 : memref<1x12x2x128xi32, #tpu.memory_space<vmem>> -> memref<12x2x128xi32, #tpu.memory_space<vmem>>
    %dma_wait3A_345 = arith.constant 0 : i32
    %dma_wait3A_346 = arith.constant 0 : i32
    %dma_wait3A_347 = arith.constant 0 : i32
    %dma_wait3A_348 = tpu.memref_slice %arg2[%dma_wait3A_345, %dma_wait3A_346, %dma_wait3A_347] : memref<2500x2x128xi32, #tpu.memory_space<hbm>> -> memref<12x2x128xi32, #tpu.memory_space<hbm>>
    tpu.wait_dma2 semaphore(%arg10 : memref<!tpu.dma_semaphore, #tpu.memory_space<semaphore_mem>>) src(%dma_wait3A_348 : memref<12x2x128xi32, #tpu.memory_space<hbm>>) dst(%dma_wait3A_344 : memref<12x2x128xi32, #tpu.memory_space<vmem>>)
    %add3A_349 = arith.constant 96 : i32
    %add3A_350 = arith.addi %mul3A_0, %add3A_349 : i32
    %dma_start3A_351 = arith.constant 0 : i32
    %dma_start3A_352 = arith.constant 0 : i32
    %dma_start3A_353 = arith.constant 0 : i32
    %dma_start3A_354 = arith.constant 0 : i32
    %dma_start3A_355 = tpu.memref_slice %arg6[%dma_start3A_351, %dma_start3A_352, %dma_start3A_353, %dma_start3A_354] : memref<2x12x2x128xi32, #tpu.memory_space<vmem>> -> memref<1x12x2x128xi32, #tpu.memory_space<vmem>>
    %dma_start3A_356 = tpu.memref_squeeze %dma_start3A_355 : memref<1x12x2x128xi32, #tpu.memory_space<vmem>> -> memref<12x2x128xi32, #tpu.memory_space<vmem>>
    %dma_start3A_357 = arith.constant 0 : i32
    %dma_start3A_358 = arith.constant 0 : i32
    %dma_start3A_359 = tpu.memref_slice %arg2[%add3A_350, %dma_start3A_357, %dma_start3A_358] : memref<2500x2x128xi32, #tpu.memory_space<hbm>> -> memref<12x2x128xi32, #tpu.memory_space<hbm>>
    %dma_start3A_360 = arith.constant 0 : i32
    %dma_start3A_361 = arith.constant 0 : i32
    %dma_start3A_362 = arith.constant 0 : i32
    %dma_start3A_363 = tpu.memref_slice %arg6[%dma_start3A_351, %dma_start3A_360, %dma_start3A_361, %dma_start3A_362] : memref<2x12x2x128xi32, #tpu.memory_space<vmem>> -> memref<1x12x2x128xi32, #tpu.memory_space<vmem>>
    %dma_start3A_364 = tpu.memref_squeeze %dma_start3A_363 : memref<1x12x2x128xi32, #tpu.memory_space<vmem>> -> memref<12x2x128xi32, #tpu.memory_space<vmem>>
    %dma_start3A_365 = arith.constant 0 : i32
    %dma_start3A_366 = arith.constant 0 : i32
    %dma_start3A_367 = tpu.memref_slice %arg2[%add3A_350, %dma_start3A_365, %dma_start3A_366] : memref<2500x2x128xi32, #tpu.memory_space<hbm>> -> memref<12x2x128xi32, #tpu.memory_space<hbm>>
    tpu.enqueue_dma source(%dma_start3A_367 : memref<12x2x128xi32, #tpu.memory_space<hbm>>) target(%dma_start3A_364 : memref<12x2x128xi32, #tpu.memory_space<vmem>>) target_semaphore(%arg9 : memref<!tpu.dma_semaphore, #tpu.memory_space<semaphore_mem>>)
    %scan3A_368 = arith.constant 0 : i32
    %scan3A_369 = arith.constant 0 : i32
    %scan3A_370 = arith.constant 24 : i32
    %scan3A_371 = arith.addi %scan3A_369, %scan3A_370 : i32
    %scan3A_372 = arith.constant 1 : i32
    scf.for %scan3A_649 = %scan3A_369 to %scan3A_371 step %scan3A_372  : i32 {
      %mul3A_650 = arith.constant 4 : i32
      %mul3A_651 = arith.muli %scan3A_649, %mul3A_650 : i32
      %add3A_652 = arith.constant 0 : i32
      %add3A_653 = arith.addi %mul3A_651, %add3A_652 : i32
      %jit3A = arith.constant 8 : i32
      %div3A = arith.divsi %add3A_653, %jit3A : i32
      %sign3A = arith.constant 0 : i32
      %sign3A_654 = arith.cmpi sgt, %add3A_653, %sign3A : i32
      %sign3A_655 = arith.extui %sign3A_654 : i1 to i32
      %sign3A_656 = arith.constant 0 : i32
      %sign3A_657 = arith.cmpi slt, %add3A_653, %sign3A_656 : i32
      %sign3A_658 = arith.extui %sign3A_657 : i1 to i32
      %sign3A_659 = arith.subi %sign3A_655, %sign3A_658 : i32
      %sign3A_660 = arith.constant 0 : i32
      %sign3A_661 = arith.cmpi sgt, %jit3A, %sign3A_660 : i32
      %sign3A_662 = arith.extui %sign3A_661 : i1 to i32
      %sign3A_663 = arith.constant 0 : i32
      %sign3A_664 = arith.cmpi slt, %jit3A, %sign3A_663 : i32
      %sign3A_665 = arith.extui %sign3A_664 : i1 to i32
      %sign3A_666 = arith.subi %sign3A_662, %sign3A_665 : i32
      %ne3A = arith.cmpi ne, %sign3A_659, %sign3A_666 : i32
      %rem3A = arith.remsi %add3A_653, %jit3A : i32
      %ne3A_667 = arith.constant 0 : i32
      %ne3A_668 = arith.cmpi ne, %rem3A, %ne3A_667 : i32
      %and3A = arith.andi %ne3A, %ne3A_668 : i1
      %sub3A = arith.constant 1 : i32
      %sub3A_669 = arith.subi %div3A, %sub3A : i32
      %select_n3A = arith.select %and3A, %sub3A_669, %div3A : i32
      %jit3A_670 = arith.constant 8 : i32
      %eq3A = arith.constant 0 : i32
      %eq3A_671 = arith.cmpi eq, %jit3A_670, %eq3A : i32
      %jit3A_672 = arith.constant 1 : i32
      %select_n3A_673 = arith.select %eq3A_671, %jit3A_672, %jit3A_670 : i32
      %rem3A_674 = arith.remsi %add3A_653, %select_n3A_673 : i32
      %ne3A_675 = arith.constant 0 : i32
      %ne3A_676 = arith.cmpi ne, %rem3A_674, %ne3A_675 : i32
      %lt3A_677 = arith.constant 0 : i32
      %lt3A_678 = arith.cmpi slt, %rem3A_674, %lt3A_677 : i32
      %lt3A_679 = arith.constant 0 : i32
      %lt3A_680 = arith.cmpi slt, %select_n3A_673, %lt3A_679 : i32
      %ne3A_681 = arith.xori %lt3A_678, %lt3A_680 : i1
      %and3A_682 = arith.andi %ne3A_681, %ne3A_676 : i1
      %add3A_683 = arith.addi %rem3A_674, %select_n3A_673 : i32
      %select_n3A_684 = arith.select %and3A_682, %add3A_683, %rem3A_674 : i32
      %mul3A_685 = arith.constant 16 : i32
      %mul3A_686 = arith.muli %select_n3A_684, %mul3A_685 : i32
      %get3A = arith.constant 1 : i32
      %get3A_687 = arith.index_cast %get3A : i32 to index
      %get3A_688 = arith.index_cast %select_n3A : i32 to index
      %get3A_689 = arith.index_cast %arg0 : i32 to index
      %get3A_690 = arith.index_cast %mul3A_686 : i32 to index
      %get3A_691 = tpu.vector_load %arg6[%get3A_687, %get3A_688, %get3A_689, %get3A_690] {strides = array<i32>} : memref<2x12x2x128xi32, #tpu.memory_space<vmem>>, vector<16xi32>,
      %broadcast_in_dim3A_692 = arith.constant true
      %broadcast_in_dim3A_693 = vector.broadcast %broadcast_in_dim3A_692 : i1 to vector<16xi1>
      %unique3A, %unique3A_694 = tpu.scan_count mask(%broadcast_in_dim3A_693 : vector<16xi1>) value(%get3A_691 : vector<16xi32>) : vector<16xi1>, vector<16xi32>
      %convert_element_type3A_695 = arith.sitofp %unique3A_694 : vector<16xi32> to vector<16xf32>
      tpu.vector_store_idx %arg5[%get3A_691], %convert_element_type3A_695 masked %unique3A {add = true} : memref<10240xf32, #tpu.memory_space<vmem>>[vector<16xi32>], vector<16xf32>, vector<16xi1>
      %mul3A_696 = arith.constant 4 : i32
      %mul3A_697 = arith.muli %scan3A_649, %mul3A_696 : i32
      %add3A_698 = arith.constant 1 : i32
      %add3A_699 = arith.addi %mul3A_697, %add3A_698 : i32
      %jit3A_700 = arith.constant 8 : i32
      %div3A_701 = arith.divsi %add3A_699, %jit3A_700 : i32
      %sign3A_702 = arith.constant 0 : i32
      %sign3A_703 = arith.cmpi sgt, %add3A_699, %sign3A_702 : i32
      %sign3A_704 = arith.extui %sign3A_703 : i1 to i32
      %sign3A_705 = arith.constant 0 : i32
      %sign3A_706 = arith.cmpi slt, %add3A_699, %sign3A_705 : i32
      %sign3A_707 = arith.extui %sign3A_706 : i1 to i32
      %sign3A_708 = arith.subi %sign3A_704, %sign3A_707 : i32
      %sign3A_709 = arith.constant 0 : i32
      %sign3A_710 = arith.cmpi sgt, %jit3A_700, %sign3A_709 : i32
      %sign3A_711 = arith.extui %sign3A_710 : i1 to i32
      %sign3A_712 = arith.constant 0 : i32
      %sign3A_713 = arith.cmpi slt, %jit3A_700, %sign3A_712 : i32
      %sign3A_714 = arith.extui %sign3A_713 : i1 to i32
      %sign3A_715 = arith.subi %sign3A_711, %sign3A_714 : i32
      %ne3A_716 = arith.cmpi ne, %sign3A_708, %sign3A_715 : i32
      %rem3A_717 = arith.remsi %add3A_699, %jit3A_700 : i32
      %ne3A_718 = arith.constant 0 : i32
      %ne3A_719 = arith.cmpi ne, %rem3A_717, %ne3A_718 : i32
      %and3A_720 = arith.andi %ne3A_716, %ne3A_719 : i1
      %sub3A_721 = arith.constant 1 : i32
      %sub3A_722 = arith.subi %div3A_701, %sub3A_721 : i32
      %select_n3A_723 = arith.select %and3A_720, %sub3A_722, %div3A_701 : i32
      %jit3A_724 = arith.constant 8 : i32
      %eq3A_725 = arith.constant 0 : i32
      %eq3A_726 = arith.cmpi eq, %jit3A_724, %eq3A_725 : i32
      %jit3A_727 = arith.constant 1 : i32
      %select_n3A_728 = arith.select %eq3A_726, %jit3A_727, %jit3A_724 : i32
      %rem3A_729 = arith.remsi %add3A_699, %select_n3A_728 : i32
      %ne3A_730 = arith.constant 0 : i32
      %ne3A_731 = arith.cmpi ne, %rem3A_729, %ne3A_730 : i32
      %lt3A_732 = arith.constant 0 : i32
      %lt3A_733 = arith.cmpi slt, %rem3A_729, %lt3A_732 : i32
      %lt3A_734 = arith.constant 0 : i32
      %lt3A_735 = arith.cmpi slt, %select_n3A_728, %lt3A_734 : i32
      %ne3A_736 = arith.xori %lt3A_733, %lt3A_735 : i1
      %and3A_737 = arith.andi %ne3A_736, %ne3A_731 : i1
      %add3A_738 = arith.addi %rem3A_729, %select_n3A_728 : i32
      %select_n3A_739 = arith.select %and3A_737, %add3A_738, %rem3A_729 : i32
      %mul3A_740 = arith.constant 16 : i32
      %mul3A_741 = arith.muli %select_n3A_739, %mul3A_740 : i32
      %get3A_742 = arith.constant 1 : i32
      %get3A_743 = arith.index_cast %get3A_742 : i32 to index
      %get3A_744 = arith.index_cast %select_n3A_723 : i32 to index
      %get3A_745 = arith.index_cast %arg0 : i32 to index
      %get3A_746 = arith.index_cast %mul3A_741 : i32 to index
      %get3A_747 = tpu.vector_load %arg6[%get3A_743, %get3A_744, %get3A_745, %get3A_746] {strides = array<i32>} : memref<2x12x2x128xi32, #tpu.memory_space<vmem>>, vector<16xi32>,
      %broadcast_in_dim3A_748 = arith.constant true
      %broadcast_in_dim3A_749 = vector.broadcast %broadcast_in_dim3A_748 : i1 to vector<16xi1>
      %unique3A_750, %unique3A_751 = tpu.scan_count mask(%broadcast_in_dim3A_749 : vector<16xi1>) value(%get3A_747 : vector<16xi32>) : vector<16xi1>, vector<16xi32>
      %convert_element_type3A_752 = arith.sitofp %unique3A_751 : vector<16xi32> to vector<16xf32>
      tpu.vector_store_idx %arg5[%get3A_747], %convert_element_type3A_752 masked %unique3A_750 {add = true} : memref<10240xf32, #tpu.memory_space<vmem>>[vector<16xi32>], vector<16xf32>, vector<16xi1>
      %mul3A_753 = arith.constant 4 : i32
      %mul3A_754 = arith.muli %scan3A_649, %mul3A_753 : i32
      %add3A_755 = arith.constant 2 : i32
      %add3A_756 = arith.addi %mul3A_754, %add3A_755 : i32
      %jit3A_757 = arith.constant 8 : i32
      %div3A_758 = arith.divsi %add3A_756, %jit3A_757 : i32
      %sign3A_759 = arith.constant 0 : i32
      %sign3A_760 = arith.cmpi sgt, %add3A_756, %sign3A_759 : i32
      %sign3A_761 = arith.extui %sign3A_760 : i1 to i32
      %sign3A_762 = arith.constant 0 : i32
      %sign3A_763 = arith.cmpi slt, %add3A_756, %sign3A_762 : i32
      %sign3A_764 = arith.extui %sign3A_763 : i1 to i32
      %sign3A_765 = arith.subi %sign3A_761, %sign3A_764 : i32
      %sign3A_766 = arith.constant 0 : i32
      %sign3A_767 = arith.cmpi sgt, %jit3A_757, %sign3A_766 : i32
      %sign3A_768 = arith.extui %sign3A_767 : i1 to i32
      %sign3A_769 = arith.constant 0 : i32
      %sign3A_770 = arith.cmpi slt, %jit3A_757, %sign3A_769 : i32
      %sign3A_771 = arith.extui %sign3A_770 : i1 to i32
      %sign3A_772 = arith.subi %sign3A_768, %sign3A_771 : i32
      %ne3A_773 = arith.cmpi ne, %sign3A_765, %sign3A_772 : i32
      %rem3A_774 = arith.remsi %add3A_756, %jit3A_757 : i32
      %ne3A_775 = arith.constant 0 : i32
      %ne3A_776 = arith.cmpi ne, %rem3A_774, %ne3A_775 : i32
      %and3A_777 = arith.andi %ne3A_773, %ne3A_776 : i1
      %sub3A_778 = arith.constant 1 : i32
      %sub3A_779 = arith.subi %div3A_758, %sub3A_778 : i32
      %select_n3A_780 = arith.select %and3A_777, %sub3A_779, %div3A_758 : i32
      %jit3A_781 = arith.constant 8 : i32
      %eq3A_782 = arith.constant 0 : i32
      %eq3A_783 = arith.cmpi eq, %jit3A_781, %eq3A_782 : i32
      %jit3A_784 = arith.constant 1 : i32
      %select_n3A_785 = arith.select %eq3A_783, %jit3A_784, %jit3A_781 : i32
      %rem3A_786 = arith.remsi %add3A_756, %select_n3A_785 : i32
      %ne3A_787 = arith.constant 0 : i32
      %ne3A_788 = arith.cmpi ne, %rem3A_786, %ne3A_787 : i32
      %lt3A_789 = arith.constant 0 : i32
      %lt3A_790 = arith.cmpi slt, %rem3A_786, %lt3A_789 : i32
      %lt3A_791 = arith.constant 0 : i32
      %lt3A_792 = arith.cmpi slt, %select_n3A_785, %lt3A_791 : i32
      %ne3A_793 = arith.xori %lt3A_790, %lt3A_792 : i1
      %and3A_794 = arith.andi %ne3A_793, %ne3A_788 : i1
      %add3A_795 = arith.addi %rem3A_786, %select_n3A_785 : i32
      %select_n3A_796 = arith.select %and3A_794, %add3A_795, %rem3A_786 : i32
      %mul3A_797 = arith.constant 16 : i32
      %mul3A_798 = arith.muli %select_n3A_796, %mul3A_797 : i32
      %get3A_799 = arith.constant 1 : i32
      %get3A_800 = arith.index_cast %get3A_799 : i32 to index
      %get3A_801 = arith.index_cast %select_n3A_780 : i32 to index
      %get3A_802 = arith.index_cast %arg0 : i32 to index
      %get3A_803 = arith.index_cast %mul3A_798 : i32 to index
      %get3A_804 = tpu.vector_load %arg6[%get3A_800, %get3A_801, %get3A_802, %get3A_803] {strides = array<i32>} : memref<2x12x2x128xi32, #tpu.memory_space<vmem>>, vector<16xi32>,
      %broadcast_in_dim3A_805 = arith.constant true
      %broadcast_in_dim3A_806 = vector.broadcast %broadcast_in_dim3A_805 : i1 to vector<16xi1>
      %unique3A_807, %unique3A_808 = tpu.scan_count mask(%broadcast_in_dim3A_806 : vector<16xi1>) value(%get3A_804 : vector<16xi32>) : vector<16xi1>, vector<16xi32>
      %convert_element_type3A_809 = arith.sitofp %unique3A_808 : vector<16xi32> to vector<16xf32>
      tpu.vector_store_idx %arg5[%get3A_804], %convert_element_type3A_809 masked %unique3A_807 {add = true} : memref<10240xf32, #tpu.memory_space<vmem>>[vector<16xi32>], vector<16xf32>, vector<16xi1>
      %mul3A_810 = arith.constant 4 : i32
      %mul3A_811 = arith.muli %scan3A_649, %mul3A_810 : i32
      %add3A_812 = arith.constant 3 : i32
      %add3A_813 = arith.addi %mul3A_811, %add3A_812 : i32
      %jit3A_814 = arith.constant 8 : i32
      %div3A_815 = arith.divsi %add3A_813, %jit3A_814 : i32
      %sign3A_816 = arith.constant 0 : i32
      %sign3A_817 = arith.cmpi sgt, %add3A_813, %sign3A_816 : i32
      %sign3A_818 = arith.extui %sign3A_817 : i1 to i32
      %sign3A_819 = arith.constant 0 : i32
      %sign3A_820 = arith.cmpi slt, %add3A_813, %sign3A_819 : i32
      %sign3A_821 = arith.extui %sign3A_820 : i1 to i32
      %sign3A_822 = arith.subi %sign3A_818, %sign3A_821 : i32
      %sign3A_823 = arith.constant 0 : i32
      %sign3A_824 = arith.cmpi sgt, %jit3A_814, %sign3A_823 : i32
      %sign3A_825 = arith.extui %sign3A_824 : i1 to i32
      %sign3A_826 = arith.constant 0 : i32
      %sign3A_827 = arith.cmpi slt, %jit3A_814, %sign3A_826 : i32
      %sign3A_828 = arith.extui %sign3A_827 : i1 to i32
      %sign3A_829 = arith.subi %sign3A_825, %sign3A_828 : i32
      %ne3A_830 = arith.cmpi ne, %sign3A_822, %sign3A_829 : i32
      %rem3A_831 = arith.remsi %add3A_813, %jit3A_814 : i32
      %ne3A_832 = arith.constant 0 : i32
      %ne3A_833 = arith.cmpi ne, %rem3A_831, %ne3A_832 : i32
      %and3A_834 = arith.andi %ne3A_830, %ne3A_833 : i1
      %sub3A_835 = arith.constant 1 : i32
      %sub3A_836 = arith.subi %div3A_815, %sub3A_835 : i32
      %select_n3A_837 = arith.select %and3A_834, %sub3A_836, %div3A_815 : i32
      %jit3A_838 = arith.constant 8 : i32
      %eq3A_839 = arith.constant 0 : i32
      %eq3A_840 = arith.cmpi eq, %jit3A_838, %eq3A_839 : i32
      %jit3A_841 = arith.constant 1 : i32
      %select_n3A_842 = arith.select %eq3A_840, %jit3A_841, %jit3A_838 : i32
      %rem3A_843 = arith.remsi %add3A_813, %select_n3A_842 : i32
      %ne3A_844 = arith.constant 0 : i32
      %ne3A_845 = arith.cmpi ne, %rem3A_843, %ne3A_844 : i32
      %lt3A_846 = arith.constant 0 : i32
      %lt3A_847 = arith.cmpi slt, %rem3A_843, %lt3A_846 : i32
      %lt3A_848 = arith.constant 0 : i32
      %lt3A_849 = arith.cmpi slt, %select_n3A_842, %lt3A_848 : i32
      %ne3A_850 = arith.xori %lt3A_847, %lt3A_849 : i1
      %and3A_851 = arith.andi %ne3A_850, %ne3A_845 : i1
      %add3A_852 = arith.addi %rem3A_843, %select_n3A_842 : i32
      %select_n3A_853 = arith.select %and3A_851, %add3A_852, %rem3A_843 : i32
      %mul3A_854 = arith.constant 16 : i32
      %mul3A_855 = arith.muli %select_n3A_853, %mul3A_854 : i32
      %get3A_856 = arith.constant 1 : i32
      %get3A_857 = arith.index_cast %get3A_856 : i32 to index
      %get3A_858 = arith.index_cast %select_n3A_837 : i32 to index
      %get3A_859 = arith.index_cast %arg0 : i32 to index
      %get3A_860 = arith.index_cast %mul3A_855 : i32 to index
      %get3A_861 = tpu.vector_load %arg6[%get3A_857, %get3A_858, %get3A_859, %get3A_860] {strides = array<i32>} : memref<2x12x2x128xi32, #tpu.memory_space<vmem>>, vector<16xi32>,
      %broadcast_in_dim3A_862 = arith.constant true
      %broadcast_in_dim3A_863 = vector.broadcast %broadcast_in_dim3A_862 : i1 to vector<16xi1>
      %unique3A_864, %unique3A_865 = tpu.scan_count mask(%broadcast_in_dim3A_863 : vector<16xi1>) value(%get3A_861 : vector<16xi32>) : vector<16xi1>, vector<16xi32>
      %convert_element_type3A_866 = arith.sitofp %unique3A_865 : vector<16xi32> to vector<16xf32>
      tpu.vector_store_idx %arg5[%get3A_861], %convert_element_type3A_866 masked %unique3A_864 {add = true} : memref<10240xf32, #tpu.memory_space<vmem>>[vector<16xi32>], vector<16xf32>, vector<16xi1>
    }
    %scan3A_373 = arith.constant 24 : i32
    %dma_wait3A_374 = arith.constant 0 : i32
    %dma_wait3A_375 = arith.constant 0 : i32
    %dma_wait3A_376 = arith.constant 0 : i32
    %dma_wait3A_377 = arith.constant 0 : i32
    %dma_wait3A_378 = tpu.memref_slice %arg6[%dma_wait3A_374, %dma_wait3A_375, %dma_wait3A_376, %dma_wait3A_377] : memref<2x12x2x128xi32, #tpu.memory_space<vmem>> -> memref<1x12x2x128xi32, #tpu.memory_space<vmem>>
    %dma_wait3A_379 = tpu.memref_squeeze %dma_wait3A_378 : memref<1x12x2x128xi32, #tpu.memory_space<vmem>> -> memref<12x2x128xi32, #tpu.memory_space<vmem>>
    %dma_wait3A_380 = arith.constant 0 : i32
    %dma_wait3A_381 = arith.constant 0 : i32
    %dma_wait3A_382 = arith.constant 0 : i32
    %dma_wait3A_383 = tpu.memref_slice %arg2[%dma_wait3A_380, %dma_wait3A_381, %dma_wait3A_382] : memref<2500x2x128xi32, #tpu.memory_space<hbm>> -> memref<12x2x128xi32, #tpu.memory_space<hbm>>
    %dma_wait3A_384 = arith.constant 0 : i32
    %dma_wait3A_385 = arith.constant 0 : i32
    %dma_wait3A_386 = arith.constant 0 : i32
    %dma_wait3A_387 = tpu.memref_slice %arg6[%dma_wait3A_374, %dma_wait3A_384, %dma_wait3A_385, %dma_wait3A_386] : memref<2x12x2x128xi32, #tpu.memory_space<vmem>> -> memref<1x12x2x128xi32, #tpu.memory_space<vmem>>
    %dma_wait3A_388 = tpu.memref_squeeze %dma_wait3A_387 : memref<1x12x2x128xi32, #tpu.memory_space<vmem>> -> memref<12x2x128xi32, #tpu.memory_space<vmem>>
    %dma_wait3A_389 = arith.constant 0 : i32
    %dma_wait3A_390 = arith.constant 0 : i32
    %dma_wait3A_391 = arith.constant 0 : i32
    %dma_wait3A_392 = tpu.memref_slice %arg2[%dma_wait3A_389, %dma_wait3A_390, %dma_wait3A_391] : memref<2500x2x128xi32, #tpu.memory_space<hbm>> -> memref<12x2x128xi32, #tpu.memory_space<hbm>>
    tpu.wait_dma2 semaphore(%arg9 : memref<!tpu.dma_semaphore, #tpu.memory_space<semaphore_mem>>) src(%dma_wait3A_392 : memref<12x2x128xi32, #tpu.memory_space<hbm>>) dst(%dma_wait3A_388 : memref<12x2x128xi32, #tpu.memory_space<vmem>>)
    %add3A_393 = arith.constant 108 : i32
    %add3A_394 = arith.addi %mul3A_0, %add3A_393 : i32
    %dma_start3A_395 = arith.constant 1 : i32
    %dma_start3A_396 = arith.constant 0 : i32
    %dma_start3A_397 = arith.constant 0 : i32
    %dma_start3A_398 = arith.constant 0 : i32
    %dma_start3A_399 = tpu.memref_slice %arg6[%dma_start3A_395, %dma_start3A_396, %dma_start3A_397, %dma_start3A_398] : memref<2x12x2x128xi32, #tpu.memory_space<vmem>> -> memref<1x12x2x128xi32, #tpu.memory_space<vmem>>
    %dma_start3A_400 = tpu.memref_squeeze %dma_start3A_399 : memref<1x12x2x128xi32, #tpu.memory_space<vmem>> -> memref<12x2x128xi32, #tpu.memory_space<vmem>>
    %dma_start3A_401 = arith.constant 0 : i32
    %dma_start3A_402 = arith.constant 0 : i32
    %dma_start3A_403 = tpu.memref_slice %arg2[%add3A_394, %dma_start3A_401, %dma_start3A_402] : memref<2500x2x128xi32, #tpu.memory_space<hbm>> -> memref<12x2x128xi32, #tpu.memory_space<hbm>>
    %dma_start3A_404 = arith.constant 0 : i32
    %dma_start3A_405 = arith.constant 0 : i32
    %dma_start3A_406 = arith.constant 0 : i32
    %dma_start3A_407 = tpu.memref_slice %arg6[%dma_start3A_395, %dma_start3A_404, %dma_start3A_405, %dma_start3A_406] : memref<2x12x2x128xi32, #tpu.memory_space<vmem>> -> memref<1x12x2x128xi32, #tpu.memory_space<vmem>>
    %dma_start3A_408 = tpu.memref_squeeze %dma_start3A_407 : memref<1x12x2x128xi32, #tpu.memory_space<vmem>> -> memref<12x2x128xi32, #tpu.memory_space<vmem>>
    %dma_start3A_409 = arith.constant 0 : i32
    %dma_start3A_410 = arith.constant 0 : i32
    %dma_start3A_411 = tpu.memref_slice %arg2[%add3A_394, %dma_start3A_409, %dma_start3A_410] : memref<2500x2x128xi32, #tpu.memory_space<hbm>> -> memref<12x2x128xi32, #tpu.memory_space<hbm>>
    tpu.enqueue_dma source(%dma_start3A_411 : memref<12x2x128xi32, #tpu.memory_space<hbm>>) target(%dma_start3A_408 : memref<12x2x128xi32, #tpu.memory_space<vmem>>) target_semaphore(%arg10 : memref<!tpu.dma_semaphore, #tpu.memory_space<semaphore_mem>>)
    %scan3A_412 = arith.constant 0 : i32
    %scan3A_413 = arith.constant 0 : i32
    %scan3A_414 = arith.constant 24 : i32
    %scan3A_415 = arith.addi %scan3A_413, %scan3A_414 : i32
    %scan3A_416 = arith.constant 1 : i32
    scf.for %scan3A_649 = %scan3A_413 to %scan3A_415 step %scan3A_416  : i32 {
      %mul3A_650 = arith.constant 4 : i32
      %mul3A_651 = arith.muli %scan3A_649, %mul3A_650 : i32
      %add3A_652 = arith.constant 0 : i32
      %add3A_653 = arith.addi %mul3A_651, %add3A_652 : i32
      %jit3A = arith.constant 8 : i32
      %div3A = arith.divsi %add3A_653, %jit3A : i32
      %sign3A = arith.constant 0 : i32
      %sign3A_654 = arith.cmpi sgt, %add3A_653, %sign3A : i32
      %sign3A_655 = arith.extui %sign3A_654 : i1 to i32
      %sign3A_656 = arith.constant 0 : i32
      %sign3A_657 = arith.cmpi slt, %add3A_653, %sign3A_656 : i32
      %sign3A_658 = arith.extui %sign3A_657 : i1 to i32
      %sign3A_659 = arith.subi %sign3A_655, %sign3A_658 : i32
      %sign3A_660 = arith.constant 0 : i32
      %sign3A_661 = arith.cmpi sgt, %jit3A, %sign3A_660 : i32
      %sign3A_662 = arith.extui %sign3A_661 : i1 to i32
      %sign3A_663 = arith.constant 0 : i32
      %sign3A_664 = arith.cmpi slt, %jit3A, %sign3A_663 : i32
      %sign3A_665 = arith.extui %sign3A_664 : i1 to i32
      %sign3A_666 = arith.subi %sign3A_662, %sign3A_665 : i32
      %ne3A = arith.cmpi ne, %sign3A_659, %sign3A_666 : i32
      %rem3A = arith.remsi %add3A_653, %jit3A : i32
      %ne3A_667 = arith.constant 0 : i32
      %ne3A_668 = arith.cmpi ne, %rem3A, %ne3A_667 : i32
      %and3A = arith.andi %ne3A, %ne3A_668 : i1
      %sub3A = arith.constant 1 : i32
      %sub3A_669 = arith.subi %div3A, %sub3A : i32
      %select_n3A = arith.select %and3A, %sub3A_669, %div3A : i32
      %jit3A_670 = arith.constant 8 : i32
      %eq3A = arith.constant 0 : i32
      %eq3A_671 = arith.cmpi eq, %jit3A_670, %eq3A : i32
      %jit3A_672 = arith.constant 1 : i32
      %select_n3A_673 = arith.select %eq3A_671, %jit3A_672, %jit3A_670 : i32
      %rem3A_674 = arith.remsi %add3A_653, %select_n3A_673 : i32
      %ne3A_675 = arith.constant 0 : i32
      %ne3A_676 = arith.cmpi ne, %rem3A_674, %ne3A_675 : i32
      %lt3A_677 = arith.constant 0 : i32
      %lt3A_678 = arith.cmpi slt, %rem3A_674, %lt3A_677 : i32
      %lt3A_679 = arith.constant 0 : i32
      %lt3A_680 = arith.cmpi slt, %select_n3A_673, %lt3A_679 : i32
      %ne3A_681 = arith.xori %lt3A_678, %lt3A_680 : i1
      %and3A_682 = arith.andi %ne3A_681, %ne3A_676 : i1
      %add3A_683 = arith.addi %rem3A_674, %select_n3A_673 : i32
      %select_n3A_684 = arith.select %and3A_682, %add3A_683, %rem3A_674 : i32
      %mul3A_685 = arith.constant 16 : i32
      %mul3A_686 = arith.muli %select_n3A_684, %mul3A_685 : i32
      %get3A = arith.constant 0 : i32
      %get3A_687 = arith.index_cast %get3A : i32 to index
      %get3A_688 = arith.index_cast %select_n3A : i32 to index
      %get3A_689 = arith.index_cast %arg0 : i32 to index
      %get3A_690 = arith.index_cast %mul3A_686 : i32 to index
      %get3A_691 = tpu.vector_load %arg6[%get3A_687, %get3A_688, %get3A_689, %get3A_690] {strides = array<i32>} : memref<2x12x2x128xi32, #tpu.memory_space<vmem>>, vector<16xi32>,
      %broadcast_in_dim3A_692 = arith.constant true
      %broadcast_in_dim3A_693 = vector.broadcast %broadcast_in_dim3A_692 : i1 to vector<16xi1>
      %unique3A, %unique3A_694 = tpu.scan_count mask(%broadcast_in_dim3A_693 : vector<16xi1>) value(%get3A_691 : vector<16xi32>) : vector<16xi1>, vector<16xi32>
      %convert_element_type3A_695 = arith.sitofp %unique3A_694 : vector<16xi32> to vector<16xf32>
      tpu.vector_store_idx %arg5[%get3A_691], %convert_element_type3A_695 masked %unique3A {add = true} : memref<10240xf32, #tpu.memory_space<vmem>>[vector<16xi32>], vector<16xf32>, vector<16xi1>
      %mul3A_696 = arith.constant 4 : i32
      %mul3A_697 = arith.muli %scan3A_649, %mul3A_696 : i32
      %add3A_698 = arith.constant 1 : i32
      %add3A_699 = arith.addi %mul3A_697, %add3A_698 : i32
      %jit3A_700 = arith.constant 8 : i32
      %div3A_701 = arith.divsi %add3A_699, %jit3A_700 : i32
      %sign3A_702 = arith.constant 0 : i32
      %sign3A_703 = arith.cmpi sgt, %add3A_699, %sign3A_702 : i32
      %sign3A_704 = arith.extui %sign3A_703 : i1 to i32
      %sign3A_705 = arith.constant 0 : i32
      %sign3A_706 = arith.cmpi slt, %add3A_699, %sign3A_705 : i32
      %sign3A_707 = arith.extui %sign3A_706 : i1 to i32
      %sign3A_708 = arith.subi %sign3A_704, %sign3A_707 : i32
      %sign3A_709 = arith.constant 0 : i32
      %sign3A_710 = arith.cmpi sgt, %jit3A_700, %sign3A_709 : i32
      %sign3A_711 = arith.extui %sign3A_710 : i1 to i32
      %sign3A_712 = arith.constant 0 : i32
      %sign3A_713 = arith.cmpi slt, %jit3A_700, %sign3A_712 : i32
      %sign3A_714 = arith.extui %sign3A_713 : i1 to i32
      %sign3A_715 = arith.subi %sign3A_711, %sign3A_714 : i32
      %ne3A_716 = arith.cmpi ne, %sign3A_708, %sign3A_715 : i32
      %rem3A_717 = arith.remsi %add3A_699, %jit3A_700 : i32
      %ne3A_718 = arith.constant 0 : i32
      %ne3A_719 = arith.cmpi ne, %rem3A_717, %ne3A_718 : i32
      %and3A_720 = arith.andi %ne3A_716, %ne3A_719 : i1
      %sub3A_721 = arith.constant 1 : i32
      %sub3A_722 = arith.subi %div3A_701, %sub3A_721 : i32
      %select_n3A_723 = arith.select %and3A_720, %sub3A_722, %div3A_701 : i32
      %jit3A_724 = arith.constant 8 : i32
      %eq3A_725 = arith.constant 0 : i32
      %eq3A_726 = arith.cmpi eq, %jit3A_724, %eq3A_725 : i32
      %jit3A_727 = arith.constant 1 : i32
      %select_n3A_728 = arith.select %eq3A_726, %jit3A_727, %jit3A_724 : i32
      %rem3A_729 = arith.remsi %add3A_699, %select_n3A_728 : i32
      %ne3A_730 = arith.constant 0 : i32
      %ne3A_731 = arith.cmpi ne, %rem3A_729, %ne3A_730 : i32
      %lt3A_732 = arith.constant 0 : i32
      %lt3A_733 = arith.cmpi slt, %rem3A_729, %lt3A_732 : i32
      %lt3A_734 = arith.constant 0 : i32
      %lt3A_735 = arith.cmpi slt, %select_n3A_728, %lt3A_734 : i32
      %ne3A_736 = arith.xori %lt3A_733, %lt3A_735 : i1
      %and3A_737 = arith.andi %ne3A_736, %ne3A_731 : i1
      %add3A_738 = arith.addi %rem3A_729, %select_n3A_728 : i32
      %select_n3A_739 = arith.select %and3A_737, %add3A_738, %rem3A_729 : i32
      %mul3A_740 = arith.constant 16 : i32
      %mul3A_741 = arith.muli %select_n3A_739, %mul3A_740 : i32
      %get3A_742 = arith.constant 0 : i32
      %get3A_743 = arith.index_cast %get3A_742 : i32 to index
      %get3A_744 = arith.index_cast %select_n3A_723 : i32 to index
      %get3A_745 = arith.index_cast %arg0 : i32 to index
      %get3A_746 = arith.index_cast %mul3A_741 : i32 to index
      %get3A_747 = tpu.vector_load %arg6[%get3A_743, %get3A_744, %get3A_745, %get3A_746] {strides = array<i32>} : memref<2x12x2x128xi32, #tpu.memory_space<vmem>>, vector<16xi32>,
      %broadcast_in_dim3A_748 = arith.constant true
      %broadcast_in_dim3A_749 = vector.broadcast %broadcast_in_dim3A_748 : i1 to vector<16xi1>
      %unique3A_750, %unique3A_751 = tpu.scan_count mask(%broadcast_in_dim3A_749 : vector<16xi1>) value(%get3A_747 : vector<16xi32>) : vector<16xi1>, vector<16xi32>
      %convert_element_type3A_752 = arith.sitofp %unique3A_751 : vector<16xi32> to vector<16xf32>
      tpu.vector_store_idx %arg5[%get3A_747], %convert_element_type3A_752 masked %unique3A_750 {add = true} : memref<10240xf32, #tpu.memory_space<vmem>>[vector<16xi32>], vector<16xf32>, vector<16xi1>
      %mul3A_753 = arith.constant 4 : i32
      %mul3A_754 = arith.muli %scan3A_649, %mul3A_753 : i32
      %add3A_755 = arith.constant 2 : i32
      %add3A_756 = arith.addi %mul3A_754, %add3A_755 : i32
      %jit3A_757 = arith.constant 8 : i32
      %div3A_758 = arith.divsi %add3A_756, %jit3A_757 : i32
      %sign3A_759 = arith.constant 0 : i32
      %sign3A_760 = arith.cmpi sgt, %add3A_756, %sign3A_759 : i32
      %sign3A_761 = arith.extui %sign3A_760 : i1 to i32
      %sign3A_762 = arith.constant 0 : i32
      %sign3A_763 = arith.cmpi slt, %add3A_756, %sign3A_762 : i32
      %sign3A_764 = arith.extui %sign3A_763 : i1 to i32
      %sign3A_765 = arith.subi %sign3A_761, %sign3A_764 : i32
      %sign3A_766 = arith.constant 0 : i32
      %sign3A_767 = arith.cmpi sgt, %jit3A_757, %sign3A_766 : i32
      %sign3A_768 = arith.extui %sign3A_767 : i1 to i32
      %sign3A_769 = arith.constant 0 : i32
      %sign3A_770 = arith.cmpi slt, %jit3A_757, %sign3A_769 : i32
      %sign3A_771 = arith.extui %sign3A_770 : i1 to i32
      %sign3A_772 = arith.subi %sign3A_768, %sign3A_771 : i32
      %ne3A_773 = arith.cmpi ne, %sign3A_765, %sign3A_772 : i32
      %rem3A_774 = arith.remsi %add3A_756, %jit3A_757 : i32
      %ne3A_775 = arith.constant 0 : i32
      %ne3A_776 = arith.cmpi ne, %rem3A_774, %ne3A_775 : i32
      %and3A_777 = arith.andi %ne3A_773, %ne3A_776 : i1
      %sub3A_778 = arith.constant 1 : i32
      %sub3A_779 = arith.subi %div3A_758, %sub3A_778 : i32
      %select_n3A_780 = arith.select %and3A_777, %sub3A_779, %div3A_758 : i32
      %jit3A_781 = arith.constant 8 : i32
      %eq3A_782 = arith.constant 0 : i32
      %eq3A_783 = arith.cmpi eq, %jit3A_781, %eq3A_782 : i32
      %jit3A_784 = arith.constant 1 : i32
      %select_n3A_785 = arith.select %eq3A_783, %jit3A_784, %jit3A_781 : i32
      %rem3A_786 = arith.remsi %add3A_756, %select_n3A_785 : i32
      %ne3A_787 = arith.constant 0 : i32
      %ne3A_788 = arith.cmpi ne, %rem3A_786, %ne3A_787 : i32
      %lt3A_789 = arith.constant 0 : i32
      %lt3A_790 = arith.cmpi slt, %rem3A_786, %lt3A_789 : i32
      %lt3A_791 = arith.constant 0 : i32
      %lt3A_792 = arith.cmpi slt, %select_n3A_785, %lt3A_791 : i32
      %ne3A_793 = arith.xori %lt3A_790, %lt3A_792 : i1
      %and3A_794 = arith.andi %ne3A_793, %ne3A_788 : i1
      %add3A_795 = arith.addi %rem3A_786, %select_n3A_785 : i32
      %select_n3A_796 = arith.select %and3A_794, %add3A_795, %rem3A_786 : i32
      %mul3A_797 = arith.constant 16 : i32
      %mul3A_798 = arith.muli %select_n3A_796, %mul3A_797 : i32
      %get3A_799 = arith.constant 0 : i32
      %get3A_800 = arith.index_cast %get3A_799 : i32 to index
      %get3A_801 = arith.index_cast %select_n3A_780 : i32 to index
      %get3A_802 = arith.index_cast %arg0 : i32 to index
      %get3A_803 = arith.index_cast %mul3A_798 : i32 to index
      %get3A_804 = tpu.vector_load %arg6[%get3A_800, %get3A_801, %get3A_802, %get3A_803] {strides = array<i32>} : memref<2x12x2x128xi32, #tpu.memory_space<vmem>>, vector<16xi32>,
      %broadcast_in_dim3A_805 = arith.constant true
      %broadcast_in_dim3A_806 = vector.broadcast %broadcast_in_dim3A_805 : i1 to vector<16xi1>
      %unique3A_807, %unique3A_808 = tpu.scan_count mask(%broadcast_in_dim3A_806 : vector<16xi1>) value(%get3A_804 : vector<16xi32>) : vector<16xi1>, vector<16xi32>
      %convert_element_type3A_809 = arith.sitofp %unique3A_808 : vector<16xi32> to vector<16xf32>
      tpu.vector_store_idx %arg5[%get3A_804], %convert_element_type3A_809 masked %unique3A_807 {add = true} : memref<10240xf32, #tpu.memory_space<vmem>>[vector<16xi32>], vector<16xf32>, vector<16xi1>
      %mul3A_810 = arith.constant 4 : i32
      %mul3A_811 = arith.muli %scan3A_649, %mul3A_810 : i32
      %add3A_812 = arith.constant 3 : i32
      %add3A_813 = arith.addi %mul3A_811, %add3A_812 : i32
      %jit3A_814 = arith.constant 8 : i32
      %div3A_815 = arith.divsi %add3A_813, %jit3A_814 : i32
      %sign3A_816 = arith.constant 0 : i32
      %sign3A_817 = arith.cmpi sgt, %add3A_813, %sign3A_816 : i32
      %sign3A_818 = arith.extui %sign3A_817 : i1 to i32
      %sign3A_819 = arith.constant 0 : i32
      %sign3A_820 = arith.cmpi slt, %add3A_813, %sign3A_819 : i32
      %sign3A_821 = arith.extui %sign3A_820 : i1 to i32
      %sign3A_822 = arith.subi %sign3A_818, %sign3A_821 : i32
      %sign3A_823 = arith.constant 0 : i32
      %sign3A_824 = arith.cmpi sgt, %jit3A_814, %sign3A_823 : i32
      %sign3A_825 = arith.extui %sign3A_824 : i1 to i32
      %sign3A_826 = arith.constant 0 : i32
      %sign3A_827 = arith.cmpi slt, %jit3A_814, %sign3A_826 : i32
      %sign3A_828 = arith.extui %sign3A_827 : i1 to i32
      %sign3A_829 = arith.subi %sign3A_825, %sign3A_828 : i32
      %ne3A_830 = arith.cmpi ne, %sign3A_822, %sign3A_829 : i32
      %rem3A_831 = arith.remsi %add3A_813, %jit3A_814 : i32
      %ne3A_832 = arith.constant 0 : i32
      %ne3A_833 = arith.cmpi ne, %rem3A_831, %ne3A_832 : i32
      %and3A_834 = arith.andi %ne3A_830, %ne3A_833 : i1
      %sub3A_835 = arith.constant 1 : i32
      %sub3A_836 = arith.subi %div3A_815, %sub3A_835 : i32
      %select_n3A_837 = arith.select %and3A_834, %sub3A_836, %div3A_815 : i32
      %jit3A_838 = arith.constant 8 : i32
      %eq3A_839 = arith.constant 0 : i32
      %eq3A_840 = arith.cmpi eq, %jit3A_838, %eq3A_839 : i32
      %jit3A_841 = arith.constant 1 : i32
      %select_n3A_842 = arith.select %eq3A_840, %jit3A_841, %jit3A_838 : i32
      %rem3A_843 = arith.remsi %add3A_813, %select_n3A_842 : i32
      %ne3A_844 = arith.constant 0 : i32
      %ne3A_845 = arith.cmpi ne, %rem3A_843, %ne3A_844 : i32
      %lt3A_846 = arith.constant 0 : i32
      %lt3A_847 = arith.cmpi slt, %rem3A_843, %lt3A_846 : i32
      %lt3A_848 = arith.constant 0 : i32
      %lt3A_849 = arith.cmpi slt, %select_n3A_842, %lt3A_848 : i32
      %ne3A_850 = arith.xori %lt3A_847, %lt3A_849 : i1
      %and3A_851 = arith.andi %ne3A_850, %ne3A_845 : i1
      %add3A_852 = arith.addi %rem3A_843, %select_n3A_842 : i32
      %select_n3A_853 = arith.select %and3A_851, %add3A_852, %rem3A_843 : i32
      %mul3A_854 = arith.constant 16 : i32
      %mul3A_855 = arith.muli %select_n3A_853, %mul3A_854 : i32
      %get3A_856 = arith.constant 0 : i32
      %get3A_857 = arith.index_cast %get3A_856 : i32 to index
      %get3A_858 = arith.index_cast %select_n3A_837 : i32 to index
      %get3A_859 = arith.index_cast %arg0 : i32 to index
      %get3A_860 = arith.index_cast %mul3A_855 : i32 to index
      %get3A_861 = tpu.vector_load %arg6[%get3A_857, %get3A_858, %get3A_859, %get3A_860] {strides = array<i32>} : memref<2x12x2x128xi32, #tpu.memory_space<vmem>>, vector<16xi32>,
      %broadcast_in_dim3A_862 = arith.constant true
      %broadcast_in_dim3A_863 = vector.broadcast %broadcast_in_dim3A_862 : i1 to vector<16xi1>
      %unique3A_864, %unique3A_865 = tpu.scan_count mask(%broadcast_in_dim3A_863 : vector<16xi1>) value(%get3A_861 : vector<16xi32>) : vector<16xi1>, vector<16xi32>
      %convert_element_type3A_866 = arith.sitofp %unique3A_865 : vector<16xi32> to vector<16xf32>
      tpu.vector_store_idx %arg5[%get3A_861], %convert_element_type3A_866 masked %unique3A_864 {add = true} : memref<10240xf32, #tpu.memory_space<vmem>>[vector<16xi32>], vector<16xf32>, vector<16xi1>
    }
    %scan3A_417 = arith.constant 24 : i32
    %dma_wait3A_418 = arith.constant 1 : i32
    %dma_wait3A_419 = arith.constant 0 : i32
    %dma_wait3A_420 = arith.constant 0 : i32
    %dma_wait3A_421 = arith.constant 0 : i32
    %dma_wait3A_422 = tpu.memref_slice %arg6[%dma_wait3A_418, %dma_wait3A_419, %dma_wait3A_420, %dma_wait3A_421] : memref<2x12x2x128xi32, #tpu.memory_space<vmem>> -> memref<1x12x2x128xi32, #tpu.memory_space<vmem>>
    %dma_wait3A_423 = tpu.memref_squeeze %dma_wait3A_422 : memref<1x12x2x128xi32, #tpu.memory_space<vmem>> -> memref<12x2x128xi32, #tpu.memory_space<vmem>>
    %dma_wait3A_424 = arith.constant 0 : i32
    %dma_wait3A_425 = arith.constant 0 : i32
    %dma_wait3A_426 = arith.constant 0 : i32
    %dma_wait3A_427 = tpu.memref_slice %arg2[%dma_wait3A_424, %dma_wait3A_425, %dma_wait3A_426] : memref<2500x2x128xi32, #tpu.memory_space<hbm>> -> memref<12x2x128xi32, #tpu.memory_space<hbm>>
    %dma_wait3A_428 = arith.constant 0 : i32
    %dma_wait3A_429 = arith.constant 0 : i32
    %dma_wait3A_430 = arith.constant 0 : i32
    %dma_wait3A_431 = tpu.memref_slice %arg6[%dma_wait3A_418, %dma_wait3A_428, %dma_wait3A_429, %dma_wait3A_430] : memref<2x12x2x128xi32, #tpu.memory_space<vmem>> -> memref<1x12x2x128xi32, #tpu.memory_space<vmem>>
    %dma_wait3A_432 = tpu.memref_squeeze %dma_wait3A_431 : memref<1x12x2x128xi32, #tpu.memory_space<vmem>> -> memref<12x2x128xi32, #tpu.memory_space<vmem>>
    %dma_wait3A_433 = arith.constant 0 : i32
    %dma_wait3A_434 = arith.constant 0 : i32
    %dma_wait3A_435 = arith.constant 0 : i32
    %dma_wait3A_436 = tpu.memref_slice %arg2[%dma_wait3A_433, %dma_wait3A_434, %dma_wait3A_435] : memref<2500x2x128xi32, #tpu.memory_space<hbm>> -> memref<12x2x128xi32, #tpu.memory_space<hbm>>
    tpu.wait_dma2 semaphore(%arg10 : memref<!tpu.dma_semaphore, #tpu.memory_space<semaphore_mem>>) src(%dma_wait3A_436 : memref<12x2x128xi32, #tpu.memory_space<hbm>>) dst(%dma_wait3A_432 : memref<12x2x128xi32, #tpu.memory_space<vmem>>)
    %add3A_437 = arith.constant 120 : i32
    %add3A_438 = arith.addi %mul3A_0, %add3A_437 : i32
    %dma_start3A_439 = arith.constant 0 : i32
    %dma_start3A_440 = arith.constant 0 : i32
    %dma_start3A_441 = arith.constant 0 : i32
    %dma_start3A_442 = arith.constant 0 : i32
    %dma_start3A_443 = tpu.memref_slice %arg6[%dma_start3A_439, %dma_start3A_440, %dma_start3A_441, %dma_start3A_442] : memref<2x12x2x128xi32, #tpu.memory_space<vmem>> -> memref<1x12x2x128xi32, #tpu.memory_space<vmem>>
    %dma_start3A_444 = tpu.memref_squeeze %dma_start3A_443 : memref<1x12x2x128xi32, #tpu.memory_space<vmem>> -> memref<12x2x128xi32, #tpu.memory_space<vmem>>
    %dma_start3A_445 = arith.constant 0 : i32
    %dma_start3A_446 = arith.constant 0 : i32
    %dma_start3A_447 = tpu.memref_slice %arg2[%add3A_438, %dma_start3A_445, %dma_start3A_446] : memref<2500x2x128xi32, #tpu.memory_space<hbm>> -> memref<12x2x128xi32, #tpu.memory_space<hbm>>
    %dma_start3A_448 = arith.constant 0 : i32
    %dma_start3A_449 = arith.constant 0 : i32
    %dma_start3A_450 = arith.constant 0 : i32
    %dma_start3A_451 = tpu.memref_slice %arg6[%dma_start3A_439, %dma_start3A_448, %dma_start3A_449, %dma_start3A_450] : memref<2x12x2x128xi32, #tpu.memory_space<vmem>> -> memref<1x12x2x128xi32, #tpu.memory_space<vmem>>
    %dma_start3A_452 = tpu.memref_squeeze %dma_start3A_451 : memref<1x12x2x128xi32, #tpu.memory_space<vmem>> -> memref<12x2x128xi32, #tpu.memory_space<vmem>>
    %dma_start3A_453 = arith.constant 0 : i32
    %dma_start3A_454 = arith.constant 0 : i32
    %dma_start3A_455 = tpu.memref_slice %arg2[%add3A_438, %dma_start3A_453, %dma_start3A_454] : memref<2500x2x128xi32, #tpu.memory_space<hbm>> -> memref<12x2x128xi32, #tpu.memory_space<hbm>>
    tpu.enqueue_dma source(%dma_start3A_455 : memref<12x2x128xi32, #tpu.memory_space<hbm>>) target(%dma_start3A_452 : memref<12x2x128xi32, #tpu.memory_space<vmem>>) target_semaphore(%arg9 : memref<!tpu.dma_semaphore, #tpu.memory_space<semaphore_mem>>)
    %scan3A_456 = arith.constant 0 : i32
    %scan3A_457 = arith.constant 0 : i32
    %scan3A_458 = arith.constant 24 : i32
    %scan3A_459 = arith.addi %scan3A_457, %scan3A_458 : i32
    %scan3A_460 = arith.constant 1 : i32
    scf.for %scan3A_649 = %scan3A_457 to %scan3A_459 step %scan3A_460  : i32 {
      %mul3A_650 = arith.constant 4 : i32
      %mul3A_651 = arith.muli %scan3A_649, %mul3A_650 : i32
      %add3A_652 = arith.constant 0 : i32
      %add3A_653 = arith.addi %mul3A_651, %add3A_652 : i32
      %jit3A = arith.constant 8 : i32
      %div3A = arith.divsi %add3A_653, %jit3A : i32
      %sign3A = arith.constant 0 : i32
      %sign3A_654 = arith.cmpi sgt, %add3A_653, %sign3A : i32
      %sign3A_655 = arith.extui %sign3A_654 : i1 to i32
      %sign3A_656 = arith.constant 0 : i32
      %sign3A_657 = arith.cmpi slt, %add3A_653, %sign3A_656 : i32
      %sign3A_658 = arith.extui %sign3A_657 : i1 to i32
      %sign3A_659 = arith.subi %sign3A_655, %sign3A_658 : i32
      %sign3A_660 = arith.constant 0 : i32
      %sign3A_661 = arith.cmpi sgt, %jit3A, %sign3A_660 : i32
      %sign3A_662 = arith.extui %sign3A_661 : i1 to i32
      %sign3A_663 = arith.constant 0 : i32
      %sign3A_664 = arith.cmpi slt, %jit3A, %sign3A_663 : i32
      %sign3A_665 = arith.extui %sign3A_664 : i1 to i32
      %sign3A_666 = arith.subi %sign3A_662, %sign3A_665 : i32
      %ne3A = arith.cmpi ne, %sign3A_659, %sign3A_666 : i32
      %rem3A = arith.remsi %add3A_653, %jit3A : i32
      %ne3A_667 = arith.constant 0 : i32
      %ne3A_668 = arith.cmpi ne, %rem3A, %ne3A_667 : i32
      %and3A = arith.andi %ne3A, %ne3A_668 : i1
      %sub3A = arith.constant 1 : i32
      %sub3A_669 = arith.subi %div3A, %sub3A : i32
      %select_n3A = arith.select %and3A, %sub3A_669, %div3A : i32
      %jit3A_670 = arith.constant 8 : i32
      %eq3A = arith.constant 0 : i32
      %eq3A_671 = arith.cmpi eq, %jit3A_670, %eq3A : i32
      %jit3A_672 = arith.constant 1 : i32
      %select_n3A_673 = arith.select %eq3A_671, %jit3A_672, %jit3A_670 : i32
      %rem3A_674 = arith.remsi %add3A_653, %select_n3A_673 : i32
      %ne3A_675 = arith.constant 0 : i32
      %ne3A_676 = arith.cmpi ne, %rem3A_674, %ne3A_675 : i32
      %lt3A_677 = arith.constant 0 : i32
      %lt3A_678 = arith.cmpi slt, %rem3A_674, %lt3A_677 : i32
      %lt3A_679 = arith.constant 0 : i32
      %lt3A_680 = arith.cmpi slt, %select_n3A_673, %lt3A_679 : i32
      %ne3A_681 = arith.xori %lt3A_678, %lt3A_680 : i1
      %and3A_682 = arith.andi %ne3A_681, %ne3A_676 : i1
      %add3A_683 = arith.addi %rem3A_674, %select_n3A_673 : i32
      %select_n3A_684 = arith.select %and3A_682, %add3A_683, %rem3A_674 : i32
      %mul3A_685 = arith.constant 16 : i32
      %mul3A_686 = arith.muli %select_n3A_684, %mul3A_685 : i32
      %get3A = arith.constant 1 : i32
      %get3A_687 = arith.index_cast %get3A : i32 to index
      %get3A_688 = arith.index_cast %select_n3A : i32 to index
      %get3A_689 = arith.index_cast %arg0 : i32 to index
      %get3A_690 = arith.index_cast %mul3A_686 : i32 to index
      %get3A_691 = tpu.vector_load %arg6[%get3A_687, %get3A_688, %get3A_689, %get3A_690] {strides = array<i32>} : memref<2x12x2x128xi32, #tpu.memory_space<vmem>>, vector<16xi32>,
      %broadcast_in_dim3A_692 = arith.constant true
      %broadcast_in_dim3A_693 = vector.broadcast %broadcast_in_dim3A_692 : i1 to vector<16xi1>
      %unique3A, %unique3A_694 = tpu.scan_count mask(%broadcast_in_dim3A_693 : vector<16xi1>) value(%get3A_691 : vector<16xi32>) : vector<16xi1>, vector<16xi32>
      %convert_element_type3A_695 = arith.sitofp %unique3A_694 : vector<16xi32> to vector<16xf32>
      tpu.vector_store_idx %arg5[%get3A_691], %convert_element_type3A_695 masked %unique3A {add = true} : memref<10240xf32, #tpu.memory_space<vmem>>[vector<16xi32>], vector<16xf32>, vector<16xi1>
      %mul3A_696 = arith.constant 4 : i32
      %mul3A_697 = arith.muli %scan3A_649, %mul3A_696 : i32
      %add3A_698 = arith.constant 1 : i32
      %add3A_699 = arith.addi %mul3A_697, %add3A_698 : i32
      %jit3A_700 = arith.constant 8 : i32
      %div3A_701 = arith.divsi %add3A_699, %jit3A_700 : i32
      %sign3A_702 = arith.constant 0 : i32
      %sign3A_703 = arith.cmpi sgt, %add3A_699, %sign3A_702 : i32
      %sign3A_704 = arith.extui %sign3A_703 : i1 to i32
      %sign3A_705 = arith.constant 0 : i32
      %sign3A_706 = arith.cmpi slt, %add3A_699, %sign3A_705 : i32
      %sign3A_707 = arith.extui %sign3A_706 : i1 to i32
      %sign3A_708 = arith.subi %sign3A_704, %sign3A_707 : i32
      %sign3A_709 = arith.constant 0 : i32
      %sign3A_710 = arith.cmpi sgt, %jit3A_700, %sign3A_709 : i32
      %sign3A_711 = arith.extui %sign3A_710 : i1 to i32
      %sign3A_712 = arith.constant 0 : i32
      %sign3A_713 = arith.cmpi slt, %jit3A_700, %sign3A_712 : i32
      %sign3A_714 = arith.extui %sign3A_713 : i1 to i32
      %sign3A_715 = arith.subi %sign3A_711, %sign3A_714 : i32
      %ne3A_716 = arith.cmpi ne, %sign3A_708, %sign3A_715 : i32
      %rem3A_717 = arith.remsi %add3A_699, %jit3A_700 : i32
      %ne3A_718 = arith.constant 0 : i32
      %ne3A_719 = arith.cmpi ne, %rem3A_717, %ne3A_718 : i32
      %and3A_720 = arith.andi %ne3A_716, %ne3A_719 : i1
      %sub3A_721 = arith.constant 1 : i32
      %sub3A_722 = arith.subi %div3A_701, %sub3A_721 : i32
      %select_n3A_723 = arith.select %and3A_720, %sub3A_722, %div3A_701 : i32
      %jit3A_724 = arith.constant 8 : i32
      %eq3A_725 = arith.constant 0 : i32
      %eq3A_726 = arith.cmpi eq, %jit3A_724, %eq3A_725 : i32
      %jit3A_727 = arith.constant 1 : i32
      %select_n3A_728 = arith.select %eq3A_726, %jit3A_727, %jit3A_724 : i32
      %rem3A_729 = arith.remsi %add3A_699, %select_n3A_728 : i32
      %ne3A_730 = arith.constant 0 : i32
      %ne3A_731 = arith.cmpi ne, %rem3A_729, %ne3A_730 : i32
      %lt3A_732 = arith.constant 0 : i32
      %lt3A_733 = arith.cmpi slt, %rem3A_729, %lt3A_732 : i32
      %lt3A_734 = arith.constant 0 : i32
      %lt3A_735 = arith.cmpi slt, %select_n3A_728, %lt3A_734 : i32
      %ne3A_736 = arith.xori %lt3A_733, %lt3A_735 : i1
      %and3A_737 = arith.andi %ne3A_736, %ne3A_731 : i1
      %add3A_738 = arith.addi %rem3A_729, %select_n3A_728 : i32
      %select_n3A_739 = arith.select %and3A_737, %add3A_738, %rem3A_729 : i32
      %mul3A_740 = arith.constant 16 : i32
      %mul3A_741 = arith.muli %select_n3A_739, %mul3A_740 : i32
      %get3A_742 = arith.constant 1 : i32
      %get3A_743 = arith.index_cast %get3A_742 : i32 to index
      %get3A_744 = arith.index_cast %select_n3A_723 : i32 to index
      %get3A_745 = arith.index_cast %arg0 : i32 to index
      %get3A_746 = arith.index_cast %mul3A_741 : i32 to index
      %get3A_747 = tpu.vector_load %arg6[%get3A_743, %get3A_744, %get3A_745, %get3A_746] {strides = array<i32>} : memref<2x12x2x128xi32, #tpu.memory_space<vmem>>, vector<16xi32>,
      %broadcast_in_dim3A_748 = arith.constant true
      %broadcast_in_dim3A_749 = vector.broadcast %broadcast_in_dim3A_748 : i1 to vector<16xi1>
      %unique3A_750, %unique3A_751 = tpu.scan_count mask(%broadcast_in_dim3A_749 : vector<16xi1>) value(%get3A_747 : vector<16xi32>) : vector<16xi1>, vector<16xi32>
      %convert_element_type3A_752 = arith.sitofp %unique3A_751 : vector<16xi32> to vector<16xf32>
      tpu.vector_store_idx %arg5[%get3A_747], %convert_element_type3A_752 masked %unique3A_750 {add = true} : memref<10240xf32, #tpu.memory_space<vmem>>[vector<16xi32>], vector<16xf32>, vector<16xi1>
      %mul3A_753 = arith.constant 4 : i32
      %mul3A_754 = arith.muli %scan3A_649, %mul3A_753 : i32
      %add3A_755 = arith.constant 2 : i32
      %add3A_756 = arith.addi %mul3A_754, %add3A_755 : i32
      %jit3A_757 = arith.constant 8 : i32
      %div3A_758 = arith.divsi %add3A_756, %jit3A_757 : i32
      %sign3A_759 = arith.constant 0 : i32
      %sign3A_760 = arith.cmpi sgt, %add3A_756, %sign3A_759 : i32
      %sign3A_761 = arith.extui %sign3A_760 : i1 to i32
      %sign3A_762 = arith.constant 0 : i32
      %sign3A_763 = arith.cmpi slt, %add3A_756, %sign3A_762 : i32
      %sign3A_764 = arith.extui %sign3A_763 : i1 to i32
      %sign3A_765 = arith.subi %sign3A_761, %sign3A_764 : i32
      %sign3A_766 = arith.constant 0 : i32
      %sign3A_767 = arith.cmpi sgt, %jit3A_757, %sign3A_766 : i32
      %sign3A_768 = arith.extui %sign3A_767 : i1 to i32
      %sign3A_769 = arith.constant 0 : i32
      %sign3A_770 = arith.cmpi slt, %jit3A_757, %sign3A_769 : i32
      %sign3A_771 = arith.extui %sign3A_770 : i1 to i32
      %sign3A_772 = arith.subi %sign3A_768, %sign3A_771 : i32
      %ne3A_773 = arith.cmpi ne, %sign3A_765, %sign3A_772 : i32
      %rem3A_774 = arith.remsi %add3A_756, %jit3A_757 : i32
      %ne3A_775 = arith.constant 0 : i32
      %ne3A_776 = arith.cmpi ne, %rem3A_774, %ne3A_775 : i32
      %and3A_777 = arith.andi %ne3A_773, %ne3A_776 : i1
      %sub3A_778 = arith.constant 1 : i32
      %sub3A_779 = arith.subi %div3A_758, %sub3A_778 : i32
      %select_n3A_780 = arith.select %and3A_777, %sub3A_779, %div3A_758 : i32
      %jit3A_781 = arith.constant 8 : i32
      %eq3A_782 = arith.constant 0 : i32
      %eq3A_783 = arith.cmpi eq, %jit3A_781, %eq3A_782 : i32
      %jit3A_784 = arith.constant 1 : i32
      %select_n3A_785 = arith.select %eq3A_783, %jit3A_784, %jit3A_781 : i32
      %rem3A_786 = arith.remsi %add3A_756, %select_n3A_785 : i32
      %ne3A_787 = arith.constant 0 : i32
      %ne3A_788 = arith.cmpi ne, %rem3A_786, %ne3A_787 : i32
      %lt3A_789 = arith.constant 0 : i32
      %lt3A_790 = arith.cmpi slt, %rem3A_786, %lt3A_789 : i32
      %lt3A_791 = arith.constant 0 : i32
      %lt3A_792 = arith.cmpi slt, %select_n3A_785, %lt3A_791 : i32
      %ne3A_793 = arith.xori %lt3A_790, %lt3A_792 : i1
      %and3A_794 = arith.andi %ne3A_793, %ne3A_788 : i1
      %add3A_795 = arith.addi %rem3A_786, %select_n3A_785 : i32
      %select_n3A_796 = arith.select %and3A_794, %add3A_795, %rem3A_786 : i32
      %mul3A_797 = arith.constant 16 : i32
      %mul3A_798 = arith.muli %select_n3A_796, %mul3A_797 : i32
      %get3A_799 = arith.constant 1 : i32
      %get3A_800 = arith.index_cast %get3A_799 : i32 to index
      %get3A_801 = arith.index_cast %select_n3A_780 : i32 to index
      %get3A_802 = arith.index_cast %arg0 : i32 to index
      %get3A_803 = arith.index_cast %mul3A_798 : i32 to index
      %get3A_804 = tpu.vector_load %arg6[%get3A_800, %get3A_801, %get3A_802, %get3A_803] {strides = array<i32>} : memref<2x12x2x128xi32, #tpu.memory_space<vmem>>, vector<16xi32>,
      %broadcast_in_dim3A_805 = arith.constant true
      %broadcast_in_dim3A_806 = vector.broadcast %broadcast_in_dim3A_805 : i1 to vector<16xi1>
      %unique3A_807, %unique3A_808 = tpu.scan_count mask(%broadcast_in_dim3A_806 : vector<16xi1>) value(%get3A_804 : vector<16xi32>) : vector<16xi1>, vector<16xi32>
      %convert_element_type3A_809 = arith.sitofp %unique3A_808 : vector<16xi32> to vector<16xf32>
      tpu.vector_store_idx %arg5[%get3A_804], %convert_element_type3A_809 masked %unique3A_807 {add = true} : memref<10240xf32, #tpu.memory_space<vmem>>[vector<16xi32>], vector<16xf32>, vector<16xi1>
      %mul3A_810 = arith.constant 4 : i32
      %mul3A_811 = arith.muli %scan3A_649, %mul3A_810 : i32
      %add3A_812 = arith.constant 3 : i32
      %add3A_813 = arith.addi %mul3A_811, %add3A_812 : i32
      %jit3A_814 = arith.constant 8 : i32
      %div3A_815 = arith.divsi %add3A_813, %jit3A_814 : i32
      %sign3A_816 = arith.constant 0 : i32
      %sign3A_817 = arith.cmpi sgt, %add3A_813, %sign3A_816 : i32
      %sign3A_818 = arith.extui %sign3A_817 : i1 to i32
      %sign3A_819 = arith.constant 0 : i32
      %sign3A_820 = arith.cmpi slt, %add3A_813, %sign3A_819 : i32
      %sign3A_821 = arith.extui %sign3A_820 : i1 to i32
      %sign3A_822 = arith.subi %sign3A_818, %sign3A_821 : i32
      %sign3A_823 = arith.constant 0 : i32
      %sign3A_824 = arith.cmpi sgt, %jit3A_814, %sign3A_823 : i32
      %sign3A_825 = arith.extui %sign3A_824 : i1 to i32
      %sign3A_826 = arith.constant 0 : i32
      %sign3A_827 = arith.cmpi slt, %jit3A_814, %sign3A_826 : i32
      %sign3A_828 = arith.extui %sign3A_827 : i1 to i32
      %sign3A_829 = arith.subi %sign3A_825, %sign3A_828 : i32
      %ne3A_830 = arith.cmpi ne, %sign3A_822, %sign3A_829 : i32
      %rem3A_831 = arith.remsi %add3A_813, %jit3A_814 : i32
      %ne3A_832 = arith.constant 0 : i32
      %ne3A_833 = arith.cmpi ne, %rem3A_831, %ne3A_832 : i32
      %and3A_834 = arith.andi %ne3A_830, %ne3A_833 : i1
      %sub3A_835 = arith.constant 1 : i32
      %sub3A_836 = arith.subi %div3A_815, %sub3A_835 : i32
      %select_n3A_837 = arith.select %and3A_834, %sub3A_836, %div3A_815 : i32
      %jit3A_838 = arith.constant 8 : i32
      %eq3A_839 = arith.constant 0 : i32
      %eq3A_840 = arith.cmpi eq, %jit3A_838, %eq3A_839 : i32
      %jit3A_841 = arith.constant 1 : i32
      %select_n3A_842 = arith.select %eq3A_840, %jit3A_841, %jit3A_838 : i32
      %rem3A_843 = arith.remsi %add3A_813, %select_n3A_842 : i32
      %ne3A_844 = arith.constant 0 : i32
      %ne3A_845 = arith.cmpi ne, %rem3A_843, %ne3A_844 : i32
      %lt3A_846 = arith.constant 0 : i32
      %lt3A_847 = arith.cmpi slt, %rem3A_843, %lt3A_846 : i32
      %lt3A_848 = arith.constant 0 : i32
      %lt3A_849 = arith.cmpi slt, %select_n3A_842, %lt3A_848 : i32
      %ne3A_850 = arith.xori %lt3A_847, %lt3A_849 : i1
      %and3A_851 = arith.andi %ne3A_850, %ne3A_845 : i1
      %add3A_852 = arith.addi %rem3A_843, %select_n3A_842 : i32
      %select_n3A_853 = arith.select %and3A_851, %add3A_852, %rem3A_843 : i32
      %mul3A_854 = arith.constant 16 : i32
      %mul3A_855 = arith.muli %select_n3A_853, %mul3A_854 : i32
      %get3A_856 = arith.constant 1 : i32
      %get3A_857 = arith.index_cast %get3A_856 : i32 to index
      %get3A_858 = arith.index_cast %select_n3A_837 : i32 to index
      %get3A_859 = arith.index_cast %arg0 : i32 to index
      %get3A_860 = arith.index_cast %mul3A_855 : i32 to index
      %get3A_861 = tpu.vector_load %arg6[%get3A_857, %get3A_858, %get3A_859, %get3A_860] {strides = array<i32>} : memref<2x12x2x128xi32, #tpu.memory_space<vmem>>, vector<16xi32>,
      %broadcast_in_dim3A_862 = arith.constant true
      %broadcast_in_dim3A_863 = vector.broadcast %broadcast_in_dim3A_862 : i1 to vector<16xi1>
      %unique3A_864, %unique3A_865 = tpu.scan_count mask(%broadcast_in_dim3A_863 : vector<16xi1>) value(%get3A_861 : vector<16xi32>) : vector<16xi1>, vector<16xi32>
      %convert_element_type3A_866 = arith.sitofp %unique3A_865 : vector<16xi32> to vector<16xf32>
      tpu.vector_store_idx %arg5[%get3A_861], %convert_element_type3A_866 masked %unique3A_864 {add = true} : memref<10240xf32, #tpu.memory_space<vmem>>[vector<16xi32>], vector<16xf32>, vector<16xi1>
    }
    %scan3A_461 = arith.constant 24 : i32
    %dma_wait3A_462 = arith.constant 0 : i32
    %dma_wait3A_463 = arith.constant 0 : i32
    %dma_wait3A_464 = arith.constant 0 : i32
    %dma_wait3A_465 = arith.constant 0 : i32
    %dma_wait3A_466 = tpu.memref_slice %arg6[%dma_wait3A_462, %dma_wait3A_463, %dma_wait3A_464, %dma_wait3A_465] : memref<2x12x2x128xi32, #tpu.memory_space<vmem>> -> memref<1x12x2x128xi32, #tpu.memory_space<vmem>>
    %dma_wait3A_467 = tpu.memref_squeeze %dma_wait3A_466 : memref<1x12x2x128xi32, #tpu.memory_space<vmem>> -> memref<12x2x128xi32, #tpu.memory_space<vmem>>
    %dma_wait3A_468 = arith.constant 0 : i32
    %dma_wait3A_469 = arith.constant 0 : i32
    %dma_wait3A_470 = arith.constant 0 : i32
    %dma_wait3A_471 = tpu.memref_slice %arg2[%dma_wait3A_468, %dma_wait3A_469, %dma_wait3A_470] : memref<2500x2x128xi32, #tpu.memory_space<hbm>> -> memref<12x2x128xi32, #tpu.memory_space<hbm>>
    %dma_wait3A_472 = arith.constant 0 : i32
    %dma_wait3A_473 = arith.constant 0 : i32
    %dma_wait3A_474 = arith.constant 0 : i32
    %dma_wait3A_475 = tpu.memref_slice %arg6[%dma_wait3A_462, %dma_wait3A_472, %dma_wait3A_473, %dma_wait3A_474] : memref<2x12x2x128xi32, #tpu.memory_space<vmem>> -> memref<1x12x2x128xi32, #tpu.memory_space<vmem>>
    %dma_wait3A_476 = tpu.memref_squeeze %dma_wait3A_475 : memref<1x12x2x128xi32, #tpu.memory_space<vmem>> -> memref<12x2x128xi32, #tpu.memory_space<vmem>>
    %dma_wait3A_477 = arith.constant 0 : i32
    %dma_wait3A_478 = arith.constant 0 : i32
    %dma_wait3A_479 = arith.constant 0 : i32
    %dma_wait3A_480 = tpu.memref_slice %arg2[%dma_wait3A_477, %dma_wait3A_478, %dma_wait3A_479] : memref<2500x2x128xi32, #tpu.memory_space<hbm>> -> memref<12x2x128xi32, #tpu.memory_space<hbm>>
    tpu.wait_dma2 semaphore(%arg9 : memref<!tpu.dma_semaphore, #tpu.memory_space<semaphore_mem>>) src(%dma_wait3A_480 : memref<12x2x128xi32, #tpu.memory_space<hbm>>) dst(%dma_wait3A_476 : memref<12x2x128xi32, #tpu.memory_space<vmem>>)
    %add3A_481 = arith.constant 132 : i32
    %add3A_482 = arith.addi %mul3A_0, %add3A_481 : i32
    %dma_start3A_483 = arith.constant 1 : i32
    %dma_start3A_484 = arith.constant 0 : i32
    %dma_start3A_485 = arith.constant 0 : i32
    %dma_start3A_486 = arith.constant 0 : i32
    %dma_start3A_487 = tpu.memref_slice %arg6[%dma_start3A_483, %dma_start3A_484, %dma_start3A_485, %dma_start3A_486] : memref<2x12x2x128xi32, #tpu.memory_space<vmem>> -> memref<1x12x2x128xi32, #tpu.memory_space<vmem>>
    %dma_start3A_488 = tpu.memref_squeeze %dma_start3A_487 : memref<1x12x2x128xi32, #tpu.memory_space<vmem>> -> memref<12x2x128xi32, #tpu.memory_space<vmem>>
    %dma_start3A_489 = arith.constant 0 : i32
    %dma_start3A_490 = arith.constant 0 : i32
    %dma_start3A_491 = tpu.memref_slice %arg2[%add3A_482, %dma_start3A_489, %dma_start3A_490] : memref<2500x2x128xi32, #tpu.memory_space<hbm>> -> memref<12x2x128xi32, #tpu.memory_space<hbm>>
    %dma_start3A_492 = arith.constant 0 : i32
    %dma_start3A_493 = arith.constant 0 : i32
    %dma_start3A_494 = arith.constant 0 : i32
    %dma_start3A_495 = tpu.memref_slice %arg6[%dma_start3A_483, %dma_start3A_492, %dma_start3A_493, %dma_start3A_494] : memref<2x12x2x128xi32, #tpu.memory_space<vmem>> -> memref<1x12x2x128xi32, #tpu.memory_space<vmem>>
    %dma_start3A_496 = tpu.memref_squeeze %dma_start3A_495 : memref<1x12x2x128xi32, #tpu.memory_space<vmem>> -> memref<12x2x128xi32, #tpu.memory_space<vmem>>
    %dma_start3A_497 = arith.constant 0 : i32
    %dma_start3A_498 = arith.constant 0 : i32
    %dma_start3A_499 = tpu.memref_slice %arg2[%add3A_482, %dma_start3A_497, %dma_start3A_498] : memref<2500x2x128xi32, #tpu.memory_space<hbm>> -> memref<12x2x128xi32, #tpu.memory_space<hbm>>
    tpu.enqueue_dma source(%dma_start3A_499 : memref<12x2x128xi32, #tpu.memory_space<hbm>>) target(%dma_start3A_496 : memref<12x2x128xi32, #tpu.memory_space<vmem>>) target_semaphore(%arg10 : memref<!tpu.dma_semaphore, #tpu.memory_space<semaphore_mem>>)
    %scan3A_500 = arith.constant 0 : i32
    %scan3A_501 = arith.constant 0 : i32
    %scan3A_502 = arith.constant 24 : i32
    %scan3A_503 = arith.addi %scan3A_501, %scan3A_502 : i32
    %scan3A_504 = arith.constant 1 : i32
    scf.for %scan3A_649 = %scan3A_501 to %scan3A_503 step %scan3A_504  : i32 {
      %mul3A_650 = arith.constant 4 : i32
      %mul3A_651 = arith.muli %scan3A_649, %mul3A_650 : i32
      %add3A_652 = arith.constant 0 : i32
      %add3A_653 = arith.addi %mul3A_651, %add3A_652 : i32
      %jit3A = arith.constant 8 : i32
      %div3A = arith.divsi %add3A_653, %jit3A : i32
      %sign3A = arith.constant 0 : i32
      %sign3A_654 = arith.cmpi sgt, %add3A_653, %sign3A : i32
      %sign3A_655 = arith.extui %sign3A_654 : i1 to i32
      %sign3A_656 = arith.constant 0 : i32
      %sign3A_657 = arith.cmpi slt, %add3A_653, %sign3A_656 : i32
      %sign3A_658 = arith.extui %sign3A_657 : i1 to i32
      %sign3A_659 = arith.subi %sign3A_655, %sign3A_658 : i32
      %sign3A_660 = arith.constant 0 : i32
      %sign3A_661 = arith.cmpi sgt, %jit3A, %sign3A_660 : i32
      %sign3A_662 = arith.extui %sign3A_661 : i1 to i32
      %sign3A_663 = arith.constant 0 : i32
      %sign3A_664 = arith.cmpi slt, %jit3A, %sign3A_663 : i32
      %sign3A_665 = arith.extui %sign3A_664 : i1 to i32
      %sign3A_666 = arith.subi %sign3A_662, %sign3A_665 : i32
      %ne3A = arith.cmpi ne, %sign3A_659, %sign3A_666 : i32
      %rem3A = arith.remsi %add3A_653, %jit3A : i32
      %ne3A_667 = arith.constant 0 : i32
      %ne3A_668 = arith.cmpi ne, %rem3A, %ne3A_667 : i32
      %and3A = arith.andi %ne3A, %ne3A_668 : i1
      %sub3A = arith.constant 1 : i32
      %sub3A_669 = arith.subi %div3A, %sub3A : i32
      %select_n3A = arith.select %and3A, %sub3A_669, %div3A : i32
      %jit3A_670 = arith.constant 8 : i32
      %eq3A = arith.constant 0 : i32
      %eq3A_671 = arith.cmpi eq, %jit3A_670, %eq3A : i32
      %jit3A_672 = arith.constant 1 : i32
      %select_n3A_673 = arith.select %eq3A_671, %jit3A_672, %jit3A_670 : i32
      %rem3A_674 = arith.remsi %add3A_653, %select_n3A_673 : i32
      %ne3A_675 = arith.constant 0 : i32
      %ne3A_676 = arith.cmpi ne, %rem3A_674, %ne3A_675 : i32
      %lt3A_677 = arith.constant 0 : i32
      %lt3A_678 = arith.cmpi slt, %rem3A_674, %lt3A_677 : i32
      %lt3A_679 = arith.constant 0 : i32
      %lt3A_680 = arith.cmpi slt, %select_n3A_673, %lt3A_679 : i32
      %ne3A_681 = arith.xori %lt3A_678, %lt3A_680 : i1
      %and3A_682 = arith.andi %ne3A_681, %ne3A_676 : i1
      %add3A_683 = arith.addi %rem3A_674, %select_n3A_673 : i32
      %select_n3A_684 = arith.select %and3A_682, %add3A_683, %rem3A_674 : i32
      %mul3A_685 = arith.constant 16 : i32
      %mul3A_686 = arith.muli %select_n3A_684, %mul3A_685 : i32
      %get3A = arith.constant 0 : i32
      %get3A_687 = arith.index_cast %get3A : i32 to index
      %get3A_688 = arith.index_cast %select_n3A : i32 to index
      %get3A_689 = arith.index_cast %arg0 : i32 to index
      %get3A_690 = arith.index_cast %mul3A_686 : i32 to index
      %get3A_691 = tpu.vector_load %arg6[%get3A_687, %get3A_688, %get3A_689, %get3A_690] {strides = array<i32>} : memref<2x12x2x128xi32, #tpu.memory_space<vmem>>, vector<16xi32>,
      %broadcast_in_dim3A_692 = arith.constant true
      %broadcast_in_dim3A_693 = vector.broadcast %broadcast_in_dim3A_692 : i1 to vector<16xi1>
      %unique3A, %unique3A_694 = tpu.scan_count mask(%broadcast_in_dim3A_693 : vector<16xi1>) value(%get3A_691 : vector<16xi32>) : vector<16xi1>, vector<16xi32>
      %convert_element_type3A_695 = arith.sitofp %unique3A_694 : vector<16xi32> to vector<16xf32>
      tpu.vector_store_idx %arg5[%get3A_691], %convert_element_type3A_695 masked %unique3A {add = true} : memref<10240xf32, #tpu.memory_space<vmem>>[vector<16xi32>], vector<16xf32>, vector<16xi1>
      %mul3A_696 = arith.constant 4 : i32
      %mul3A_697 = arith.muli %scan3A_649, %mul3A_696 : i32
      %add3A_698 = arith.constant 1 : i32
      %add3A_699 = arith.addi %mul3A_697, %add3A_698 : i32
      %jit3A_700 = arith.constant 8 : i32
      %div3A_701 = arith.divsi %add3A_699, %jit3A_700 : i32
      %sign3A_702 = arith.constant 0 : i32
      %sign3A_703 = arith.cmpi sgt, %add3A_699, %sign3A_702 : i32
      %sign3A_704 = arith.extui %sign3A_703 : i1 to i32
      %sign3A_705 = arith.constant 0 : i32
      %sign3A_706 = arith.cmpi slt, %add3A_699, %sign3A_705 : i32
      %sign3A_707 = arith.extui %sign3A_706 : i1 to i32
      %sign3A_708 = arith.subi %sign3A_704, %sign3A_707 : i32
      %sign3A_709 = arith.constant 0 : i32
      %sign3A_710 = arith.cmpi sgt, %jit3A_700, %sign3A_709 : i32
      %sign3A_711 = arith.extui %sign3A_710 : i1 to i32
      %sign3A_712 = arith.constant 0 : i32
      %sign3A_713 = arith.cmpi slt, %jit3A_700, %sign3A_712 : i32
      %sign3A_714 = arith.extui %sign3A_713 : i1 to i32
      %sign3A_715 = arith.subi %sign3A_711, %sign3A_714 : i32
      %ne3A_716 = arith.cmpi ne, %sign3A_708, %sign3A_715 : i32
      %rem3A_717 = arith.remsi %add3A_699, %jit3A_700 : i32
      %ne3A_718 = arith.constant 0 : i32
      %ne3A_719 = arith.cmpi ne, %rem3A_717, %ne3A_718 : i32
      %and3A_720 = arith.andi %ne3A_716, %ne3A_719 : i1
      %sub3A_721 = arith.constant 1 : i32
      %sub3A_722 = arith.subi %div3A_701, %sub3A_721 : i32
      %select_n3A_723 = arith.select %and3A_720, %sub3A_722, %div3A_701 : i32
      %jit3A_724 = arith.constant 8 : i32
      %eq3A_725 = arith.constant 0 : i32
      %eq3A_726 = arith.cmpi eq, %jit3A_724, %eq3A_725 : i32
      %jit3A_727 = arith.constant 1 : i32
      %select_n3A_728 = arith.select %eq3A_726, %jit3A_727, %jit3A_724 : i32
      %rem3A_729 = arith.remsi %add3A_699, %select_n3A_728 : i32
      %ne3A_730 = arith.constant 0 : i32
      %ne3A_731 = arith.cmpi ne, %rem3A_729, %ne3A_730 : i32
      %lt3A_732 = arith.constant 0 : i32
      %lt3A_733 = arith.cmpi slt, %rem3A_729, %lt3A_732 : i32
      %lt3A_734 = arith.constant 0 : i32
      %lt3A_735 = arith.cmpi slt, %select_n3A_728, %lt3A_734 : i32
      %ne3A_736 = arith.xori %lt3A_733, %lt3A_735 : i1
      %and3A_737 = arith.andi %ne3A_736, %ne3A_731 : i1
      %add3A_738 = arith.addi %rem3A_729, %select_n3A_728 : i32
      %select_n3A_739 = arith.select %and3A_737, %add3A_738, %rem3A_729 : i32
      %mul3A_740 = arith.constant 16 : i32
      %mul3A_741 = arith.muli %select_n3A_739, %mul3A_740 : i32
      %get3A_742 = arith.constant 0 : i32
      %get3A_743 = arith.index_cast %get3A_742 : i32 to index
      %get3A_744 = arith.index_cast %select_n3A_723 : i32 to index
      %get3A_745 = arith.index_cast %arg0 : i32 to index
      %get3A_746 = arith.index_cast %mul3A_741 : i32 to index
      %get3A_747 = tpu.vector_load %arg6[%get3A_743, %get3A_744, %get3A_745, %get3A_746] {strides = array<i32>} : memref<2x12x2x128xi32, #tpu.memory_space<vmem>>, vector<16xi32>,
      %broadcast_in_dim3A_748 = arith.constant true
      %broadcast_in_dim3A_749 = vector.broadcast %broadcast_in_dim3A_748 : i1 to vector<16xi1>
      %unique3A_750, %unique3A_751 = tpu.scan_count mask(%broadcast_in_dim3A_749 : vector<16xi1>) value(%get3A_747 : vector<16xi32>) : vector<16xi1>, vector<16xi32>
      %convert_element_type3A_752 = arith.sitofp %unique3A_751 : vector<16xi32> to vector<16xf32>
      tpu.vector_store_idx %arg5[%get3A_747], %convert_element_type3A_752 masked %unique3A_750 {add = true} : memref<10240xf32, #tpu.memory_space<vmem>>[vector<16xi32>], vector<16xf32>, vector<16xi1>
      %mul3A_753 = arith.constant 4 : i32
      %mul3A_754 = arith.muli %scan3A_649, %mul3A_753 : i32
      %add3A_755 = arith.constant 2 : i32
      %add3A_756 = arith.addi %mul3A_754, %add3A_755 : i32
      %jit3A_757 = arith.constant 8 : i32
      %div3A_758 = arith.divsi %add3A_756, %jit3A_757 : i32
      %sign3A_759 = arith.constant 0 : i32
      %sign3A_760 = arith.cmpi sgt, %add3A_756, %sign3A_759 : i32
      %sign3A_761 = arith.extui %sign3A_760 : i1 to i32
      %sign3A_762 = arith.constant 0 : i32
      %sign3A_763 = arith.cmpi slt, %add3A_756, %sign3A_762 : i32
      %sign3A_764 = arith.extui %sign3A_763 : i1 to i32
      %sign3A_765 = arith.subi %sign3A_761, %sign3A_764 : i32
      %sign3A_766 = arith.constant 0 : i32
      %sign3A_767 = arith.cmpi sgt, %jit3A_757, %sign3A_766 : i32
      %sign3A_768 = arith.extui %sign3A_767 : i1 to i32
      %sign3A_769 = arith.constant 0 : i32
      %sign3A_770 = arith.cmpi slt, %jit3A_757, %sign3A_769 : i32
      %sign3A_771 = arith.extui %sign3A_770 : i1 to i32
      %sign3A_772 = arith.subi %sign3A_768, %sign3A_771 : i32
      %ne3A_773 = arith.cmpi ne, %sign3A_765, %sign3A_772 : i32
      %rem3A_774 = arith.remsi %add3A_756, %jit3A_757 : i32
      %ne3A_775 = arith.constant 0 : i32
      %ne3A_776 = arith.cmpi ne, %rem3A_774, %ne3A_775 : i32
      %and3A_777 = arith.andi %ne3A_773, %ne3A_776 : i1
      %sub3A_778 = arith.constant 1 : i32
      %sub3A_779 = arith.subi %div3A_758, %sub3A_778 : i32
      %select_n3A_780 = arith.select %and3A_777, %sub3A_779, %div3A_758 : i32
      %jit3A_781 = arith.constant 8 : i32
      %eq3A_782 = arith.constant 0 : i32
      %eq3A_783 = arith.cmpi eq, %jit3A_781, %eq3A_782 : i32
      %jit3A_784 = arith.constant 1 : i32
      %select_n3A_785 = arith.select %eq3A_783, %jit3A_784, %jit3A_781 : i32
      %rem3A_786 = arith.remsi %add3A_756, %select_n3A_785 : i32
      %ne3A_787 = arith.constant 0 : i32
      %ne3A_788 = arith.cmpi ne, %rem3A_786, %ne3A_787 : i32
      %lt3A_789 = arith.constant 0 : i32
      %lt3A_790 = arith.cmpi slt, %rem3A_786, %lt3A_789 : i32
      %lt3A_791 = arith.constant 0 : i32
      %lt3A_792 = arith.cmpi slt, %select_n3A_785, %lt3A_791 : i32
      %ne3A_793 = arith.xori %lt3A_790, %lt3A_792 : i1
      %and3A_794 = arith.andi %ne3A_793, %ne3A_788 : i1
      %add3A_795 = arith.addi %rem3A_786, %select_n3A_785 : i32
      %select_n3A_796 = arith.select %and3A_794, %add3A_795, %rem3A_786 : i32
      %mul3A_797 = arith.constant 16 : i32
      %mul3A_798 = arith.muli %select_n3A_796, %mul3A_797 : i32
      %get3A_799 = arith.constant 0 : i32
      %get3A_800 = arith.index_cast %get3A_799 : i32 to index
      %get3A_801 = arith.index_cast %select_n3A_780 : i32 to index
      %get3A_802 = arith.index_cast %arg0 : i32 to index
      %get3A_803 = arith.index_cast %mul3A_798 : i32 to index
      %get3A_804 = tpu.vector_load %arg6[%get3A_800, %get3A_801, %get3A_802, %get3A_803] {strides = array<i32>} : memref<2x12x2x128xi32, #tpu.memory_space<vmem>>, vector<16xi32>,
      %broadcast_in_dim3A_805 = arith.constant true
      %broadcast_in_dim3A_806 = vector.broadcast %broadcast_in_dim3A_805 : i1 to vector<16xi1>
      %unique3A_807, %unique3A_808 = tpu.scan_count mask(%broadcast_in_dim3A_806 : vector<16xi1>) value(%get3A_804 : vector<16xi32>) : vector<16xi1>, vector<16xi32>
      %convert_element_type3A_809 = arith.sitofp %unique3A_808 : vector<16xi32> to vector<16xf32>
      tpu.vector_store_idx %arg5[%get3A_804], %convert_element_type3A_809 masked %unique3A_807 {add = true} : memref<10240xf32, #tpu.memory_space<vmem>>[vector<16xi32>], vector<16xf32>, vector<16xi1>
      %mul3A_810 = arith.constant 4 : i32
      %mul3A_811 = arith.muli %scan3A_649, %mul3A_810 : i32
      %add3A_812 = arith.constant 3 : i32
      %add3A_813 = arith.addi %mul3A_811, %add3A_812 : i32
      %jit3A_814 = arith.constant 8 : i32
      %div3A_815 = arith.divsi %add3A_813, %jit3A_814 : i32
      %sign3A_816 = arith.constant 0 : i32
      %sign3A_817 = arith.cmpi sgt, %add3A_813, %sign3A_816 : i32
      %sign3A_818 = arith.extui %sign3A_817 : i1 to i32
      %sign3A_819 = arith.constant 0 : i32
      %sign3A_820 = arith.cmpi slt, %add3A_813, %sign3A_819 : i32
      %sign3A_821 = arith.extui %sign3A_820 : i1 to i32
      %sign3A_822 = arith.subi %sign3A_818, %sign3A_821 : i32
      %sign3A_823 = arith.constant 0 : i32
      %sign3A_824 = arith.cmpi sgt, %jit3A_814, %sign3A_823 : i32
      %sign3A_825 = arith.extui %sign3A_824 : i1 to i32
      %sign3A_826 = arith.constant 0 : i32
      %sign3A_827 = arith.cmpi slt, %jit3A_814, %sign3A_826 : i32
      %sign3A_828 = arith.extui %sign3A_827 : i1 to i32
      %sign3A_829 = arith.subi %sign3A_825, %sign3A_828 : i32
      %ne3A_830 = arith.cmpi ne, %sign3A_822, %sign3A_829 : i32
      %rem3A_831 = arith.remsi %add3A_813, %jit3A_814 : i32
      %ne3A_832 = arith.constant 0 : i32
      %ne3A_833 = arith.cmpi ne, %rem3A_831, %ne3A_832 : i32
      %and3A_834 = arith.andi %ne3A_830, %ne3A_833 : i1
      %sub3A_835 = arith.constant 1 : i32
      %sub3A_836 = arith.subi %div3A_815, %sub3A_835 : i32
      %select_n3A_837 = arith.select %and3A_834, %sub3A_836, %div3A_815 : i32
      %jit3A_838 = arith.constant 8 : i32
      %eq3A_839 = arith.constant 0 : i32
      %eq3A_840 = arith.cmpi eq, %jit3A_838, %eq3A_839 : i32
      %jit3A_841 = arith.constant 1 : i32
      %select_n3A_842 = arith.select %eq3A_840, %jit3A_841, %jit3A_838 : i32
      %rem3A_843 = arith.remsi %add3A_813, %select_n3A_842 : i32
      %ne3A_844 = arith.constant 0 : i32
      %ne3A_845 = arith.cmpi ne, %rem3A_843, %ne3A_844 : i32
      %lt3A_846 = arith.constant 0 : i32
      %lt3A_847 = arith.cmpi slt, %rem3A_843, %lt3A_846 : i32
      %lt3A_848 = arith.constant 0 : i32
      %lt3A_849 = arith.cmpi slt, %select_n3A_842, %lt3A_848 : i32
      %ne3A_850 = arith.xori %lt3A_847, %lt3A_849 : i1
      %and3A_851 = arith.andi %ne3A_850, %ne3A_845 : i1
      %add3A_852 = arith.addi %rem3A_843, %select_n3A_842 : i32
      %select_n3A_853 = arith.select %and3A_851, %add3A_852, %rem3A_843 : i32
      %mul3A_854 = arith.constant 16 : i32
      %mul3A_855 = arith.muli %select_n3A_853, %mul3A_854 : i32
      %get3A_856 = arith.constant 0 : i32
      %get3A_857 = arith.index_cast %get3A_856 : i32 to index
      %get3A_858 = arith.index_cast %select_n3A_837 : i32 to index
      %get3A_859 = arith.index_cast %arg0 : i32 to index
      %get3A_860 = arith.index_cast %mul3A_855 : i32 to index
      %get3A_861 = tpu.vector_load %arg6[%get3A_857, %get3A_858, %get3A_859, %get3A_860] {strides = array<i32>} : memref<2x12x2x128xi32, #tpu.memory_space<vmem>>, vector<16xi32>,
      %broadcast_in_dim3A_862 = arith.constant true
      %broadcast_in_dim3A_863 = vector.broadcast %broadcast_in_dim3A_862 : i1 to vector<16xi1>
      %unique3A_864, %unique3A_865 = tpu.scan_count mask(%broadcast_in_dim3A_863 : vector<16xi1>) value(%get3A_861 : vector<16xi32>) : vector<16xi1>, vector<16xi32>
      %convert_element_type3A_866 = arith.sitofp %unique3A_865 : vector<16xi32> to vector<16xf32>
      tpu.vector_store_idx %arg5[%get3A_861], %convert_element_type3A_866 masked %unique3A_864 {add = true} : memref<10240xf32, #tpu.memory_space<vmem>>[vector<16xi32>], vector<16xf32>, vector<16xi1>
    }
    %scan3A_505 = arith.constant 24 : i32
    %dma_wait3A_506 = arith.constant 1 : i32
    %dma_wait3A_507 = arith.constant 0 : i32
    %dma_wait3A_508 = arith.constant 0 : i32
    %dma_wait3A_509 = arith.constant 0 : i32
    %dma_wait3A_510 = tpu.memref_slice %arg6[%dma_wait3A_506, %dma_wait3A_507, %dma_wait3A_508, %dma_wait3A_509] : memref<2x12x2x128xi32, #tpu.memory_space<vmem>> -> memref<1x12x2x128xi32, #tpu.memory_space<vmem>>
    %dma_wait3A_511 = tpu.memref_squeeze %dma_wait3A_510 : memref<1x12x2x128xi32, #tpu.memory_space<vmem>> -> memref<12x2x128xi32, #tpu.memory_space<vmem>>
    %dma_wait3A_512 = arith.constant 0 : i32
    %dma_wait3A_513 = arith.constant 0 : i32
    %dma_wait3A_514 = arith.constant 0 : i32
    %dma_wait3A_515 = tpu.memref_slice %arg2[%dma_wait3A_512, %dma_wait3A_513, %dma_wait3A_514] : memref<2500x2x128xi32, #tpu.memory_space<hbm>> -> memref<12x2x128xi32, #tpu.memory_space<hbm>>
    %dma_wait3A_516 = arith.constant 0 : i32
    %dma_wait3A_517 = arith.constant 0 : i32
    %dma_wait3A_518 = arith.constant 0 : i32
    %dma_wait3A_519 = tpu.memref_slice %arg6[%dma_wait3A_506, %dma_wait3A_516, %dma_wait3A_517, %dma_wait3A_518] : memref<2x12x2x128xi32, #tpu.memory_space<vmem>> -> memref<1x12x2x128xi32, #tpu.memory_space<vmem>>
    %dma_wait3A_520 = tpu.memref_squeeze %dma_wait3A_519 : memref<1x12x2x128xi32, #tpu.memory_space<vmem>> -> memref<12x2x128xi32, #tpu.memory_space<vmem>>
    %dma_wait3A_521 = arith.constant 0 : i32
    %dma_wait3A_522 = arith.constant 0 : i32
    %dma_wait3A_523 = arith.constant 0 : i32
    %dma_wait3A_524 = tpu.memref_slice %arg2[%dma_wait3A_521, %dma_wait3A_522, %dma_wait3A_523] : memref<2500x2x128xi32, #tpu.memory_space<hbm>> -> memref<12x2x128xi32, #tpu.memory_space<hbm>>
    tpu.wait_dma2 semaphore(%arg10 : memref<!tpu.dma_semaphore, #tpu.memory_space<semaphore_mem>>) src(%dma_wait3A_524 : memref<12x2x128xi32, #tpu.memory_space<hbm>>) dst(%dma_wait3A_520 : memref<12x2x128xi32, #tpu.memory_space<vmem>>)
    %add3A_525 = arith.constant 144 : i32
    %add3A_526 = arith.addi %mul3A_0, %add3A_525 : i32
    %dma_start3A_527 = arith.constant 0 : i32
    %dma_start3A_528 = arith.constant 0 : i32
    %dma_start3A_529 = arith.constant 0 : i32
    %dma_start3A_530 = arith.constant 0 : i32
    %dma_start3A_531 = tpu.memref_slice %arg6[%dma_start3A_527, %dma_start3A_528, %dma_start3A_529, %dma_start3A_530] : memref<2x12x2x128xi32, #tpu.memory_space<vmem>> -> memref<1x12x2x128xi32, #tpu.memory_space<vmem>>
    %dma_start3A_532 = tpu.memref_squeeze %dma_start3A_531 : memref<1x12x2x128xi32, #tpu.memory_space<vmem>> -> memref<12x2x128xi32, #tpu.memory_space<vmem>>
    %dma_start3A_533 = arith.constant 0 : i32
    %dma_start3A_534 = arith.constant 0 : i32
    %dma_start3A_535 = tpu.memref_slice %arg2[%add3A_526, %dma_start3A_533, %dma_start3A_534] : memref<2500x2x128xi32, #tpu.memory_space<hbm>> -> memref<12x2x128xi32, #tpu.memory_space<hbm>>
    %dma_start3A_536 = arith.constant 0 : i32
    %dma_start3A_537 = arith.constant 0 : i32
    %dma_start3A_538 = arith.constant 0 : i32
    %dma_start3A_539 = tpu.memref_slice %arg6[%dma_start3A_527, %dma_start3A_536, %dma_start3A_537, %dma_start3A_538] : memref<2x12x2x128xi32, #tpu.memory_space<vmem>> -> memref<1x12x2x128xi32, #tpu.memory_space<vmem>>
    %dma_start3A_540 = tpu.memref_squeeze %dma_start3A_539 : memref<1x12x2x128xi32, #tpu.memory_space<vmem>> -> memref<12x2x128xi32, #tpu.memory_space<vmem>>
    %dma_start3A_541 = arith.constant 0 : i32
    %dma_start3A_542 = arith.constant 0 : i32
    %dma_start3A_543 = tpu.memref_slice %arg2[%add3A_526, %dma_start3A_541, %dma_start3A_542] : memref<2500x2x128xi32, #tpu.memory_space<hbm>> -> memref<12x2x128xi32, #tpu.memory_space<hbm>>
    tpu.enqueue_dma source(%dma_start3A_543 : memref<12x2x128xi32, #tpu.memory_space<hbm>>) target(%dma_start3A_540 : memref<12x2x128xi32, #tpu.memory_space<vmem>>) target_semaphore(%arg9 : memref<!tpu.dma_semaphore, #tpu.memory_space<semaphore_mem>>)
    %scan3A_544 = arith.constant 0 : i32
    %scan3A_545 = arith.constant 0 : i32
    %scan3A_546 = arith.constant 24 : i32
    %scan3A_547 = arith.addi %scan3A_545, %scan3A_546 : i32
    %scan3A_548 = arith.constant 1 : i32
    scf.for %scan3A_649 = %scan3A_545 to %scan3A_547 step %scan3A_548  : i32 {
      %mul3A_650 = arith.constant 4 : i32
      %mul3A_651 = arith.muli %scan3A_649, %mul3A_650 : i32
      %add3A_652 = arith.constant 0 : i32
      %add3A_653 = arith.addi %mul3A_651, %add3A_652 : i32
      %jit3A = arith.constant 8 : i32
      %div3A = arith.divsi %add3A_653, %jit3A : i32
      %sign3A = arith.constant 0 : i32
      %sign3A_654 = arith.cmpi sgt, %add3A_653, %sign3A : i32
      %sign3A_655 = arith.extui %sign3A_654 : i1 to i32
      %sign3A_656 = arith.constant 0 : i32
      %sign3A_657 = arith.cmpi slt, %add3A_653, %sign3A_656 : i32
      %sign3A_658 = arith.extui %sign3A_657 : i1 to i32
      %sign3A_659 = arith.subi %sign3A_655, %sign3A_658 : i32
      %sign3A_660 = arith.constant 0 : i32
      %sign3A_661 = arith.cmpi sgt, %jit3A, %sign3A_660 : i32
      %sign3A_662 = arith.extui %sign3A_661 : i1 to i32
      %sign3A_663 = arith.constant 0 : i32
      %sign3A_664 = arith.cmpi slt, %jit3A, %sign3A_663 : i32
      %sign3A_665 = arith.extui %sign3A_664 : i1 to i32
      %sign3A_666 = arith.subi %sign3A_662, %sign3A_665 : i32
      %ne3A = arith.cmpi ne, %sign3A_659, %sign3A_666 : i32
      %rem3A = arith.remsi %add3A_653, %jit3A : i32
      %ne3A_667 = arith.constant 0 : i32
      %ne3A_668 = arith.cmpi ne, %rem3A, %ne3A_667 : i32
      %and3A = arith.andi %ne3A, %ne3A_668 : i1
      %sub3A = arith.constant 1 : i32
      %sub3A_669 = arith.subi %div3A, %sub3A : i32
      %select_n3A = arith.select %and3A, %sub3A_669, %div3A : i32
      %jit3A_670 = arith.constant 8 : i32
      %eq3A = arith.constant 0 : i32
      %eq3A_671 = arith.cmpi eq, %jit3A_670, %eq3A : i32
      %jit3A_672 = arith.constant 1 : i32
      %select_n3A_673 = arith.select %eq3A_671, %jit3A_672, %jit3A_670 : i32
      %rem3A_674 = arith.remsi %add3A_653, %select_n3A_673 : i32
      %ne3A_675 = arith.constant 0 : i32
      %ne3A_676 = arith.cmpi ne, %rem3A_674, %ne3A_675 : i32
      %lt3A_677 = arith.constant 0 : i32
      %lt3A_678 = arith.cmpi slt, %rem3A_674, %lt3A_677 : i32
      %lt3A_679 = arith.constant 0 : i32
      %lt3A_680 = arith.cmpi slt, %select_n3A_673, %lt3A_679 : i32
      %ne3A_681 = arith.xori %lt3A_678, %lt3A_680 : i1
      %and3A_682 = arith.andi %ne3A_681, %ne3A_676 : i1
      %add3A_683 = arith.addi %rem3A_674, %select_n3A_673 : i32
      %select_n3A_684 = arith.select %and3A_682, %add3A_683, %rem3A_674 : i32
      %mul3A_685 = arith.constant 16 : i32
      %mul3A_686 = arith.muli %select_n3A_684, %mul3A_685 : i32
      %get3A = arith.constant 1 : i32
      %get3A_687 = arith.index_cast %get3A : i32 to index
      %get3A_688 = arith.index_cast %select_n3A : i32 to index
      %get3A_689 = arith.index_cast %arg0 : i32 to index
      %get3A_690 = arith.index_cast %mul3A_686 : i32 to index
      %get3A_691 = tpu.vector_load %arg6[%get3A_687, %get3A_688, %get3A_689, %get3A_690] {strides = array<i32>} : memref<2x12x2x128xi32, #tpu.memory_space<vmem>>, vector<16xi32>,
      %broadcast_in_dim3A_692 = arith.constant true
      %broadcast_in_dim3A_693 = vector.broadcast %broadcast_in_dim3A_692 : i1 to vector<16xi1>
      %unique3A, %unique3A_694 = tpu.scan_count mask(%broadcast_in_dim3A_693 : vector<16xi1>) value(%get3A_691 : vector<16xi32>) : vector<16xi1>, vector<16xi32>
      %convert_element_type3A_695 = arith.sitofp %unique3A_694 : vector<16xi32> to vector<16xf32>
      tpu.vector_store_idx %arg5[%get3A_691], %convert_element_type3A_695 masked %unique3A {add = true} : memref<10240xf32, #tpu.memory_space<vmem>>[vector<16xi32>], vector<16xf32>, vector<16xi1>
      %mul3A_696 = arith.constant 4 : i32
      %mul3A_697 = arith.muli %scan3A_649, %mul3A_696 : i32
      %add3A_698 = arith.constant 1 : i32
      %add3A_699 = arith.addi %mul3A_697, %add3A_698 : i32
      %jit3A_700 = arith.constant 8 : i32
      %div3A_701 = arith.divsi %add3A_699, %jit3A_700 : i32
      %sign3A_702 = arith.constant 0 : i32
      %sign3A_703 = arith.cmpi sgt, %add3A_699, %sign3A_702 : i32
      %sign3A_704 = arith.extui %sign3A_703 : i1 to i32
      %sign3A_705 = arith.constant 0 : i32
      %sign3A_706 = arith.cmpi slt, %add3A_699, %sign3A_705 : i32
      %sign3A_707 = arith.extui %sign3A_706 : i1 to i32
      %sign3A_708 = arith.subi %sign3A_704, %sign3A_707 : i32
      %sign3A_709 = arith.constant 0 : i32
      %sign3A_710 = arith.cmpi sgt, %jit3A_700, %sign3A_709 : i32
      %sign3A_711 = arith.extui %sign3A_710 : i1 to i32
      %sign3A_712 = arith.constant 0 : i32
      %sign3A_713 = arith.cmpi slt, %jit3A_700, %sign3A_712 : i32
      %sign3A_714 = arith.extui %sign3A_713 : i1 to i32
      %sign3A_715 = arith.subi %sign3A_711, %sign3A_714 : i32
      %ne3A_716 = arith.cmpi ne, %sign3A_708, %sign3A_715 : i32
      %rem3A_717 = arith.remsi %add3A_699, %jit3A_700 : i32
      %ne3A_718 = arith.constant 0 : i32
      %ne3A_719 = arith.cmpi ne, %rem3A_717, %ne3A_718 : i32
      %and3A_720 = arith.andi %ne3A_716, %ne3A_719 : i1
      %sub3A_721 = arith.constant 1 : i32
      %sub3A_722 = arith.subi %div3A_701, %sub3A_721 : i32
      %select_n3A_723 = arith.select %and3A_720, %sub3A_722, %div3A_701 : i32
      %jit3A_724 = arith.constant 8 : i32
      %eq3A_725 = arith.constant 0 : i32
      %eq3A_726 = arith.cmpi eq, %jit3A_724, %eq3A_725 : i32
      %jit3A_727 = arith.constant 1 : i32
      %select_n3A_728 = arith.select %eq3A_726, %jit3A_727, %jit3A_724 : i32
      %rem3A_729 = arith.remsi %add3A_699, %select_n3A_728 : i32
      %ne3A_730 = arith.constant 0 : i32
      %ne3A_731 = arith.cmpi ne, %rem3A_729, %ne3A_730 : i32
      %lt3A_732 = arith.constant 0 : i32
      %lt3A_733 = arith.cmpi slt, %rem3A_729, %lt3A_732 : i32
      %lt3A_734 = arith.constant 0 : i32
      %lt3A_735 = arith.cmpi slt, %select_n3A_728, %lt3A_734 : i32
      %ne3A_736 = arith.xori %lt3A_733, %lt3A_735 : i1
      %and3A_737 = arith.andi %ne3A_736, %ne3A_731 : i1
      %add3A_738 = arith.addi %rem3A_729, %select_n3A_728 : i32
      %select_n3A_739 = arith.select %and3A_737, %add3A_738, %rem3A_729 : i32
      %mul3A_740 = arith.constant 16 : i32
      %mul3A_741 = arith.muli %select_n3A_739, %mul3A_740 : i32
      %get3A_742 = arith.constant 1 : i32
      %get3A_743 = arith.index_cast %get3A_742 : i32 to index
      %get3A_744 = arith.index_cast %select_n3A_723 : i32 to index
      %get3A_745 = arith.index_cast %arg0 : i32 to index
      %get3A_746 = arith.index_cast %mul3A_741 : i32 to index
      %get3A_747 = tpu.vector_load %arg6[%get3A_743, %get3A_744, %get3A_745, %get3A_746] {strides = array<i32>} : memref<2x12x2x128xi32, #tpu.memory_space<vmem>>, vector<16xi32>,
      %broadcast_in_dim3A_748 = arith.constant true
      %broadcast_in_dim3A_749 = vector.broadcast %broadcast_in_dim3A_748 : i1 to vector<16xi1>
      %unique3A_750, %unique3A_751 = tpu.scan_count mask(%broadcast_in_dim3A_749 : vector<16xi1>) value(%get3A_747 : vector<16xi32>) : vector<16xi1>, vector<16xi32>
      %convert_element_type3A_752 = arith.sitofp %unique3A_751 : vector<16xi32> to vector<16xf32>
      tpu.vector_store_idx %arg5[%get3A_747], %convert_element_type3A_752 masked %unique3A_750 {add = true} : memref<10240xf32, #tpu.memory_space<vmem>>[vector<16xi32>], vector<16xf32>, vector<16xi1>
      %mul3A_753 = arith.constant 4 : i32
      %mul3A_754 = arith.muli %scan3A_649, %mul3A_753 : i32
      %add3A_755 = arith.constant 2 : i32
      %add3A_756 = arith.addi %mul3A_754, %add3A_755 : i32
      %jit3A_757 = arith.constant 8 : i32
      %div3A_758 = arith.divsi %add3A_756, %jit3A_757 : i32
      %sign3A_759 = arith.constant 0 : i32
      %sign3A_760 = arith.cmpi sgt, %add3A_756, %sign3A_759 : i32
      %sign3A_761 = arith.extui %sign3A_760 : i1 to i32
      %sign3A_762 = arith.constant 0 : i32
      %sign3A_763 = arith.cmpi slt, %add3A_756, %sign3A_762 : i32
      %sign3A_764 = arith.extui %sign3A_763 : i1 to i32
      %sign3A_765 = arith.subi %sign3A_761, %sign3A_764 : i32
      %sign3A_766 = arith.constant 0 : i32
      %sign3A_767 = arith.cmpi sgt, %jit3A_757, %sign3A_766 : i32
      %sign3A_768 = arith.extui %sign3A_767 : i1 to i32
      %sign3A_769 = arith.constant 0 : i32
      %sign3A_770 = arith.cmpi slt, %jit3A_757, %sign3A_769 : i32
      %sign3A_771 = arith.extui %sign3A_770 : i1 to i32
      %sign3A_772 = arith.subi %sign3A_768, %sign3A_771 : i32
      %ne3A_773 = arith.cmpi ne, %sign3A_765, %sign3A_772 : i32
      %rem3A_774 = arith.remsi %add3A_756, %jit3A_757 : i32
      %ne3A_775 = arith.constant 0 : i32
      %ne3A_776 = arith.cmpi ne, %rem3A_774, %ne3A_775 : i32
      %and3A_777 = arith.andi %ne3A_773, %ne3A_776 : i1
      %sub3A_778 = arith.constant 1 : i32
      %sub3A_779 = arith.subi %div3A_758, %sub3A_778 : i32
      %select_n3A_780 = arith.select %and3A_777, %sub3A_779, %div3A_758 : i32
      %jit3A_781 = arith.constant 8 : i32
      %eq3A_782 = arith.constant 0 : i32
      %eq3A_783 = arith.cmpi eq, %jit3A_781, %eq3A_782 : i32
      %jit3A_784 = arith.constant 1 : i32
      %select_n3A_785 = arith.select %eq3A_783, %jit3A_784, %jit3A_781 : i32
      %rem3A_786 = arith.remsi %add3A_756, %select_n3A_785 : i32
      %ne3A_787 = arith.constant 0 : i32
      %ne3A_788 = arith.cmpi ne, %rem3A_786, %ne3A_787 : i32
      %lt3A_789 = arith.constant 0 : i32
      %lt3A_790 = arith.cmpi slt, %rem3A_786, %lt3A_789 : i32
      %lt3A_791 = arith.constant 0 : i32
      %lt3A_792 = arith.cmpi slt, %select_n3A_785, %lt3A_791 : i32
      %ne3A_793 = arith.xori %lt3A_790, %lt3A_792 : i1
      %and3A_794 = arith.andi %ne3A_793, %ne3A_788 : i1
      %add3A_795 = arith.addi %rem3A_786, %select_n3A_785 : i32
      %select_n3A_796 = arith.select %and3A_794, %add3A_795, %rem3A_786 : i32
      %mul3A_797 = arith.constant 16 : i32
      %mul3A_798 = arith.muli %select_n3A_796, %mul3A_797 : i32
      %get3A_799 = arith.constant 1 : i32
      %get3A_800 = arith.index_cast %get3A_799 : i32 to index
      %get3A_801 = arith.index_cast %select_n3A_780 : i32 to index
      %get3A_802 = arith.index_cast %arg0 : i32 to index
      %get3A_803 = arith.index_cast %mul3A_798 : i32 to index
      %get3A_804 = tpu.vector_load %arg6[%get3A_800, %get3A_801, %get3A_802, %get3A_803] {strides = array<i32>} : memref<2x12x2x128xi32, #tpu.memory_space<vmem>>, vector<16xi32>,
      %broadcast_in_dim3A_805 = arith.constant true
      %broadcast_in_dim3A_806 = vector.broadcast %broadcast_in_dim3A_805 : i1 to vector<16xi1>
      %unique3A_807, %unique3A_808 = tpu.scan_count mask(%broadcast_in_dim3A_806 : vector<16xi1>) value(%get3A_804 : vector<16xi32>) : vector<16xi1>, vector<16xi32>
      %convert_element_type3A_809 = arith.sitofp %unique3A_808 : vector<16xi32> to vector<16xf32>
      tpu.vector_store_idx %arg5[%get3A_804], %convert_element_type3A_809 masked %unique3A_807 {add = true} : memref<10240xf32, #tpu.memory_space<vmem>>[vector<16xi32>], vector<16xf32>, vector<16xi1>
      %mul3A_810 = arith.constant 4 : i32
      %mul3A_811 = arith.muli %scan3A_649, %mul3A_810 : i32
      %add3A_812 = arith.constant 3 : i32
      %add3A_813 = arith.addi %mul3A_811, %add3A_812 : i32
      %jit3A_814 = arith.constant 8 : i32
      %div3A_815 = arith.divsi %add3A_813, %jit3A_814 : i32
      %sign3A_816 = arith.constant 0 : i32
      %sign3A_817 = arith.cmpi sgt, %add3A_813, %sign3A_816 : i32
      %sign3A_818 = arith.extui %sign3A_817 : i1 to i32
      %sign3A_819 = arith.constant 0 : i32
      %sign3A_820 = arith.cmpi slt, %add3A_813, %sign3A_819 : i32
      %sign3A_821 = arith.extui %sign3A_820 : i1 to i32
      %sign3A_822 = arith.subi %sign3A_818, %sign3A_821 : i32
      %sign3A_823 = arith.constant 0 : i32
      %sign3A_824 = arith.cmpi sgt, %jit3A_814, %sign3A_823 : i32
      %sign3A_825 = arith.extui %sign3A_824 : i1 to i32
      %sign3A_826 = arith.constant 0 : i32
      %sign3A_827 = arith.cmpi slt, %jit3A_814, %sign3A_826 : i32
      %sign3A_828 = arith.extui %sign3A_827 : i1 to i32
      %sign3A_829 = arith.subi %sign3A_825, %sign3A_828 : i32
      %ne3A_830 = arith.cmpi ne, %sign3A_822, %sign3A_829 : i32
      %rem3A_831 = arith.remsi %add3A_813, %jit3A_814 : i32
      %ne3A_832 = arith.constant 0 : i32
      %ne3A_833 = arith.cmpi ne, %rem3A_831, %ne3A_832 : i32
      %and3A_834 = arith.andi %ne3A_830, %ne3A_833 : i1
      %sub3A_835 = arith.constant 1 : i32
      %sub3A_836 = arith.subi %div3A_815, %sub3A_835 : i32
      %select_n3A_837 = arith.select %and3A_834, %sub3A_836, %div3A_815 : i32
      %jit3A_838 = arith.constant 8 : i32
      %eq3A_839 = arith.constant 0 : i32
      %eq3A_840 = arith.cmpi eq, %jit3A_838, %eq3A_839 : i32
      %jit3A_841 = arith.constant 1 : i32
      %select_n3A_842 = arith.select %eq3A_840, %jit3A_841, %jit3A_838 : i32
      %rem3A_843 = arith.remsi %add3A_813, %select_n3A_842 : i32
      %ne3A_844 = arith.constant 0 : i32
      %ne3A_845 = arith.cmpi ne, %rem3A_843, %ne3A_844 : i32
      %lt3A_846 = arith.constant 0 : i32
      %lt3A_847 = arith.cmpi slt, %rem3A_843, %lt3A_846 : i32
      %lt3A_848 = arith.constant 0 : i32
      %lt3A_849 = arith.cmpi slt, %select_n3A_842, %lt3A_848 : i32
      %ne3A_850 = arith.xori %lt3A_847, %lt3A_849 : i1
      %and3A_851 = arith.andi %ne3A_850, %ne3A_845 : i1
      %add3A_852 = arith.addi %rem3A_843, %select_n3A_842 : i32
      %select_n3A_853 = arith.select %and3A_851, %add3A_852, %rem3A_843 : i32
      %mul3A_854 = arith.constant 16 : i32
      %mul3A_855 = arith.muli %select_n3A_853, %mul3A_854 : i32
      %get3A_856 = arith.constant 1 : i32
      %get3A_857 = arith.index_cast %get3A_856 : i32 to index
      %get3A_858 = arith.index_cast %select_n3A_837 : i32 to index
      %get3A_859 = arith.index_cast %arg0 : i32 to index
      %get3A_860 = arith.index_cast %mul3A_855 : i32 to index
      %get3A_861 = tpu.vector_load %arg6[%get3A_857, %get3A_858, %get3A_859, %get3A_860] {strides = array<i32>} : memref<2x12x2x128xi32, #tpu.memory_space<vmem>>, vector<16xi32>,
      %broadcast_in_dim3A_862 = arith.constant true
      %broadcast_in_dim3A_863 = vector.broadcast %broadcast_in_dim3A_862 : i1 to vector<16xi1>
      %unique3A_864, %unique3A_865 = tpu.scan_count mask(%broadcast_in_dim3A_863 : vector<16xi1>) value(%get3A_861 : vector<16xi32>) : vector<16xi1>, vector<16xi32>
      %convert_element_type3A_866 = arith.sitofp %unique3A_865 : vector<16xi32> to vector<16xf32>
      tpu.vector_store_idx %arg5[%get3A_861], %convert_element_type3A_866 masked %unique3A_864 {add = true} : memref<10240xf32, #tpu.memory_space<vmem>>[vector<16xi32>], vector<16xf32>, vector<16xi1>
    }
    %scan3A_549 = arith.constant 24 : i32
    %dma_wait3A_550 = arith.constant 0 : i32
    %dma_wait3A_551 = arith.constant 0 : i32
    %dma_wait3A_552 = arith.constant 0 : i32
    %dma_wait3A_553 = arith.constant 0 : i32
    %dma_wait3A_554 = tpu.memref_slice %arg6[%dma_wait3A_550, %dma_wait3A_551, %dma_wait3A_552, %dma_wait3A_553] : memref<2x12x2x128xi32, #tpu.memory_space<vmem>> -> memref<1x12x2x128xi32, #tpu.memory_space<vmem>>
    %dma_wait3A_555 = tpu.memref_squeeze %dma_wait3A_554 : memref<1x12x2x128xi32, #tpu.memory_space<vmem>> -> memref<12x2x128xi32, #tpu.memory_space<vmem>>
    %dma_wait3A_556 = arith.constant 0 : i32
    %dma_wait3A_557 = arith.constant 0 : i32
    %dma_wait3A_558 = arith.constant 0 : i32
    %dma_wait3A_559 = tpu.memref_slice %arg2[%dma_wait3A_556, %dma_wait3A_557, %dma_wait3A_558] : memref<2500x2x128xi32, #tpu.memory_space<hbm>> -> memref<12x2x128xi32, #tpu.memory_space<hbm>>
    %dma_wait3A_560 = arith.constant 0 : i32
    %dma_wait3A_561 = arith.constant 0 : i32
    %dma_wait3A_562 = arith.constant 0 : i32
    %dma_wait3A_563 = tpu.memref_slice %arg6[%dma_wait3A_550, %dma_wait3A_560, %dma_wait3A_561, %dma_wait3A_562] : memref<2x12x2x128xi32, #tpu.memory_space<vmem>> -> memref<1x12x2x128xi32, #tpu.memory_space<vmem>>
    %dma_wait3A_564 = tpu.memref_squeeze %dma_wait3A_563 : memref<1x12x2x128xi32, #tpu.memory_space<vmem>> -> memref<12x2x128xi32, #tpu.memory_space<vmem>>
    %dma_wait3A_565 = arith.constant 0 : i32
    %dma_wait3A_566 = arith.constant 0 : i32
    %dma_wait3A_567 = arith.constant 0 : i32
    %dma_wait3A_568 = tpu.memref_slice %arg2[%dma_wait3A_565, %dma_wait3A_566, %dma_wait3A_567] : memref<2500x2x128xi32, #tpu.memory_space<hbm>> -> memref<12x2x128xi32, #tpu.memory_space<hbm>>
    tpu.wait_dma2 semaphore(%arg9 : memref<!tpu.dma_semaphore, #tpu.memory_space<semaphore_mem>>) src(%dma_wait3A_568 : memref<12x2x128xi32, #tpu.memory_space<hbm>>) dst(%dma_wait3A_564 : memref<12x2x128xi32, #tpu.memory_space<vmem>>)
    %scan3A_569 = arith.constant 0 : i32
    %scan3A_570 = arith.constant 0 : i32
    %scan3A_571 = arith.constant 24 : i32
    %scan3A_572 = arith.addi %scan3A_570, %scan3A_571 : i32
    %scan3A_573 = arith.constant 1 : i32
    scf.for %scan3A_649 = %scan3A_570 to %scan3A_572 step %scan3A_573  : i32 {
      %mul3A_650 = arith.constant 4 : i32
      %mul3A_651 = arith.muli %scan3A_649, %mul3A_650 : i32
      %add3A_652 = arith.constant 0 : i32
      %add3A_653 = arith.addi %mul3A_651, %add3A_652 : i32
      %jit3A = arith.constant 8 : i32
      %div3A = arith.divsi %add3A_653, %jit3A : i32
      %sign3A = arith.constant 0 : i32
      %sign3A_654 = arith.cmpi sgt, %add3A_653, %sign3A : i32
      %sign3A_655 = arith.extui %sign3A_654 : i1 to i32
      %sign3A_656 = arith.constant 0 : i32
      %sign3A_657 = arith.cmpi slt, %add3A_653, %sign3A_656 : i32
      %sign3A_658 = arith.extui %sign3A_657 : i1 to i32
      %sign3A_659 = arith.subi %sign3A_655, %sign3A_658 : i32
      %sign3A_660 = arith.constant 0 : i32
      %sign3A_661 = arith.cmpi sgt, %jit3A, %sign3A_660 : i32
      %sign3A_662 = arith.extui %sign3A_661 : i1 to i32
      %sign3A_663 = arith.constant 0 : i32
      %sign3A_664 = arith.cmpi slt, %jit3A, %sign3A_663 : i32
      %sign3A_665 = arith.extui %sign3A_664 : i1 to i32
      %sign3A_666 = arith.subi %sign3A_662, %sign3A_665 : i32
      %ne3A = arith.cmpi ne, %sign3A_659, %sign3A_666 : i32
      %rem3A = arith.remsi %add3A_653, %jit3A : i32
      %ne3A_667 = arith.constant 0 : i32
      %ne3A_668 = arith.cmpi ne, %rem3A, %ne3A_667 : i32
      %and3A = arith.andi %ne3A, %ne3A_668 : i1
      %sub3A = arith.constant 1 : i32
      %sub3A_669 = arith.subi %div3A, %sub3A : i32
      %select_n3A = arith.select %and3A, %sub3A_669, %div3A : i32
      %jit3A_670 = arith.constant 8 : i32
      %eq3A = arith.constant 0 : i32
      %eq3A_671 = arith.cmpi eq, %jit3A_670, %eq3A : i32
      %jit3A_672 = arith.constant 1 : i32
      %select_n3A_673 = arith.select %eq3A_671, %jit3A_672, %jit3A_670 : i32
      %rem3A_674 = arith.remsi %add3A_653, %select_n3A_673 : i32
      %ne3A_675 = arith.constant 0 : i32
      %ne3A_676 = arith.cmpi ne, %rem3A_674, %ne3A_675 : i32
      %lt3A_677 = arith.constant 0 : i32
      %lt3A_678 = arith.cmpi slt, %rem3A_674, %lt3A_677 : i32
      %lt3A_679 = arith.constant 0 : i32
      %lt3A_680 = arith.cmpi slt, %select_n3A_673, %lt3A_679 : i32
      %ne3A_681 = arith.xori %lt3A_678, %lt3A_680 : i1
      %and3A_682 = arith.andi %ne3A_681, %ne3A_676 : i1
      %add3A_683 = arith.addi %rem3A_674, %select_n3A_673 : i32
      %select_n3A_684 = arith.select %and3A_682, %add3A_683, %rem3A_674 : i32
      %mul3A_685 = arith.constant 16 : i32
      %mul3A_686 = arith.muli %select_n3A_684, %mul3A_685 : i32
      %get3A = arith.constant 0 : i32
      %get3A_687 = arith.index_cast %get3A : i32 to index
      %get3A_688 = arith.index_cast %select_n3A : i32 to index
      %get3A_689 = arith.index_cast %arg0 : i32 to index
      %get3A_690 = arith.index_cast %mul3A_686 : i32 to index
      %get3A_691 = tpu.vector_load %arg6[%get3A_687, %get3A_688, %get3A_689, %get3A_690] {strides = array<i32>} : memref<2x12x2x128xi32, #tpu.memory_space<vmem>>, vector<16xi32>,
      %broadcast_in_dim3A_692 = arith.constant true
      %broadcast_in_dim3A_693 = vector.broadcast %broadcast_in_dim3A_692 : i1 to vector<16xi1>
      %unique3A, %unique3A_694 = tpu.scan_count mask(%broadcast_in_dim3A_693 : vector<16xi1>) value(%get3A_691 : vector<16xi32>) : vector<16xi1>, vector<16xi32>
      %convert_element_type3A_695 = arith.sitofp %unique3A_694 : vector<16xi32> to vector<16xf32>
      tpu.vector_store_idx %arg5[%get3A_691], %convert_element_type3A_695 masked %unique3A {add = true} : memref<10240xf32, #tpu.memory_space<vmem>>[vector<16xi32>], vector<16xf32>, vector<16xi1>
      %mul3A_696 = arith.constant 4 : i32
      %mul3A_697 = arith.muli %scan3A_649, %mul3A_696 : i32
      %add3A_698 = arith.constant 1 : i32
      %add3A_699 = arith.addi %mul3A_697, %add3A_698 : i32
      %jit3A_700 = arith.constant 8 : i32
      %div3A_701 = arith.divsi %add3A_699, %jit3A_700 : i32
      %sign3A_702 = arith.constant 0 : i32
      %sign3A_703 = arith.cmpi sgt, %add3A_699, %sign3A_702 : i32
      %sign3A_704 = arith.extui %sign3A_703 : i1 to i32
      %sign3A_705 = arith.constant 0 : i32
      %sign3A_706 = arith.cmpi slt, %add3A_699, %sign3A_705 : i32
      %sign3A_707 = arith.extui %sign3A_706 : i1 to i32
      %sign3A_708 = arith.subi %sign3A_704, %sign3A_707 : i32
      %sign3A_709 = arith.constant 0 : i32
      %sign3A_710 = arith.cmpi sgt, %jit3A_700, %sign3A_709 : i32
      %sign3A_711 = arith.extui %sign3A_710 : i1 to i32
      %sign3A_712 = arith.constant 0 : i32
      %sign3A_713 = arith.cmpi slt, %jit3A_700, %sign3A_712 : i32
      %sign3A_714 = arith.extui %sign3A_713 : i1 to i32
      %sign3A_715 = arith.subi %sign3A_711, %sign3A_714 : i32
      %ne3A_716 = arith.cmpi ne, %sign3A_708, %sign3A_715 : i32
      %rem3A_717 = arith.remsi %add3A_699, %jit3A_700 : i32
      %ne3A_718 = arith.constant 0 : i32
      %ne3A_719 = arith.cmpi ne, %rem3A_717, %ne3A_718 : i32
      %and3A_720 = arith.andi %ne3A_716, %ne3A_719 : i1
      %sub3A_721 = arith.constant 1 : i32
      %sub3A_722 = arith.subi %div3A_701, %sub3A_721 : i32
      %select_n3A_723 = arith.select %and3A_720, %sub3A_722, %div3A_701 : i32
      %jit3A_724 = arith.constant 8 : i32
      %eq3A_725 = arith.constant 0 : i32
      %eq3A_726 = arith.cmpi eq, %jit3A_724, %eq3A_725 : i32
      %jit3A_727 = arith.constant 1 : i32
      %select_n3A_728 = arith.select %eq3A_726, %jit3A_727, %jit3A_724 : i32
      %rem3A_729 = arith.remsi %add3A_699, %select_n3A_728 : i32
      %ne3A_730 = arith.constant 0 : i32
      %ne3A_731 = arith.cmpi ne, %rem3A_729, %ne3A_730 : i32
      %lt3A_732 = arith.constant 0 : i32
      %lt3A_733 = arith.cmpi slt, %rem3A_729, %lt3A_732 : i32
      %lt3A_734 = arith.constant 0 : i32
      %lt3A_735 = arith.cmpi slt, %select_n3A_728, %lt3A_734 : i32
      %ne3A_736 = arith.xori %lt3A_733, %lt3A_735 : i1
      %and3A_737 = arith.andi %ne3A_736, %ne3A_731 : i1
      %add3A_738 = arith.addi %rem3A_729, %select_n3A_728 : i32
      %select_n3A_739 = arith.select %and3A_737, %add3A_738, %rem3A_729 : i32
      %mul3A_740 = arith.constant 16 : i32
      %mul3A_741 = arith.muli %select_n3A_739, %mul3A_740 : i32
      %get3A_742 = arith.constant 0 : i32
      %get3A_743 = arith.index_cast %get3A_742 : i32 to index
      %get3A_744 = arith.index_cast %select_n3A_723 : i32 to index
      %get3A_745 = arith.index_cast %arg0 : i32 to index
      %get3A_746 = arith.index_cast %mul3A_741 : i32 to index
      %get3A_747 = tpu.vector_load %arg6[%get3A_743, %get3A_744, %get3A_745, %get3A_746] {strides = array<i32>} : memref<2x12x2x128xi32, #tpu.memory_space<vmem>>, vector<16xi32>,
      %broadcast_in_dim3A_748 = arith.constant true
      %broadcast_in_dim3A_749 = vector.broadcast %broadcast_in_dim3A_748 : i1 to vector<16xi1>
      %unique3A_750, %unique3A_751 = tpu.scan_count mask(%broadcast_in_dim3A_749 : vector<16xi1>) value(%get3A_747 : vector<16xi32>) : vector<16xi1>, vector<16xi32>
      %convert_element_type3A_752 = arith.sitofp %unique3A_751 : vector<16xi32> to vector<16xf32>
      tpu.vector_store_idx %arg5[%get3A_747], %convert_element_type3A_752 masked %unique3A_750 {add = true} : memref<10240xf32, #tpu.memory_space<vmem>>[vector<16xi32>], vector<16xf32>, vector<16xi1>
      %mul3A_753 = arith.constant 4 : i32
      %mul3A_754 = arith.muli %scan3A_649, %mul3A_753 : i32
      %add3A_755 = arith.constant 2 : i32
      %add3A_756 = arith.addi %mul3A_754, %add3A_755 : i32
      %jit3A_757 = arith.constant 8 : i32
      %div3A_758 = arith.divsi %add3A_756, %jit3A_757 : i32
      %sign3A_759 = arith.constant 0 : i32
      %sign3A_760 = arith.cmpi sgt, %add3A_756, %sign3A_759 : i32
      %sign3A_761 = arith.extui %sign3A_760 : i1 to i32
      %sign3A_762 = arith.constant 0 : i32
      %sign3A_763 = arith.cmpi slt, %add3A_756, %sign3A_762 : i32
      %sign3A_764 = arith.extui %sign3A_763 : i1 to i32
      %sign3A_765 = arith.subi %sign3A_761, %sign3A_764 : i32
      %sign3A_766 = arith.constant 0 : i32
      %sign3A_767 = arith.cmpi sgt, %jit3A_757, %sign3A_766 : i32
      %sign3A_768 = arith.extui %sign3A_767 : i1 to i32
      %sign3A_769 = arith.constant 0 : i32
      %sign3A_770 = arith.cmpi slt, %jit3A_757, %sign3A_769 : i32
      %sign3A_771 = arith.extui %sign3A_770 : i1 to i32
      %sign3A_772 = arith.subi %sign3A_768, %sign3A_771 : i32
      %ne3A_773 = arith.cmpi ne, %sign3A_765, %sign3A_772 : i32
      %rem3A_774 = arith.remsi %add3A_756, %jit3A_757 : i32
      %ne3A_775 = arith.constant 0 : i32
      %ne3A_776 = arith.cmpi ne, %rem3A_774, %ne3A_775 : i32
      %and3A_777 = arith.andi %ne3A_773, %ne3A_776 : i1
      %sub3A_778 = arith.constant 1 : i32
      %sub3A_779 = arith.subi %div3A_758, %sub3A_778 : i32
      %select_n3A_780 = arith.select %and3A_777, %sub3A_779, %div3A_758 : i32
      %jit3A_781 = arith.constant 8 : i32
      %eq3A_782 = arith.constant 0 : i32
      %eq3A_783 = arith.cmpi eq, %jit3A_781, %eq3A_782 : i32
      %jit3A_784 = arith.constant 1 : i32
      %select_n3A_785 = arith.select %eq3A_783, %jit3A_784, %jit3A_781 : i32
      %rem3A_786 = arith.remsi %add3A_756, %select_n3A_785 : i32
      %ne3A_787 = arith.constant 0 : i32
      %ne3A_788 = arith.cmpi ne, %rem3A_786, %ne3A_787 : i32
      %lt3A_789 = arith.constant 0 : i32
      %lt3A_790 = arith.cmpi slt, %rem3A_786, %lt3A_789 : i32
      %lt3A_791 = arith.constant 0 : i32
      %lt3A_792 = arith.cmpi slt, %select_n3A_785, %lt3A_791 : i32
      %ne3A_793 = arith.xori %lt3A_790, %lt3A_792 : i1
      %and3A_794 = arith.andi %ne3A_793, %ne3A_788 : i1
      %add3A_795 = arith.addi %rem3A_786, %select_n3A_785 : i32
      %select_n3A_796 = arith.select %and3A_794, %add3A_795, %rem3A_786 : i32
      %mul3A_797 = arith.constant 16 : i32
      %mul3A_798 = arith.muli %select_n3A_796, %mul3A_797 : i32
      %get3A_799 = arith.constant 0 : i32
      %get3A_800 = arith.index_cast %get3A_799 : i32 to index
      %get3A_801 = arith.index_cast %select_n3A_780 : i32 to index
      %get3A_802 = arith.index_cast %arg0 : i32 to index
      %get3A_803 = arith.index_cast %mul3A_798 : i32 to index
      %get3A_804 = tpu.vector_load %arg6[%get3A_800, %get3A_801, %get3A_802, %get3A_803] {strides = array<i32>} : memref<2x12x2x128xi32, #tpu.memory_space<vmem>>, vector<16xi32>,
      %broadcast_in_dim3A_805 = arith.constant true
      %broadcast_in_dim3A_806 = vector.broadcast %broadcast_in_dim3A_805 : i1 to vector<16xi1>
      %unique3A_807, %unique3A_808 = tpu.scan_count mask(%broadcast_in_dim3A_806 : vector<16xi1>) value(%get3A_804 : vector<16xi32>) : vector<16xi1>, vector<16xi32>
      %convert_element_type3A_809 = arith.sitofp %unique3A_808 : vector<16xi32> to vector<16xf32>
      tpu.vector_store_idx %arg5[%get3A_804], %convert_element_type3A_809 masked %unique3A_807 {add = true} : memref<10240xf32, #tpu.memory_space<vmem>>[vector<16xi32>], vector<16xf32>, vector<16xi1>
      %mul3A_810 = arith.constant 4 : i32
      %mul3A_811 = arith.muli %scan3A_649, %mul3A_810 : i32
      %add3A_812 = arith.constant 3 : i32
      %add3A_813 = arith.addi %mul3A_811, %add3A_812 : i32
      %jit3A_814 = arith.constant 8 : i32
      %div3A_815 = arith.divsi %add3A_813, %jit3A_814 : i32
      %sign3A_816 = arith.constant 0 : i32
      %sign3A_817 = arith.cmpi sgt, %add3A_813, %sign3A_816 : i32
      %sign3A_818 = arith.extui %sign3A_817 : i1 to i32
      %sign3A_819 = arith.constant 0 : i32
      %sign3A_820 = arith.cmpi slt, %add3A_813, %sign3A_819 : i32
      %sign3A_821 = arith.extui %sign3A_820 : i1 to i32
      %sign3A_822 = arith.subi %sign3A_818, %sign3A_821 : i32
      %sign3A_823 = arith.constant 0 : i32
      %sign3A_824 = arith.cmpi sgt, %jit3A_814, %sign3A_823 : i32
      %sign3A_825 = arith.extui %sign3A_824 : i1 to i32
      %sign3A_826 = arith.constant 0 : i32
      %sign3A_827 = arith.cmpi slt, %jit3A_814, %sign3A_826 : i32
      %sign3A_828 = arith.extui %sign3A_827 : i1 to i32
      %sign3A_829 = arith.subi %sign3A_825, %sign3A_828 : i32
      %ne3A_830 = arith.cmpi ne, %sign3A_822, %sign3A_829 : i32
      %rem3A_831 = arith.remsi %add3A_813, %jit3A_814 : i32
      %ne3A_832 = arith.constant 0 : i32
      %ne3A_833 = arith.cmpi ne, %rem3A_831, %ne3A_832 : i32
      %and3A_834 = arith.andi %ne3A_830, %ne3A_833 : i1
      %sub3A_835 = arith.constant 1 : i32
      %sub3A_836 = arith.subi %div3A_815, %sub3A_835 : i32
      %select_n3A_837 = arith.select %and3A_834, %sub3A_836, %div3A_815 : i32
      %jit3A_838 = arith.constant 8 : i32
      %eq3A_839 = arith.constant 0 : i32
      %eq3A_840 = arith.cmpi eq, %jit3A_838, %eq3A_839 : i32
      %jit3A_841 = arith.constant 1 : i32
      %select_n3A_842 = arith.select %eq3A_840, %jit3A_841, %jit3A_838 : i32
      %rem3A_843 = arith.remsi %add3A_813, %select_n3A_842 : i32
      %ne3A_844 = arith.constant 0 : i32
      %ne3A_845 = arith.cmpi ne, %rem3A_843, %ne3A_844 : i32
      %lt3A_846 = arith.constant 0 : i32
      %lt3A_847 = arith.cmpi slt, %rem3A_843, %lt3A_846 : i32
      %lt3A_848 = arith.constant 0 : i32
      %lt3A_849 = arith.cmpi slt, %select_n3A_842, %lt3A_848 : i32
      %ne3A_850 = arith.xori %lt3A_847, %lt3A_849 : i1
      %and3A_851 = arith.andi %ne3A_850, %ne3A_845 : i1
      %add3A_852 = arith.addi %rem3A_843, %select_n3A_842 : i32
      %select_n3A_853 = arith.select %and3A_851, %add3A_852, %rem3A_843 : i32
      %mul3A_854 = arith.constant 16 : i32
      %mul3A_855 = arith.muli %select_n3A_853, %mul3A_854 : i32
      %get3A_856 = arith.constant 0 : i32
      %get3A_857 = arith.index_cast %get3A_856 : i32 to index
      %get3A_858 = arith.index_cast %select_n3A_837 : i32 to index
      %get3A_859 = arith.index_cast %arg0 : i32 to index
      %get3A_860 = arith.index_cast %mul3A_855 : i32 to index
      %get3A_861 = tpu.vector_load %arg6[%get3A_857, %get3A_858, %get3A_859, %get3A_860] {strides = array<i32>} : memref<2x12x2x128xi32, #tpu.memory_space<vmem>>, vector<16xi32>,
      %broadcast_in_dim3A_862 = arith.constant true
      %broadcast_in_dim3A_863 = vector.broadcast %broadcast_in_dim3A_862 : i1 to vector<16xi1>
      %unique3A_864, %unique3A_865 = tpu.scan_count mask(%broadcast_in_dim3A_863 : vector<16xi1>) value(%get3A_861 : vector<16xi32>) : vector<16xi1>, vector<16xi32>
      %convert_element_type3A_866 = arith.sitofp %unique3A_865 : vector<16xi32> to vector<16xf32>
      tpu.vector_store_idx %arg5[%get3A_861], %convert_element_type3A_866 masked %unique3A_864 {add = true} : memref<10240xf32, #tpu.memory_space<vmem>>[vector<16xi32>], vector<16xf32>, vector<16xi1>
    }
    %scan3A_574 = arith.constant 24 : i32
    %lt3A = arith.constant 4 : i32
    %lt3A_575 = arith.cmpi slt, %arg1, %lt3A : i32
    %convert_element_type3A = arith.extui %lt3A_575 : i1 to i32
    %cond3A = arith.constant 0 : i32
    %cond3A_576 = arith.cmpi ne, %convert_element_type3A, %cond3A : i32
    scf.if %cond3A_576 {
      %add3A_649 = arith.constant 2496 : i32
      %add3A_650 = arith.addi %add3A_649, %arg1 : i32
      %run_scoped3A_651 = arith.constant 0 : i32
      "tpu.region"() ({
        %run_scoped3A_746 = tpu.sem_alloc : memref<!tpu.dma_semaphore, #tpu.memory_space<semaphore_mem>>
        %dma_start3A_747 = arith.constant 0 : i32
        %dma_start3A_748 = arith.constant 0 : i32
        %dma_start3A_749 = arith.constant 0 : i32
        %dma_start3A_750 = tpu.memref_slice %arg6[%run_scoped3A_651, %dma_start3A_747, %dma_start3A_748, %dma_start3A_749] : memref<2x12x2x128xi32, #tpu.memory_space<vmem>> -> memref<1x1x2x128xi32, #tpu.memory_space<vmem>>
        %dma_start3A_751 = tpu.memref_squeeze %dma_start3A_750 : memref<1x1x2x128xi32, #tpu.memory_space<vmem>> -> memref<1x2x128xi32, #tpu.memory_space<vmem>>
        %dma_start3A_752 = arith.constant 0 : i32
        %dma_start3A_753 = arith.constant 0 : i32
        %dma_start3A_754 = tpu.memref_slice %arg2[%add3A_650, %dma_start3A_752, %dma_start3A_753] : memref<2500x2x128xi32, #tpu.memory_space<hbm>> -> memref<1x2x128xi32, #tpu.memory_space<hbm>>
        %dma_start3A_755 = arith.constant 0 : i32
        %dma_start3A_756 = arith.constant 0 : i32
        %dma_start3A_757 = arith.constant 0 : i32
        %dma_start3A_758 = tpu.memref_slice %arg6[%run_scoped3A_651, %dma_start3A_755, %dma_start3A_756, %dma_start3A_757] : memref<2x12x2x128xi32, #tpu.memory_space<vmem>> -> memref<1x1x2x128xi32, #tpu.memory_space<vmem>>
        %dma_start3A_759 = tpu.memref_squeeze %dma_start3A_758 : memref<1x1x2x128xi32, #tpu.memory_space<vmem>> -> memref<1x2x128xi32, #tpu.memory_space<vmem>>
        %dma_start3A_760 = arith.constant 0 : i32
        %dma_start3A_761 = arith.constant 0 : i32
        %dma_start3A_762 = tpu.memref_slice %arg2[%add3A_650, %dma_start3A_760, %dma_start3A_761] : memref<2500x2x128xi32, #tpu.memory_space<hbm>> -> memref<1x2x128xi32, #tpu.memory_space<hbm>>
        tpu.enqueue_dma source(%dma_start3A_762 : memref<1x2x128xi32, #tpu.memory_space<hbm>>) target(%dma_start3A_759 : memref<1x2x128xi32, #tpu.memory_space<vmem>>) target_semaphore(%run_scoped3A_746 : memref<!tpu.dma_semaphore, #tpu.memory_space<semaphore_mem>>)
        %dma_wait3A_763 = arith.constant 0 : i32
        %dma_wait3A_764 = arith.constant 0 : i32
        %dma_wait3A_765 = arith.constant 0 : i32
        %dma_wait3A_766 = tpu.memref_slice %arg6[%run_scoped3A_651, %dma_wait3A_763, %dma_wait3A_764, %dma_wait3A_765] : memref<2x12x2x128xi32, #tpu.memory_space<vmem>> -> memref<1x1x2x128xi32, #tpu.memory_space<vmem>>
        %dma_wait3A_767 = tpu.memref_squeeze %dma_wait3A_766 : memref<1x1x2x128xi32, #tpu.memory_space<vmem>> -> memref<1x2x128xi32, #tpu.memory_space<vmem>>
        %dma_wait3A_768 = arith.constant 0 : i32
        %dma_wait3A_769 = arith.constant 0 : i32
        %dma_wait3A_770 = tpu.memref_slice %arg2[%add3A_650, %dma_wait3A_768, %dma_wait3A_769] : memref<2500x2x128xi32, #tpu.memory_space<hbm>> -> memref<1x2x128xi32, #tpu.memory_space<hbm>>
        %dma_wait3A_771 = arith.constant 0 : i32
        %dma_wait3A_772 = arith.constant 0 : i32
        %dma_wait3A_773 = arith.constant 0 : i32
        %dma_wait3A_774 = tpu.memref_slice %arg6[%run_scoped3A_651, %dma_wait3A_771, %dma_wait3A_772, %dma_wait3A_773] : memref<2x12x2x128xi32, #tpu.memory_space<vmem>> -> memref<1x1x2x128xi32, #tpu.memory_space<vmem>>
        %dma_wait3A_775 = tpu.memref_squeeze %dma_wait3A_774 : memref<1x1x2x128xi32, #tpu.memory_space<vmem>> -> memref<1x2x128xi32, #tpu.memory_space<vmem>>
        %dma_wait3A_776 = arith.constant 0 : i32
        %dma_wait3A_777 = arith.constant 0 : i32
        %dma_wait3A_778 = tpu.memref_slice %arg2[%add3A_650, %dma_wait3A_776, %dma_wait3A_777] : memref<2500x2x128xi32, #tpu.memory_space<hbm>> -> memref<1x2x128xi32, #tpu.memory_space<hbm>>
        tpu.wait_dma2 semaphore(%run_scoped3A_746 : memref<!tpu.dma_semaphore, #tpu.memory_space<semaphore_mem>>) src(%dma_wait3A_778 : memref<1x2x128xi32, #tpu.memory_space<hbm>>) dst(%dma_wait3A_775 : memref<1x2x128xi32, #tpu.memory_space<vmem>>)
        tpu.yield
      }) : () -> ()
      %get3A = arith.constant 0 : i32
      %get3A_652 = arith.constant 0 : i32
      %get3A_653 = arith.index_cast %get3A : i32 to index
      %get3A_654 = arith.index_cast %get3A_652 : i32 to index
      %get3A_655 = arith.index_cast %arg0 : i32 to index
      %get3A_656 = arith.constant 0 : index
      %get3A_657 = tpu.vector_load %arg6[%get3A_653, %get3A_654, %get3A_655, %get3A_656] {strides = array<i32>} : memref<2x12x2x128xi32, #tpu.memory_space<vmem>>, vector<16xi32>,
      %broadcast_in_dim3A_658 = arith.constant true
      %broadcast_in_dim3A_659 = vector.broadcast %broadcast_in_dim3A_658 : i1 to vector<16xi1>
      %unique3A, %unique3A_660 = tpu.scan_count mask(%broadcast_in_dim3A_659 : vector<16xi1>) value(%get3A_657 : vector<16xi32>) : vector<16xi1>, vector<16xi32>
      %convert_element_type3A_661 = arith.sitofp %unique3A_660 : vector<16xi32> to vector<16xf32>
      tpu.vector_store_idx %arg5[%get3A_657], %convert_element_type3A_661 masked %unique3A {add = true} : memref<10240xf32, #tpu.memory_space<vmem>>[vector<16xi32>], vector<16xf32>, vector<16xi1>
      %get3A_662 = arith.constant 0 : i32
      %get3A_663 = arith.constant 0 : i32
      %get3A_664 = arith.index_cast %get3A_662 : i32 to index
      %get3A_665 = arith.index_cast %get3A_663 : i32 to index
      %get3A_666 = arith.index_cast %arg0 : i32 to index
      %get3A_667 = arith.constant 16 : index
      %get3A_668 = tpu.vector_load %arg6[%get3A_664, %get3A_665, %get3A_666, %get3A_667] {strides = array<i32>} : memref<2x12x2x128xi32, #tpu.memory_space<vmem>>, vector<16xi32>,
      %broadcast_in_dim3A_669 = arith.constant true
      %broadcast_in_dim3A_670 = vector.broadcast %broadcast_in_dim3A_669 : i1 to vector<16xi1>
      %unique3A_671, %unique3A_672 = tpu.scan_count mask(%broadcast_in_dim3A_670 : vector<16xi1>) value(%get3A_668 : vector<16xi32>) : vector<16xi1>, vector<16xi32>
      %convert_element_type3A_673 = arith.sitofp %unique3A_672 : vector<16xi32> to vector<16xf32>
      tpu.vector_store_idx %arg5[%get3A_668], %convert_element_type3A_673 masked %unique3A_671 {add = true} : memref<10240xf32, #tpu.memory_space<vmem>>[vector<16xi32>], vector<16xf32>, vector<16xi1>
      %get3A_674 = arith.constant 0 : i32
      %get3A_675 = arith.constant 0 : i32
      %get3A_676 = arith.index_cast %get3A_674 : i32 to index
      %get3A_677 = arith.index_cast %get3A_675 : i32 to index
      %get3A_678 = arith.index_cast %arg0 : i32 to index
      %get3A_679 = arith.constant 32 : index
      %get3A_680 = tpu.vector_load %arg6[%get3A_676, %get3A_677, %get3A_678, %get3A_679] {strides = array<i32>} : memref<2x12x2x128xi32, #tpu.memory_space<vmem>>, vector<16xi32>,
      %broadcast_in_dim3A_681 = arith.constant true
      %broadcast_in_dim3A_682 = vector.broadcast %broadcast_in_dim3A_681 : i1 to vector<16xi1>
      %unique3A_683, %unique3A_684 = tpu.scan_count mask(%broadcast_in_dim3A_682 : vector<16xi1>) value(%get3A_680 : vector<16xi32>) : vector<16xi1>, vector<16xi32>
      %convert_element_type3A_685 = arith.sitofp %unique3A_684 : vector<16xi32> to vector<16xf32>
      tpu.vector_store_idx %arg5[%get3A_680], %convert_element_type3A_685 masked %unique3A_683 {add = true} : memref<10240xf32, #tpu.memory_space<vmem>>[vector<16xi32>], vector<16xf32>, vector<16xi1>
      %get3A_686 = arith.constant 0 : i32
      %get3A_687 = arith.constant 0 : i32
      %get3A_688 = arith.index_cast %get3A_686 : i32 to index
      %get3A_689 = arith.index_cast %get3A_687 : i32 to index
      %get3A_690 = arith.index_cast %arg0 : i32 to index
      %get3A_691 = arith.constant 48 : index
      %get3A_692 = tpu.vector_load %arg6[%get3A_688, %get3A_689, %get3A_690, %get3A_691] {strides = array<i32>} : memref<2x12x2x128xi32, #tpu.memory_space<vmem>>, vector<16xi32>,
      %broadcast_in_dim3A_693 = arith.constant true
      %broadcast_in_dim3A_694 = vector.broadcast %broadcast_in_dim3A_693 : i1 to vector<16xi1>
      %unique3A_695, %unique3A_696 = tpu.scan_count mask(%broadcast_in_dim3A_694 : vector<16xi1>) value(%get3A_692 : vector<16xi32>) : vector<16xi1>, vector<16xi32>
      %convert_element_type3A_697 = arith.sitofp %unique3A_696 : vector<16xi32> to vector<16xf32>
      tpu.vector_store_idx %arg5[%get3A_692], %convert_element_type3A_697 masked %unique3A_695 {add = true} : memref<10240xf32, #tpu.memory_space<vmem>>[vector<16xi32>], vector<16xf32>, vector<16xi1>
      %get3A_698 = arith.constant 0 : i32
      %get3A_699 = arith.constant 0 : i32
      %get3A_700 = arith.index_cast %get3A_698 : i32 to index
      %get3A_701 = arith.index_cast %get3A_699 : i32 to index
      %get3A_702 = arith.index_cast %arg0 : i32 to index
      %get3A_703 = arith.constant 64 : index
      %get3A_704 = tpu.vector_load %arg6[%get3A_700, %get3A_701, %get3A_702, %get3A_703] {strides = array<i32>} : memref<2x12x2x128xi32, #tpu.memory_space<vmem>>, vector<16xi32>,
      %broadcast_in_dim3A_705 = arith.constant true
      %broadcast_in_dim3A_706 = vector.broadcast %broadcast_in_dim3A_705 : i1 to vector<16xi1>
      %unique3A_707, %unique3A_708 = tpu.scan_count mask(%broadcast_in_dim3A_706 : vector<16xi1>) value(%get3A_704 : vector<16xi32>) : vector<16xi1>, vector<16xi32>
      %convert_element_type3A_709 = arith.sitofp %unique3A_708 : vector<16xi32> to vector<16xf32>
      tpu.vector_store_idx %arg5[%get3A_704], %convert_element_type3A_709 masked %unique3A_707 {add = true} : memref<10240xf32, #tpu.memory_space<vmem>>[vector<16xi32>], vector<16xf32>, vector<16xi1>
      %get3A_710 = arith.constant 0 : i32
      %get3A_711 = arith.constant 0 : i32
      %get3A_712 = arith.index_cast %get3A_710 : i32 to index
      %get3A_713 = arith.index_cast %get3A_711 : i32 to index
      %get3A_714 = arith.index_cast %arg0 : i32 to index
      %get3A_715 = arith.constant 80 : index
      %get3A_716 = tpu.vector_load %arg6[%get3A_712, %get3A_713, %get3A_714, %get3A_715] {strides = array<i32>} : memref<2x12x2x128xi32, #tpu.memory_space<vmem>>, vector<16xi32>,
      %broadcast_in_dim3A_717 = arith.constant true
      %broadcast_in_dim3A_718 = vector.broadcast %broadcast_in_dim3A_717 : i1 to vector<16xi1>
      %unique3A_719, %unique3A_720 = tpu.scan_count mask(%broadcast_in_dim3A_718 : vector<16xi1>) value(%get3A_716 : vector<16xi32>) : vector<16xi1>, vector<16xi32>
      %convert_element_type3A_721 = arith.sitofp %unique3A_720 : vector<16xi32> to vector<16xf32>
      tpu.vector_store_idx %arg5[%get3A_716], %convert_element_type3A_721 masked %unique3A_719 {add = true} : memref<10240xf32, #tpu.memory_space<vmem>>[vector<16xi32>], vector<16xf32>, vector<16xi1>
      %get3A_722 = arith.constant 0 : i32
      %get3A_723 = arith.constant 0 : i32
      %get3A_724 = arith.index_cast %get3A_722 : i32 to index
      %get3A_725 = arith.index_cast %get3A_723 : i32 to index
      %get3A_726 = arith.index_cast %arg0 : i32 to index
      %get3A_727 = arith.constant 96 : index
      %get3A_728 = tpu.vector_load %arg6[%get3A_724, %get3A_725, %get3A_726, %get3A_727] {strides = array<i32>} : memref<2x12x2x128xi32, #tpu.memory_space<vmem>>, vector<16xi32>,
      %broadcast_in_dim3A_729 = arith.constant true
      %broadcast_in_dim3A_730 = vector.broadcast %broadcast_in_dim3A_729 : i1 to vector<16xi1>
      %unique3A_731, %unique3A_732 = tpu.scan_count mask(%broadcast_in_dim3A_730 : vector<16xi1>) value(%get3A_728 : vector<16xi32>) : vector<16xi1>, vector<16xi32>
      %convert_element_type3A_733 = arith.sitofp %unique3A_732 : vector<16xi32> to vector<16xf32>
      tpu.vector_store_idx %arg5[%get3A_728], %convert_element_type3A_733 masked %unique3A_731 {add = true} : memref<10240xf32, #tpu.memory_space<vmem>>[vector<16xi32>], vector<16xf32>, vector<16xi1>
      %get3A_734 = arith.constant 0 : i32
      %get3A_735 = arith.constant 0 : i32
      %get3A_736 = arith.index_cast %get3A_734 : i32 to index
      %get3A_737 = arith.index_cast %get3A_735 : i32 to index
      %get3A_738 = arith.index_cast %arg0 : i32 to index
      %get3A_739 = arith.constant 112 : index
      %get3A_740 = tpu.vector_load %arg6[%get3A_736, %get3A_737, %get3A_738, %get3A_739] {strides = array<i32>} : memref<2x12x2x128xi32, #tpu.memory_space<vmem>>, vector<16xi32>,
      %broadcast_in_dim3A_741 = arith.constant true
      %broadcast_in_dim3A_742 = vector.broadcast %broadcast_in_dim3A_741 : i1 to vector<16xi1>
      %unique3A_743, %unique3A_744 = tpu.scan_count mask(%broadcast_in_dim3A_742 : vector<16xi1>) value(%get3A_740 : vector<16xi32>) : vector<16xi1>, vector<16xi32>
      %convert_element_type3A_745 = arith.sitofp %unique3A_744 : vector<16xi32> to vector<16xf32>
      tpu.vector_store_idx %arg5[%get3A_740], %convert_element_type3A_745 masked %unique3A_743 {add = true} : memref<10240xf32, #tpu.memory_space<vmem>>[vector<16xi32>], vector<16xf32>, vector<16xi1>
    } else {
    }
    "tpu.region"() ({
      %run_scoped3A_649 = tpu.sem_alloc : memref<!tpu.dma_semaphore, #tpu.memory_space<semaphore_mem>>
      %dma_start3A_650 = arith.constant 0 : i32
      %dma_start3A_651 = tpu.memref_slice %arg4[%arg1, %dma_start3A_650] : memref<16x10240xf32, #tpu.memory_space<vmem_shared>> -> memref<1x10240xf32, #tpu.memory_space<vmem_shared>>
      %dma_start3A_652 = tpu.memref_squeeze %dma_start3A_651 : memref<1x10240xf32, #tpu.memory_space<vmem_shared>> -> memref<10240xf32, #tpu.memory_space<vmem_shared>>
      %dma_start3A_653 = arith.constant 0 : i32
      %dma_start3A_654 = tpu.memref_slice %arg4[%arg1, %dma_start3A_653] : memref<16x10240xf32, #tpu.memory_space<vmem_shared>> -> memref<1x10240xf32, #tpu.memory_space<vmem_shared>>
      %dma_start3A_655 = tpu.memref_squeeze %dma_start3A_654 : memref<1x10240xf32, #tpu.memory_space<vmem_shared>> -> memref<10240xf32, #tpu.memory_space<vmem_shared>>
      tpu.enqueue_dma source(%arg5 : memref<10240xf32, #tpu.memory_space<vmem>>) target(%dma_start3A_655 : memref<10240xf32, #tpu.memory_space<vmem_shared>>) target_semaphore(%run_scoped3A_649 : memref<!tpu.dma_semaphore, #tpu.memory_space<semaphore_mem>>)
      %dma_wait3A_656 = arith.constant 0 : i32
      %dma_wait3A_657 = tpu.memref_slice %arg4[%arg1, %dma_wait3A_656] : memref<16x10240xf32, #tpu.memory_space<vmem_shared>> -> memref<1x10240xf32, #tpu.memory_space<vmem_shared>>
      %dma_wait3A_658 = tpu.memref_squeeze %dma_wait3A_657 : memref<1x10240xf32, #tpu.memory_space<vmem_shared>> -> memref<10240xf32, #tpu.memory_space<vmem_shared>>
      %dma_wait3A_659 = arith.constant 0 : i32
      %dma_wait3A_660 = tpu.memref_slice %arg4[%arg1, %dma_wait3A_659] : memref<16x10240xf32, #tpu.memory_space<vmem_shared>> -> memref<1x10240xf32, #tpu.memory_space<vmem_shared>>
      %dma_wait3A_661 = tpu.memref_squeeze %dma_wait3A_660 : memref<1x10240xf32, #tpu.memory_space<vmem_shared>> -> memref<10240xf32, #tpu.memory_space<vmem_shared>>
      tpu.wait_dma2 semaphore(%run_scoped3A_649 : memref<!tpu.dma_semaphore, #tpu.memory_space<semaphore_mem>>) src(%arg5 : memref<10240xf32, #tpu.memory_space<vmem>>) dst(%dma_wait3A_661 : memref<10240xf32, #tpu.memory_space<vmem_shared>>)
      tpu.yield
    }) : () -> ()
    %barrier3A = arith.constant 0 : index
    tpu.barrier barrier_id(%barrier3A)
    %mul3A_577 = arith.constant 640 : i32
    %mul3A_578 = arith.muli %arg1, %mul3A_577 : i32
    %run_scoped3A = arith.constant 0 : i32
    %run_scoped3A_579 = arith.constant 0 : i32
    "tpu.region"() ({
      %run_scoped3A_649 = tpu.sem_alloc : memref<!tpu.dma_semaphore, #tpu.memory_space<semaphore_mem>>
      %dma_start3A_650 = arith.constant 0 : i32
      %dma_start3A_651 = tpu.memref_slice %arg7[%run_scoped3A_579, %dma_start3A_650] : memref<16x640xf32, #tpu.memory_space<vmem>> -> memref<1x640xf32, #tpu.memory_space<vmem>>
      %dma_start3A_652 = tpu.memref_squeeze %dma_start3A_651 : memref<1x640xf32, #tpu.memory_space<vmem>> -> memref<640xf32, #tpu.memory_space<vmem>>
      %dma_start3A_653 = tpu.memref_slice %arg4[%run_scoped3A, %mul3A_578] : memref<16x10240xf32, #tpu.memory_space<vmem_shared>> -> memref<1x640xf32, #tpu.memory_space<vmem_shared>>
      %dma_start3A_654 = tpu.memref_squeeze %dma_start3A_653 : memref<1x640xf32, #tpu.memory_space<vmem_shared>> -> memref<640xf32, #tpu.memory_space<vmem_shared>>
      %dma_start3A_655 = arith.constant 0 : i32
      %dma_start3A_656 = tpu.memref_slice %arg7[%run_scoped3A_579, %dma_start3A_655] : memref<16x640xf32, #tpu.memory_space<vmem>> -> memref<1x640xf32, #tpu.memory_space<vmem>>
      %dma_start3A_657 = tpu.memref_squeeze %dma_start3A_656 : memref<1x640xf32, #tpu.memory_space<vmem>> -> memref<640xf32, #tpu.memory_space<vmem>>
      %dma_start3A_658 = tpu.memref_slice %arg4[%run_scoped3A, %mul3A_578] : memref<16x10240xf32, #tpu.memory_space<vmem_shared>> -> memref<1x640xf32, #tpu.memory_space<vmem_shared>>
      %dma_start3A_659 = tpu.memref_squeeze %dma_start3A_658 : memref<1x640xf32, #tpu.memory_space<vmem_shared>> -> memref<640xf32, #tpu.memory_space<vmem_shared>>
      tpu.enqueue_dma source(%dma_start3A_659 : memref<640xf32, #tpu.memory_space<vmem_shared>>) target(%dma_start3A_657 : memref<640xf32, #tpu.memory_space<vmem>>) target_semaphore(%run_scoped3A_649 : memref<!tpu.dma_semaphore, #tpu.memory_space<semaphore_mem>>)
      %dma_wait3A_660 = arith.constant 0 : i32
      %dma_wait3A_661 = tpu.memref_slice %arg7[%run_scoped3A_579, %dma_wait3A_660] : memref<16x640xf32, #tpu.memory_space<vmem>> -> memref<1x640xf32, #tpu.memory_space<vmem>>
      %dma_wait3A_662 = tpu.memref_squeeze %dma_wait3A_661 : memref<1x640xf32, #tpu.memory_space<vmem>> -> memref<640xf32, #tpu.memory_space<vmem>>
      %dma_wait3A_663 = tpu.memref_slice %arg4[%run_scoped3A, %mul3A_578] : memref<16x10240xf32, #tpu.memory_space<vmem_shared>> -> memref<1x640xf32, #tpu.memory_space<vmem_shared>>
      %dma_wait3A_664 = tpu.memref_squeeze %dma_wait3A_663 : memref<1x640xf32, #tpu.memory_space<vmem_shared>> -> memref<640xf32, #tpu.memory_space<vmem_shared>>
      %dma_wait3A_665 = arith.constant 0 : i32
      %dma_wait3A_666 = tpu.memref_slice %arg7[%run_scoped3A_579, %dma_wait3A_665] : memref<16x640xf32, #tpu.memory_space<vmem>> -> memref<1x640xf32, #tpu.memory_space<vmem>>
      %dma_wait3A_667 = tpu.memref_squeeze %dma_wait3A_666 : memref<1x640xf32, #tpu.memory_space<vmem>> -> memref<640xf32, #tpu.memory_space<vmem>>
      %dma_wait3A_668 = tpu.memref_slice %arg4[%run_scoped3A, %mul3A_578] : memref<16x10240xf32, #tpu.memory_space<vmem_shared>> -> memref<1x640xf32, #tpu.memory_space<vmem_shared>>
      %dma_wait3A_669 = tpu.memref_squeeze %dma_wait3A_668 : memref<1x640xf32, #tpu.memory_space<vmem_shared>> -> memref<640xf32, #tpu.memory_space<vmem_shared>>
      tpu.wait_dma2 semaphore(%run_scoped3A_649 : memref<!tpu.dma_semaphore, #tpu.memory_space<semaphore_mem>>) src(%dma_wait3A_669 : memref<640xf32, #tpu.memory_space<vmem_shared>>) dst(%dma_wait3A_667 : memref<640xf32, #tpu.memory_space<vmem>>)
      tpu.yield
    }) : () -> ()
    %mul3A_580 = arith.constant 640 : i32
    %mul3A_581 = arith.muli %arg1, %mul3A_580 : i32
    %run_scoped3A_582 = arith.constant 1 : i32
    %run_scoped3A_583 = arith.constant 1 : i32
    "tpu.region"() ({
      %run_scoped3A_649 = tpu.sem_alloc : memref<!tpu.dma_semaphore, #tpu.memory_space<semaphore_mem>>
      %dma_start3A_650 = arith.constant 0 : i32
      %dma_start3A_651 = tpu.memref_slice %arg7[%run_scoped3A_583, %dma_start3A_650] : memref<16x640xf32, #tpu.memory_space<vmem>> -> memref<1x640xf32, #tpu.memory_space<vmem>>
      %dma_start3A_652 = tpu.memref_squeeze %dma_start3A_651 : memref<1x640xf32, #tpu.memory_space<vmem>> -> memref<640xf32, #tpu.memory_space<vmem>>
      %dma_start3A_653 = tpu.memref_slice %arg4[%run_scoped3A_582, %mul3A_581] : memref<16x10240xf32, #tpu.memory_space<vmem_shared>> -> memref<1x640xf32, #tpu.memory_space<vmem_shared>>
      %dma_start3A_654 = tpu.memref_squeeze %dma_start3A_653 : memref<1x640xf32, #tpu.memory_space<vmem_shared>> -> memref<640xf32, #tpu.memory_space<vmem_shared>>
      %dma_start3A_655 = arith.constant 0 : i32
      %dma_start3A_656 = tpu.memref_slice %arg7[%run_scoped3A_583, %dma_start3A_655] : memref<16x640xf32, #tpu.memory_space<vmem>> -> memref<1x640xf32, #tpu.memory_space<vmem>>
      %dma_start3A_657 = tpu.memref_squeeze %dma_start3A_656 : memref<1x640xf32, #tpu.memory_space<vmem>> -> memref<640xf32, #tpu.memory_space<vmem>>
      %dma_start3A_658 = tpu.memref_slice %arg4[%run_scoped3A_582, %mul3A_581] : memref<16x10240xf32, #tpu.memory_space<vmem_shared>> -> memref<1x640xf32, #tpu.memory_space<vmem_shared>>
      %dma_start3A_659 = tpu.memref_squeeze %dma_start3A_658 : memref<1x640xf32, #tpu.memory_space<vmem_shared>> -> memref<640xf32, #tpu.memory_space<vmem_shared>>
      tpu.enqueue_dma source(%dma_start3A_659 : memref<640xf32, #tpu.memory_space<vmem_shared>>) target(%dma_start3A_657 : memref<640xf32, #tpu.memory_space<vmem>>) target_semaphore(%run_scoped3A_649 : memref<!tpu.dma_semaphore, #tpu.memory_space<semaphore_mem>>)
      %dma_wait3A_660 = arith.constant 0 : i32
      %dma_wait3A_661 = tpu.memref_slice %arg7[%run_scoped3A_583, %dma_wait3A_660] : memref<16x640xf32, #tpu.memory_space<vmem>> -> memref<1x640xf32, #tpu.memory_space<vmem>>
      %dma_wait3A_662 = tpu.memref_squeeze %dma_wait3A_661 : memref<1x640xf32, #tpu.memory_space<vmem>> -> memref<640xf32, #tpu.memory_space<vmem>>
      %dma_wait3A_663 = tpu.memref_slice %arg4[%run_scoped3A_582, %mul3A_581] : memref<16x10240xf32, #tpu.memory_space<vmem_shared>> -> memref<1x640xf32, #tpu.memory_space<vmem_shared>>
      %dma_wait3A_664 = tpu.memref_squeeze %dma_wait3A_663 : memref<1x640xf32, #tpu.memory_space<vmem_shared>> -> memref<640xf32, #tpu.memory_space<vmem_shared>>
      %dma_wait3A_665 = arith.constant 0 : i32
      %dma_wait3A_666 = tpu.memref_slice %arg7[%run_scoped3A_583, %dma_wait3A_665] : memref<16x640xf32, #tpu.memory_space<vmem>> -> memref<1x640xf32, #tpu.memory_space<vmem>>
      %dma_wait3A_667 = tpu.memref_squeeze %dma_wait3A_666 : memref<1x640xf32, #tpu.memory_space<vmem>> -> memref<640xf32, #tpu.memory_space<vmem>>
      %dma_wait3A_668 = tpu.memref_slice %arg4[%run_scoped3A_582, %mul3A_581] : memref<16x10240xf32, #tpu.memory_space<vmem_shared>> -> memref<1x640xf32, #tpu.memory_space<vmem_shared>>
      %dma_wait3A_669 = tpu.memref_squeeze %dma_wait3A_668 : memref<1x640xf32, #tpu.memory_space<vmem_shared>> -> memref<640xf32, #tpu.memory_space<vmem_shared>>
      tpu.wait_dma2 semaphore(%run_scoped3A_649 : memref<!tpu.dma_semaphore, #tpu.memory_space<semaphore_mem>>) src(%dma_wait3A_669 : memref<640xf32, #tpu.memory_space<vmem_shared>>) dst(%dma_wait3A_667 : memref<640xf32, #tpu.memory_space<vmem>>)
      tpu.yield
    }) : () -> ()
    %mul3A_584 = arith.constant 640 : i32
    %mul3A_585 = arith.muli %arg1, %mul3A_584 : i32
    %run_scoped3A_586 = arith.constant 2 : i32
    %run_scoped3A_587 = arith.constant 2 : i32
    "tpu.region"() ({
      %run_scoped3A_649 = tpu.sem_alloc : memref<!tpu.dma_semaphore, #tpu.memory_space<semaphore_mem>>
      %dma_start3A_650 = arith.constant 0 : i32
      %dma_start3A_651 = tpu.memref_slice %arg7[%run_scoped3A_587, %dma_start3A_650] : memref<16x640xf32, #tpu.memory_space<vmem>> -> memref<1x640xf32, #tpu.memory_space<vmem>>
      %dma_start3A_652 = tpu.memref_squeeze %dma_start3A_651 : memref<1x640xf32, #tpu.memory_space<vmem>> -> memref<640xf32, #tpu.memory_space<vmem>>
      %dma_start3A_653 = tpu.memref_slice %arg4[%run_scoped3A_586, %mul3A_585] : memref<16x10240xf32, #tpu.memory_space<vmem_shared>> -> memref<1x640xf32, #tpu.memory_space<vmem_shared>>
      %dma_start3A_654 = tpu.memref_squeeze %dma_start3A_653 : memref<1x640xf32, #tpu.memory_space<vmem_shared>> -> memref<640xf32, #tpu.memory_space<vmem_shared>>
      %dma_start3A_655 = arith.constant 0 : i32
      %dma_start3A_656 = tpu.memref_slice %arg7[%run_scoped3A_587, %dma_start3A_655] : memref<16x640xf32, #tpu.memory_space<vmem>> -> memref<1x640xf32, #tpu.memory_space<vmem>>
      %dma_start3A_657 = tpu.memref_squeeze %dma_start3A_656 : memref<1x640xf32, #tpu.memory_space<vmem>> -> memref<640xf32, #tpu.memory_space<vmem>>
      %dma_start3A_658 = tpu.memref_slice %arg4[%run_scoped3A_586, %mul3A_585] : memref<16x10240xf32, #tpu.memory_space<vmem_shared>> -> memref<1x640xf32, #tpu.memory_space<vmem_shared>>
      %dma_start3A_659 = tpu.memref_squeeze %dma_start3A_658 : memref<1x640xf32, #tpu.memory_space<vmem_shared>> -> memref<640xf32, #tpu.memory_space<vmem_shared>>
      tpu.enqueue_dma source(%dma_start3A_659 : memref<640xf32, #tpu.memory_space<vmem_shared>>) target(%dma_start3A_657 : memref<640xf32, #tpu.memory_space<vmem>>) target_semaphore(%run_scoped3A_649 : memref<!tpu.dma_semaphore, #tpu.memory_space<semaphore_mem>>)
      %dma_wait3A_660 = arith.constant 0 : i32
      %dma_wait3A_661 = tpu.memref_slice %arg7[%run_scoped3A_587, %dma_wait3A_660] : memref<16x640xf32, #tpu.memory_space<vmem>> -> memref<1x640xf32, #tpu.memory_space<vmem>>
      %dma_wait3A_662 = tpu.memref_squeeze %dma_wait3A_661 : memref<1x640xf32, #tpu.memory_space<vmem>> -> memref<640xf32, #tpu.memory_space<vmem>>
      %dma_wait3A_663 = tpu.memref_slice %arg4[%run_scoped3A_586, %mul3A_585] : memref<16x10240xf32, #tpu.memory_space<vmem_shared>> -> memref<1x640xf32, #tpu.memory_space<vmem_shared>>
      %dma_wait3A_664 = tpu.memref_squeeze %dma_wait3A_663 : memref<1x640xf32, #tpu.memory_space<vmem_shared>> -> memref<640xf32, #tpu.memory_space<vmem_shared>>
      %dma_wait3A_665 = arith.constant 0 : i32
      %dma_wait3A_666 = tpu.memref_slice %arg7[%run_scoped3A_587, %dma_wait3A_665] : memref<16x640xf32, #tpu.memory_space<vmem>> -> memref<1x640xf32, #tpu.memory_space<vmem>>
      %dma_wait3A_667 = tpu.memref_squeeze %dma_wait3A_666 : memref<1x640xf32, #tpu.memory_space<vmem>> -> memref<640xf32, #tpu.memory_space<vmem>>
      %dma_wait3A_668 = tpu.memref_slice %arg4[%run_scoped3A_586, %mul3A_585] : memref<16x10240xf32, #tpu.memory_space<vmem_shared>> -> memref<1x640xf32, #tpu.memory_space<vmem_shared>>
      %dma_wait3A_669 = tpu.memref_squeeze %dma_wait3A_668 : memref<1x640xf32, #tpu.memory_space<vmem_shared>> -> memref<640xf32, #tpu.memory_space<vmem_shared>>
      tpu.wait_dma2 semaphore(%run_scoped3A_649 : memref<!tpu.dma_semaphore, #tpu.memory_space<semaphore_mem>>) src(%dma_wait3A_669 : memref<640xf32, #tpu.memory_space<vmem_shared>>) dst(%dma_wait3A_667 : memref<640xf32, #tpu.memory_space<vmem>>)
      tpu.yield
    }) : () -> ()
    %mul3A_588 = arith.constant 640 : i32
    %mul3A_589 = arith.muli %arg1, %mul3A_588 : i32
    %run_scoped3A_590 = arith.constant 3 : i32
    %run_scoped3A_591 = arith.constant 3 : i32
    "tpu.region"() ({
      %run_scoped3A_649 = tpu.sem_alloc : memref<!tpu.dma_semaphore, #tpu.memory_space<semaphore_mem>>
      %dma_start3A_650 = arith.constant 0 : i32
      %dma_start3A_651 = tpu.memref_slice %arg7[%run_scoped3A_591, %dma_start3A_650] : memref<16x640xf32, #tpu.memory_space<vmem>> -> memref<1x640xf32, #tpu.memory_space<vmem>>
      %dma_start3A_652 = tpu.memref_squeeze %dma_start3A_651 : memref<1x640xf32, #tpu.memory_space<vmem>> -> memref<640xf32, #tpu.memory_space<vmem>>
      %dma_start3A_653 = tpu.memref_slice %arg4[%run_scoped3A_590, %mul3A_589] : memref<16x10240xf32, #tpu.memory_space<vmem_shared>> -> memref<1x640xf32, #tpu.memory_space<vmem_shared>>
      %dma_start3A_654 = tpu.memref_squeeze %dma_start3A_653 : memref<1x640xf32, #tpu.memory_space<vmem_shared>> -> memref<640xf32, #tpu.memory_space<vmem_shared>>
      %dma_start3A_655 = arith.constant 0 : i32
      %dma_start3A_656 = tpu.memref_slice %arg7[%run_scoped3A_591, %dma_start3A_655] : memref<16x640xf32, #tpu.memory_space<vmem>> -> memref<1x640xf32, #tpu.memory_space<vmem>>
      %dma_start3A_657 = tpu.memref_squeeze %dma_start3A_656 : memref<1x640xf32, #tpu.memory_space<vmem>> -> memref<640xf32, #tpu.memory_space<vmem>>
      %dma_start3A_658 = tpu.memref_slice %arg4[%run_scoped3A_590, %mul3A_589] : memref<16x10240xf32, #tpu.memory_space<vmem_shared>> -> memref<1x640xf32, #tpu.memory_space<vmem_shared>>
      %dma_start3A_659 = tpu.memref_squeeze %dma_start3A_658 : memref<1x640xf32, #tpu.memory_space<vmem_shared>> -> memref<640xf32, #tpu.memory_space<vmem_shared>>
      tpu.enqueue_dma source(%dma_start3A_659 : memref<640xf32, #tpu.memory_space<vmem_shared>>) target(%dma_start3A_657 : memref<640xf32, #tpu.memory_space<vmem>>) target_semaphore(%run_scoped3A_649 : memref<!tpu.dma_semaphore, #tpu.memory_space<semaphore_mem>>)
      %dma_wait3A_660 = arith.constant 0 : i32
      %dma_wait3A_661 = tpu.memref_slice %arg7[%run_scoped3A_591, %dma_wait3A_660] : memref<16x640xf32, #tpu.memory_space<vmem>> -> memref<1x640xf32, #tpu.memory_space<vmem>>
      %dma_wait3A_662 = tpu.memref_squeeze %dma_wait3A_661 : memref<1x640xf32, #tpu.memory_space<vmem>> -> memref<640xf32, #tpu.memory_space<vmem>>
      %dma_wait3A_663 = tpu.memref_slice %arg4[%run_scoped3A_590, %mul3A_589] : memref<16x10240xf32, #tpu.memory_space<vmem_shared>> -> memref<1x640xf32, #tpu.memory_space<vmem_shared>>
      %dma_wait3A_664 = tpu.memref_squeeze %dma_wait3A_663 : memref<1x640xf32, #tpu.memory_space<vmem_shared>> -> memref<640xf32, #tpu.memory_space<vmem_shared>>
      %dma_wait3A_665 = arith.constant 0 : i32
      %dma_wait3A_666 = tpu.memref_slice %arg7[%run_scoped3A_591, %dma_wait3A_665] : memref<16x640xf32, #tpu.memory_space<vmem>> -> memref<1x640xf32, #tpu.memory_space<vmem>>
      %dma_wait3A_667 = tpu.memref_squeeze %dma_wait3A_666 : memref<1x640xf32, #tpu.memory_space<vmem>> -> memref<640xf32, #tpu.memory_space<vmem>>
      %dma_wait3A_668 = tpu.memref_slice %arg4[%run_scoped3A_590, %mul3A_589] : memref<16x10240xf32, #tpu.memory_space<vmem_shared>> -> memref<1x640xf32, #tpu.memory_space<vmem_shared>>
      %dma_wait3A_669 = tpu.memref_squeeze %dma_wait3A_668 : memref<1x640xf32, #tpu.memory_space<vmem_shared>> -> memref<640xf32, #tpu.memory_space<vmem_shared>>
      tpu.wait_dma2 semaphore(%run_scoped3A_649 : memref<!tpu.dma_semaphore, #tpu.memory_space<semaphore_mem>>) src(%dma_wait3A_669 : memref<640xf32, #tpu.memory_space<vmem_shared>>) dst(%dma_wait3A_667 : memref<640xf32, #tpu.memory_space<vmem>>)
      tpu.yield
    }) : () -> ()
    %mul3A_592 = arith.constant 640 : i32
    %mul3A_593 = arith.muli %arg1, %mul3A_592 : i32
    %run_scoped3A_594 = arith.constant 4 : i32
    %run_scoped3A_595 = arith.constant 4 : i32
    "tpu.region"() ({
      %run_scoped3A_649 = tpu.sem_alloc : memref<!tpu.dma_semaphore, #tpu.memory_space<semaphore_mem>>
      %dma_start3A_650 = arith.constant 0 : i32
      %dma_start3A_651 = tpu.memref_slice %arg7[%run_scoped3A_595, %dma_start3A_650] : memref<16x640xf32, #tpu.memory_space<vmem>> -> memref<1x640xf32, #tpu.memory_space<vmem>>
      %dma_start3A_652 = tpu.memref_squeeze %dma_start3A_651 : memref<1x640xf32, #tpu.memory_space<vmem>> -> memref<640xf32, #tpu.memory_space<vmem>>
      %dma_start3A_653 = tpu.memref_slice %arg4[%run_scoped3A_594, %mul3A_593] : memref<16x10240xf32, #tpu.memory_space<vmem_shared>> -> memref<1x640xf32, #tpu.memory_space<vmem_shared>>
      %dma_start3A_654 = tpu.memref_squeeze %dma_start3A_653 : memref<1x640xf32, #tpu.memory_space<vmem_shared>> -> memref<640xf32, #tpu.memory_space<vmem_shared>>
      %dma_start3A_655 = arith.constant 0 : i32
      %dma_start3A_656 = tpu.memref_slice %arg7[%run_scoped3A_595, %dma_start3A_655] : memref<16x640xf32, #tpu.memory_space<vmem>> -> memref<1x640xf32, #tpu.memory_space<vmem>>
      %dma_start3A_657 = tpu.memref_squeeze %dma_start3A_656 : memref<1x640xf32, #tpu.memory_space<vmem>> -> memref<640xf32, #tpu.memory_space<vmem>>
      %dma_start3A_658 = tpu.memref_slice %arg4[%run_scoped3A_594, %mul3A_593] : memref<16x10240xf32, #tpu.memory_space<vmem_shared>> -> memref<1x640xf32, #tpu.memory_space<vmem_shared>>
      %dma_start3A_659 = tpu.memref_squeeze %dma_start3A_658 : memref<1x640xf32, #tpu.memory_space<vmem_shared>> -> memref<640xf32, #tpu.memory_space<vmem_shared>>
      tpu.enqueue_dma source(%dma_start3A_659 : memref<640xf32, #tpu.memory_space<vmem_shared>>) target(%dma_start3A_657 : memref<640xf32, #tpu.memory_space<vmem>>) target_semaphore(%run_scoped3A_649 : memref<!tpu.dma_semaphore, #tpu.memory_space<semaphore_mem>>)
      %dma_wait3A_660 = arith.constant 0 : i32
      %dma_wait3A_661 = tpu.memref_slice %arg7[%run_scoped3A_595, %dma_wait3A_660] : memref<16x640xf32, #tpu.memory_space<vmem>> -> memref<1x640xf32, #tpu.memory_space<vmem>>
      %dma_wait3A_662 = tpu.memref_squeeze %dma_wait3A_661 : memref<1x640xf32, #tpu.memory_space<vmem>> -> memref<640xf32, #tpu.memory_space<vmem>>
      %dma_wait3A_663 = tpu.memref_slice %arg4[%run_scoped3A_594, %mul3A_593] : memref<16x10240xf32, #tpu.memory_space<vmem_shared>> -> memref<1x640xf32, #tpu.memory_space<vmem_shared>>
      %dma_wait3A_664 = tpu.memref_squeeze %dma_wait3A_663 : memref<1x640xf32, #tpu.memory_space<vmem_shared>> -> memref<640xf32, #tpu.memory_space<vmem_shared>>
      %dma_wait3A_665 = arith.constant 0 : i32
      %dma_wait3A_666 = tpu.memref_slice %arg7[%run_scoped3A_595, %dma_wait3A_665] : memref<16x640xf32, #tpu.memory_space<vmem>> -> memref<1x640xf32, #tpu.memory_space<vmem>>
      %dma_wait3A_667 = tpu.memref_squeeze %dma_wait3A_666 : memref<1x640xf32, #tpu.memory_space<vmem>> -> memref<640xf32, #tpu.memory_space<vmem>>
      %dma_wait3A_668 = tpu.memref_slice %arg4[%run_scoped3A_594, %mul3A_593] : memref<16x10240xf32, #tpu.memory_space<vmem_shared>> -> memref<1x640xf32, #tpu.memory_space<vmem_shared>>
      %dma_wait3A_669 = tpu.memref_squeeze %dma_wait3A_668 : memref<1x640xf32, #tpu.memory_space<vmem_shared>> -> memref<640xf32, #tpu.memory_space<vmem_shared>>
      tpu.wait_dma2 semaphore(%run_scoped3A_649 : memref<!tpu.dma_semaphore, #tpu.memory_space<semaphore_mem>>) src(%dma_wait3A_669 : memref<640xf32, #tpu.memory_space<vmem_shared>>) dst(%dma_wait3A_667 : memref<640xf32, #tpu.memory_space<vmem>>)
      tpu.yield
    }) : () -> ()
    %mul3A_596 = arith.constant 640 : i32
    %mul3A_597 = arith.muli %arg1, %mul3A_596 : i32
    %run_scoped3A_598 = arith.constant 5 : i32
    %run_scoped3A_599 = arith.constant 5 : i32
    "tpu.region"() ({
      %run_scoped3A_649 = tpu.sem_alloc : memref<!tpu.dma_semaphore, #tpu.memory_space<semaphore_mem>>
      %dma_start3A_650 = arith.constant 0 : i32
      %dma_start3A_651 = tpu.memref_slice %arg7[%run_scoped3A_599, %dma_start3A_650] : memref<16x640xf32, #tpu.memory_space<vmem>> -> memref<1x640xf32, #tpu.memory_space<vmem>>
      %dma_start3A_652 = tpu.memref_squeeze %dma_start3A_651 : memref<1x640xf32, #tpu.memory_space<vmem>> -> memref<640xf32, #tpu.memory_space<vmem>>
      %dma_start3A_653 = tpu.memref_slice %arg4[%run_scoped3A_598, %mul3A_597] : memref<16x10240xf32, #tpu.memory_space<vmem_shared>> -> memref<1x640xf32, #tpu.memory_space<vmem_shared>>
      %dma_start3A_654 = tpu.memref_squeeze %dma_start3A_653 : memref<1x640xf32, #tpu.memory_space<vmem_shared>> -> memref<640xf32, #tpu.memory_space<vmem_shared>>
      %dma_start3A_655 = arith.constant 0 : i32
      %dma_start3A_656 = tpu.memref_slice %arg7[%run_scoped3A_599, %dma_start3A_655] : memref<16x640xf32, #tpu.memory_space<vmem>> -> memref<1x640xf32, #tpu.memory_space<vmem>>
      %dma_start3A_657 = tpu.memref_squeeze %dma_start3A_656 : memref<1x640xf32, #tpu.memory_space<vmem>> -> memref<640xf32, #tpu.memory_space<vmem>>
      %dma_start3A_658 = tpu.memref_slice %arg4[%run_scoped3A_598, %mul3A_597] : memref<16x10240xf32, #tpu.memory_space<vmem_shared>> -> memref<1x640xf32, #tpu.memory_space<vmem_shared>>
      %dma_start3A_659 = tpu.memref_squeeze %dma_start3A_658 : memref<1x640xf32, #tpu.memory_space<vmem_shared>> -> memref<640xf32, #tpu.memory_space<vmem_shared>>
      tpu.enqueue_dma source(%dma_start3A_659 : memref<640xf32, #tpu.memory_space<vmem_shared>>) target(%dma_start3A_657 : memref<640xf32, #tpu.memory_space<vmem>>) target_semaphore(%run_scoped3A_649 : memref<!tpu.dma_semaphore, #tpu.memory_space<semaphore_mem>>)
      %dma_wait3A_660 = arith.constant 0 : i32
      %dma_wait3A_661 = tpu.memref_slice %arg7[%run_scoped3A_599, %dma_wait3A_660] : memref<16x640xf32, #tpu.memory_space<vmem>> -> memref<1x640xf32, #tpu.memory_space<vmem>>
      %dma_wait3A_662 = tpu.memref_squeeze %dma_wait3A_661 : memref<1x640xf32, #tpu.memory_space<vmem>> -> memref<640xf32, #tpu.memory_space<vmem>>
      %dma_wait3A_663 = tpu.memref_slice %arg4[%run_scoped3A_598, %mul3A_597] : memref<16x10240xf32, #tpu.memory_space<vmem_shared>> -> memref<1x640xf32, #tpu.memory_space<vmem_shared>>
      %dma_wait3A_664 = tpu.memref_squeeze %dma_wait3A_663 : memref<1x640xf32, #tpu.memory_space<vmem_shared>> -> memref<640xf32, #tpu.memory_space<vmem_shared>>
      %dma_wait3A_665 = arith.constant 0 : i32
      %dma_wait3A_666 = tpu.memref_slice %arg7[%run_scoped3A_599, %dma_wait3A_665] : memref<16x640xf32, #tpu.memory_space<vmem>> -> memref<1x640xf32, #tpu.memory_space<vmem>>
      %dma_wait3A_667 = tpu.memref_squeeze %dma_wait3A_666 : memref<1x640xf32, #tpu.memory_space<vmem>> -> memref<640xf32, #tpu.memory_space<vmem>>
      %dma_wait3A_668 = tpu.memref_slice %arg4[%run_scoped3A_598, %mul3A_597] : memref<16x10240xf32, #tpu.memory_space<vmem_shared>> -> memref<1x640xf32, #tpu.memory_space<vmem_shared>>
      %dma_wait3A_669 = tpu.memref_squeeze %dma_wait3A_668 : memref<1x640xf32, #tpu.memory_space<vmem_shared>> -> memref<640xf32, #tpu.memory_space<vmem_shared>>
      tpu.wait_dma2 semaphore(%run_scoped3A_649 : memref<!tpu.dma_semaphore, #tpu.memory_space<semaphore_mem>>) src(%dma_wait3A_669 : memref<640xf32, #tpu.memory_space<vmem_shared>>) dst(%dma_wait3A_667 : memref<640xf32, #tpu.memory_space<vmem>>)
      tpu.yield
    }) : () -> ()
    %mul3A_600 = arith.constant 640 : i32
    %mul3A_601 = arith.muli %arg1, %mul3A_600 : i32
    %run_scoped3A_602 = arith.constant 6 : i32
    %run_scoped3A_603 = arith.constant 6 : i32
    "tpu.region"() ({
      %run_scoped3A_649 = tpu.sem_alloc : memref<!tpu.dma_semaphore, #tpu.memory_space<semaphore_mem>>
      %dma_start3A_650 = arith.constant 0 : i32
      %dma_start3A_651 = tpu.memref_slice %arg7[%run_scoped3A_603, %dma_start3A_650] : memref<16x640xf32, #tpu.memory_space<vmem>> -> memref<1x640xf32, #tpu.memory_space<vmem>>
      %dma_start3A_652 = tpu.memref_squeeze %dma_start3A_651 : memref<1x640xf32, #tpu.memory_space<vmem>> -> memref<640xf32, #tpu.memory_space<vmem>>
      %dma_start3A_653 = tpu.memref_slice %arg4[%run_scoped3A_602, %mul3A_601] : memref<16x10240xf32, #tpu.memory_space<vmem_shared>> -> memref<1x640xf32, #tpu.memory_space<vmem_shared>>
      %dma_start3A_654 = tpu.memref_squeeze %dma_start3A_653 : memref<1x640xf32, #tpu.memory_space<vmem_shared>> -> memref<640xf32, #tpu.memory_space<vmem_shared>>
      %dma_start3A_655 = arith.constant 0 : i32
      %dma_start3A_656 = tpu.memref_slice %arg7[%run_scoped3A_603, %dma_start3A_655] : memref<16x640xf32, #tpu.memory_space<vmem>> -> memref<1x640xf32, #tpu.memory_space<vmem>>
      %dma_start3A_657 = tpu.memref_squeeze %dma_start3A_656 : memref<1x640xf32, #tpu.memory_space<vmem>> -> memref<640xf32, #tpu.memory_space<vmem>>
      %dma_start3A_658 = tpu.memref_slice %arg4[%run_scoped3A_602, %mul3A_601] : memref<16x10240xf32, #tpu.memory_space<vmem_shared>> -> memref<1x640xf32, #tpu.memory_space<vmem_shared>>
      %dma_start3A_659 = tpu.memref_squeeze %dma_start3A_658 : memref<1x640xf32, #tpu.memory_space<vmem_shared>> -> memref<640xf32, #tpu.memory_space<vmem_shared>>
      tpu.enqueue_dma source(%dma_start3A_659 : memref<640xf32, #tpu.memory_space<vmem_shared>>) target(%dma_start3A_657 : memref<640xf32, #tpu.memory_space<vmem>>) target_semaphore(%run_scoped3A_649 : memref<!tpu.dma_semaphore, #tpu.memory_space<semaphore_mem>>)
      %dma_wait3A_660 = arith.constant 0 : i32
      %dma_wait3A_661 = tpu.memref_slice %arg7[%run_scoped3A_603, %dma_wait3A_660] : memref<16x640xf32, #tpu.memory_space<vmem>> -> memref<1x640xf32, #tpu.memory_space<vmem>>
      %dma_wait3A_662 = tpu.memref_squeeze %dma_wait3A_661 : memref<1x640xf32, #tpu.memory_space<vmem>> -> memref<640xf32, #tpu.memory_space<vmem>>
      %dma_wait3A_663 = tpu.memref_slice %arg4[%run_scoped3A_602, %mul3A_601] : memref<16x10240xf32, #tpu.memory_space<vmem_shared>> -> memref<1x640xf32, #tpu.memory_space<vmem_shared>>
      %dma_wait3A_664 = tpu.memref_squeeze %dma_wait3A_663 : memref<1x640xf32, #tpu.memory_space<vmem_shared>> -> memref<640xf32, #tpu.memory_space<vmem_shared>>
      %dma_wait3A_665 = arith.constant 0 : i32
      %dma_wait3A_666 = tpu.memref_slice %arg7[%run_scoped3A_603, %dma_wait3A_665] : memref<16x640xf32, #tpu.memory_space<vmem>> -> memref<1x640xf32, #tpu.memory_space<vmem>>
      %dma_wait3A_667 = tpu.memref_squeeze %dma_wait3A_666 : memref<1x640xf32, #tpu.memory_space<vmem>> -> memref<640xf32, #tpu.memory_space<vmem>>
      %dma_wait3A_668 = tpu.memref_slice %arg4[%run_scoped3A_602, %mul3A_601] : memref<16x10240xf32, #tpu.memory_space<vmem_shared>> -> memref<1x640xf32, #tpu.memory_space<vmem_shared>>
      %dma_wait3A_669 = tpu.memref_squeeze %dma_wait3A_668 : memref<1x640xf32, #tpu.memory_space<vmem_shared>> -> memref<640xf32, #tpu.memory_space<vmem_shared>>
      tpu.wait_dma2 semaphore(%run_scoped3A_649 : memref<!tpu.dma_semaphore, #tpu.memory_space<semaphore_mem>>) src(%dma_wait3A_669 : memref<640xf32, #tpu.memory_space<vmem_shared>>) dst(%dma_wait3A_667 : memref<640xf32, #tpu.memory_space<vmem>>)
      tpu.yield
    }) : () -> ()
    %mul3A_604 = arith.constant 640 : i32
    %mul3A_605 = arith.muli %arg1, %mul3A_604 : i32
    %run_scoped3A_606 = arith.constant 7 : i32
    %run_scoped3A_607 = arith.constant 7 : i32
    "tpu.region"() ({
      %run_scoped3A_649 = tpu.sem_alloc : memref<!tpu.dma_semaphore, #tpu.memory_space<semaphore_mem>>
      %dma_start3A_650 = arith.constant 0 : i32
      %dma_start3A_651 = tpu.memref_slice %arg7[%run_scoped3A_607, %dma_start3A_650] : memref<16x640xf32, #tpu.memory_space<vmem>> -> memref<1x640xf32, #tpu.memory_space<vmem>>
      %dma_start3A_652 = tpu.memref_squeeze %dma_start3A_651 : memref<1x640xf32, #tpu.memory_space<vmem>> -> memref<640xf32, #tpu.memory_space<vmem>>
      %dma_start3A_653 = tpu.memref_slice %arg4[%run_scoped3A_606, %mul3A_605] : memref<16x10240xf32, #tpu.memory_space<vmem_shared>> -> memref<1x640xf32, #tpu.memory_space<vmem_shared>>
      %dma_start3A_654 = tpu.memref_squeeze %dma_start3A_653 : memref<1x640xf32, #tpu.memory_space<vmem_shared>> -> memref<640xf32, #tpu.memory_space<vmem_shared>>
      %dma_start3A_655 = arith.constant 0 : i32
      %dma_start3A_656 = tpu.memref_slice %arg7[%run_scoped3A_607, %dma_start3A_655] : memref<16x640xf32, #tpu.memory_space<vmem>> -> memref<1x640xf32, #tpu.memory_space<vmem>>
      %dma_start3A_657 = tpu.memref_squeeze %dma_start3A_656 : memref<1x640xf32, #tpu.memory_space<vmem>> -> memref<640xf32, #tpu.memory_space<vmem>>
      %dma_start3A_658 = tpu.memref_slice %arg4[%run_scoped3A_606, %mul3A_605] : memref<16x10240xf32, #tpu.memory_space<vmem_shared>> -> memref<1x640xf32, #tpu.memory_space<vmem_shared>>
      %dma_start3A_659 = tpu.memref_squeeze %dma_start3A_658 : memref<1x640xf32, #tpu.memory_space<vmem_shared>> -> memref<640xf32, #tpu.memory_space<vmem_shared>>
      tpu.enqueue_dma source(%dma_start3A_659 : memref<640xf32, #tpu.memory_space<vmem_shared>>) target(%dma_start3A_657 : memref<640xf32, #tpu.memory_space<vmem>>) target_semaphore(%run_scoped3A_649 : memref<!tpu.dma_semaphore, #tpu.memory_space<semaphore_mem>>)
      %dma_wait3A_660 = arith.constant 0 : i32
      %dma_wait3A_661 = tpu.memref_slice %arg7[%run_scoped3A_607, %dma_wait3A_660] : memref<16x640xf32, #tpu.memory_space<vmem>> -> memref<1x640xf32, #tpu.memory_space<vmem>>
      %dma_wait3A_662 = tpu.memref_squeeze %dma_wait3A_661 : memref<1x640xf32, #tpu.memory_space<vmem>> -> memref<640xf32, #tpu.memory_space<vmem>>
      %dma_wait3A_663 = tpu.memref_slice %arg4[%run_scoped3A_606, %mul3A_605] : memref<16x10240xf32, #tpu.memory_space<vmem_shared>> -> memref<1x640xf32, #tpu.memory_space<vmem_shared>>
      %dma_wait3A_664 = tpu.memref_squeeze %dma_wait3A_663 : memref<1x640xf32, #tpu.memory_space<vmem_shared>> -> memref<640xf32, #tpu.memory_space<vmem_shared>>
      %dma_wait3A_665 = arith.constant 0 : i32
      %dma_wait3A_666 = tpu.memref_slice %arg7[%run_scoped3A_607, %dma_wait3A_665] : memref<16x640xf32, #tpu.memory_space<vmem>> -> memref<1x640xf32, #tpu.memory_space<vmem>>
      %dma_wait3A_667 = tpu.memref_squeeze %dma_wait3A_666 : memref<1x640xf32, #tpu.memory_space<vmem>> -> memref<640xf32, #tpu.memory_space<vmem>>
      %dma_wait3A_668 = tpu.memref_slice %arg4[%run_scoped3A_606, %mul3A_605] : memref<16x10240xf32, #tpu.memory_space<vmem_shared>> -> memref<1x640xf32, #tpu.memory_space<vmem_shared>>
      %dma_wait3A_669 = tpu.memref_squeeze %dma_wait3A_668 : memref<1x640xf32, #tpu.memory_space<vmem_shared>> -> memref<640xf32, #tpu.memory_space<vmem_shared>>
      tpu.wait_dma2 semaphore(%run_scoped3A_649 : memref<!tpu.dma_semaphore, #tpu.memory_space<semaphore_mem>>) src(%dma_wait3A_669 : memref<640xf32, #tpu.memory_space<vmem_shared>>) dst(%dma_wait3A_667 : memref<640xf32, #tpu.memory_space<vmem>>)
      tpu.yield
    }) : () -> ()
    %mul3A_608 = arith.constant 640 : i32
    %mul3A_609 = arith.muli %arg1, %mul3A_608 : i32
    %run_scoped3A_610 = arith.constant 8 : i32
    %run_scoped3A_611 = arith.constant 8 : i32
    "tpu.region"() ({
      %run_scoped3A_649 = tpu.sem_alloc : memref<!tpu.dma_semaphore, #tpu.memory_space<semaphore_mem>>
      %dma_start3A_650 = arith.constant 0 : i32
      %dma_start3A_651 = tpu.memref_slice %arg7[%run_scoped3A_611, %dma_start3A_650] : memref<16x640xf32, #tpu.memory_space<vmem>> -> memref<1x640xf32, #tpu.memory_space<vmem>>
      %dma_start3A_652 = tpu.memref_squeeze %dma_start3A_651 : memref<1x640xf32, #tpu.memory_space<vmem>> -> memref<640xf32, #tpu.memory_space<vmem>>
      %dma_start3A_653 = tpu.memref_slice %arg4[%run_scoped3A_610, %mul3A_609] : memref<16x10240xf32, #tpu.memory_space<vmem_shared>> -> memref<1x640xf32, #tpu.memory_space<vmem_shared>>
      %dma_start3A_654 = tpu.memref_squeeze %dma_start3A_653 : memref<1x640xf32, #tpu.memory_space<vmem_shared>> -> memref<640xf32, #tpu.memory_space<vmem_shared>>
      %dma_start3A_655 = arith.constant 0 : i32
      %dma_start3A_656 = tpu.memref_slice %arg7[%run_scoped3A_611, %dma_start3A_655] : memref<16x640xf32, #tpu.memory_space<vmem>> -> memref<1x640xf32, #tpu.memory_space<vmem>>
      %dma_start3A_657 = tpu.memref_squeeze %dma_start3A_656 : memref<1x640xf32, #tpu.memory_space<vmem>> -> memref<640xf32, #tpu.memory_space<vmem>>
      %dma_start3A_658 = tpu.memref_slice %arg4[%run_scoped3A_610, %mul3A_609] : memref<16x10240xf32, #tpu.memory_space<vmem_shared>> -> memref<1x640xf32, #tpu.memory_space<vmem_shared>>
      %dma_start3A_659 = tpu.memref_squeeze %dma_start3A_658 : memref<1x640xf32, #tpu.memory_space<vmem_shared>> -> memref<640xf32, #tpu.memory_space<vmem_shared>>
      tpu.enqueue_dma source(%dma_start3A_659 : memref<640xf32, #tpu.memory_space<vmem_shared>>) target(%dma_start3A_657 : memref<640xf32, #tpu.memory_space<vmem>>) target_semaphore(%run_scoped3A_649 : memref<!tpu.dma_semaphore, #tpu.memory_space<semaphore_mem>>)
      %dma_wait3A_660 = arith.constant 0 : i32
      %dma_wait3A_661 = tpu.memref_slice %arg7[%run_scoped3A_611, %dma_wait3A_660] : memref<16x640xf32, #tpu.memory_space<vmem>> -> memref<1x640xf32, #tpu.memory_space<vmem>>
      %dma_wait3A_662 = tpu.memref_squeeze %dma_wait3A_661 : memref<1x640xf32, #tpu.memory_space<vmem>> -> memref<640xf32, #tpu.memory_space<vmem>>
      %dma_wait3A_663 = tpu.memref_slice %arg4[%run_scoped3A_610, %mul3A_609] : memref<16x10240xf32, #tpu.memory_space<vmem_shared>> -> memref<1x640xf32, #tpu.memory_space<vmem_shared>>
      %dma_wait3A_664 = tpu.memref_squeeze %dma_wait3A_663 : memref<1x640xf32, #tpu.memory_space<vmem_shared>> -> memref<640xf32, #tpu.memory_space<vmem_shared>>
      %dma_wait3A_665 = arith.constant 0 : i32
      %dma_wait3A_666 = tpu.memref_slice %arg7[%run_scoped3A_611, %dma_wait3A_665] : memref<16x640xf32, #tpu.memory_space<vmem>> -> memref<1x640xf32, #tpu.memory_space<vmem>>
      %dma_wait3A_667 = tpu.memref_squeeze %dma_wait3A_666 : memref<1x640xf32, #tpu.memory_space<vmem>> -> memref<640xf32, #tpu.memory_space<vmem>>
      %dma_wait3A_668 = tpu.memref_slice %arg4[%run_scoped3A_610, %mul3A_609] : memref<16x10240xf32, #tpu.memory_space<vmem_shared>> -> memref<1x640xf32, #tpu.memory_space<vmem_shared>>
      %dma_wait3A_669 = tpu.memref_squeeze %dma_wait3A_668 : memref<1x640xf32, #tpu.memory_space<vmem_shared>> -> memref<640xf32, #tpu.memory_space<vmem_shared>>
      tpu.wait_dma2 semaphore(%run_scoped3A_649 : memref<!tpu.dma_semaphore, #tpu.memory_space<semaphore_mem>>) src(%dma_wait3A_669 : memref<640xf32, #tpu.memory_space<vmem_shared>>) dst(%dma_wait3A_667 : memref<640xf32, #tpu.memory_space<vmem>>)
      tpu.yield
    }) : () -> ()
    %mul3A_612 = arith.constant 640 : i32
    %mul3A_613 = arith.muli %arg1, %mul3A_612 : i32
    %run_scoped3A_614 = arith.constant 9 : i32
    %run_scoped3A_615 = arith.constant 9 : i32
    "tpu.region"() ({
      %run_scoped3A_649 = tpu.sem_alloc : memref<!tpu.dma_semaphore, #tpu.memory_space<semaphore_mem>>
      %dma_start3A_650 = arith.constant 0 : i32
      %dma_start3A_651 = tpu.memref_slice %arg7[%run_scoped3A_615, %dma_start3A_650] : memref<16x640xf32, #tpu.memory_space<vmem>> -> memref<1x640xf32, #tpu.memory_space<vmem>>
      %dma_start3A_652 = tpu.memref_squeeze %dma_start3A_651 : memref<1x640xf32, #tpu.memory_space<vmem>> -> memref<640xf32, #tpu.memory_space<vmem>>
      %dma_start3A_653 = tpu.memref_slice %arg4[%run_scoped3A_614, %mul3A_613] : memref<16x10240xf32, #tpu.memory_space<vmem_shared>> -> memref<1x640xf32, #tpu.memory_space<vmem_shared>>
      %dma_start3A_654 = tpu.memref_squeeze %dma_start3A_653 : memref<1x640xf32, #tpu.memory_space<vmem_shared>> -> memref<640xf32, #tpu.memory_space<vmem_shared>>
      %dma_start3A_655 = arith.constant 0 : i32
      %dma_start3A_656 = tpu.memref_slice %arg7[%run_scoped3A_615, %dma_start3A_655] : memref<16x640xf32, #tpu.memory_space<vmem>> -> memref<1x640xf32, #tpu.memory_space<vmem>>
      %dma_start3A_657 = tpu.memref_squeeze %dma_start3A_656 : memref<1x640xf32, #tpu.memory_space<vmem>> -> memref<640xf32, #tpu.memory_space<vmem>>
      %dma_start3A_658 = tpu.memref_slice %arg4[%run_scoped3A_614, %mul3A_613] : memref<16x10240xf32, #tpu.memory_space<vmem_shared>> -> memref<1x640xf32, #tpu.memory_space<vmem_shared>>
      %dma_start3A_659 = tpu.memref_squeeze %dma_start3A_658 : memref<1x640xf32, #tpu.memory_space<vmem_shared>> -> memref<640xf32, #tpu.memory_space<vmem_shared>>
      tpu.enqueue_dma source(%dma_start3A_659 : memref<640xf32, #tpu.memory_space<vmem_shared>>) target(%dma_start3A_657 : memref<640xf32, #tpu.memory_space<vmem>>) target_semaphore(%run_scoped3A_649 : memref<!tpu.dma_semaphore, #tpu.memory_space<semaphore_mem>>)
      %dma_wait3A_660 = arith.constant 0 : i32
      %dma_wait3A_661 = tpu.memref_slice %arg7[%run_scoped3A_615, %dma_wait3A_660] : memref<16x640xf32, #tpu.memory_space<vmem>> -> memref<1x640xf32, #tpu.memory_space<vmem>>
      %dma_wait3A_662 = tpu.memref_squeeze %dma_wait3A_661 : memref<1x640xf32, #tpu.memory_space<vmem>> -> memref<640xf32, #tpu.memory_space<vmem>>
      %dma_wait3A_663 = tpu.memref_slice %arg4[%run_scoped3A_614, %mul3A_613] : memref<16x10240xf32, #tpu.memory_space<vmem_shared>> -> memref<1x640xf32, #tpu.memory_space<vmem_shared>>
      %dma_wait3A_664 = tpu.memref_squeeze %dma_wait3A_663 : memref<1x640xf32, #tpu.memory_space<vmem_shared>> -> memref<640xf32, #tpu.memory_space<vmem_shared>>
      %dma_wait3A_665 = arith.constant 0 : i32
      %dma_wait3A_666 = tpu.memref_slice %arg7[%run_scoped3A_615, %dma_wait3A_665] : memref<16x640xf32, #tpu.memory_space<vmem>> -> memref<1x640xf32, #tpu.memory_space<vmem>>
      %dma_wait3A_667 = tpu.memref_squeeze %dma_wait3A_666 : memref<1x640xf32, #tpu.memory_space<vmem>> -> memref<640xf32, #tpu.memory_space<vmem>>
      %dma_wait3A_668 = tpu.memref_slice %arg4[%run_scoped3A_614, %mul3A_613] : memref<16x10240xf32, #tpu.memory_space<vmem_shared>> -> memref<1x640xf32, #tpu.memory_space<vmem_shared>>
      %dma_wait3A_669 = tpu.memref_squeeze %dma_wait3A_668 : memref<1x640xf32, #tpu.memory_space<vmem_shared>> -> memref<640xf32, #tpu.memory_space<vmem_shared>>
      tpu.wait_dma2 semaphore(%run_scoped3A_649 : memref<!tpu.dma_semaphore, #tpu.memory_space<semaphore_mem>>) src(%dma_wait3A_669 : memref<640xf32, #tpu.memory_space<vmem_shared>>) dst(%dma_wait3A_667 : memref<640xf32, #tpu.memory_space<vmem>>)
      tpu.yield
    }) : () -> ()
    %mul3A_616 = arith.constant 640 : i32
    %mul3A_617 = arith.muli %arg1, %mul3A_616 : i32
    %run_scoped3A_618 = arith.constant 10 : i32
    %run_scoped3A_619 = arith.constant 10 : i32
    "tpu.region"() ({
      %run_scoped3A_649 = tpu.sem_alloc : memref<!tpu.dma_semaphore, #tpu.memory_space<semaphore_mem>>
      %dma_start3A_650 = arith.constant 0 : i32
      %dma_start3A_651 = tpu.memref_slice %arg7[%run_scoped3A_619, %dma_start3A_650] : memref<16x640xf32, #tpu.memory_space<vmem>> -> memref<1x640xf32, #tpu.memory_space<vmem>>
      %dma_start3A_652 = tpu.memref_squeeze %dma_start3A_651 : memref<1x640xf32, #tpu.memory_space<vmem>> -> memref<640xf32, #tpu.memory_space<vmem>>
      %dma_start3A_653 = tpu.memref_slice %arg4[%run_scoped3A_618, %mul3A_617] : memref<16x10240xf32, #tpu.memory_space<vmem_shared>> -> memref<1x640xf32, #tpu.memory_space<vmem_shared>>
      %dma_start3A_654 = tpu.memref_squeeze %dma_start3A_653 : memref<1x640xf32, #tpu.memory_space<vmem_shared>> -> memref<640xf32, #tpu.memory_space<vmem_shared>>
      %dma_start3A_655 = arith.constant 0 : i32
      %dma_start3A_656 = tpu.memref_slice %arg7[%run_scoped3A_619, %dma_start3A_655] : memref<16x640xf32, #tpu.memory_space<vmem>> -> memref<1x640xf32, #tpu.memory_space<vmem>>
      %dma_start3A_657 = tpu.memref_squeeze %dma_start3A_656 : memref<1x640xf32, #tpu.memory_space<vmem>> -> memref<640xf32, #tpu.memory_space<vmem>>
      %dma_start3A_658 = tpu.memref_slice %arg4[%run_scoped3A_618, %mul3A_617] : memref<16x10240xf32, #tpu.memory_space<vmem_shared>> -> memref<1x640xf32, #tpu.memory_space<vmem_shared>>
      %dma_start3A_659 = tpu.memref_squeeze %dma_start3A_658 : memref<1x640xf32, #tpu.memory_space<vmem_shared>> -> memref<640xf32, #tpu.memory_space<vmem_shared>>
      tpu.enqueue_dma source(%dma_start3A_659 : memref<640xf32, #tpu.memory_space<vmem_shared>>) target(%dma_start3A_657 : memref<640xf32, #tpu.memory_space<vmem>>) target_semaphore(%run_scoped3A_649 : memref<!tpu.dma_semaphore, #tpu.memory_space<semaphore_mem>>)
      %dma_wait3A_660 = arith.constant 0 : i32
      %dma_wait3A_661 = tpu.memref_slice %arg7[%run_scoped3A_619, %dma_wait3A_660] : memref<16x640xf32, #tpu.memory_space<vmem>> -> memref<1x640xf32, #tpu.memory_space<vmem>>
      %dma_wait3A_662 = tpu.memref_squeeze %dma_wait3A_661 : memref<1x640xf32, #tpu.memory_space<vmem>> -> memref<640xf32, #tpu.memory_space<vmem>>
      %dma_wait3A_663 = tpu.memref_slice %arg4[%run_scoped3A_618, %mul3A_617] : memref<16x10240xf32, #tpu.memory_space<vmem_shared>> -> memref<1x640xf32, #tpu.memory_space<vmem_shared>>
      %dma_wait3A_664 = tpu.memref_squeeze %dma_wait3A_663 : memref<1x640xf32, #tpu.memory_space<vmem_shared>> -> memref<640xf32, #tpu.memory_space<vmem_shared>>
      %dma_wait3A_665 = arith.constant 0 : i32
      %dma_wait3A_666 = tpu.memref_slice %arg7[%run_scoped3A_619, %dma_wait3A_665] : memref<16x640xf32, #tpu.memory_space<vmem>> -> memref<1x640xf32, #tpu.memory_space<vmem>>
      %dma_wait3A_667 = tpu.memref_squeeze %dma_wait3A_666 : memref<1x640xf32, #tpu.memory_space<vmem>> -> memref<640xf32, #tpu.memory_space<vmem>>
      %dma_wait3A_668 = tpu.memref_slice %arg4[%run_scoped3A_618, %mul3A_617] : memref<16x10240xf32, #tpu.memory_space<vmem_shared>> -> memref<1x640xf32, #tpu.memory_space<vmem_shared>>
      %dma_wait3A_669 = tpu.memref_squeeze %dma_wait3A_668 : memref<1x640xf32, #tpu.memory_space<vmem_shared>> -> memref<640xf32, #tpu.memory_space<vmem_shared>>
      tpu.wait_dma2 semaphore(%run_scoped3A_649 : memref<!tpu.dma_semaphore, #tpu.memory_space<semaphore_mem>>) src(%dma_wait3A_669 : memref<640xf32, #tpu.memory_space<vmem_shared>>) dst(%dma_wait3A_667 : memref<640xf32, #tpu.memory_space<vmem>>)
      tpu.yield
    }) : () -> ()
    %mul3A_620 = arith.constant 640 : i32
    %mul3A_621 = arith.muli %arg1, %mul3A_620 : i32
    %run_scoped3A_622 = arith.constant 11 : i32
    %run_scoped3A_623 = arith.constant 11 : i32
    "tpu.region"() ({
      %run_scoped3A_649 = tpu.sem_alloc : memref<!tpu.dma_semaphore, #tpu.memory_space<semaphore_mem>>
      %dma_start3A_650 = arith.constant 0 : i32
      %dma_start3A_651 = tpu.memref_slice %arg7[%run_scoped3A_623, %dma_start3A_650] : memref<16x640xf32, #tpu.memory_space<vmem>> -> memref<1x640xf32, #tpu.memory_space<vmem>>
      %dma_start3A_652 = tpu.memref_squeeze %dma_start3A_651 : memref<1x640xf32, #tpu.memory_space<vmem>> -> memref<640xf32, #tpu.memory_space<vmem>>
      %dma_start3A_653 = tpu.memref_slice %arg4[%run_scoped3A_622, %mul3A_621] : memref<16x10240xf32, #tpu.memory_space<vmem_shared>> -> memref<1x640xf32, #tpu.memory_space<vmem_shared>>
      %dma_start3A_654 = tpu.memref_squeeze %dma_start3A_653 : memref<1x640xf32, #tpu.memory_space<vmem_shared>> -> memref<640xf32, #tpu.memory_space<vmem_shared>>
      %dma_start3A_655 = arith.constant 0 : i32
      %dma_start3A_656 = tpu.memref_slice %arg7[%run_scoped3A_623, %dma_start3A_655] : memref<16x640xf32, #tpu.memory_space<vmem>> -> memref<1x640xf32, #tpu.memory_space<vmem>>
      %dma_start3A_657 = tpu.memref_squeeze %dma_start3A_656 : memref<1x640xf32, #tpu.memory_space<vmem>> -> memref<640xf32, #tpu.memory_space<vmem>>
      %dma_start3A_658 = tpu.memref_slice %arg4[%run_scoped3A_622, %mul3A_621] : memref<16x10240xf32, #tpu.memory_space<vmem_shared>> -> memref<1x640xf32, #tpu.memory_space<vmem_shared>>
      %dma_start3A_659 = tpu.memref_squeeze %dma_start3A_658 : memref<1x640xf32, #tpu.memory_space<vmem_shared>> -> memref<640xf32, #tpu.memory_space<vmem_shared>>
      tpu.enqueue_dma source(%dma_start3A_659 : memref<640xf32, #tpu.memory_space<vmem_shared>>) target(%dma_start3A_657 : memref<640xf32, #tpu.memory_space<vmem>>) target_semaphore(%run_scoped3A_649 : memref<!tpu.dma_semaphore, #tpu.memory_space<semaphore_mem>>)
      %dma_wait3A_660 = arith.constant 0 : i32
      %dma_wait3A_661 = tpu.memref_slice %arg7[%run_scoped3A_623, %dma_wait3A_660] : memref<16x640xf32, #tpu.memory_space<vmem>> -> memref<1x640xf32, #tpu.memory_space<vmem>>
      %dma_wait3A_662 = tpu.memref_squeeze %dma_wait3A_661 : memref<1x640xf32, #tpu.memory_space<vmem>> -> memref<640xf32, #tpu.memory_space<vmem>>
      %dma_wait3A_663 = tpu.memref_slice %arg4[%run_scoped3A_622, %mul3A_621] : memref<16x10240xf32, #tpu.memory_space<vmem_shared>> -> memref<1x640xf32, #tpu.memory_space<vmem_shared>>
      %dma_wait3A_664 = tpu.memref_squeeze %dma_wait3A_663 : memref<1x640xf32, #tpu.memory_space<vmem_shared>> -> memref<640xf32, #tpu.memory_space<vmem_shared>>
      %dma_wait3A_665 = arith.constant 0 : i32
      %dma_wait3A_666 = tpu.memref_slice %arg7[%run_scoped3A_623, %dma_wait3A_665] : memref<16x640xf32, #tpu.memory_space<vmem>> -> memref<1x640xf32, #tpu.memory_space<vmem>>
      %dma_wait3A_667 = tpu.memref_squeeze %dma_wait3A_666 : memref<1x640xf32, #tpu.memory_space<vmem>> -> memref<640xf32, #tpu.memory_space<vmem>>
      %dma_wait3A_668 = tpu.memref_slice %arg4[%run_scoped3A_622, %mul3A_621] : memref<16x10240xf32, #tpu.memory_space<vmem_shared>> -> memref<1x640xf32, #tpu.memory_space<vmem_shared>>
      %dma_wait3A_669 = tpu.memref_squeeze %dma_wait3A_668 : memref<1x640xf32, #tpu.memory_space<vmem_shared>> -> memref<640xf32, #tpu.memory_space<vmem_shared>>
      tpu.wait_dma2 semaphore(%run_scoped3A_649 : memref<!tpu.dma_semaphore, #tpu.memory_space<semaphore_mem>>) src(%dma_wait3A_669 : memref<640xf32, #tpu.memory_space<vmem_shared>>) dst(%dma_wait3A_667 : memref<640xf32, #tpu.memory_space<vmem>>)
      tpu.yield
    }) : () -> ()
    %mul3A_624 = arith.constant 640 : i32
    %mul3A_625 = arith.muli %arg1, %mul3A_624 : i32
    %run_scoped3A_626 = arith.constant 12 : i32
    %run_scoped3A_627 = arith.constant 12 : i32
    "tpu.region"() ({
      %run_scoped3A_649 = tpu.sem_alloc : memref<!tpu.dma_semaphore, #tpu.memory_space<semaphore_mem>>
      %dma_start3A_650 = arith.constant 0 : i32
      %dma_start3A_651 = tpu.memref_slice %arg7[%run_scoped3A_627, %dma_start3A_650] : memref<16x640xf32, #tpu.memory_space<vmem>> -> memref<1x640xf32, #tpu.memory_space<vmem>>
      %dma_start3A_652 = tpu.memref_squeeze %dma_start3A_651 : memref<1x640xf32, #tpu.memory_space<vmem>> -> memref<640xf32, #tpu.memory_space<vmem>>
      %dma_start3A_653 = tpu.memref_slice %arg4[%run_scoped3A_626, %mul3A_625] : memref<16x10240xf32, #tpu.memory_space<vmem_shared>> -> memref<1x640xf32, #tpu.memory_space<vmem_shared>>
      %dma_start3A_654 = tpu.memref_squeeze %dma_start3A_653 : memref<1x640xf32, #tpu.memory_space<vmem_shared>> -> memref<640xf32, #tpu.memory_space<vmem_shared>>
      %dma_start3A_655 = arith.constant 0 : i32
      %dma_start3A_656 = tpu.memref_slice %arg7[%run_scoped3A_627, %dma_start3A_655] : memref<16x640xf32, #tpu.memory_space<vmem>> -> memref<1x640xf32, #tpu.memory_space<vmem>>
      %dma_start3A_657 = tpu.memref_squeeze %dma_start3A_656 : memref<1x640xf32, #tpu.memory_space<vmem>> -> memref<640xf32, #tpu.memory_space<vmem>>
      %dma_start3A_658 = tpu.memref_slice %arg4[%run_scoped3A_626, %mul3A_625] : memref<16x10240xf32, #tpu.memory_space<vmem_shared>> -> memref<1x640xf32, #tpu.memory_space<vmem_shared>>
      %dma_start3A_659 = tpu.memref_squeeze %dma_start3A_658 : memref<1x640xf32, #tpu.memory_space<vmem_shared>> -> memref<640xf32, #tpu.memory_space<vmem_shared>>
      tpu.enqueue_dma source(%dma_start3A_659 : memref<640xf32, #tpu.memory_space<vmem_shared>>) target(%dma_start3A_657 : memref<640xf32, #tpu.memory_space<vmem>>) target_semaphore(%run_scoped3A_649 : memref<!tpu.dma_semaphore, #tpu.memory_space<semaphore_mem>>)
      %dma_wait3A_660 = arith.constant 0 : i32
      %dma_wait3A_661 = tpu.memref_slice %arg7[%run_scoped3A_627, %dma_wait3A_660] : memref<16x640xf32, #tpu.memory_space<vmem>> -> memref<1x640xf32, #tpu.memory_space<vmem>>
      %dma_wait3A_662 = tpu.memref_squeeze %dma_wait3A_661 : memref<1x640xf32, #tpu.memory_space<vmem>> -> memref<640xf32, #tpu.memory_space<vmem>>
      %dma_wait3A_663 = tpu.memref_slice %arg4[%run_scoped3A_626, %mul3A_625] : memref<16x10240xf32, #tpu.memory_space<vmem_shared>> -> memref<1x640xf32, #tpu.memory_space<vmem_shared>>
      %dma_wait3A_664 = tpu.memref_squeeze %dma_wait3A_663 : memref<1x640xf32, #tpu.memory_space<vmem_shared>> -> memref<640xf32, #tpu.memory_space<vmem_shared>>
      %dma_wait3A_665 = arith.constant 0 : i32
      %dma_wait3A_666 = tpu.memref_slice %arg7[%run_scoped3A_627, %dma_wait3A_665] : memref<16x640xf32, #tpu.memory_space<vmem>> -> memref<1x640xf32, #tpu.memory_space<vmem>>
      %dma_wait3A_667 = tpu.memref_squeeze %dma_wait3A_666 : memref<1x640xf32, #tpu.memory_space<vmem>> -> memref<640xf32, #tpu.memory_space<vmem>>
      %dma_wait3A_668 = tpu.memref_slice %arg4[%run_scoped3A_626, %mul3A_625] : memref<16x10240xf32, #tpu.memory_space<vmem_shared>> -> memref<1x640xf32, #tpu.memory_space<vmem_shared>>
      %dma_wait3A_669 = tpu.memref_squeeze %dma_wait3A_668 : memref<1x640xf32, #tpu.memory_space<vmem_shared>> -> memref<640xf32, #tpu.memory_space<vmem_shared>>
      tpu.wait_dma2 semaphore(%run_scoped3A_649 : memref<!tpu.dma_semaphore, #tpu.memory_space<semaphore_mem>>) src(%dma_wait3A_669 : memref<640xf32, #tpu.memory_space<vmem_shared>>) dst(%dma_wait3A_667 : memref<640xf32, #tpu.memory_space<vmem>>)
      tpu.yield
    }) : () -> ()
    %mul3A_628 = arith.constant 640 : i32
    %mul3A_629 = arith.muli %arg1, %mul3A_628 : i32
    %run_scoped3A_630 = arith.constant 13 : i32
    %run_scoped3A_631 = arith.constant 13 : i32
    "tpu.region"() ({
      %run_scoped3A_649 = tpu.sem_alloc : memref<!tpu.dma_semaphore, #tpu.memory_space<semaphore_mem>>
      %dma_start3A_650 = arith.constant 0 : i32
      %dma_start3A_651 = tpu.memref_slice %arg7[%run_scoped3A_631, %dma_start3A_650] : memref<16x640xf32, #tpu.memory_space<vmem>> -> memref<1x640xf32, #tpu.memory_space<vmem>>
      %dma_start3A_652 = tpu.memref_squeeze %dma_start3A_651 : memref<1x640xf32, #tpu.memory_space<vmem>> -> memref<640xf32, #tpu.memory_space<vmem>>
      %dma_start3A_653 = tpu.memref_slice %arg4[%run_scoped3A_630, %mul3A_629] : memref<16x10240xf32, #tpu.memory_space<vmem_shared>> -> memref<1x640xf32, #tpu.memory_space<vmem_shared>>
      %dma_start3A_654 = tpu.memref_squeeze %dma_start3A_653 : memref<1x640xf32, #tpu.memory_space<vmem_shared>> -> memref<640xf32, #tpu.memory_space<vmem_shared>>
      %dma_start3A_655 = arith.constant 0 : i32
      %dma_start3A_656 = tpu.memref_slice %arg7[%run_scoped3A_631, %dma_start3A_655] : memref<16x640xf32, #tpu.memory_space<vmem>> -> memref<1x640xf32, #tpu.memory_space<vmem>>
      %dma_start3A_657 = tpu.memref_squeeze %dma_start3A_656 : memref<1x640xf32, #tpu.memory_space<vmem>> -> memref<640xf32, #tpu.memory_space<vmem>>
      %dma_start3A_658 = tpu.memref_slice %arg4[%run_scoped3A_630, %mul3A_629] : memref<16x10240xf32, #tpu.memory_space<vmem_shared>> -> memref<1x640xf32, #tpu.memory_space<vmem_shared>>
      %dma_start3A_659 = tpu.memref_squeeze %dma_start3A_658 : memref<1x640xf32, #tpu.memory_space<vmem_shared>> -> memref<640xf32, #tpu.memory_space<vmem_shared>>
      tpu.enqueue_dma source(%dma_start3A_659 : memref<640xf32, #tpu.memory_space<vmem_shared>>) target(%dma_start3A_657 : memref<640xf32, #tpu.memory_space<vmem>>) target_semaphore(%run_scoped3A_649 : memref<!tpu.dma_semaphore, #tpu.memory_space<semaphore_mem>>)
      %dma_wait3A_660 = arith.constant 0 : i32
      %dma_wait3A_661 = tpu.memref_slice %arg7[%run_scoped3A_631, %dma_wait3A_660] : memref<16x640xf32, #tpu.memory_space<vmem>> -> memref<1x640xf32, #tpu.memory_space<vmem>>
      %dma_wait3A_662 = tpu.memref_squeeze %dma_wait3A_661 : memref<1x640xf32, #tpu.memory_space<vmem>> -> memref<640xf32, #tpu.memory_space<vmem>>
      %dma_wait3A_663 = tpu.memref_slice %arg4[%run_scoped3A_630, %mul3A_629] : memref<16x10240xf32, #tpu.memory_space<vmem_shared>> -> memref<1x640xf32, #tpu.memory_space<vmem_shared>>
      %dma_wait3A_664 = tpu.memref_squeeze %dma_wait3A_663 : memref<1x640xf32, #tpu.memory_space<vmem_shared>> -> memref<640xf32, #tpu.memory_space<vmem_shared>>
      %dma_wait3A_665 = arith.constant 0 : i32
      %dma_wait3A_666 = tpu.memref_slice %arg7[%run_scoped3A_631, %dma_wait3A_665] : memref<16x640xf32, #tpu.memory_space<vmem>> -> memref<1x640xf32, #tpu.memory_space<vmem>>
      %dma_wait3A_667 = tpu.memref_squeeze %dma_wait3A_666 : memref<1x640xf32, #tpu.memory_space<vmem>> -> memref<640xf32, #tpu.memory_space<vmem>>
      %dma_wait3A_668 = tpu.memref_slice %arg4[%run_scoped3A_630, %mul3A_629] : memref<16x10240xf32, #tpu.memory_space<vmem_shared>> -> memref<1x640xf32, #tpu.memory_space<vmem_shared>>
      %dma_wait3A_669 = tpu.memref_squeeze %dma_wait3A_668 : memref<1x640xf32, #tpu.memory_space<vmem_shared>> -> memref<640xf32, #tpu.memory_space<vmem_shared>>
      tpu.wait_dma2 semaphore(%run_scoped3A_649 : memref<!tpu.dma_semaphore, #tpu.memory_space<semaphore_mem>>) src(%dma_wait3A_669 : memref<640xf32, #tpu.memory_space<vmem_shared>>) dst(%dma_wait3A_667 : memref<640xf32, #tpu.memory_space<vmem>>)
      tpu.yield
    }) : () -> ()
    %mul3A_632 = arith.constant 640 : i32
    %mul3A_633 = arith.muli %arg1, %mul3A_632 : i32
    %run_scoped3A_634 = arith.constant 14 : i32
    %run_scoped3A_635 = arith.constant 14 : i32
    "tpu.region"() ({
      %run_scoped3A_649 = tpu.sem_alloc : memref<!tpu.dma_semaphore, #tpu.memory_space<semaphore_mem>>
      %dma_start3A_650 = arith.constant 0 : i32
      %dma_start3A_651 = tpu.memref_slice %arg7[%run_scoped3A_635, %dma_start3A_650] : memref<16x640xf32, #tpu.memory_space<vmem>> -> memref<1x640xf32, #tpu.memory_space<vmem>>
      %dma_start3A_652 = tpu.memref_squeeze %dma_start3A_651 : memref<1x640xf32, #tpu.memory_space<vmem>> -> memref<640xf32, #tpu.memory_space<vmem>>
      %dma_start3A_653 = tpu.memref_slice %arg4[%run_scoped3A_634, %mul3A_633] : memref<16x10240xf32, #tpu.memory_space<vmem_shared>> -> memref<1x640xf32, #tpu.memory_space<vmem_shared>>
      %dma_start3A_654 = tpu.memref_squeeze %dma_start3A_653 : memref<1x640xf32, #tpu.memory_space<vmem_shared>> -> memref<640xf32, #tpu.memory_space<vmem_shared>>
      %dma_start3A_655 = arith.constant 0 : i32
      %dma_start3A_656 = tpu.memref_slice %arg7[%run_scoped3A_635, %dma_start3A_655] : memref<16x640xf32, #tpu.memory_space<vmem>> -> memref<1x640xf32, #tpu.memory_space<vmem>>
      %dma_start3A_657 = tpu.memref_squeeze %dma_start3A_656 : memref<1x640xf32, #tpu.memory_space<vmem>> -> memref<640xf32, #tpu.memory_space<vmem>>
      %dma_start3A_658 = tpu.memref_slice %arg4[%run_scoped3A_634, %mul3A_633] : memref<16x10240xf32, #tpu.memory_space<vmem_shared>> -> memref<1x640xf32, #tpu.memory_space<vmem_shared>>
      %dma_start3A_659 = tpu.memref_squeeze %dma_start3A_658 : memref<1x640xf32, #tpu.memory_space<vmem_shared>> -> memref<640xf32, #tpu.memory_space<vmem_shared>>
      tpu.enqueue_dma source(%dma_start3A_659 : memref<640xf32, #tpu.memory_space<vmem_shared>>) target(%dma_start3A_657 : memref<640xf32, #tpu.memory_space<vmem>>) target_semaphore(%run_scoped3A_649 : memref<!tpu.dma_semaphore, #tpu.memory_space<semaphore_mem>>)
      %dma_wait3A_660 = arith.constant 0 : i32
      %dma_wait3A_661 = tpu.memref_slice %arg7[%run_scoped3A_635, %dma_wait3A_660] : memref<16x640xf32, #tpu.memory_space<vmem>> -> memref<1x640xf32, #tpu.memory_space<vmem>>
      %dma_wait3A_662 = tpu.memref_squeeze %dma_wait3A_661 : memref<1x640xf32, #tpu.memory_space<vmem>> -> memref<640xf32, #tpu.memory_space<vmem>>
      %dma_wait3A_663 = tpu.memref_slice %arg4[%run_scoped3A_634, %mul3A_633] : memref<16x10240xf32, #tpu.memory_space<vmem_shared>> -> memref<1x640xf32, #tpu.memory_space<vmem_shared>>
      %dma_wait3A_664 = tpu.memref_squeeze %dma_wait3A_663 : memref<1x640xf32, #tpu.memory_space<vmem_shared>> -> memref<640xf32, #tpu.memory_space<vmem_shared>>
      %dma_wait3A_665 = arith.constant 0 : i32
      %dma_wait3A_666 = tpu.memref_slice %arg7[%run_scoped3A_635, %dma_wait3A_665] : memref<16x640xf32, #tpu.memory_space<vmem>> -> memref<1x640xf32, #tpu.memory_space<vmem>>
      %dma_wait3A_667 = tpu.memref_squeeze %dma_wait3A_666 : memref<1x640xf32, #tpu.memory_space<vmem>> -> memref<640xf32, #tpu.memory_space<vmem>>
      %dma_wait3A_668 = tpu.memref_slice %arg4[%run_scoped3A_634, %mul3A_633] : memref<16x10240xf32, #tpu.memory_space<vmem_shared>> -> memref<1x640xf32, #tpu.memory_space<vmem_shared>>
      %dma_wait3A_669 = tpu.memref_squeeze %dma_wait3A_668 : memref<1x640xf32, #tpu.memory_space<vmem_shared>> -> memref<640xf32, #tpu.memory_space<vmem_shared>>
      tpu.wait_dma2 semaphore(%run_scoped3A_649 : memref<!tpu.dma_semaphore, #tpu.memory_space<semaphore_mem>>) src(%dma_wait3A_669 : memref<640xf32, #tpu.memory_space<vmem_shared>>) dst(%dma_wait3A_667 : memref<640xf32, #tpu.memory_space<vmem>>)
      tpu.yield
    }) : () -> ()
    %mul3A_636 = arith.constant 640 : i32
    %mul3A_637 = arith.muli %arg1, %mul3A_636 : i32
    %run_scoped3A_638 = arith.constant 15 : i32
    %run_scoped3A_639 = arith.constant 15 : i32
    "tpu.region"() ({
      %run_scoped3A_649 = tpu.sem_alloc : memref<!tpu.dma_semaphore, #tpu.memory_space<semaphore_mem>>
      %dma_start3A_650 = arith.constant 0 : i32
      %dma_start3A_651 = tpu.memref_slice %arg7[%run_scoped3A_639, %dma_start3A_650] : memref<16x640xf32, #tpu.memory_space<vmem>> -> memref<1x640xf32, #tpu.memory_space<vmem>>
      %dma_start3A_652 = tpu.memref_squeeze %dma_start3A_651 : memref<1x640xf32, #tpu.memory_space<vmem>> -> memref<640xf32, #tpu.memory_space<vmem>>
      %dma_start3A_653 = tpu.memref_slice %arg4[%run_scoped3A_638, %mul3A_637] : memref<16x10240xf32, #tpu.memory_space<vmem_shared>> -> memref<1x640xf32, #tpu.memory_space<vmem_shared>>
      %dma_start3A_654 = tpu.memref_squeeze %dma_start3A_653 : memref<1x640xf32, #tpu.memory_space<vmem_shared>> -> memref<640xf32, #tpu.memory_space<vmem_shared>>
      %dma_start3A_655 = arith.constant 0 : i32
      %dma_start3A_656 = tpu.memref_slice %arg7[%run_scoped3A_639, %dma_start3A_655] : memref<16x640xf32, #tpu.memory_space<vmem>> -> memref<1x640xf32, #tpu.memory_space<vmem>>
      %dma_start3A_657 = tpu.memref_squeeze %dma_start3A_656 : memref<1x640xf32, #tpu.memory_space<vmem>> -> memref<640xf32, #tpu.memory_space<vmem>>
      %dma_start3A_658 = tpu.memref_slice %arg4[%run_scoped3A_638, %mul3A_637] : memref<16x10240xf32, #tpu.memory_space<vmem_shared>> -> memref<1x640xf32, #tpu.memory_space<vmem_shared>>
      %dma_start3A_659 = tpu.memref_squeeze %dma_start3A_658 : memref<1x640xf32, #tpu.memory_space<vmem_shared>> -> memref<640xf32, #tpu.memory_space<vmem_shared>>
      tpu.enqueue_dma source(%dma_start3A_659 : memref<640xf32, #tpu.memory_space<vmem_shared>>) target(%dma_start3A_657 : memref<640xf32, #tpu.memory_space<vmem>>) target_semaphore(%run_scoped3A_649 : memref<!tpu.dma_semaphore, #tpu.memory_space<semaphore_mem>>)
      %dma_wait3A_660 = arith.constant 0 : i32
      %dma_wait3A_661 = tpu.memref_slice %arg7[%run_scoped3A_639, %dma_wait3A_660] : memref<16x640xf32, #tpu.memory_space<vmem>> -> memref<1x640xf32, #tpu.memory_space<vmem>>
      %dma_wait3A_662 = tpu.memref_squeeze %dma_wait3A_661 : memref<1x640xf32, #tpu.memory_space<vmem>> -> memref<640xf32, #tpu.memory_space<vmem>>
      %dma_wait3A_663 = tpu.memref_slice %arg4[%run_scoped3A_638, %mul3A_637] : memref<16x10240xf32, #tpu.memory_space<vmem_shared>> -> memref<1x640xf32, #tpu.memory_space<vmem_shared>>
      %dma_wait3A_664 = tpu.memref_squeeze %dma_wait3A_663 : memref<1x640xf32, #tpu.memory_space<vmem_shared>> -> memref<640xf32, #tpu.memory_space<vmem_shared>>
      %dma_wait3A_665 = arith.constant 0 : i32
      %dma_wait3A_666 = tpu.memref_slice %arg7[%run_scoped3A_639, %dma_wait3A_665] : memref<16x640xf32, #tpu.memory_space<vmem>> -> memref<1x640xf32, #tpu.memory_space<vmem>>
      %dma_wait3A_667 = tpu.memref_squeeze %dma_wait3A_666 : memref<1x640xf32, #tpu.memory_space<vmem>> -> memref<640xf32, #tpu.memory_space<vmem>>
      %dma_wait3A_668 = tpu.memref_slice %arg4[%run_scoped3A_638, %mul3A_637] : memref<16x10240xf32, #tpu.memory_space<vmem_shared>> -> memref<1x640xf32, #tpu.memory_space<vmem_shared>>
      %dma_wait3A_669 = tpu.memref_squeeze %dma_wait3A_668 : memref<1x640xf32, #tpu.memory_space<vmem_shared>> -> memref<640xf32, #tpu.memory_space<vmem_shared>>
      tpu.wait_dma2 semaphore(%run_scoped3A_649 : memref<!tpu.dma_semaphore, #tpu.memory_space<semaphore_mem>>) src(%dma_wait3A_669 : memref<640xf32, #tpu.memory_space<vmem_shared>>) dst(%dma_wait3A_667 : memref<640xf32, #tpu.memory_space<vmem>>)
      tpu.yield
    }) : () -> ()
    %iota3A = tpu.iota {dimensions = array<i32: 0>} : vector<16xi32>
    %broadcast_in_dim3A = arith.constant 0 : i32
    %broadcast_in_dim3A_640 = vector.broadcast %broadcast_in_dim3A : i32 to vector<16xi32>
    %scan3A_641 = arith.constant 0 : i32
    %scan3A_642 = arith.constant 0 : i32
    %scan3A_643 = arith.constant 40 : i32
    %scan3A_644 = arith.addi %scan3A_642, %scan3A_643 : i32
    %scan3A_645 = arith.constant 1 : i32
    scf.for %scan3A_649 = %scan3A_642 to %scan3A_644 step %scan3A_645  : i32 {
      %mul3A_650 = arith.constant 16 : i32
      %mul3A_651 = arith.muli %scan3A_649, %mul3A_650 : i32
      %get3A = arith.constant 0 : i32
      %get3A_652 = arith.index_cast %get3A : i32 to index
      %get3A_653 = arith.index_cast %mul3A_651 : i32 to index
      %get3A_654 = tpu.vector_load %arg7[%get3A_652, %get3A_653] {strides = array<i32>} : memref<16x640xf32, #tpu.memory_space<vmem>>, vector<16xf32>,
      %mul3A_655 = arith.constant 16 : i32
      %mul3A_656 = arith.muli %scan3A_649, %mul3A_655 : i32
      %get3A_657 = arith.constant 1 : i32
      %get3A_658 = arith.index_cast %get3A_657 : i32 to index
      %get3A_659 = arith.index_cast %mul3A_656 : i32 to index
      %get3A_660 = tpu.vector_load %arg7[%get3A_658, %get3A_659] {strides = array<i32>} : memref<16x640xf32, #tpu.memory_space<vmem>>, vector<16xf32>,
      %add3A_661 = arith.addf %get3A_654, %get3A_660 : vector<16xf32>
      %mul3A_662 = arith.constant 16 : i32
      %mul3A_663 = arith.muli %scan3A_649, %mul3A_662 : i32
      %get3A_664 = arith.constant 2 : i32
      %get3A_665 = arith.index_cast %get3A_664 : i32 to index
      %get3A_666 = arith.index_cast %mul3A_663 : i32 to index
      %get3A_667 = tpu.vector_load %arg7[%get3A_665, %get3A_666] {strides = array<i32>} : memref<16x640xf32, #tpu.memory_space<vmem>>, vector<16xf32>,
      %add3A_668 = arith.addf %add3A_661, %get3A_667 : vector<16xf32>
      %mul3A_669 = arith.constant 16 : i32
      %mul3A_670 = arith.muli %scan3A_649, %mul3A_669 : i32
      %get3A_671 = arith.constant 3 : i32
      %get3A_672 = arith.index_cast %get3A_671 : i32 to index
      %get3A_673 = arith.index_cast %mul3A_670 : i32 to index
      %get3A_674 = tpu.vector_load %arg7[%get3A_672, %get3A_673] {strides = array<i32>} : memref<16x640xf32, #tpu.memory_space<vmem>>, vector<16xf32>,
      %add3A_675 = arith.addf %add3A_668, %get3A_674 : vector<16xf32>
      %mul3A_676 = arith.constant 16 : i32
      %mul3A_677 = arith.muli %scan3A_649, %mul3A_676 : i32
      %get3A_678 = arith.constant 4 : i32
      %get3A_679 = arith.index_cast %get3A_678 : i32 to index
      %get3A_680 = arith.index_cast %mul3A_677 : i32 to index
      %get3A_681 = tpu.vector_load %arg7[%get3A_679, %get3A_680] {strides = array<i32>} : memref<16x640xf32, #tpu.memory_space<vmem>>, vector<16xf32>,
      %add3A_682 = arith.addf %add3A_675, %get3A_681 : vector<16xf32>
      %mul3A_683 = arith.constant 16 : i32
      %mul3A_684 = arith.muli %scan3A_649, %mul3A_683 : i32
      %get3A_685 = arith.constant 5 : i32
      %get3A_686 = arith.index_cast %get3A_685 : i32 to index
      %get3A_687 = arith.index_cast %mul3A_684 : i32 to index
      %get3A_688 = tpu.vector_load %arg7[%get3A_686, %get3A_687] {strides = array<i32>} : memref<16x640xf32, #tpu.memory_space<vmem>>, vector<16xf32>,
      %add3A_689 = arith.addf %add3A_682, %get3A_688 : vector<16xf32>
      %mul3A_690 = arith.constant 16 : i32
      %mul3A_691 = arith.muli %scan3A_649, %mul3A_690 : i32
      %get3A_692 = arith.constant 6 : i32
      %get3A_693 = arith.index_cast %get3A_692 : i32 to index
      %get3A_694 = arith.index_cast %mul3A_691 : i32 to index
      %get3A_695 = tpu.vector_load %arg7[%get3A_693, %get3A_694] {strides = array<i32>} : memref<16x640xf32, #tpu.memory_space<vmem>>, vector<16xf32>,
      %add3A_696 = arith.addf %add3A_689, %get3A_695 : vector<16xf32>
      %mul3A_697 = arith.constant 16 : i32
      %mul3A_698 = arith.muli %scan3A_649, %mul3A_697 : i32
      %get3A_699 = arith.constant 7 : i32
      %get3A_700 = arith.index_cast %get3A_699 : i32 to index
      %get3A_701 = arith.index_cast %mul3A_698 : i32 to index
      %get3A_702 = tpu.vector_load %arg7[%get3A_700, %get3A_701] {strides = array<i32>} : memref<16x640xf32, #tpu.memory_space<vmem>>, vector<16xf32>,
      %add3A_703 = arith.addf %add3A_696, %get3A_702 : vector<16xf32>
      %mul3A_704 = arith.constant 16 : i32
      %mul3A_705 = arith.muli %scan3A_649, %mul3A_704 : i32
      %get3A_706 = arith.constant 8 : i32
      %get3A_707 = arith.index_cast %get3A_706 : i32 to index
      %get3A_708 = arith.index_cast %mul3A_705 : i32 to index
      %get3A_709 = tpu.vector_load %arg7[%get3A_707, %get3A_708] {strides = array<i32>} : memref<16x640xf32, #tpu.memory_space<vmem>>, vector<16xf32>,
      %add3A_710 = arith.addf %add3A_703, %get3A_709 : vector<16xf32>
      %mul3A_711 = arith.constant 16 : i32
      %mul3A_712 = arith.muli %scan3A_649, %mul3A_711 : i32
      %get3A_713 = arith.constant 9 : i32
      %get3A_714 = arith.index_cast %get3A_713 : i32 to index
      %get3A_715 = arith.index_cast %mul3A_712 : i32 to index
      %get3A_716 = tpu.vector_load %arg7[%get3A_714, %get3A_715] {strides = array<i32>} : memref<16x640xf32, #tpu.memory_space<vmem>>, vector<16xf32>,
      %add3A_717 = arith.addf %add3A_710, %get3A_716 : vector<16xf32>
      %mul3A_718 = arith.constant 16 : i32
      %mul3A_719 = arith.muli %scan3A_649, %mul3A_718 : i32
      %get3A_720 = arith.constant 10 : i32
      %get3A_721 = arith.index_cast %get3A_720 : i32 to index
      %get3A_722 = arith.index_cast %mul3A_719 : i32 to index
      %get3A_723 = tpu.vector_load %arg7[%get3A_721, %get3A_722] {strides = array<i32>} : memref<16x640xf32, #tpu.memory_space<vmem>>, vector<16xf32>,
      %add3A_724 = arith.addf %add3A_717, %get3A_723 : vector<16xf32>
      %mul3A_725 = arith.constant 16 : i32
      %mul3A_726 = arith.muli %scan3A_649, %mul3A_725 : i32
      %get3A_727 = arith.constant 11 : i32
      %get3A_728 = arith.index_cast %get3A_727 : i32 to index
      %get3A_729 = arith.index_cast %mul3A_726 : i32 to index
      %get3A_730 = tpu.vector_load %arg7[%get3A_728, %get3A_729] {strides = array<i32>} : memref<16x640xf32, #tpu.memory_space<vmem>>, vector<16xf32>,
      %add3A_731 = arith.addf %add3A_724, %get3A_730 : vector<16xf32>
      %mul3A_732 = arith.constant 16 : i32
      %mul3A_733 = arith.muli %scan3A_649, %mul3A_732 : i32
      %get3A_734 = arith.constant 12 : i32
      %get3A_735 = arith.index_cast %get3A_734 : i32 to index
      %get3A_736 = arith.index_cast %mul3A_733 : i32 to index
      %get3A_737 = tpu.vector_load %arg7[%get3A_735, %get3A_736] {strides = array<i32>} : memref<16x640xf32, #tpu.memory_space<vmem>>, vector<16xf32>,
      %add3A_738 = arith.addf %add3A_731, %get3A_737 : vector<16xf32>
      %mul3A_739 = arith.constant 16 : i32
      %mul3A_740 = arith.muli %scan3A_649, %mul3A_739 : i32
      %get3A_741 = arith.constant 13 : i32
      %get3A_742 = arith.index_cast %get3A_741 : i32 to index
      %get3A_743 = arith.index_cast %mul3A_740 : i32 to index
      %get3A_744 = tpu.vector_load %arg7[%get3A_742, %get3A_743] {strides = array<i32>} : memref<16x640xf32, #tpu.memory_space<vmem>>, vector<16xf32>,
      %add3A_745 = arith.addf %add3A_738, %get3A_744 : vector<16xf32>
      %mul3A_746 = arith.constant 16 : i32
      %mul3A_747 = arith.muli %scan3A_649, %mul3A_746 : i32
      %get3A_748 = arith.constant 14 : i32
      %get3A_749 = arith.index_cast %get3A_748 : i32 to index
      %get3A_750 = arith.index_cast %mul3A_747 : i32 to index
      %get3A_751 = tpu.vector_load %arg7[%get3A_749, %get3A_750] {strides = array<i32>} : memref<16x640xf32, #tpu.memory_space<vmem>>, vector<16xf32>,
      %add3A_752 = arith.addf %add3A_745, %get3A_751 : vector<16xf32>
      %mul3A_753 = arith.constant 16 : i32
      %mul3A_754 = arith.muli %scan3A_649, %mul3A_753 : i32
      %get3A_755 = arith.constant 15 : i32
      %get3A_756 = arith.index_cast %get3A_755 : i32 to index
      %get3A_757 = arith.index_cast %mul3A_754 : i32 to index
      %get3A_758 = tpu.vector_load %arg7[%get3A_756, %get3A_757] {strides = array<i32>} : memref<16x640xf32, #tpu.memory_space<vmem>>, vector<16xf32>,
      %add3A_759 = arith.addf %add3A_752, %get3A_758 : vector<16xf32>
      %mul3A_760 = arith.constant 16 : i32
      %mul3A_761 = arith.muli %scan3A_649, %mul3A_760 : i32
      %add3A_762 = vector.broadcast %mul3A_761 : i32 to vector<16xi32>
      %add3A_763 = arith.addi %add3A_762, %iota3A : vector<16xi32>
      tpu.vector_store_idx %arg8[%add3A_763, %broadcast_in_dim3A_640], %add3A_759 : memref<640x16xf32, #tpu.memory_space<vmem>>[vector<16xi32>, vector<16xi32>], vector<16xf32>,
    }
    %scan3A_646 = arith.constant 40 : i32
    %mul3A_647 = arith.constant 640 : i32
    %mul3A_648 = arith.muli %arg1, %mul3A_647 : i32
    "tpu.region"() ({
      %run_scoped3A_649 = tpu.sem_alloc : memref<!tpu.dma_semaphore, #tpu.memory_space<semaphore_mem>>
      %dma_start3A_650 = arith.constant 0 : i32
      %dma_start3A_651 = tpu.memref_slice %arg3[%arg0, %mul3A_648, %dma_start3A_650] : memref<2x10240x16xf32, #tpu.memory_space<hbm>> -> memref<1x640x16xf32, #tpu.memory_space<hbm>>
      %dma_start3A_652 = tpu.memref_squeeze %dma_start3A_651 : memref<1x640x16xf32, #tpu.memory_space<hbm>> -> memref<640x16xf32, #tpu.memory_space<hbm>>
      %dma_start3A_653 = arith.constant 0 : i32
      %dma_start3A_654 = tpu.memref_slice %arg3[%arg0, %mul3A_648, %dma_start3A_653] : memref<2x10240x16xf32, #tpu.memory_space<hbm>> -> memref<1x640x16xf32, #tpu.memory_space<hbm>>
      %dma_start3A_655 = tpu.memref_squeeze %dma_start3A_654 : memref<1x640x16xf32, #tpu.memory_space<hbm>> -> memref<640x16xf32, #tpu.memory_space<hbm>>
      tpu.enqueue_dma source(%arg8 : memref<640x16xf32, #tpu.memory_space<vmem>>) target(%dma_start3A_655 : memref<640x16xf32, #tpu.memory_space<hbm>>) target_semaphore(%run_scoped3A_649 : memref<!tpu.dma_semaphore, #tpu.memory_space<semaphore_mem>>)
      %dma_wait3A_656 = arith.constant 0 : i32
      %dma_wait3A_657 = tpu.memref_slice %arg3[%arg0, %mul3A_648, %dma_wait3A_656] : memref<2x10240x16xf32, #tpu.memory_space<hbm>> -> memref<1x640x16xf32, #tpu.memory_space<hbm>>
      %dma_wait3A_658 = tpu.memref_squeeze %dma_wait3A_657 : memref<1x640x16xf32, #tpu.memory_space<hbm>> -> memref<640x16xf32, #tpu.memory_space<hbm>>
      %dma_wait3A_659 = arith.constant 0 : i32
      %dma_wait3A_660 = tpu.memref_slice %arg3[%arg0, %mul3A_648, %dma_wait3A_659] : memref<2x10240x16xf32, #tpu.memory_space<hbm>> -> memref<1x640x16xf32, #tpu.memory_space<hbm>>
      %dma_wait3A_661 = tpu.memref_squeeze %dma_wait3A_660 : memref<1x640x16xf32, #tpu.memory_space<hbm>> -> memref<640x16xf32, #tpu.memory_space<hbm>>
      tpu.wait_dma2 semaphore(%run_scoped3A_649 : memref<!tpu.dma_semaphore, #tpu.memory_space<semaphore_mem>>) src(%arg8 : memref<640x16xf32, #tpu.memory_space<vmem>>) dst(%dma_wait3A_661 : memref<640x16xf32, #tpu.memory_space<hbm>>)
      tpu.yield
    }) : () -> ()
    return
  }
}

</mosaic_0001>

<sc_bundles>
// kernel: _deg_sc.3.cloned.1.call-start
scs
__scs_entry_jumppad:
0x0: {  	(pc) =	sbr.rel $0x88, $3  }
0x1: {  	(tag) =	ssettag $0x0;
	lr =	simm.s32 $0x1  }
0x2: {  	[smem:$0x3FA0] =	sst lr;
	_ =	strace $0xD0000000  }
0x3: {  	_ = 	snop  }
0x4: {  	_ = 	snop  }
0x5: {  	_ = 	snop  }
0x6: {  	_ = 	snop  }
0x7: {  	_ = 	snop  }
__scs_overlays_trampoline_lowered:
0x8: {  	[smem:$0x3FAF] =	sst s0  }
0x9: {  	[smem:$0x3FB0] =	sst s1  }
0xa: {  	[smem:$0x3FB1] =	sst s2  }
0xb: {  	[smem:$0x3FB2] =	sst s3  }
0xc: {  	[smem:$0x3FB3] =	sst s4  }
0xd: {  	[smem:$0x3FB4] =	sst s5  }
0xe: {  	[smem:$0x3FB5] =	sst s6  }
0xf: {  	[smem:$0x3FB6] =	sst s7  }
0x10: {  	[smem:$0x3FB7] =	sst s8  }
0x11: {  	[smem:$0x3FB8] =	sst s9;
	s0 =	simm.s32 @!p0 $0x0  }
0x12: {  	s1 =	sld [smem:$0x3F9E];
	s0 =	simm.s32 @p0 $0x1  }
0x13: {  	[smem:$0x3FB9] =	sst s0;
	s0 =	simm.s32 @!p1 $0x0  }
0x14: {  	s2 =	sld [smem:$0x3F9D];
	s0 =	simm.s32 @p1 $0x1  }
0x15: {  	[smem:$0x3FBA] =	sst s0;
	s0 =	simm.s32 @!p2 $0x0  }
0x16: {  	s3 =	sld [smem:$0x3FDB];
	s0 =	simm.s32 @p2 $0x1  }
0x17: {  	s4 =	simm.s32 $0x1BF5;
	[smem:$0x3FBC] =	sst s0  }
0x18: {  	s0 =	sld [smem:$0x3F9F];
	_ =	swait.ge [sflag:s4], $0x0  }
0x19: {  	s7 =	sld [smem:$0x3FA0]  }
0x1a: {  	s8 =	sadd.s32 $0xFFFFE003, lr  }
0x1b: {  	s9 =	sadd.s32 $0xFFFFFEF7, lr;
	s5 =	simm.s32 $0xFFFFFFFF;
	p2 =	slt.u32 s8, $0xFFFFF086  }
0x1c: {  	p1 =	slt.u32 s9, $0xF7A;
	s5 =	simm.s32 @!p2 $0x0  }
0x1d: {  	s5 =	simm.s32 @p1 $0x1;
	p0 =	seq.s32 s7, s2  }
0x1e: {  	s7 =	smul.u32 @!p0 $0xF7A, s2;
	p2 =	seq.s32 @!p0 s5, $0x0  }
0x1f: {  	s9 =	smul.u32 $0xF7A, s1;
	s8 =	simm.s32 @!p0 $0x1BF5;
	p2 =	por !p2, p0  }
0x20: {  	[sflag:s8] =	ssyncset.s32 @!p0 $0xFFFFF086;
	s6 =	sadd.s32 @!p0 s3, s7;
	s7 =	simm.s32 @!p0 $0x108  }
0x21: {  	s3 =	sadd.s32 s3, s9;
	s6 =	sadd.s32 @!p0 $0x88, s6;
	s7 =	simm.s32 @p2 $0x1082  }
0x22: {  	[simem:s7], [sflag:s8] =	dma.local @!p0 [hbm:s6], $0xF7A  }
0x23: {  	s9 =	sor.u32 $0xD0000000, s2;
	s6 =	simm.s32 $0x108;
	_ =	swait.ge @!p0 [sflag:s8], $0x0  }
0x24: {  	s3 =	sadd.s32 $0x88, s3;
	s6 =	simm.s32 @!p1 $0x1082;
	[sflag:s4] =	ssyncset.s32 $0xFFFFF086  }
0x25: {  	[simem:s6], [sflag:s4] =	dma.local [hbm:s3], $0xF7A  }
0x26: {  	[smem:$0x3FA0] =	sst s1;
	(tag) =	ssettag s2;
	_ =	strace s9  }
0x27: {  	s1 =	sld [smem:$0x3FB0]  }
0x28: {  	s2 =	sld [smem:$0x3FB1]  }
0x29: {  	s4 =	sld [smem:$0x3FB3]  }
0x2a: {  	p0 =	seq.s32 s5, $0x0;
	s5 =	sld [smem:$0x3FB4]  }
0x2b: {  	s6 =	sld [smem:$0x3FB5]  }
0x2c: {  	s7 =	sld [smem:$0x3FB6]  }
0x2d: {  	s3 =	simm.s32 $0x108;
	s8 =	sld [smem:$0x3FB7]  }
0x2e: {  	s3 =	simm.s32 @!p0 $0x1082;
	s9 =	sld [smem:$0x3FB8]  }
0x2f: {  	lr =	sadd.s32 s0, s3;
	s0 =	sld [smem:$0x3FAF]  }
0x30: {  	s3 =	sld [smem:$0x3FB2]  }
0x31: {  	[smem:$0x3FBB] =	sst s10  }
0x32: {  	s10 =	sld [smem:$0x3FB9];
	_ =	sdelay $0x3  }
0x33: {  	p0 =	seq.s32 s10, $0x1;
	s10 =	sld [smem:$0x3FBB];
	_ =	sdelay $0x3  }
0x34: {  	[smem:$0x3FBB] =	sst s10  }
0x35: {  	s10 =	sld [smem:$0x3FBA];
	_ =	sdelay $0x3  }
0x36: {  	p1 =	seq.s32 s10, $0x1;
	s10 =	sld [smem:$0x3FBB];
	_ =	sdelay $0x3  }
0x37: {  	[smem:$0x3FBB] =	sst s10  }
0x38: {  	s10 =	sld [smem:$0x3FBC]  }
0x39: {  	_ = 	snop;
	(pc) =	sbr.ind lr, $3  }
0x3a: {  	_ = 	snop  }
0x3b: {  	_ = 	snop  }
0x3c: {  	p2 =	seq.s32 s10, $0x1;
	s10 =	sld [smem:$0x3FBB]  }
0x3d: {  	_ =	shalt  }
0x3e: {  	_ =	shalt  }
0x3f: {  	_ =	shalt  }
0x40: {  	_ =	shalt  }
0x41: {  	_ =	shalt  }
0x42: {  	_ =	shalt  }
0x43: {  	_ =	shalt  }
0x44: {  	_ =	shalt  }
0x45: {  	_ =	shalt  }
0x46: {  	_ =	shalt  }
0x47: {  	_ =	shalt  }
0x48: {  	_ =	shalt  }
0x49: {  	_ =	shalt  }
0x4a: {  	_ =	shalt  }
0x4b: {  	_ =	shalt  }
0x4c: {  	_ =	shalt  }
0x4d: {  	_ =	shalt  }
0x4e: {  	_ =	shalt  }
0x4f: {  	_ =	shalt  }
0x50: {  	_ =	shalt  }
0x51: {  	_ =	shalt  }
0x52: {  	_ =	shalt  }
0x53: {  	_ =	shalt  }
0x54: {  	_ =	shalt  }
0x55: {  	_ =	shalt  }
0x56: {  	_ =	shalt  }
0x57: {  	_ =	shalt  }
0x58: {  	_ =	shalt  }
0x59: {  	_ =	shalt  }
0x5a: {  	_ =	shalt  }
0x5b: {  	_ =	shalt  }
0x5c: {  	_ =	shalt  }
0x5d: {  	_ =	shalt  }
0x5e: {  	_ =	shalt  }
0x5f: {  	_ =	shalt  }
0x60: {  	_ =	shalt  }
0x61: {  	_ =	shalt  }
0x62: {  	_ =	shalt  }
0x63: {  	_ =	shalt  }
0x64: {  	_ =	shalt  }
0x65: {  	_ =	shalt  }
0x66: {  	_ =	shalt  }
0x67: {  	_ =	shalt  }
0x68: {  	_ =	shalt  }
0x69: {  	_ =	shalt  }
0x6a: {  	_ =	shalt  }
0x6b: {  	_ =	shalt  }
0x6c: {  	_ =	shalt  }
0x6d: {  	_ =	shalt  }
0x6e: {  	_ =	shalt  }
0x6f: {  	_ =	shalt  }
0x70: {  	_ =	shalt  }
0x71: {  	_ =	shalt  }
0x72: {  	_ =	shalt  }
0x73: {  	_ =	shalt  }
0x74: {  	_ =	shalt  }
0x75: {  	_ =	shalt  }
0x76: {  	_ =	shalt  }
0x77: {  	_ =	shalt  }
0x78: {  	_ =	shalt  }
0x79: {  	_ =	shalt  }
0x7a: {  	_ =	shalt  }
0x7b: {  	_ =	shalt  }
0x7c: {  	_ =	shalt  }
0x7d: {  	_ =	shalt  }
0x7e: {  	_ =	shalt  }
0x7f: {  	_ =	shalt  }
0x80: {  	_ =	shalt  }
0x81: {  	_ =	shalt  }
0x82: {  	_ =	shalt  }
0x83: {  	_ =	shalt  }
0x84: {  	_ =	shalt  }
0x85: {  	_ =	shalt  }
0x86: {  	_ =	shalt  }
0x87: {  	_ =	shalt  }
.Lfunc_end0:
.L_simem_size_0:
called_computation_lowered:
.L_overlay_start_0:
0x88: {  	s2 =	sld [smem:$0x3FD9]  }
0x89: {  	s3 =	sld [smem:$0x3FFE];
	_ =	sdelay $0x1  }
0x8a: {  	s1 =	srdreg.scid  }
0x8b: {  	s0 =	sand.u32 $0x1, s1  }
0x8c: {  	s18 =	sshll.u32 s0, $0xA;
	s2 =	sadd.s32 s3, s2  }
0x8d: {  	s2 =	sadd.s32 s2, s18  }
0x8e: {  	[smem:$0x3FC7] =	sst s2  }
0x8f: {  	_ = 	snop  }
0x90: {  	s2 =	sld [smem:$0x3FC9]  }
0x91: {  	s19 =	sld [smem:$0x3FD0];
	(tm) =	ssettm $0x1  }
0x92: {  	s4 =	sld [smem:$0x3FFB];
	_ =	sdelay $0x3  }
0x93: {  	_ =	strace s4  }
0x94: {  	s4 =	sld [smem:$0x3FFC];
	_ =	sdelay $0x3  }
0x95: {  	_ =	strace s4  }
0x96: {  	s4 =	sld [smem:$0x3FFD];
	_ =	sdelay $0x3  }
0x97: {  	_ =	strace s4  }
0x98: {  	_ =	strace $0x8FFFFFFF  }
0x99: {  	s20 =	sld [smem:$0x3FDB];
	_ =	sdelay $0x1  }
0x9a: {  	s5 =	simm.s32 $_scs_section_size  }
0x9b: {  	s6 =	simm.s32 $_size__tile_overlayer_lowered;
	s7 =	simm.s32 $_tile_overlayer_lowered  }
0x9c: {  	s23 =	simm.s32 $0x1BFF;
	s22 =	sshll.u32 s7, $0x1;
	s4 =	sadd.s32 s5, s20  }
0x9d: {  	s8 =	simm.s32 $0x0;
	s21 =	sshll.u32 s6, $0x1;
	s6 =	sadd.s32 s22, s4  }
0x9e: {  	[timem:s8], [sflag:s23] =	dma.local [hbm:s6], s21  }
0x9f: {  	_ =	swait.ge [sflag:s23], s21  }
0xa0: {  	s5 =	ssub.s32 $0x0, s21;
	[sflag:s23] =	ssyncset.done $0x0  }
0xa1: {  	[sflag:s23] =	ssyncadd.s32 s5;
	_ =	sdelay $0x1  }
0xa2: {  	s24 =	simm.s32 $0x1B8B  }
0xa3: {  	_ =	swait.ge [sflag:s24], $0x1  }
0xa4: {  	[sflag:s24] =	ssyncset.done $0x0  }
0xa5: {  	s25 =	simm.s32 $0x1B8E;
	[sflag:s24] =	ssyncadd.s32 $0xFFFFFFFF  }
0xa6: {  	s26 =	simm.s32 $execute0_lowered;
	[smem:$0x3FD2] =	sst s25  }
0xa7: {  	s5 =	sshll.u32 s26, $0x1;
	_ =	strace $0x80000046;
	[dreg:$0x1] =	wrdreg $0xFFFFFFFF  }
0xa8: {  	s28 =	simm.s32 $_size_execute0_lowered;
	s4 =	sadd.s32 s4, s5;
	[dreg:$0x0] =	wrdreg $0x0  }
0xa9: {  	s5 =	sshll.u32 s28, $0x1;
	[dreg:$0x2] =	wrdreg s4  }
0xaa: {  	[dreg:$0x3] =	wrdreg s5  }
0xab: {  	[dreg:$0x4] =	wrdreg $0xC0  }
0xac: {  	_ =	task [dreg:s8], $0x5FFFF  }
0xad: {  	[dreg:$0x1] =	wrdreg $0xFFFFFFFF  }
0xae: {  	[dreg:$0x0] =	wrdreg $0x60  }
0xaf: {  	[dreg:$0x2] =	wrdreg s2  }
0xb0: {  	[dreg:$0x3] =	wrdreg s19  }
0xb1: {  	[dreg:$0x4] =	wrdreg $0x0  }
0xb2: {  	[dreg:$0x5] =	wrdreg $0x9  }
0xb3: {  	_ =	task.clear_ibuf [dreg:s8], $0x6FFFF;
	_ =	strace $0x90000046  }
0xb4: {  	s29 =	simm.s32 $0x9;
	_ =	strace $0x80000048  }
0xb5: {  	_ =	swait.ge [sflag:s29], $0x1  }
0xb6: {  	[sflag:s29] =	ssyncadd.s32 $0xFFFFFFFF  }
0xb7: {  	_ =	strace $0x90000048  }
0xb8: {  	_ =	sfence  }
0xb9: {  	s30 =	sld [smem:$0x0];
	_ =	sdelay $0x2  }
0xba: {  	s31 =	sshll.u32 s1, $0xD;
	s1 =	sshrl.u32 s1, $0x2  }
0xbb: {  	s3 =	sand.u32 $0x4000, s31;
	s1 =	sadd.s32 s1, s30  }
0xbc: {  	s0 =	sor.u32 s3, s0;
	s1 =	sshll.u32 s1, $0x11  }
0xbd: {  	s0 =	sor.u32 s1, s0  }
0xbe: {  	s0 =	sadd.s32 $0x8F2B, s0  }
0xbf: {  	[sflag:s0] =	ssyncadd.remote.s32 $0x1  }
0xc0: {  	_ =	sfence.sel $0xFFFF  }
0xc1: {  	[dreg:$0x0] =	wrdreg $0xFFFFFFFF;
	(pc) =	sbr.abs _section_cstart, $3  }
0xc2: {  	[dreg:$0x1] =	wrdreg $0xFFFFFFFF  }
0xc3: {  	_ =	task.clear_ibuf [dreg:s8], $0x2FFFF;
	_ =	strace $0x9FFFFFFF  }
0xc4: {  	(tm) =	ssettm $0x7FFFFFFF  }
0xc5: {  	_ =	shalt  }
tec
execute0_lowered:
.L_overlay_start_1:
0x0: {  	(tag) =	ssettag $0x1  }
0x1: {  	s0 =	rddreg [dreg:$0x0];
	s11 =	stileid.u32  }
0x2: {  	s1 =	rddreg [dreg:$0x1];
	s4 =	smul.u32 $0x9C00, s11  }
0x3: {  	s2 =	rddreg [dreg:$0x2];
	s7 =	smul.u32 $0x1380, s11  }
0x4: {  	s3 =	srdreg.scid;
	s19 =	smul.u32 $0xA000, s11  }
0x5: {  	s5 =	simm.s32 $0x0;
	s3 =	sand.u32 $0x1, s3;
	s21 =	smul.u32 $0xA00, s11  }
0x6: {  	[smem:$0x7FF] =	sst s5;
	s22 =	sshll.u32 s11, $0x5;
	s23 =	smul.u32 $0x2800, s11  }
0x7: {  	p0 =	sgt.u32 s11, $0x3;
	s11 =	simm.s32 $0x5C00;
	s4 =	sshrl.u32 s4, $0x3  }
0x8: {  	s8 =	ssub.s32 $0x2, s3;
	s9 =	sadd.s32 s0, s7;
	s4 =	sadd.s32 s0, s4  }
0x9: {  	_ =	strace $0x80000047;
	[dreg:$0x4] =	wrdreg s9;
	s10 =	sadd.s32 $0x180, s4  }
0xa: {  	s5 =	sshll.u32 s3, $0x7;
	s12 =	sadd.s32 $0x300, s4;
	[dreg:$0x5] =	wrdreg s10  }
0xb: {  	s3 =	smul.u32 $0x28000, s3;
	s13 =	sadd.s32 $0x480, s4;
	[dreg:$0x6] =	wrdreg s12  }
0xc: {  	s6 =	sshrl.u32 s8, $0x1;
	s14 =	sadd.s32 $0x600, s4;
	[dreg:$0x7] =	wrdreg s13  }
0xd: {  	s24 =	sshrl.u32 s19, $0x2;
	s15 =	sadd.s32 $0x780, s4;
	[dreg:$0x8] =	wrdreg s14  }
0xe: {  	s25 =	sshrl.u32 s21, $0x2;
	s16 =	sadd.s32 $0x900, s4;
	[dreg:$0x9] =	wrdreg s15  }
0xf: {  	s8 =	ssub.s32 s8, s6;
	s17 =	sadd.s32 $0xA80, s4;
	[dreg:$0xa] =	wrdreg s16  }
0x10: {  	s6 =	sor.u32 $0x5000, s5;
	s18 =	sadd.s32 $0xC00, s4;
	[dreg:$0xb] =	wrdreg s17  }
0x11: {  	s0 =	sadd.s32 s22, s0;
	s9 =	sadd.s32 $0xD80, s4;
	[dreg:$0xc] =	wrdreg s18  }
0x12: {  	s26 =	sadd.s32 s23, s3;
	s20 =	sadd.s32 $0xF00, s4;
	[dreg:$0xd] =	wrdreg s9  }
0x13: {  	s0 =	sadd.s32 $0x13800, s0;
	[dreg:$0xe] =	wrdreg s20;
	s10 =	sadd.s32 $0x1080, s4  }
0x14: {  	s4 =	sadd.s32 $0x1200, s4;
	[dreg:$0x11] =	wrdreg s0;
	s0 =	sadd.s32 s24, s2  }
0x15: {  	s20 =	sadd.s32 s25, s2;
	s25 =	smax.u32 s8, $0x1;
	s9 =	simm.s32 $0x5000  }
0x16: {  	s12 =	simm.s32 $0x2800;
	s13 =	simm.s32 $0x2;
	[dreg:$0xf] =	wrdreg s10  }
0x17: {  	s14 =	simm.s32 $0x3;
	s15 =	simm.s32 $0x9000;
	[dreg:$0x10] =	wrdreg s4  }
0x18: {  	s16 =	simm.s32 $0x0;
	[dreg:$0x12] =	wrdreg s0;
	s2 =	sadd.s32 $0x2800, s20  }
0x19: {  	s22 =	sadd.s32 $0x5000, s20;
	s0 =	sshrl.u32 s26, $0x3;
	s24 =	sadd.s32 $0x7800, s20  }
0x1a: {  	s26 =	sadd.s32 $0xA000, s20;
	s28 =	sadd.s32 $0xC800, s20;
	s29 =	sadd.s32 $0xF000, s20  }
0x1b: {  	s30 =	sadd.s32 $0x11800, s20;
	s31 =	sadd.s32 $0x14000, s20;
	s3 =	sadd.s32 $0x1E000, s20  }
0x1c: {  	s4 =	sadd.s32 $0x20800, s20;
	s7 =	sadd.s32 $0x23000, s20;
	s8 =	sadd.s32 $0x25800, s20  }
0x1d: {  	v1 =	vlaneseq.u32;
	s10 =	simm.s32 $0x1;
	[dreg:$0x13] =	wrdreg s2;
	s23 =	sadd.s32 s1, s0  }
0x1e: {  	v0 =	vimm.f32 $0.0e+00;
	v1 =	vmul.u32 $0x10, v1;
	s0 =	sadd.s32 $0x16800, s20;
	s1 =	sadd.s32 $0x19000, s20;
	s2 =	sadd.s32 $0x1B800, s20  }
.LBB2_1:
0x1f: {  	s17 =	simm.s32 $0x40;
	s18 =	simm.s32 $0x0  }
.LBB2_2:
0x20: {  	p1 =	sne.s32 s17, $0x9FC0;
	[tilespmem:s18+$0x2800] =	vst v0;
	s18 =	smov.u32 s17;
	s17 =	sadd.s32 $0x40, s17  }
.Ltmp0:
0x21: {  	(pc) =	sbr.rel @p1 .LBB2_2-.Ltmp0, $2  }
0x22: {  	_ =	sdelay $0x2  }
0x23: {  	s18 =	sshra.s32 s18, $0x2  }
0x24: {  	[tilespmem:s18+$0x2800] =	vst v0;
	s17 =	simm.s32 $0x0;
	s19 =	rddreg [dreg:$0x4]  }
0x25: {  	[tilespmem:s9], [sflag:$0x1] =	stream.linear.gather [hbm4b:s19+s17], $0xC00, $0x38;
	[tilespmem:$0xB800] =	vst v63  }
0x26: {  	_ =	swait.ge [sflag:s10], $0xC00  }
0x27: {  	[sflag:s10] =	ssyncset.done $0x0  }
0x28: {  	s18 =	simm.s32 $0x0;
	s21 =	rddreg [dreg:$0x5];
	[sflag:s10] =	ssyncadd.s32 $0xFFFFF400  }
0x29: {  	[tilespmem:s11], [sflag:$0x2] =	stream.linear.gather [hbm4b:s21+s17], $0xC00, $0x38;
	[tilespmem:$0xB800] =	vst v63  }
.LBB2_4:
0x2a: {  	s19 =	sand.u32 $0x3C00, s18  }
0x2b: {  	s19 =	sshrl.u32 s19, $0x2  }
0x2c: {  	s21 =	sand.u32 $0x40, s17;
	s19 =	sadd.s32 s19, s6  }
0x2d: {  	s19 =	sadd.s32 s21, s19  }
0x2e: {  	v2 =	vld [tilespmem:s19+$0x0];
	_ =	sdelay $0x4  }
0x2f: {  	(xrf1) =	vunique.msk.u32 $0xffff, v2;
	_ =	sdelay $0xd  }
0x30: {  	_, v3, vm0 =	vpop (xrf1);
	_ =	sdelay $0x3  }
0x31: {  	v3 =	vcvt.s32.f32 v3;
	_ =	sdelay $0x1  }
0x32: {  	[tilespmem:v2+s12+$0x0] =	vst.idx.add.f32.msk vm0, v3  }
0x33: {  	v2 =	vld [tilespmem:s19+$0x10];
	_ =	sdelay $0x4  }
0x34: {  	(xrf1) =	vunique.msk.u32 $0xffff, v2;
	_ =	sdelay $0xd  }
0x35: {  	_, v3, vm0 =	vpop (xrf1);
	_ =	sdelay $0x3  }
0x36: {  	v3 =	vcvt.s32.f32 v3;
	_ =	sdelay $0x1  }
0x37: {  	[tilespmem:v2+s12+$0x0] =	vst.idx.add.f32.msk vm0, v3  }
0x38: {  	v2 =	vld [tilespmem:s19+$0x20];
	_ =	sdelay $0x4  }
0x39: {  	(xrf1) =	vunique.msk.u32 $0xffff, v2;
	_ =	sdelay $0xd  }
0x3a: {  	_, v3, vm0 =	vpop (xrf1);
	_ =	sdelay $0x3  }
0x3b: {  	v3 =	vcvt.s32.f32 v3;
	_ =	sdelay $0x1  }
0x3c: {  	[tilespmem:v2+s12+$0x0] =	vst.idx.add.f32.msk vm0, v3  }
0x3d: {  	v2 =	vld [tilespmem:s19+$0x30];
	_ =	sdelay $0x4  }
0x3e: {  	(xrf1) =	vunique.msk.u32 $0xffff, v2;
	_ =	sdelay $0xd  }
0x3f: {  	_, v3, vm0 =	vpop (xrf1)  }
0x40: {  	p1 =	sne.s32 s18, $0x2E00  }
.Ltmp1:
0x41: {  	_ = 	snop;
	(pc) =	sbr.rel @p1 .LBB2_4-.Ltmp1, $3  }
0x42: {  	_ = 	snop  }
0x43: {  	v3 =	vcvt.s32.f32 v3;
	_ =	sdelay $0x1  }
0x44: {  	s17 =	sadd.s32 $0x40, s17;
	s18 =	sadd.s32 $0x200, s18;
	[tilespmem:v2+s12+$0x0] =	vst.idx.add.f32.msk vm0, v3  }
0x45: {  	_ =	swait.ge [sflag:s13], $0xC00  }
0x46: {  	[sflag:s13] =	ssyncset.done $0x0  }
0x47: {  	s17 =	simm.s32 $0x0;
	s18 =	rddreg [dreg:$0x6];
	[sflag:s13] =	ssyncadd.s32 $0xFFFFF400  }
0x48: {  	[tilespmem:s9], [sflag:$0x1] =	stream.linear.gather [hbm4b:s18+s17], $0xC00, $0x38;
	[tilespmem:$0xB800] =	vst v63  }
0x49: {  	s18 =	simm.s32 $0x0  }
.LBB2_6:
0x4a: {  	s19 =	sshrl.u32 s18, $0x2  }
0x4b: {  	s19 =	sand.u32 $0xF00, s19  }
0x4c: {  	s21 =	sand.u32 $0x40, s17;
	s19 =	sor.u32 s5, s19  }
0x4d: {  	s19 =	sadd.s32 s21, s19  }
0x4e: {  	v2 =	vld [tilespmem:s19+$0x5C00];
	_ =	sdelay $0x4  }
0x4f: {  	(xrf1) =	vunique.msk.u32 $0xffff, v2;
	_ =	sdelay $0xd  }
0x50: {  	_, v3, vm0 =	vpop (xrf1);
	_ =	sdelay $0x3  }
0x51: {  	v3 =	vcvt.s32.f32 v3;
	_ =	sdelay $0x1  }
0x52: {  	[tilespmem:v2+s12+$0x0] =	vst.idx.add.f32.msk vm0, v3  }
0x53: {  	v2 =	vld [tilespmem:s19+$0x5C10];
	_ =	sdelay $0x4  }
0x54: {  	(xrf1) =	vunique.msk.u32 $0xffff, v2;
	_ =	sdelay $0xd  }
0x55: {  	_, v3, vm0 =	vpop (xrf1);
	_ =	sdelay $0x3  }
0x56: {  	v3 =	vcvt.s32.f32 v3;
	_ =	sdelay $0x1  }
0x57: {  	[tilespmem:v2+s12+$0x0] =	vst.idx.add.f32.msk vm0, v3  }
0x58: {  	v2 =	vld [tilespmem:s19+$0x5C20];
	_ =	sdelay $0x4  }
0x59: {  	(xrf1) =	vunique.msk.u32 $0xffff, v2;
	_ =	sdelay $0xd  }
0x5a: {  	_, v3, vm0 =	vpop (xrf1);
	_ =	sdelay $0x3  }
0x5b: {  	v3 =	vcvt.s32.f32 v3;
	_ =	sdelay $0x1  }
0x5c: {  	[tilespmem:v2+s12+$0x0] =	vst.idx.add.f32.msk vm0, v3  }
0x5d: {  	v2 =	vld [tilespmem:s19+$0x5C30];
	_ =	sdelay $0x4  }
0x5e: {  	(xrf1) =	vunique.msk.u32 $0xffff, v2;
	_ =	sdelay $0xd  }
0x5f: {  	_, v3, vm0 =	vpop (xrf1)  }
0x60: {  	p1 =	sne.s32 s18, $0x2E00  }
.Ltmp2:
0x61: {  	_ = 	snop;
	(pc) =	sbr.rel @p1 .LBB2_6-.Ltmp2, $3  }
0x62: {  	_ = 	snop  }
0x63: {  	v3 =	vcvt.s32.f32 v3;
	_ =	sdelay $0x1  }
0x64: {  	s17 =	sadd.s32 $0x40, s17;
	s18 =	sadd.s32 $0x200, s18;
	[tilespmem:v2+s12+$0x0] =	vst.idx.add.f32.msk vm0, v3  }
0x65: {  	_ =	swait.ge [sflag:s10], $0xC00  }
0x66: {  	[sflag:s10] =	ssyncset.done $0x0  }
0x67: {  	s17 =	simm.s32 $0x0;
	s18 =	rddreg [dreg:$0x7];
	[sflag:s10] =	ssyncadd.s32 $0xFFFFF400  }
0x68: {  	[tilespmem:s11], [sflag:$0x2] =	stream.linear.gather [hbm4b:s18+s17], $0xC00, $0x38;
	[tilespmem:$0xB800] =	vst v63  }
0x69: {  	s18 =	simm.s32 $0x0  }
.LBB2_8:
0x6a: {  	s19 =	sand.u32 $0x3C00, s18  }
0x6b: {  	s19 =	sshrl.u32 s19, $0x2  }
0x6c: {  	s21 =	sand.u32 $0x40, s17;
	s19 =	sadd.s32 s19, s6  }
0x6d: {  	s19 =	sadd.s32 s21, s19  }
0x6e: {  	v2 =	vld [tilespmem:s19+$0x0];
	_ =	sdelay $0x4  }
0x6f: {  	(xrf1) =	vunique.msk.u32 $0xffff, v2;
	_ =	sdelay $0xd  }
0x70: {  	_, v3, vm0 =	vpop (xrf1);
	_ =	sdelay $0x3  }
0x71: {  	v3 =	vcvt.s32.f32 v3;
	_ =	sdelay $0x1  }
0x72: {  	[tilespmem:v2+s12+$0x0] =	vst.idx.add.f32.msk vm0, v3  }
0x73: {  	v2 =	vld [tilespmem:s19+$0x10];
	_ =	sdelay $0x4  }
0x74: {  	(xrf1) =	vunique.msk.u32 $0xffff, v2;
	_ =	sdelay $0xd  }
0x75: {  	_, v3, vm0 =	vpop (xrf1);
	_ =	sdelay $0x3  }
0x76: {  	v3 =	vcvt.s32.f32 v3;
	_ =	sdelay $0x1  }
0x77: {  	[tilespmem:v2+s12+$0x0] =	vst.idx.add.f32.msk vm0, v3  }
0x78: {  	v2 =	vld [tilespmem:s19+$0x20];
	_ =	sdelay $0x4  }
0x79: {  	(xrf1) =	vunique.msk.u32 $0xffff, v2;
	_ =	sdelay $0xd  }
0x7a: {  	_, v3, vm0 =	vpop (xrf1);
	_ =	sdelay $0x3  }
0x7b: {  	v3 =	vcvt.s32.f32 v3;
	_ =	sdelay $0x1  }
0x7c: {  	[tilespmem:v2+s12+$0x0] =	vst.idx.add.f32.msk vm0, v3  }
0x7d: {  	v2 =	vld [tilespmem:s19+$0x30];
	_ =	sdelay $0x4  }
0x7e: {  	(xrf1) =	vunique.msk.u32 $0xffff, v2;
	_ =	sdelay $0xd  }
0x7f: {  	_, v3, vm0 =	vpop (xrf1)  }
0x80: {  	p1 =	sne.s32 s18, $0x2E00  }
.Ltmp3:
0x81: {  	_ = 	snop;
	(pc) =	sbr.rel @p1 .LBB2_8-.Ltmp3, $3  }
0x82: {  	_ = 	snop  }
0x83: {  	v3 =	vcvt.s32.f32 v3;
	_ =	sdelay $0x1  }
0x84: {  	s17 =	sadd.s32 $0x40, s17;
	s18 =	sadd.s32 $0x200, s18;
	[tilespmem:v2+s12+$0x0] =	vst.idx.add.f32.msk vm0, v3  }
0x85: {  	_ =	swait.ge [sflag:s13], $0xC00  }
0x86: {  	[sflag:s13] =	ssyncset.done $0x0  }
0x87: {  	s17 =	simm.s32 $0x0;
	s18 =	rddreg [dreg:$0x8];
	[sflag:s13] =	ssyncadd.s32 $0xFFFFF400  }
0x88: {  	[tilespmem:s9], [sflag:$0x1] =	stream.linear.gather [hbm4b:s18+s17], $0xC00, $0x38;
	[tilespmem:$0xB800] =	vst v63  }
0x89: {  	s18 =	simm.s32 $0x0  }
.LBB2_10:
0x8a: {  	s19 =	sshrl.u32 s18, $0x2  }
0x8b: {  	s19 =	sand.u32 $0xF00, s19  }
0x8c: {  	s21 =	sand.u32 $0x40, s17;
	s19 =	sor.u32 s5, s19  }
0x8d: {  	s19 =	sadd.s32 s21, s19  }
0x8e: {  	v2 =	vld [tilespmem:s19+$0x5C00];
	_ =	sdelay $0x4  }
0x8f: {  	(xrf1) =	vunique.msk.u32 $0xffff, v2;
	_ =	sdelay $0xd  }
0x90: {  	_, v3, vm0 =	vpop (xrf1);
	_ =	sdelay $0x3  }
0x91: {  	v3 =	vcvt.s32.f32 v3;
	_ =	sdelay $0x1  }
0x92: {  	[tilespmem:v2+s12+$0x0] =	vst.idx.add.f32.msk vm0, v3  }
0x93: {  	v2 =	vld [tilespmem:s19+$0x5C10];
	_ =	sdelay $0x4  }
0x94: {  	(xrf1) =	vunique.msk.u32 $0xffff, v2;
	_ =	sdelay $0xd  }
0x95: {  	_, v3, vm0 =	vpop (xrf1);
	_ =	sdelay $0x3  }
0x96: {  	v3 =	vcvt.s32.f32 v3;
	_ =	sdelay $0x1  }
0x97: {  	[tilespmem:v2+s12+$0x0] =	vst.idx.add.f32.msk vm0, v3  }
0x98: {  	v2 =	vld [tilespmem:s19+$0x5C20];
	_ =	sdelay $0x4  }
0x99: {  	(xrf1) =	vunique.msk.u32 $0xffff, v2;
	_ =	sdelay $0xd  }
0x9a: {  	_, v3, vm0 =	vpop (xrf1);
	_ =	sdelay $0x3  }
0x9b: {  	v3 =	vcvt.s32.f32 v3;
	_ =	sdelay $0x1  }
0x9c: {  	[tilespmem:v2+s12+$0x0] =	vst.idx.add.f32.msk vm0, v3  }
0x9d: {  	v2 =	vld [tilespmem:s19+$0x5C30];
	_ =	sdelay $0x4  }
0x9e: {  	(xrf1) =	vunique.msk.u32 $0xffff, v2;
	_ =	sdelay $0xd  }
0x9f: {  	_, v3, vm0 =	vpop (xrf1)  }
0xa0: {  	p1 =	sne.s32 s18, $0x2E00  }
.Ltmp4:
0xa1: {  	_ = 	snop;
	(pc) =	sbr.rel @p1 .LBB2_10-.Ltmp4, $3  }
0xa2: {  	_ = 	snop  }
0xa3: {  	v3 =	vcvt.s32.f32 v3;
	_ =	sdelay $0x1  }
0xa4: {  	s17 =	sadd.s32 $0x40, s17;
	s18 =	sadd.s32 $0x200, s18;
	[tilespmem:v2+s12+$0x0] =	vst.idx.add.f32.msk vm0, v3  }
0xa5: {  	_ =	swait.ge [sflag:s10], $0xC00  }
0xa6: {  	[sflag:s10] =	ssyncset.done $0x0  }
0xa7: {  	s17 =	simm.s32 $0x0;
	s18 =	rddreg [dreg:$0x9];
	[sflag:s10] =	ssyncadd.s32 $0xFFFFF400  }
0xa8: {  	[tilespmem:s11], [sflag:$0x2] =	stream.linear.gather [hbm4b:s18+s17], $0xC00, $0x38;
	[tilespmem:$0xB800] =	vst v63  }
0xa9: {  	s18 =	simm.s32 $0x0  }
.LBB2_12:
0xaa: {  	s19 =	sand.u32 $0x3C00, s18  }
0xab: {  	s19 =	sshrl.u32 s19, $0x2  }
0xac: {  	s21 =	sand.u32 $0x40, s17;
	s19 =	sadd.s32 s19, s6  }
0xad: {  	s19 =	sadd.s32 s21, s19  }
0xae: {  	v2 =	vld [tilespmem:s19+$0x0];
	_ =	sdelay $0x4  }
0xaf: {  	(xrf1) =	vunique.msk.u32 $0xffff, v2;
	_ =	sdelay $0xd  }
0xb0: {  	_, v3, vm0 =	vpop (xrf1);
	_ =	sdelay $0x3  }
0xb1: {  	v3 =	vcvt.s32.f32 v3;
	_ =	sdelay $0x1  }
0xb2: {  	[tilespmem:v2+s12+$0x0] =	vst.idx.add.f32.msk vm0, v3  }
0xb3: {  	v2 =	vld [tilespmem:s19+$0x10];
	_ =	sdelay $0x4  }
0xb4: {  	(xrf1) =	vunique.msk.u32 $0xffff, v2;
	_ =	sdelay $0xd  }
0xb5: {  	_, v3, vm0 =	vpop (xrf1);
	_ =	sdelay $0x3  }
0xb6: {  	v3 =	vcvt.s32.f32 v3;
	_ =	sdelay $0x1  }
0xb7: {  	[tilespmem:v2+s12+$0x0] =	vst.idx.add.f32.msk vm0, v3  }
0xb8: {  	v2 =	vld [tilespmem:s19+$0x20];
	_ =	sdelay $0x4  }
0xb9: {  	(xrf1) =	vunique.msk.u32 $0xffff, v2;
	_ =	sdelay $0xd  }
0xba: {  	_, v3, vm0 =	vpop (xrf1);
	_ =	sdelay $0x3  }
0xbb: {  	v3 =	vcvt.s32.f32 v3;
	_ =	sdelay $0x1  }
0xbc: {  	[tilespmem:v2+s12+$0x0] =	vst.idx.add.f32.msk vm0, v3  }
0xbd: {  	v2 =	vld [tilespmem:s19+$0x30];
	_ =	sdelay $0x4  }
0xbe: {  	(xrf1) =	vunique.msk.u32 $0xffff, v2;
	_ =	sdelay $0xd  }
0xbf: {  	_, v3, vm0 =	vpop (xrf1)  }
0xc0: {  	p1 =	sne.s32 s18, $0x2E00  }
.Ltmp5:
0xc1: {  	_ = 	snop;
	(pc) =	sbr.rel @p1 .LBB2_12-.Ltmp5, $3  }
0xc2: {  	_ = 	snop  }
0xc3: {  	v3 =	vcvt.s32.f32 v3;
	_ =	sdelay $0x1  }
0xc4: {  	s17 =	sadd.s32 $0x40, s17;
	s18 =	sadd.s32 $0x200, s18;
	[tilespmem:v2+s12+$0x0] =	vst.idx.add.f32.msk vm0, v3  }
0xc5: {  	_ =	swait.ge [sflag:s13], $0xC00  }
0xc6: {  	[sflag:s13] =	ssyncset.done $0x0  }
0xc7: {  	s17 =	simm.s32 $0x0;
	s18 =	rddreg [dreg:$0xa];
	[sflag:s13] =	ssyncadd.s32 $0xFFFFF400  }
0xc8: {  	[tilespmem:s9], [sflag:$0x1] =	stream.linear.gather [hbm4b:s18+s17], $0xC00, $0x38;
	[tilespmem:$0xB800] =	vst v63  }
0xc9: {  	s18 =	simm.s32 $0x0  }
.LBB2_14:
0xca: {  	s19 =	sshrl.u32 s18, $0x2  }
0xcb: {  	s19 =	sand.u32 $0xF00, s19  }
0xcc: {  	s21 =	sand.u32 $0x40, s17;
	s19 =	sor.u32 s5, s19  }
0xcd: {  	s19 =	sadd.s32 s21, s19  }
0xce: {  	v2 =	vld [tilespmem:s19+$0x5C00];
	_ =	sdelay $0x4  }
0xcf: {  	(xrf1) =	vunique.msk.u32 $0xffff, v2;
	_ =	sdelay $0xd  }
0xd0: {  	_, v3, vm0 =	vpop (xrf1);
	_ =	sdelay $0x3  }
0xd1: {  	v3 =	vcvt.s32.f32 v3;
	_ =	sdelay $0x1  }
0xd2: {  	[tilespmem:v2+s12+$0x0] =	vst.idx.add.f32.msk vm0, v3  }
0xd3: {  	v2 =	vld [tilespmem:s19+$0x5C10];
	_ =	sdelay $0x4  }
0xd4: {  	(xrf1) =	vunique.msk.u32 $0xffff, v2;
	_ =	sdelay $0xd  }
0xd5: {  	_, v3, vm0 =	vpop (xrf1);
	_ =	sdelay $0x3  }
0xd6: {  	v3 =	vcvt.s32.f32 v3;
	_ =	sdelay $0x1  }
0xd7: {  	[tilespmem:v2+s12+$0x0] =	vst.idx.add.f32.msk vm0, v3  }
0xd8: {  	v2 =	vld [tilespmem:s19+$0x5C20];
	_ =	sdelay $0x4  }
0xd9: {  	(xrf1) =	vunique.msk.u32 $0xffff, v2;
	_ =	sdelay $0xd  }
0xda: {  	_, v3, vm0 =	vpop (xrf1);
	_ =	sdelay $0x3  }
0xdb: {  	v3 =	vcvt.s32.f32 v3;
	_ =	sdelay $0x1  }
0xdc: {  	[tilespmem:v2+s12+$0x0] =	vst.idx.add.f32.msk vm0, v3  }
0xdd: {  	v2 =	vld [tilespmem:s19+$0x5C30];
	_ =	sdelay $0x4  }
0xde: {  	(xrf1) =	vunique.msk.u32 $0xffff, v2;
	_ =	sdelay $0xd  }
0xdf: {  	_, v3, vm0 =	vpop (xrf1)  }
0xe0: {  	p1 =	sne.s32 s18, $0x2E00  }
.Ltmp6:
0xe1: {  	_ = 	snop;
	(pc) =	sbr.rel @p1 .LBB2_14-.Ltmp6, $3  }
0xe2: {  	_ = 	snop  }
0xe3: {  	v3 =	vcvt.s32.f32 v3;
	_ =	sdelay $0x1  }
0xe4: {  	s17 =	sadd.s32 $0x40, s17;
	s18 =	sadd.s32 $0x200, s18;
	[tilespmem:v2+s12+$0x0] =	vst.idx.add.f32.msk vm0, v3  }
0xe5: {  	_ =	swait.ge [sflag:s10], $0xC00  }
0xe6: {  	[sflag:s10] =	ssyncset.done $0x0  }
0xe7: {  	s17 =	simm.s32 $0x0;
	s18 =	rddreg [dreg:$0xb];
	[sflag:s10] =	ssyncadd.s32 $0xFFFFF400  }
0xe8: {  	[tilespmem:s11], [sflag:$0x2] =	stream.linear.gather [hbm4b:s18+s17], $0xC00, $0x38;
	[tilespmem:$0xB800] =	vst v63  }
0xe9: {  	s18 =	simm.s32 $0x0  }
.LBB2_16:
0xea: {  	s19 =	sand.u32 $0x3C00, s18  }
0xeb: {  	s19 =	sshrl.u32 s19, $0x2  }
0xec: {  	s21 =	sand.u32 $0x40, s17;
	s19 =	sadd.s32 s19, s6  }
0xed: {  	s19 =	sadd.s32 s21, s19  }
0xee: {  	v2 =	vld [tilespmem:s19+$0x0];
	_ =	sdelay $0x4  }
0xef: {  	(xrf1) =	vunique.msk.u32 $0xffff, v2;
	_ =	sdelay $0xd  }
0xf0: {  	_, v3, vm0 =	vpop (xrf1);
	_ =	sdelay $0x3  }
0xf1: {  	v3 =	vcvt.s32.f32 v3;
	_ =	sdelay $0x1  }
0xf2: {  	[tilespmem:v2+s12+$0x0] =	vst.idx.add.f32.msk vm0, v3  }
0xf3: {  	v2 =	vld [tilespmem:s19+$0x10];
	_ =	sdelay $0x4  }
0xf4: {  	(xrf1) =	vunique.msk.u32 $0xffff, v2;
	_ =	sdelay $0xd  }
0xf5: {  	_, v3, vm0 =	vpop (xrf1);
	_ =	sdelay $0x3  }
0xf6: {  	v3 =	vcvt.s32.f32 v3;
	_ =	sdelay $0x1  }
0xf7: {  	[tilespmem:v2+s12+$0x0] =	vst.idx.add.f32.msk vm0, v3  }
0xf8: {  	v2 =	vld [tilespmem:s19+$0x20];
	_ =	sdelay $0x4  }
0xf9: {  	(xrf1) =	vunique.msk.u32 $0xffff, v2;
	_ =	sdelay $0xd  }
0xfa: {  	_, v3, vm0 =	vpop (xrf1);
	_ =	sdelay $0x3  }
0xfb: {  	v3 =	vcvt.s32.f32 v3;
	_ =	sdelay $0x1  }
0xfc: {  	[tilespmem:v2+s12+$0x0] =	vst.idx.add.f32.msk vm0, v3  }
0xfd: {  	v2 =	vld [tilespmem:s19+$0x30];
	_ =	sdelay $0x4  }
0xfe: {  	(xrf1) =	vunique.msk.u32 $0xffff, v2;
	_ =	sdelay $0xd  }
0xff: {  	_, v3, vm0 =	vpop (xrf1)  }
0x100: {  	p1 =	sne.s32 s18, $0x2E00  }
.Ltmp7:
0x101: {  	_ = 	snop;
	(pc) =	sbr.rel @p1 .LBB2_16-.Ltmp7, $3  }
0x102: {  	_ = 	snop  }
0x103: {  	v3 =	vcvt.s32.f32 v3;
	_ =	sdelay $0x1  }
0x104: {  	s17 =	sadd.s32 $0x40, s17;
	s18 =	sadd.s32 $0x200, s18;
	[tilespmem:v2+s12+$0x0] =	vst.idx.add.f32.msk vm0, v3  }
0x105: {  	_ =	swait.ge [sflag:s13], $0xC00  }
0x106: {  	[sflag:s13] =	ssyncset.done $0x0  }
0x107: {  	s17 =	simm.s32 $0x0;
	s18 =	rddreg [dreg:$0xc];
	[sflag:s13] =	ssyncadd.s32 $0xFFFFF400  }
0x108: {  	[tilespmem:s9], [sflag:$0x1] =	stream.linear.gather [hbm4b:s18+s17], $0xC00, $0x38;
	[tilespmem:$0xB800] =	vst v63  }
0x109: {  	s18 =	simm.s32 $0x0  }
.LBB2_18:
0x10a: {  	s19 =	sshrl.u32 s18, $0x2  }
0x10b: {  	s19 =	sand.u32 $0xF00, s19  }
0x10c: {  	s21 =	sand.u32 $0x40, s17;
	s19 =	sor.u32 s5, s19  }
0x10d: {  	s19 =	sadd.s32 s21, s19  }
0x10e: {  	v2 =	vld [tilespmem:s19+$0x5C00];
	_ =	sdelay $0x4  }
0x10f: {  	(xrf1) =	vunique.msk.u32 $0xffff, v2;
	_ =	sdelay $0xd  }
0x110: {  	_, v3, vm0 =	vpop (xrf1);
	_ =	sdelay $0x3  }
0x111: {  	v3 =	vcvt.s32.f32 v3;
	_ =	sdelay $0x1  }
0x112: {  	[tilespmem:v2+s12+$0x0] =	vst.idx.add.f32.msk vm0, v3  }
0x113: {  	v2 =	vld [tilespmem:s19+$0x5C10];
	_ =	sdelay $0x4  }
0x114: {  	(xrf1) =	vunique.msk.u32 $0xffff, v2;
	_ =	sdelay $0xd  }
0x115: {  	_, v3, vm0 =	vpop (xrf1);
	_ =	sdelay $0x3  }
0x116: {  	v3 =	vcvt.s32.f32 v3;
	_ =	sdelay $0x1  }
0x117: {  	[tilespmem:v2+s12+$0x0] =	vst.idx.add.f32.msk vm0, v3  }
0x118: {  	v2 =	vld [tilespmem:s19+$0x5C20];
	_ =	sdelay $0x4  }
0x119: {  	(xrf1) =	vunique.msk.u32 $0xffff, v2;
	_ =	sdelay $0xd  }
0x11a: {  	_, v3, vm0 =	vpop (xrf1);
	_ =	sdelay $0x3  }
0x11b: {  	v3 =	vcvt.s32.f32 v3;
	_ =	sdelay $0x1  }
0x11c: {  	[tilespmem:v2+s12+$0x0] =	vst.idx.add.f32.msk vm0, v3  }
0x11d: {  	v2 =	vld [tilespmem:s19+$0x5C30];
	_ =	sdelay $0x4  }
0x11e: {  	(xrf1) =	vunique.msk.u32 $0xffff, v2;
	_ =	sdelay $0xd  }
0x11f: {  	_, v3, vm0 =	vpop (xrf1)  }
0x120: {  	p1 =	sne.s32 s18, $0x2E00  }
.Ltmp8:
0x121: {  	_ = 	snop;
	(pc) =	sbr.rel @p1 .LBB2_18-.Ltmp8, $3  }
0x122: {  	_ = 	snop  }
0x123: {  	v3 =	vcvt.s32.f32 v3;
	_ =	sdelay $0x1  }
0x124: {  	s17 =	sadd.s32 $0x40, s17;
	s18 =	sadd.s32 $0x200, s18;
	[tilespmem:v2+s12+$0x0] =	vst.idx.add.f32.msk vm0, v3  }
0x125: {  	_ =	swait.ge [sflag:s10], $0xC00  }
0x126: {  	[sflag:s10] =	ssyncset.done $0x0  }
0x127: {  	s17 =	simm.s32 $0x0;
	s18 =	rddreg [dreg:$0xd];
	[sflag:s10] =	ssyncadd.s32 $0xFFFFF400  }
0x128: {  	[tilespmem:s11], [sflag:$0x2] =	stream.linear.gather [hbm4b:s18+s17], $0xC00, $0x38;
	[tilespmem:$0xB800] =	vst v63  }
0x129: {  	s18 =	simm.s32 $0x0  }
.LBB2_20:
0x12a: {  	s19 =	sand.u32 $0x3C00, s18  }
0x12b: {  	s19 =	sshrl.u32 s19, $0x2  }
0x12c: {  	s21 =	sand.u32 $0x40, s17;
	s19 =	sadd.s32 s19, s6  }
0x12d: {  	s19 =	sadd.s32 s21, s19  }
0x12e: {  	v2 =	vld [tilespmem:s19+$0x0];
	_ =	sdelay $0x4  }
0x12f: {  	(xrf1) =	vunique.msk.u32 $0xffff, v2;
	_ =	sdelay $0xd  }
0x130: {  	_, v3, vm0 =	vpop (xrf1);
	_ =	sdelay $0x3  }
0x131: {  	v3 =	vcvt.s32.f32 v3;
	_ =	sdelay $0x1  }
0x132: {  	[tilespmem:v2+s12+$0x0] =	vst.idx.add.f32.msk vm0, v3  }
0x133: {  	v2 =	vld [tilespmem:s19+$0x10];
	_ =	sdelay $0x4  }
0x134: {  	(xrf1) =	vunique.msk.u32 $0xffff, v2;
	_ =	sdelay $0xd  }
0x135: {  	_, v3, vm0 =	vpop (xrf1);
	_ =	sdelay $0x3  }
0x136: {  	v3 =	vcvt.s32.f32 v3;
	_ =	sdelay $0x1  }
0x137: {  	[tilespmem:v2+s12+$0x0] =	vst.idx.add.f32.msk vm0, v3  }
0x138: {  	v2 =	vld [tilespmem:s19+$0x20];
	_ =	sdelay $0x4  }
0x139: {  	(xrf1) =	vunique.msk.u32 $0xffff, v2;
	_ =	sdelay $0xd  }
0x13a: {  	_, v3, vm0 =	vpop (xrf1);
	_ =	sdelay $0x3  }
0x13b: {  	v3 =	vcvt.s32.f32 v3;
	_ =	sdelay $0x1  }
0x13c: {  	[tilespmem:v2+s12+$0x0] =	vst.idx.add.f32.msk vm0, v3  }
0x13d: {  	v2 =	vld [tilespmem:s19+$0x30];
	_ =	sdelay $0x4  }
0x13e: {  	(xrf1) =	vunique.msk.u32 $0xffff, v2;
	_ =	sdelay $0xd  }
0x13f: {  	_, v3, vm0 =	vpop (xrf1)  }
0x140: {  	p1 =	sne.s32 s18, $0x2E00  }
.Ltmp9:
0x141: {  	_ = 	snop;
	(pc) =	sbr.rel @p1 .LBB2_20-.Ltmp9, $3  }
0x142: {  	_ = 	snop  }
0x143: {  	v3 =	vcvt.s32.f32 v3;
	_ =	sdelay $0x1  }
0x144: {  	s17 =	sadd.s32 $0x40, s17;
	s18 =	sadd.s32 $0x200, s18;
	[tilespmem:v2+s12+$0x0] =	vst.idx.add.f32.msk vm0, v3  }
0x145: {  	_ =	swait.ge [sflag:s13], $0xC00  }
0x146: {  	[sflag:s13] =	ssyncset.done $0x0  }
0x147: {  	s17 =	simm.s32 $0x0;
	s18 =	rddreg [dreg:$0xe];
	[sflag:s13] =	ssyncadd.s32 $0xFFFFF400  }
0x148: {  	[tilespmem:s9], [sflag:$0x1] =	stream.linear.gather [hbm4b:s18+s17], $0xC00, $0x38;
	[tilespmem:$0xB800] =	vst v63  }
0x149: {  	s18 =	simm.s32 $0x0  }
.LBB2_22:
0x14a: {  	s19 =	sshrl.u32 s18, $0x2  }
0x14b: {  	s19 =	sand.u32 $0xF00, s19  }
0x14c: {  	s21 =	sand.u32 $0x40, s17;
	s19 =	sor.u32 s5, s19  }
0x14d: {  	s19 =	sadd.s32 s21, s19  }
0x14e: {  	v2 =	vld [tilespmem:s19+$0x5C00];
	_ =	sdelay $0x4  }
0x14f: {  	(xrf1) =	vunique.msk.u32 $0xffff, v2;
	_ =	sdelay $0xd  }
0x150: {  	_, v3, vm0 =	vpop (xrf1);
	_ =	sdelay $0x3  }
0x151: {  	v3 =	vcvt.s32.f32 v3;
	_ =	sdelay $0x1  }
0x152: {  	[tilespmem:v2+s12+$0x0] =	vst.idx.add.f32.msk vm0, v3  }
0x153: {  	v2 =	vld [tilespmem:s19+$0x5C10];
	_ =	sdelay $0x4  }
0x154: {  	(xrf1) =	vunique.msk.u32 $0xffff, v2;
	_ =	sdelay $0xd  }
0x155: {  	_, v3, vm0 =	vpop (xrf1);
	_ =	sdelay $0x3  }
0x156: {  	v3 =	vcvt.s32.f32 v3;
	_ =	sdelay $0x1  }
0x157: {  	[tilespmem:v2+s12+$0x0] =	vst.idx.add.f32.msk vm0, v3  }
0x158: {  	v2 =	vld [tilespmem:s19+$0x5C20];
	_ =	sdelay $0x4  }
0x159: {  	(xrf1) =	vunique.msk.u32 $0xffff, v2;
	_ =	sdelay $0xd  }
0x15a: {  	_, v3, vm0 =	vpop (xrf1);
	_ =	sdelay $0x3  }
0x15b: {  	v3 =	vcvt.s32.f32 v3;
	_ =	sdelay $0x1  }
0x15c: {  	[tilespmem:v2+s12+$0x0] =	vst.idx.add.f32.msk vm0, v3  }
0x15d: {  	v2 =	vld [tilespmem:s19+$0x5C30];
	_ =	sdelay $0x4  }
0x15e: {  	(xrf1) =	vunique.msk.u32 $0xffff, v2;
	_ =	sdelay $0xd  }
0x15f: {  	_, v3, vm0 =	vpop (xrf1)  }
0x160: {  	p1 =	sne.s32 s18, $0x2E00  }
.Ltmp10:
0x161: {  	_ = 	snop;
	(pc) =	sbr.rel @p1 .LBB2_22-.Ltmp10, $3  }
0x162: {  	_ = 	snop  }
0x163: {  	v3 =	vcvt.s32.f32 v3;
	_ =	sdelay $0x1  }
0x164: {  	s17 =	sadd.s32 $0x40, s17;
	s18 =	sadd.s32 $0x200, s18;
	[tilespmem:v2+s12+$0x0] =	vst.idx.add.f32.msk vm0, v3  }
0x165: {  	_ =	swait.ge [sflag:s10], $0xC00  }
0x166: {  	[sflag:s10] =	ssyncset.done $0x0  }
0x167: {  	s17 =	simm.s32 $0x0;
	s18 =	rddreg [dreg:$0xf];
	[sflag:s10] =	ssyncadd.s32 $0xFFFFF400  }
0x168: {  	[tilespmem:s11], [sflag:$0x2] =	stream.linear.gather [hbm4b:s18+s17], $0xC00, $0x38;
	[tilespmem:$0xB800] =	vst v63  }
0x169: {  	s18 =	simm.s32 $0x0  }
.LBB2_24:
0x16a: {  	s19 =	sand.u32 $0x3C00, s18  }
0x16b: {  	s19 =	sshrl.u32 s19, $0x2  }
0x16c: {  	s21 =	sand.u32 $0x40, s17;
	s19 =	sadd.s32 s19, s6  }
0x16d: {  	s19 =	sadd.s32 s21, s19  }
0x16e: {  	v2 =	vld [tilespmem:s19+$0x0];
	_ =	sdelay $0x4  }
0x16f: {  	(xrf1) =	vunique.msk.u32 $0xffff, v2;
	_ =	sdelay $0xd  }
0x170: {  	_, v3, vm0 =	vpop (xrf1);
	_ =	sdelay $0x3  }
0x171: {  	v3 =	vcvt.s32.f32 v3;
	_ =	sdelay $0x1  }
0x172: {  	[tilespmem:v2+s12+$0x0] =	vst.idx.add.f32.msk vm0, v3  }
0x173: {  	v2 =	vld [tilespmem:s19+$0x10];
	_ =	sdelay $0x4  }
0x174: {  	(xrf1) =	vunique.msk.u32 $0xffff, v2;
	_ =	sdelay $0xd  }
0x175: {  	_, v3, vm0 =	vpop (xrf1);
	_ =	sdelay $0x3  }
0x176: {  	v3 =	vcvt.s32.f32 v3;
	_ =	sdelay $0x1  }
0x177: {  	[tilespmem:v2+s12+$0x0] =	vst.idx.add.f32.msk vm0, v3  }
0x178: {  	v2 =	vld [tilespmem:s19+$0x20];
	_ =	sdelay $0x4  }
0x179: {  	(xrf1) =	vunique.msk.u32 $0xffff, v2;
	_ =	sdelay $0xd  }
0x17a: {  	_, v3, vm0 =	vpop (xrf1);
	_ =	sdelay $0x3  }
0x17b: {  	v3 =	vcvt.s32.f32 v3;
	_ =	sdelay $0x1  }
0x17c: {  	[tilespmem:v2+s12+$0x0] =	vst.idx.add.f32.msk vm0, v3  }
0x17d: {  	v2 =	vld [tilespmem:s19+$0x30];
	_ =	sdelay $0x4  }
0x17e: {  	(xrf1) =	vunique.msk.u32 $0xffff, v2;
	_ =	sdelay $0xd  }
0x17f: {  	_, v3, vm0 =	vpop (xrf1)  }
0x180: {  	p1 =	sne.s32 s18, $0x2E00  }
.Ltmp11:
0x181: {  	_ = 	snop;
	(pc) =	sbr.rel @p1 .LBB2_24-.Ltmp11, $3  }
0x182: {  	_ = 	snop  }
0x183: {  	v3 =	vcvt.s32.f32 v3;
	_ =	sdelay $0x1  }
0x184: {  	s17 =	sadd.s32 $0x40, s17;
	s18 =	sadd.s32 $0x200, s18;
	[tilespmem:v2+s12+$0x0] =	vst.idx.add.f32.msk vm0, v3  }
0x185: {  	_ =	swait.ge [sflag:s13], $0xC00  }
0x186: {  	[sflag:s13] =	ssyncset.done $0x0  }
0x187: {  	s17 =	simm.s32 $0x0;
	s18 =	rddreg [dreg:$0x10];
	[sflag:s13] =	ssyncadd.s32 $0xFFFFF400  }
0x188: {  	[tilespmem:s9], [sflag:$0x1] =	stream.linear.gather [hbm4b:s18+s17], $0xC00, $0x38;
	[tilespmem:$0xB800] =	vst v63  }
0x189: {  	s18 =	simm.s32 $0x0  }
.LBB2_26:
0x18a: {  	s19 =	sshrl.u32 s18, $0x2  }
0x18b: {  	s19 =	sand.u32 $0xF00, s19  }
0x18c: {  	s21 =	sand.u32 $0x40, s17;
	s19 =	sor.u32 s5, s19  }
0x18d: {  	s19 =	sadd.s32 s21, s19  }
0x18e: {  	v2 =	vld [tilespmem:s19+$0x5C00];
	_ =	sdelay $0x4  }
0x18f: {  	(xrf1) =	vunique.msk.u32 $0xffff, v2;
	_ =	sdelay $0xd  }
0x190: {  	_, v3, vm0 =	vpop (xrf1);
	_ =	sdelay $0x3  }
0x191: {  	v3 =	vcvt.s32.f32 v3;
	_ =	sdelay $0x1  }
0x192: {  	[tilespmem:v2+s12+$0x0] =	vst.idx.add.f32.msk vm0, v3  }
0x193: {  	v2 =	vld [tilespmem:s19+$0x5C10];
	_ =	sdelay $0x4  }
0x194: {  	(xrf1) =	vunique.msk.u32 $0xffff, v2;
	_ =	sdelay $0xd  }
0x195: {  	_, v3, vm0 =	vpop (xrf1);
	_ =	sdelay $0x3  }
0x196: {  	v3 =	vcvt.s32.f32 v3;
	_ =	sdelay $0x1  }
0x197: {  	[tilespmem:v2+s12+$0x0] =	vst.idx.add.f32.msk vm0, v3  }
0x198: {  	v2 =	vld [tilespmem:s19+$0x5C20];
	_ =	sdelay $0x4  }
0x199: {  	(xrf1) =	vunique.msk.u32 $0xffff, v2;
	_ =	sdelay $0xd  }
0x19a: {  	_, v3, vm0 =	vpop (xrf1);
	_ =	sdelay $0x3  }
0x19b: {  	v3 =	vcvt.s32.f32 v3;
	_ =	sdelay $0x1  }
0x19c: {  	[tilespmem:v2+s12+$0x0] =	vst.idx.add.f32.msk vm0, v3  }
0x19d: {  	v2 =	vld [tilespmem:s19+$0x5C30];
	_ =	sdelay $0x4  }
0x19e: {  	(xrf1) =	vunique.msk.u32 $0xffff, v2;
	_ =	sdelay $0xd  }
0x19f: {  	_, v3, vm0 =	vpop (xrf1)  }
0x1a0: {  	p1 =	sne.s32 s18, $0x2E00  }
.Ltmp12:
0x1a1: {  	_ = 	snop;
	(pc) =	sbr.rel @p1 .LBB2_26-.Ltmp12, $3  }
0x1a2: {  	_ = 	snop  }
0x1a3: {  	v3 =	vcvt.s32.f32 v3;
	_ =	sdelay $0x1  }
0x1a4: {  	s17 =	sadd.s32 $0x40, s17;
	s18 =	sadd.s32 $0x200, s18;
	[tilespmem:v2+s12+$0x0] =	vst.idx.add.f32.msk vm0, v3  }
0x1a5: {  	_ =	swait.ge [sflag:s10], $0xC00  }
0x1a6: {  	[sflag:s10] =	ssyncset.done $0x0  }
0x1a7: {  	s17 =	simm.s32 $0x0;
	s18 =	simm.s32 $0x0;
	[sflag:s10] =	ssyncadd.s32 $0xFFFFF400  }
.LBB2_28:
0x1a8: {  	s19 =	sand.u32 $0x3C00, s18  }
0x1a9: {  	s19 =	sshrl.u32 s19, $0x2  }
0x1aa: {  	s21 =	sand.u32 $0x40, s17;
	s19 =	sadd.s32 s19, s6  }
0x1ab: {  	s19 =	sadd.s32 s21, s19  }
0x1ac: {  	v2 =	vld [tilespmem:s19+$0x0];
	_ =	sdelay $0x4  }
0x1ad: {  	(xrf1) =	vunique.msk.u32 $0xffff, v2;
	_ =	sdelay $0xd  }
0x1ae: {  	_, v3, vm0 =	vpop (xrf1);
	_ =	sdelay $0x3  }
0x1af: {  	v3 =	vcvt.s32.f32 v3;
	_ =	sdelay $0x1  }
0x1b0: {  	[tilespmem:v2+s12+$0x0] =	vst.idx.add.f32.msk vm0, v3  }
0x1b1: {  	v2 =	vld [tilespmem:s19+$0x10];
	_ =	sdelay $0x4  }
0x1b2: {  	(xrf1) =	vunique.msk.u32 $0xffff, v2;
	_ =	sdelay $0xd  }
0x1b3: {  	_, v3, vm0 =	vpop (xrf1);
	_ =	sdelay $0x3  }
0x1b4: {  	v3 =	vcvt.s32.f32 v3;
	_ =	sdelay $0x1  }
0x1b5: {  	[tilespmem:v2+s12+$0x0] =	vst.idx.add.f32.msk vm0, v3  }
0x1b6: {  	v2 =	vld [tilespmem:s19+$0x20];
	_ =	sdelay $0x4  }
0x1b7: {  	(xrf1) =	vunique.msk.u32 $0xffff, v2;
	_ =	sdelay $0xd  }
0x1b8: {  	_, v3, vm0 =	vpop (xrf1);
	_ =	sdelay $0x3  }
0x1b9: {  	v3 =	vcvt.s32.f32 v3;
	_ =	sdelay $0x1  }
0x1ba: {  	[tilespmem:v2+s12+$0x0] =	vst.idx.add.f32.msk vm0, v3  }
0x1bb: {  	v2 =	vld [tilespmem:s19+$0x30];
	_ =	sdelay $0x4  }
0x1bc: {  	(xrf1) =	vunique.msk.u32 $0xffff, v2;
	_ =	sdelay $0xd  }
0x1bd: {  	_, v3, vm0 =	vpop (xrf1)  }
0x1be: {  	p1 =	sne.s32 s18, $0x2E00  }
.Ltmp13:
0x1bf: {  	_ = 	snop;
	(pc) =	sbr.rel @p1 .LBB2_28-.Ltmp13, $3  }
0x1c0: {  	_ = 	snop  }
0x1c1: {  	v3 =	vcvt.s32.f32 v3;
	_ =	sdelay $0x1  }
0x1c2: {  	s17 =	sadd.s32 $0x40, s17;
	s18 =	sadd.s32 $0x200, s18;
	[tilespmem:v2+s12+$0x0] =	vst.idx.add.f32.msk vm0, v3  }
0x1c3: {  	s17 =	simm.s32 @!p0 $0x0;
	s18 =	simm.s32 @!p0 $0x5000;
	s19 =	rddreg [dreg:$0x11]  }
0x1c4: {  	[tilespmem:s18], [sflag:$0x3] =	stream.linear.gather @!p0 [hbm4b:s19+s17], $0x100, $0x38;
	[tilespmem:$0xB800] =	vst v63  }
0x1c5: {  	s17 =	simm.s32 @!p0 $0x3  }
0x1c6: {  	_ =	swait.ge @!p0 [sflag:s17], $0x100  }
0x1c7: {  	[sflag:s17] =	ssyncset.done @!p0 $0x0  }
0x1c8: {  	[sflag:s17] =	ssyncadd.s32 @!p0 $0xFFFFFF00  }
0x1c9: {  	v2 =	vld @!p0 [tilespmem:s5+$0x5000];
	_ =	sdelay $0x4  }
0x1ca: {  	(xrf1) =	vunique.msk.u32 @!p0 $0xffff, v2;
	_ =	sdelay $0xd  }
0x1cb: {  	_, v3, vm0 =	vpop @!p0 (xrf1);
	_ =	sdelay $0x3  }
0x1cc: {  	v3 =	vcvt.s32.f32 @!p0 v3  }
0x1cd: {  	s17 =	simm.s32 @!p0 $0x2800  }
0x1ce: {  	[tilespmem:v2+s17+$0x0] =	vst.idx.add.f32.msk @!p0 vm0, v3  }
0x1cf: {  	v2 =	vld @!p0 [tilespmem:s5+$0x5010];
	_ =	sdelay $0x4  }
0x1d0: {  	(xrf1) =	vunique.msk.u32 @!p0 $0xffff, v2;
	_ =	sdelay $0xd  }
0x1d1: {  	_, v3, vm0 =	vpop @!p0 (xrf1);
	_ =	sdelay $0x3  }
0x1d2: {  	v3 =	vcvt.s32.f32 @!p0 v3;
	_ =	sdelay $0x1  }
0x1d3: {  	[tilespmem:v2+s17+$0x0] =	vst.idx.add.f32.msk @!p0 vm0, v3  }
0x1d4: {  	v2 =	vld @!p0 [tilespmem:s5+$0x5020];
	_ =	sdelay $0x4  }
0x1d5: {  	(xrf1) =	vunique.msk.u32 @!p0 $0xffff, v2;
	_ =	sdelay $0xd  }
0x1d6: {  	_, v3, vm0 =	vpop @!p0 (xrf1);
	_ =	sdelay $0x3  }
0x1d7: {  	v3 =	vcvt.s32.f32 @!p0 v3;
	_ =	sdelay $0x1  }
0x1d8: {  	[tilespmem:v2+s17+$0x0] =	vst.idx.add.f32.msk @!p0 vm0, v3  }
0x1d9: {  	v2 =	vld @!p0 [tilespmem:s5+$0x5030];
	_ =	sdelay $0x4  }
0x1da: {  	(xrf1) =	vunique.msk.u32 @!p0 $0xffff, v2;
	_ =	sdelay $0xd  }
0x1db: {  	_, v3, vm0 =	vpop @!p0 (xrf1);
	_ =	sdelay $0x3  }
0x1dc: {  	v3 =	vcvt.s32.f32 @!p0 v3;
	_ =	sdelay $0x1  }
0x1dd: {  	[tilespmem:v2+s17+$0x0] =	vst.idx.add.f32.msk @!p0 vm0, v3  }
0x1de: {  	v2 =	vld @!p0 [tilespmem:s5+$0x5040];
	_ =	sdelay $0x4  }
0x1df: {  	(xrf1) =	vunique.msk.u32 @!p0 $0xffff, v2;
	_ =	sdelay $0xd  }
0x1e0: {  	_, v3, vm0 =	vpop @!p0 (xrf1);
	_ =	sdelay $0x3  }
0x1e1: {  	v3 =	vcvt.s32.f32 @!p0 v3;
	_ =	sdelay $0x1  }
0x1e2: {  	[tilespmem:v2+s17+$0x0] =	vst.idx.add.f32.msk @!p0 vm0, v3  }
0x1e3: {  	v2 =	vld @!p0 [tilespmem:s5+$0x5050];
	_ =	sdelay $0x4  }
0x1e4: {  	(xrf1) =	vunique.msk.u32 @!p0 $0xffff, v2;
	_ =	sdelay $0xd  }
0x1e5: {  	_, v3, vm0 =	vpop @!p0 (xrf1);
	_ =	sdelay $0x3  }
0x1e6: {  	v3 =	vcvt.s32.f32 @!p0 v3;
	_ =	sdelay $0x1  }
0x1e7: {  	[tilespmem:v2+s17+$0x0] =	vst.idx.add.f32.msk @!p0 vm0, v3  }
0x1e8: {  	v2 =	vld @!p0 [tilespmem:s5+$0x5060];
	_ =	sdelay $0x4  }
0x1e9: {  	(xrf1) =	vunique.msk.u32 @!p0 $0xffff, v2;
	_ =	sdelay $0xd  }
0x1ea: {  	_, v3, vm0 =	vpop @!p0 (xrf1);
	_ =	sdelay $0x3  }
0x1eb: {  	v3 =	vcvt.s32.f32 @!p0 v3;
	_ =	sdelay $0x1  }
0x1ec: {  	[tilespmem:v2+s17+$0x0] =	vst.idx.add.f32.msk @!p0 vm0, v3  }
0x1ed: {  	v2 =	vld @!p0 [tilespmem:s5+$0x5070];
	_ =	sdelay $0x4  }
0x1ee: {  	(xrf1) =	vunique.msk.u32 @!p0 $0xffff, v2;
	_ =	sdelay $0xd  }
0x1ef: {  	_, v3, vm0 =	vpop @!p0 (xrf1);
	_ =	sdelay $0x3  }
0x1f0: {  	v3 =	vcvt.s32.f32 @!p0 v3;
	_ =	sdelay $0x1  }
0x1f1: {  	s19 =	rddreg [dreg:$0x12];
	[tilespmem:v2+s17+$0x0] =	vst.idx.add.f32.msk @!p0 vm0, v3  }
0x1f2: {  	[spmem:s19] =	stream.linear.scatter [tilespmem:s12], [sflag:$0x3], $0x2800, $0x38;
	[tilespmem:$0xB800] =	vst v63  }
0x1f3: {  	_ =	swait.ge [sflag:s14], $0x2800  }
0x1f4: {  	[sflag:s14] =	ssyncset.done $0x0  }
0x1f5: {  	[sflag:s14] =	ssyncadd.s32 $0xFFFFD800  }
0x1f6: {  	s21 =	simm.s32 $0x6800;
	[bflag:$0x0] =	sbarrier.arrive $0xFFFF  }
0x1f7: {  	[tilespmem:s21], [sflag:$0x3] =	stream.linear.gather [spmem:s20], $0x280, $0x38;
	[tilespmem:$0xB800] =	vst v63  }
0x1f8: {  	_ =	swait.ge [sflag:s14], $0x280  }
0x1f9: {  	[sflag:s14] =	ssyncset.done $0x0  }
0x1fa: {  	s19 =	simm.s32 $0x6A80;
	s18 =	rddreg [dreg:$0x13];
	[sflag:s14] =	ssyncadd.s32 $0xFFFFFD80  }
0x1fb: {  	[tilespmem:s19], [sflag:$0x3] =	stream.linear.gather [spmem:s18], $0x280, $0x38;
	[tilespmem:$0xB800] =	vst v63  }
0x1fc: {  	_ =	swait.ge [sflag:s14], $0x280  }
0x1fd: {  	[sflag:s14] =	ssyncset.done $0x0  }
0x1fe: {  	s21 =	simm.s32 $0x6D00;
	[sflag:s14] =	ssyncadd.s32 $0xFFFFFD80  }
0x1ff: {  	[tilespmem:s21], [sflag:$0x3] =	stream.linear.gather [spmem:s22], $0x280, $0x38;
	[tilespmem:$0xB800] =	vst v63  }
0x200: {  	_ =	swait.ge [sflag:s14], $0x280  }
0x201: {  	[sflag:s14] =	ssyncset.done $0x0  }
0x202: {  	s18 =	simm.s32 $0x6F80;
	[sflag:s14] =	ssyncadd.s32 $0xFFFFFD80  }
0x203: {  	[tilespmem:s18], [sflag:$0x3] =	stream.linear.gather [spmem:s24], $0x280, $0x38;
	[tilespmem:$0xB800] =	vst v63  }
0x204: {  	_ =	swait.ge [sflag:s14], $0x280  }
0x205: {  	[sflag:s14] =	ssyncset.done $0x0  }
0x206: {  	s19 =	simm.s32 $0x7200;
	[sflag:s14] =	ssyncadd.s32 $0xFFFFFD80  }
0x207: {  	[tilespmem:s19], [sflag:$0x3] =	stream.linear.gather [spmem:s26], $0x280, $0x38;
	[tilespmem:$0xB800] =	vst v63  }
0x208: {  	_ =	swait.ge [sflag:s14], $0x280  }
0x209: {  	[sflag:s14] =	ssyncset.done $0x0  }
0x20a: {  	s21 =	simm.s32 $0x7480;
	[sflag:s14] =	ssyncadd.s32 $0xFFFFFD80  }
0x20b: {  	[tilespmem:s21], [sflag:$0x3] =	stream.linear.gather [spmem:s28], $0x280, $0x38;
	[tilespmem:$0xB800] =	vst v63  }
0x20c: {  	_ =	swait.ge [sflag:s14], $0x280  }
0x20d: {  	[sflag:s14] =	ssyncset.done $0x0  }
0x20e: {  	s18 =	simm.s32 $0x7700;
	[sflag:s14] =	ssyncadd.s32 $0xFFFFFD80  }
0x20f: {  	[tilespmem:s18], [sflag:$0x3] =	stream.linear.gather [spmem:s29], $0x280, $0x38;
	[tilespmem:$0xB800] =	vst v63  }
0x210: {  	_ =	swait.ge [sflag:s14], $0x280  }
0x211: {  	[sflag:s14] =	ssyncset.done $0x0  }
0x212: {  	s19 =	simm.s32 $0x7980;
	[sflag:s14] =	ssyncadd.s32 $0xFFFFFD80  }
0x213: {  	[tilespmem:s19], [sflag:$0x3] =	stream.linear.gather [spmem:s30], $0x280, $0x38;
	[tilespmem:$0xB800] =	vst v63  }
0x214: {  	_ =	swait.ge [sflag:s14], $0x280  }
0x215: {  	[sflag:s14] =	ssyncset.done $0x0  }
0x216: {  	s17 =	simm.s32 $0x7C00;
	[sflag:s14] =	ssyncadd.s32 $0xFFFFFD80  }
0x217: {  	[tilespmem:s17], [sflag:$0x3] =	stream.linear.gather [spmem:s31], $0x280, $0x38;
	[tilespmem:$0xB800] =	vst v63  }
0x218: {  	_ =	swait.ge [sflag:s14], $0x280  }
0x219: {  	[sflag:s14] =	ssyncset.done $0x0  }
0x21a: {  	s21 =	simm.s32 $0x7E80;
	[sflag:s14] =	ssyncadd.s32 $0xFFFFFD80  }
0x21b: {  	[tilespmem:s21], [sflag:$0x3] =	stream.linear.gather [spmem:s0], $0x280, $0x38;
	[tilespmem:$0xB800] =	vst v63  }
0x21c: {  	_ =	swait.ge [sflag:s14], $0x280  }
0x21d: {  	[sflag:s14] =	ssyncset.done $0x0  }
0x21e: {  	s19 =	simm.s32 $0x8100;
	[sflag:s14] =	ssyncadd.s32 $0xFFFFFD80  }
0x21f: {  	[tilespmem:s19], [sflag:$0x3] =	stream.linear.gather [spmem:s1], $0x280, $0x38;
	[tilespmem:$0xB800] =	vst v63  }
0x220: {  	_ =	swait.ge [sflag:s14], $0x280  }
0x221: {  	[sflag:s14] =	ssyncset.done $0x0  }
0x222: {  	s21 =	simm.s32 $0x8380;
	[sflag:s14] =	ssyncadd.s32 $0xFFFFFD80  }
0x223: {  	[tilespmem:s21], [sflag:$0x3] =	stream.linear.gather [spmem:s2], $0x280, $0x38;
	[tilespmem:$0xB800] =	vst v63  }
0x224: {  	_ =	swait.ge [sflag:s14], $0x280  }
0x225: {  	[sflag:s14] =	ssyncset.done $0x0  }
0x226: {  	s19 =	simm.s32 $0x8600;
	[sflag:s14] =	ssyncadd.s32 $0xFFFFFD80  }
0x227: {  	[tilespmem:s19], [sflag:$0x3] =	stream.linear.gather [spmem:s3], $0x280, $0x38;
	[tilespmem:$0xB800] =	vst v63  }
0x228: {  	_ =	swait.ge [sflag:s14], $0x280  }
0x229: {  	[sflag:s14] =	ssyncset.done $0x0  }
0x22a: {  	s21 =	simm.s32 $0x8880;
	[sflag:s14] =	ssyncadd.s32 $0xFFFFFD80  }
0x22b: {  	[tilespmem:s21], [sflag:$0x3] =	stream.linear.gather [spmem:s4], $0x280, $0x38;
	[tilespmem:$0xB800] =	vst v63  }
0x22c: {  	_ =	swait.ge [sflag:s14], $0x280  }
0x22d: {  	[sflag:s14] =	ssyncset.done $0x0  }
0x22e: {  	s19 =	simm.s32 $0x8B00;
	[sflag:s14] =	ssyncadd.s32 $0xFFFFFD80  }
0x22f: {  	[tilespmem:s19], [sflag:$0x3] =	stream.linear.gather [spmem:s7], $0x280, $0x38;
	[tilespmem:$0xB800] =	vst v63  }
0x230: {  	_ =	swait.ge [sflag:s14], $0x280  }
0x231: {  	[sflag:s14] =	ssyncset.done $0x0  }
0x232: {  	s21 =	simm.s32 $0x8D80;
	[sflag:s14] =	ssyncadd.s32 $0xFFFFFD80  }
0x233: {  	[tilespmem:s21], [sflag:$0x3] =	stream.linear.gather [spmem:s8], $0x280, $0x38;
	[tilespmem:$0xB800] =	vst v63  }
0x234: {  	_ =	swait.ge [sflag:s14], $0x280  }
0x235: {  	[sflag:s14] =	ssyncset.done $0x0  }
0x236: {  	[sflag:s14] =	ssyncadd.s32 $0xFFFFFD80  }
0x237: {  	v2 =	vld [tilespmem:s17+$0xFFFFEE80]  }
0x238: {  	s18 =	simm.s32 $0x0;
	s19 =	simm.s32 $0x10;
	v3 =	vld [tilespmem:s17+$0xFFFFEC00]  }
.LBB2_30:
0x239: {  	p1 =	sne.s32 s19, $0x270  }
0x23a: {  	v4 =	vld [tilespmem:s17+$0xFFFFF100];
	_ =	sdelay $0x1  }
0x23b: {  	v5 =	vld [tilespmem:s17+$0xFFFFF380]  }
0x23c: {  	v2 =	vadd.f32 v2, v3  }
0x23d: {  	v3 =	vld [tilespmem:s17+$0xFFFFF600]  }
0x23e: {  	v2 =	vadd.f32 v4, v2  }
0x23f: {  	v4 =	vld [tilespmem:s17+$0xFFFFF880]  }
0x240: {  	v2 =	vadd.f32 v5, v2  }
0x241: {  	v5 =	vld [tilespmem:s17+$0xFFFFFB00]  }
0x242: {  	v2 =	vadd.f32 v3, v2  }
0x243: {  	v3 =	vld [tilespmem:s17+$0xFFFFFD80]  }
0x244: {  	v2 =	vadd.f32 v4, v2  }
0x245: {  	v4 =	vld [tilespmem:s17+$0x0]  }
0x246: {  	v2 =	vadd.f32 v5, v2  }
0x247: {  	v5 =	vld [tilespmem:s17+$0x280]  }
0x248: {  	v2 =	vadd.f32 v3, v2  }
0x249: {  	v3 =	vld [tilespmem:s17+$0x500]  }
0x24a: {  	v2 =	vadd.f32 v4, v2  }
0x24b: {  	v4 =	vld [tilespmem:s17+$0x780]  }
0x24c: {  	v2 =	vadd.f32 v5, v2  }
0x24d: {  	v5 =	vld [tilespmem:s17+$0xA00]  }
0x24e: {  	v2 =	vadd.f32 v3, v2  }
0x24f: {  	v3 =	vld [tilespmem:s17+$0xC80]  }
0x250: {  	v2 =	vadd.f32 v4, v2  }
0x251: {  	v4 =	vld [tilespmem:s17+$0xF00]  }
0x252: {  	v2 =	vadd.f32 v5, v2  }
0x253: {  	v6 =	vmov s18;
	s18 =	smov.u32 s19;
	v5 =	vld [tilespmem:s17+$0x1180]  }
0x254: {  	v2 =	vadd.f32 v3, v2;
	v3 =	vshll.u32 v6, $0x4  }
0x255: {  	v3 =	vor.u32 v1, v3  }
0x256: {  	v2 =	vadd.f32 v4, v2;
	_ =	sdelay $0x1  }
.Ltmp14:
0x257: {  	v2 =	vadd.f32 v5, v2;
	(pc) =	sbr.rel @p1 .LBB2_30-.Ltmp14, $4  }
0x258: {  	_ = 	snop  }
0x259: {  	s17 =	sadd.s32 $0x10, s17;
	[tilespmem:v3+s15+$0x0] =	vst.idx.msk $0xffff, v2  }
0x25a: {  	v2 =	vld [tilespmem:s17+$0xFFFFEE80]  }
0x25b: {  	s19 =	sadd.s32 $0x10, s19;
	v3 =	vld [tilespmem:s17+$0xFFFFEC00]  }
0x25c: {  	_ = 	snop  }
0x25d: {  	v4 =	vld [tilespmem:s17+$0xFFFFF100];
	_ =	sdelay $0x1  }
0x25e: {  	v5 =	vld [tilespmem:s17+$0xFFFFF380]  }
0x25f: {  	v2 =	vadd.f32 v2, v3  }
0x260: {  	v3 =	vld [tilespmem:s17+$0xFFFFF600]  }
0x261: {  	v2 =	vadd.f32 v4, v2  }
0x262: {  	v56 =	vld [tilespmem:s17+$0xFFFFF880]  }
0x263: {  	v2 =	vadd.f32 v5, v2  }
0x264: {  	v57 =	vld [tilespmem:s17+$0xFFFFFB00]  }
0x265: {  	v2 =	vadd.f32 v3, v2  }
0x266: {  	v3 =	vld [tilespmem:s17+$0xFFFFFD80]  }
0x267: {  	v2 =	vadd.f32 v56, v2  }
0x268: {  	v58 =	vld [tilespmem:s17+$0x0]  }
0x269: {  	v2 =	vadd.f32 v57, v2  }
0x26a: {  	v59 =	vld [tilespmem:s17+$0x280]  }
0x26b: {  	v2 =	vadd.f32 v3, v2  }
0x26c: {  	v3 =	vld [tilespmem:s17+$0x500]  }
0x26d: {  	v2 =	vadd.f32 v58, v2  }
0x26e: {  	v60 =	vld [tilespmem:s17+$0x780]  }
0x26f: {  	v2 =	vadd.f32 v59, v2  }
0x270: {  	v61 =	vld [tilespmem:s17+$0xA00]  }
0x271: {  	v2 =	vadd.f32 v3, v2  }
0x272: {  	v3 =	vld [tilespmem:s17+$0xC80]  }
0x273: {  	v2 =	vadd.f32 v60, v2  }
0x274: {  	v62 =	vld [tilespmem:s17+$0xF00]  }
0x275: {  	v2 =	vadd.f32 v61, v2  }
0x276: {  	v63 =	vld [tilespmem:s17+$0x1180];
	v6 =	vmov s18  }
0x277: {  	v2 =	vadd.f32 v3, v2;
	v3 =	vshll.u32 v6, $0x4  }
0x278: {  	v3 =	vor.u32 v1, v3  }
0x279: {  	v2 =	vadd.f32 v62, v2;
	_ =	sdelay $0x1  }
0x27a: {  	s16 =	sadd.s32 $0x1, s16;
	v2 =	vadd.f32 v63, v2  }
0x27b: {  	p1 =	sne.s32 s16, s25  }
.Ltmp15:
0x27c: {  	s21 =	simm.s32 $0x0;
	[tilespmem:v3+s15+$0x0] =	vst.idx.msk $0xffff, v2;
	(pc) =	sbr.rel @p1 .LBB2_1-.Ltmp15, $4  }
0x27d: {  	[hbm4b:s23+s21] =	stream.linear.scatter [tilespmem:s15], [sflag:$0x3], $0x2800, $0x38;
	[tilespmem:$0xB800] =	vst v63  }
0x27e: {  	_ =	swait.ge [sflag:s14], $0x2800  }
0x27f: {  	[sflag:s14] =	ssyncset.done $0x0  }
0x280: {  	[sflag:s14] =	ssyncadd.s32 $0xFFFFD800  }
0x281: {  	_ =	sfence.sel $0x180000  }
0x282: {  	[bflag:$0x0] =	sbarrier.arrive $0xFFFF  }
0x283: {  	_ =	strace $0x90000047  }
0x284: {  	s0 =	stileid.u32;
	[bflag:$0x2] =	sbarrier.arrive $0xFFFF  }
0x285: {  	p0 =	sne.s32 s0, $0x0;
	s0 =	rddreg [dreg:$0x3]  }
0x286: {  	s0 =	sadd.s32 @!p0 $0x100000, s0  }
0x287: {  	[sflag:s0] =	ssyncadd.tile.s32 @!p0 $0x1;
	_ =	shalt  }
.Lfunc_end2:
_tile_overlayer_lowered:
.L_overlay_start_2:
0x288: {  	(tag) =	ssettag $0x2  }
0x289: {  	s0 =	rddreg [dreg:$0x0];
	s2 =	stileid.u32  }
0x28a: {  	s1 =	rddreg [dreg:$0x1];
	p0 =	sne.s32 s2, $0x0  }
0x28b: {  	s3 =	rddreg [dreg:$0x2];
	[bflag:$0x3] =	sbarrier.arrive $0xFFFF;
	s2 =	simm.s32 @!p0 $0x1C03  }
0x28c: {  	[timem:s3], [sflag:s2] =	dma.local @!p0 [hbm:s0], s1  }
0x28d: {  	s0 =	simm.s32 @!p0 $0x3  }
0x28e: {  	_ =	swait.ge @!p0 [sflag:s0], s1  }
0x28f: {  	s1 =	ssub.s32 @!p0 $0x0, s1;
	[sflag:s0] =	ssyncset.done @!p0 $0x0  }
0x290: {  	[sflag:s0] =	ssyncadd.s32 @!p0 s1  }
0x291: {  	[bflag:$0x3] =	sbarrier.arrive $0xFFFF  }
0x292: {  	_ =	shalt  }

</sc_bundles>
